<compile_context>
chip_gen: v7x
topology: tpu7x:2x2x1
jax: 0.10.2.dev20260603
libtpu: 0.0.44.dev20260713+nightly
codegen_flags: <defaults>
</compile_context>

<pallas_src>
import functools

import jax
import jax.numpy as jnp
from jax import lax
from jax.experimental import pallas as pl
from jax.experimental.pallas import tpu as pltpu
from jax.experimental.pallas import tpu_sc as plsc


@functools.lru_cache(maxsize=None)
def _make_pool_kernel(B: int, L: int, EMB: int):
    NC, NS = 2, 16
    NW = NC * NS
    assert B % NW == 0
    bpw = B // NW
    S = 8
    NBUF = 2
    assert bpw % S == 0
    C = S * L
    G = -(-C // 128)
    CP = G * 128
    NSTEPS = bpw // S
    assert NSTEPS % NBUF == 0
    NJ = NSTEPS // NBUF
    HALF = EMB // 2
    assert EMB == 2 * 16

    mesh = plsc.VectorSubcoreMesh(core_axis_name="c", subcore_axis_name="s")

    scratch = ([pltpu.VMEM((CP,), jnp.int32) for _ in range(NBUF)]
               + [pltpu.VMEM((CP, EMB), jnp.float32) for _ in range(NBUF)]
               + [pltpu.VMEM((S, EMB), jnp.float32)]
               + [pltpu.SemaphoreType.DMA for _ in range(NBUF)])

    @functools.partial(
        pl.kernel,
        out_type=jax.ShapeDtypeStruct((B, EMB), jnp.float32),
        mesh=mesh,
        compiler_params=pltpu.CompilerParams(use_tc_tiling_on_sc=False),
        scratch_types=scratch,
    )
    def pool(emb_hbm, xf_hbm, out_hbm, *sc):
        idxs = sc[:NBUF]
        rows = sc[NBUF:2 * NBUF]
        stage = sc[2 * NBUF]
        sems = sc[2 * NBUF + 1:]
        wid = lax.axis_index("s") * NC + lax.axis_index("c")
        obase = wid * bpw

        zpad = jnp.zeros((16,), jnp.int32)
        for b in range(NBUF):
            for t in range(C, CP, 16):
                idxs[b][pl.ds(t, 16)] = zpad

        def fire(step, b):
            off = (obase + step * S) * L
            pltpu.sync_copy(xf_hbm.at[pl.ds(off, C)],
                            idxs[b].at[pl.ds(0, C)])
            for g in range(G):
                pltpu.async_copy(
                    emb_hbm.at[idxs[b].at[pl.ds(g * 128, 128)]],
                    rows[b].at[pl.ds(g * 128, 128)],
                    sems[b])

        def wait_all(b):
            pltpu.make_async_copy(
                emb_hbm.at[pl.ds(0, CP)], rows[b], sems[b]).wait()

        inv_l = jnp.float32(1.0 / L)

        UNROLL = 8
        assert L % UNROLL == 0
        NITER = L // UNROLL

        def reduce_step(step, rowsb):
            def body(i, acc):
                accl = list(acc)
                base = i * UNROLL
                for s in range(S):
                    r0 = s * L + base
                    lo = accl[2 * s]
                    hi = accl[2 * s + 1]
                    for u in range(UNROLL):
                        lo = lo + rowsb[r0 + u, pl.ds(0, HALF)]
                        hi = hi + rowsb[r0 + u, pl.ds(HALF, HALF)]
                    accl[2 * s] = lo
                    accl[2 * s + 1] = hi
                return tuple(accl)

            z = jnp.zeros((HALF,), jnp.float32)
            acc = lax.fori_loop(0, NITER, body, (z,) * (2 * S))
            for s in range(S):
                stage[s, pl.ds(0, HALF)] = acc[2 * s] * inv_l
                stage[s, pl.ds(HALF, HALF)] = acc[2 * s + 1] * inv_l
            pltpu.sync_copy(stage, out_hbm.at[pl.ds(obase + step * S, S)])

        for b in range(NBUF):
            fire(b, b)

        def loop_body(j, carry):
            s0 = j * NBUF
            for b in range(NBUF):
                wait_all(b)
                reduce_step(s0 + b, rows[b])

                @pl.when(j < NJ - 1)
                def _():
                    fire(s0 + b + NBUF, b)
            return carry

        lax.fori_loop(0, NJ, loop_body, 0)

    return pool


@functools.lru_cache(maxsize=None)
def _make_mlp_kernel(B: int, EMB: int, HID: int, NCLS: int):
    BB = 1024
    assert B % BB == 0

    def body(p_ref, w1_ref, b1_ref, w2_ref, b2_ref, o_ref):
        h = jnp.dot(p_ref[...], w1_ref[...],
                    preferred_element_type=jnp.float32) + b1_ref[...]
        h = jnp.maximum(h, 0.0)
        o_ref[...] = jnp.dot(h, w2_ref[...],
                             preferred_element_type=jnp.float32) + b2_ref[...]

    return pl.pallas_call(
        body,
        grid=(B // BB,),
        in_specs=[
            pl.BlockSpec((BB, EMB), lambda i: (i, 0)),
            pl.BlockSpec((EMB, HID), lambda i: (0, 0)),
            pl.BlockSpec((1, HID), lambda i: (0, 0)),
            pl.BlockSpec((HID, NCLS), lambda i: (0, 0)),
            pl.BlockSpec((1, NCLS), lambda i: (0, 0)),
        ],
        out_specs=pl.BlockSpec((BB, NCLS), lambda i: (i, 0)),
        out_shape=jax.ShapeDtypeStruct((B, NCLS), jnp.float32),
    )


def kernel(x, emb, W1, b1, W2, b2):
    B, L = x.shape
    EMB = emb.shape[1]
    HID = W1.shape[1]
    NCLS = W2.shape[1]
    pool = _make_pool_kernel(B, L, EMB)
    pooled = pool(emb, x.reshape(B * L))
    mlp = _make_mlp_kernel(B, EMB, HID, NCLS)
    return mlp(pooled, W1, b1.reshape(1, HID), W2, b2.reshape(1, NCLS))

# --- scband reference (transcript-rebuilt; emitter-appended) ---
"""Pipeline reference for scband-text-classifier-33655363731528 (READ-ONLY COPY).

The authoritative reference and input builder live on the scoring server;
editing this copy changes nothing except your own understanding.
"""

import jax, jax.numpy as jnp
import numpy as np

VOCAB = 1000000
EMB = 32
HID = 64
NCLS = 2
B = 16384
L = 200

def setup_inputs(seed: int = 0) -> dict:
    key = jax.random.key(seed)
    k1, k2, k3, k4, k5, k6 = jax.random.split(key, 6)
    x = jax.random.randint(k1, (B, L), 0, VOCAB, dtype=jnp.int64 if jax.config.jax_enable_x64 else jnp.int32).astype(jnp.int32)
    emb = jax.random.normal(k2, (VOCAB, EMB), dtype=jnp.float32) * 0.02
    emb = emb.at[0].set(0.0)  # padding_idx=0 zeroed as in nn.Embedding
    W1 = jax.random.normal(k3, (EMB, HID), dtype=jnp.float32) * (1.0 / np.sqrt(EMB))
    b1 = jax.random.normal(k4, (HID,), dtype=jnp.float32) * 0.01
    W2 = jax.random.normal(k5, (HID, NCLS), dtype=jnp.float32) * (1.0 / np.sqrt(HID))
    b2 = jax.random.normal(k6, (NCLS,), dtype=jnp.float32) * 0.01
    return {"x": x, "emb": emb, "W1": W1, "b1": b1, "W2": W2, "b2": b2}

def reference(x, emb, W1, b1, W2, b2):
    embedded = jnp.take(emb, x, axis=0)          # [B, L, EMB] gather
    pooled = jnp.mean(embedded, axis=1)          # [B, EMB]
    hidden = jax.nn.relu(pooled @ W1 + b1)       # [B, HID]
    out = hidden @ W2 + b2                       # [B, NCLS]
    return out

if __name__ == "__main__":
    import jax
    _d = setup_inputs()
    print(jax.jit(kernel)(*tuple(_d.values())))

</pallas_src>

<mosaic_0001>
#map = affine_map<(d0, d1) -> (0, 0)>
#map1 = affine_map<(d0, d1) -> (0)>
module attributes {stable_mosaic.version = 14 : i64} {
  func.func @pool(%arg0: i32, %arg1: i32, %arg2: memref<1000000x32xf32, #tpu.memory_space<hbm>>, %arg3: memref<3276800xi32, #tpu.memory_space<hbm>>, %arg4: memref<16384x32xf32, #tpu.memory_space<hbm>>, %arg5: memref<1664xi32, #tpu.memory_space<vmem>>, %arg6: memref<1664xi32, #tpu.memory_space<vmem>>, %arg7: memref<1664x32xf32, #tpu.memory_space<vmem>>, %arg8: memref<1664x32xf32, #tpu.memory_space<vmem>>, %arg9: memref<8x32xf32, #tpu.memory_space<vmem>>, %arg10: memref<!tpu.dma_semaphore, #tpu.memory_space<semaphore_mem>>, %arg11: memref<!tpu.dma_semaphore, #tpu.memory_space<semaphore_mem>>) attributes {dimension_semantics = [#tpu.dimension_semantics<core_parallel>, #tpu.dimension_semantics<subcore_parallel>], iteration_bounds = array<i64: 2, 16>, scalar_prefetch = 0 : i64, scratch_operands = 7 : i64, tpu.core_type = #tpu.core_type<sc_vector_subcore>, window_params = [{transform_indices = #map}, {transform_indices = #map1}, {transform_indices = #map}]} {
    %mul3A = arith.constant 2 : i32
    %mul3A_0 = arith.muli %arg1, %mul3A : i32
    %add3A = arith.addi %mul3A_0, %arg0 : i32
    %mul3A_1 = arith.constant 512 : i32
    %mul3A_2 = arith.muli %add3A, %mul3A_1 : i32
    %broadcast_in_dim3A = arith.constant 0 : i32
    %broadcast_in_dim3A_3 = vector.broadcast %broadcast_in_dim3A : i32 to vector<16xi32>
    %swap3A = arith.constant 1600 : index
    %swap3A_4 = tpu.vector_load %arg5[%swap3A] {strides = array<i32>} : memref<1664xi32, #tpu.memory_space<vmem>>, vector<16xi32>,
    %swap3A_5 = vector.shape_cast %swap3A_4 : vector<16xi32> to vector<16xi32>
    %swap3A_6 = vector.shape_cast %broadcast_in_dim3A_3 : vector<16xi32> to vector<16xi32>
    tpu.vector_store %arg5[%swap3A], %swap3A_6 {strides = array<i32>} : memref<1664xi32, #tpu.memory_space<vmem>>, vector<16xi32>,
    %swap3A_7 = arith.constant 1616 : index
    %swap3A_8 = tpu.vector_load %arg5[%swap3A_7] {strides = array<i32>} : memref<1664xi32, #tpu.memory_space<vmem>>, vector<16xi32>,
    %swap3A_9 = vector.shape_cast %swap3A_8 : vector<16xi32> to vector<16xi32>
    %swap3A_10 = vector.shape_cast %broadcast_in_dim3A_3 : vector<16xi32> to vector<16xi32>
    tpu.vector_store %arg5[%swap3A_7], %swap3A_10 {strides = array<i32>} : memref<1664xi32, #tpu.memory_space<vmem>>, vector<16xi32>,
    %swap3A_11 = arith.constant 1632 : index
    %swap3A_12 = tpu.vector_load %arg5[%swap3A_11] {strides = array<i32>} : memref<1664xi32, #tpu.memory_space<vmem>>, vector<16xi32>,
    %swap3A_13 = vector.shape_cast %swap3A_12 : vector<16xi32> to vector<16xi32>
    %swap3A_14 = vector.shape_cast %broadcast_in_dim3A_3 : vector<16xi32> to vector<16xi32>
    tpu.vector_store %arg5[%swap3A_11], %swap3A_14 {strides = array<i32>} : memref<1664xi32, #tpu.memory_space<vmem>>, vector<16xi32>,
    %swap3A_15 = arith.constant 1648 : index
    %swap3A_16 = tpu.vector_load %arg5[%swap3A_15] {strides = array<i32>} : memref<1664xi32, #tpu.memory_space<vmem>>, vector<16xi32>,
    %swap3A_17 = vector.shape_cast %swap3A_16 : vector<16xi32> to vector<16xi32>
    %swap3A_18 = vector.shape_cast %broadcast_in_dim3A_3 : vector<16xi32> to vector<16xi32>
    tpu.vector_store %arg5[%swap3A_15], %swap3A_18 {strides = array<i32>} : memref<1664xi32, #tpu.memory_space<vmem>>, vector<16xi32>,
    %swap3A_19 = arith.constant 1600 : index
    %swap3A_20 = tpu.vector_load %arg6[%swap3A_19] {strides = array<i32>} : memref<1664xi32, #tpu.memory_space<vmem>>, vector<16xi32>,
    %swap3A_21 = vector.shape_cast %swap3A_20 : vector<16xi32> to vector<16xi32>
    %swap3A_22 = vector.shape_cast %broadcast_in_dim3A_3 : vector<16xi32> to vector<16xi32>
    tpu.vector_store %arg6[%swap3A_19], %swap3A_22 {strides = array<i32>} : memref<1664xi32, #tpu.memory_space<vmem>>, vector<16xi32>,
    %swap3A_23 = arith.constant 1616 : index
    %swap3A_24 = tpu.vector_load %arg6[%swap3A_23] {strides = array<i32>} : memref<1664xi32, #tpu.memory_space<vmem>>, vector<16xi32>,
    %swap3A_25 = vector.shape_cast %swap3A_24 : vector<16xi32> to vector<16xi32>
    %swap3A_26 = vector.shape_cast %broadcast_in_dim3A_3 : vector<16xi32> to vector<16xi32>
    tpu.vector_store %arg6[%swap3A_23], %swap3A_26 {strides = array<i32>} : memref<1664xi32, #tpu.memory_space<vmem>>, vector<16xi32>,
    %swap3A_27 = arith.constant 1632 : index
    %swap3A_28 = tpu.vector_load %arg6[%swap3A_27] {strides = array<i32>} : memref<1664xi32, #tpu.memory_space<vmem>>, vector<16xi32>,
    %swap3A_29 = vector.shape_cast %swap3A_28 : vector<16xi32> to vector<16xi32>
    %swap3A_30 = vector.shape_cast %broadcast_in_dim3A_3 : vector<16xi32> to vector<16xi32>
    tpu.vector_store %arg6[%swap3A_27], %swap3A_30 {strides = array<i32>} : memref<1664xi32, #tpu.memory_space<vmem>>, vector<16xi32>,
    %swap3A_31 = arith.constant 1648 : index
    %swap3A_32 = tpu.vector_load %arg6[%swap3A_31] {strides = array<i32>} : memref<1664xi32, #tpu.memory_space<vmem>>, vector<16xi32>,
    %swap3A_33 = vector.shape_cast %swap3A_32 : vector<16xi32> to vector<16xi32>
    %swap3A_34 = vector.shape_cast %broadcast_in_dim3A_3 : vector<16xi32> to vector<16xi32>
    tpu.vector_store %arg6[%swap3A_31], %swap3A_34 {strides = array<i32>} : memref<1664xi32, #tpu.memory_space<vmem>>, vector<16xi32>,
    %add3A_35 = arith.constant 0 : i32
    %add3A_36 = arith.addi %mul3A_2, %add3A_35 : i32
    %mul3A_37 = arith.constant 200 : i32
    %mul3A_38 = arith.muli %add3A_36, %mul3A_37 : i32
    "tpu.region"() ({
      %run_scoped3A = tpu.sem_alloc : memref<!tpu.dma_semaphore, #tpu.memory_space<semaphore_mem>>
      %dma_start3A_256 = arith.constant 0 : i32
      %dma_start3A_257 = tpu.memref_slice %arg5[%dma_start3A_256] : memref<1664xi32, #tpu.memory_space<vmem>> -> memref<1600xi32, #tpu.memory_space<vmem>>
      %dma_start3A_258 = tpu.memref_slice %arg3[%mul3A_38] : memref<3276800xi32, #tpu.memory_space<hbm>> -> memref<1600xi32, #tpu.memory_space<hbm>>
      %dma_start3A_259 = arith.constant 0 : i32
      %dma_start3A_260 = tpu.memref_slice %arg5[%dma_start3A_259] : memref<1664xi32, #tpu.memory_space<vmem>> -> memref<1600xi32, #tpu.memory_space<vmem>>
      %dma_start3A_261 = tpu.memref_slice %arg3[%mul3A_38] : memref<3276800xi32, #tpu.memory_space<hbm>> -> memref<1600xi32, #tpu.memory_space<hbm>>
      tpu.enqueue_dma source(%dma_start3A_261 : memref<1600xi32, #tpu.memory_space<hbm>>) target(%dma_start3A_260 : memref<1600xi32, #tpu.memory_space<vmem>>) target_semaphore(%run_scoped3A : memref<!tpu.dma_semaphore, #tpu.memory_space<semaphore_mem>>)
      %dma_wait3A = arith.constant 0 : i32
      %dma_wait3A_262 = tpu.memref_slice %arg5[%dma_wait3A] : memref<1664xi32, #tpu.memory_space<vmem>> -> memref<1600xi32, #tpu.memory_space<vmem>>
      %dma_wait3A_263 = tpu.memref_slice %arg3[%mul3A_38] : memref<3276800xi32, #tpu.memory_space<hbm>> -> memref<1600xi32, #tpu.memory_space<hbm>>
      %dma_wait3A_264 = arith.constant 0 : i32
      %dma_wait3A_265 = tpu.memref_slice %arg5[%dma_wait3A_264] : memref<1664xi32, #tpu.memory_space<vmem>> -> memref<1600xi32, #tpu.memory_space<vmem>>
      %dma_wait3A_266 = tpu.memref_slice %arg3[%mul3A_38] : memref<3276800xi32, #tpu.memory_space<hbm>> -> memref<1600xi32, #tpu.memory_space<hbm>>
      tpu.wait_dma2 semaphore(%run_scoped3A : memref<!tpu.dma_semaphore, #tpu.memory_space<semaphore_mem>>) src(%dma_wait3A_266 : memref<1600xi32, #tpu.memory_space<hbm>>) dst(%dma_wait3A_265 : memref<1600xi32, #tpu.memory_space<vmem>>)
      tpu.yield
    }) : () -> ()
    %dma_start3A = arith.constant 0 : i32
    %dma_start3A_39 = arith.constant 0 : i32
    %dma_start3A_40 = tpu.memref_slice %arg7[%dma_start3A, %dma_start3A_39] : memref<1664x32xf32, #tpu.memory_space<vmem>> -> memref<128x32xf32, #tpu.memory_space<vmem>>
    %dma_start3A_41 = arith.constant 0 : i32
    %dma_start3A_42 = tpu.memref_slice %arg5[%dma_start3A_41] : memref<1664xi32, #tpu.memory_space<vmem>> -> memref<128xi32, #tpu.memory_space<vmem>>
    %dma_start3A_43 = arith.constant 0 : i32
    %dma_start3A_44 = arith.constant 0 : i32
    %dma_start3A_45 = tpu.memref_slice %arg2[%dma_start3A_43, %dma_start3A_44] : memref<1000000x32xf32, #tpu.memory_space<hbm>> -> memref<1000000x32xf32, #tpu.memory_space<hbm>>
    tpu.enqueue_indirect_dma source(%dma_start3A_45 : memref<1000000x32xf32, #tpu.memory_space<hbm>>) target(%dma_start3A_40 : memref<128x32xf32, #tpu.memory_space<vmem>>) offsets(%dma_start3A_42 : memref<128xi32, #tpu.memory_space<vmem>>) semaphore(%arg10 : memref<!tpu.dma_semaphore, #tpu.memory_space<semaphore_mem>>)
    %dma_start3A_46 = arith.constant 128 : i32
    %dma_start3A_47 = arith.constant 0 : i32
    %dma_start3A_48 = tpu.memref_slice %arg7[%dma_start3A_46, %dma_start3A_47] : memref<1664x32xf32, #tpu.memory_space<vmem>> -> memref<128x32xf32, #tpu.memory_space<vmem>>
    %dma_start3A_49 = arith.constant 128 : i32
    %dma_start3A_50 = tpu.memref_slice %arg5[%dma_start3A_49] : memref<1664xi32, #tpu.memory_space<vmem>> -> memref<128xi32, #tpu.memory_space<vmem>>
    %dma_start3A_51 = arith.constant 0 : i32
    %dma_start3A_52 = arith.constant 0 : i32
    %dma_start3A_53 = tpu.memref_slice %arg2[%dma_start3A_51, %dma_start3A_52] : memref<1000000x32xf32, #tpu.memory_space<hbm>> -> memref<1000000x32xf32, #tpu.memory_space<hbm>>
    tpu.enqueue_indirect_dma source(%dma_start3A_53 : memref<1000000x32xf32, #tpu.memory_space<hbm>>) target(%dma_start3A_48 : memref<128x32xf32, #tpu.memory_space<vmem>>) offsets(%dma_start3A_50 : memref<128xi32, #tpu.memory_space<vmem>>) semaphore(%arg10 : memref<!tpu.dma_semaphore, #tpu.memory_space<semaphore_mem>>)
    %dma_start3A_54 = arith.constant 256 : i32
    %dma_start3A_55 = arith.constant 0 : i32
    %dma_start3A_56 = tpu.memref_slice %arg7[%dma_start3A_54, %dma_start3A_55] : memref<1664x32xf32, #tpu.memory_space<vmem>> -> memref<128x32xf32, #tpu.memory_space<vmem>>
    %dma_start3A_57 = arith.constant 256 : i32
    %dma_start3A_58 = tpu.memref_slice %arg5[%dma_start3A_57] : memref<1664xi32, #tpu.memory_space<vmem>> -> memref<128xi32, #tpu.memory_space<vmem>>
    %dma_start3A_59 = arith.constant 0 : i32
    %dma_start3A_60 = arith.constant 0 : i32
    %dma_start3A_61 = tpu.memref_slice %arg2[%dma_start3A_59, %dma_start3A_60] : memref<1000000x32xf32, #tpu.memory_space<hbm>> -> memref<1000000x32xf32, #tpu.memory_space<hbm>>
    tpu.enqueue_indirect_dma source(%dma_start3A_61 : memref<1000000x32xf32, #tpu.memory_space<hbm>>) target(%dma_start3A_56 : memref<128x32xf32, #tpu.memory_space<vmem>>) offsets(%dma_start3A_58 : memref<128xi32, #tpu.memory_space<vmem>>) semaphore(%arg10 : memref<!tpu.dma_semaphore, #tpu.memory_space<semaphore_mem>>)
    %dma_start3A_62 = arith.constant 384 : i32
    %dma_start3A_63 = arith.constant 0 : i32
    %dma_start3A_64 = tpu.memref_slice %arg7[%dma_start3A_62, %dma_start3A_63] : memref<1664x32xf32, #tpu.memory_space<vmem>> -> memref<128x32xf32, #tpu.memory_space<vmem>>
    %dma_start3A_65 = arith.constant 384 : i32
    %dma_start3A_66 = tpu.memref_slice %arg5[%dma_start3A_65] : memref<1664xi32, #tpu.memory_space<vmem>> -> memref<128xi32, #tpu.memory_space<vmem>>
    %dma_start3A_67 = arith.constant 0 : i32
    %dma_start3A_68 = arith.constant 0 : i32
    %dma_start3A_69 = tpu.memref_slice %arg2[%dma_start3A_67, %dma_start3A_68] : memref<1000000x32xf32, #tpu.memory_space<hbm>> -> memref<1000000x32xf32, #tpu.memory_space<hbm>>
    tpu.enqueue_indirect_dma source(%dma_start3A_69 : memref<1000000x32xf32, #tpu.memory_space<hbm>>) target(%dma_start3A_64 : memref<128x32xf32, #tpu.memory_space<vmem>>) offsets(%dma_start3A_66 : memref<128xi32, #tpu.memory_space<vmem>>) semaphore(%arg10 : memref<!tpu.dma_semaphore, #tpu.memory_space<semaphore_mem>>)
    %dma_start3A_70 = arith.constant 512 : i32
    %dma_start3A_71 = arith.constant 0 : i32
    %dma_start3A_72 = tpu.memref_slice %arg7[%dma_start3A_70, %dma_start3A_71] : memref<1664x32xf32, #tpu.memory_space<vmem>> -> memref<128x32xf32, #tpu.memory_space<vmem>>
    %dma_start3A_73 = arith.constant 512 : i32
    %dma_start3A_74 = tpu.memref_slice %arg5[%dma_start3A_73] : memref<1664xi32, #tpu.memory_space<vmem>> -> memref<128xi32, #tpu.memory_space<vmem>>
    %dma_start3A_75 = arith.constant 0 : i32
    %dma_start3A_76 = arith.constant 0 : i32
    %dma_start3A_77 = tpu.memref_slice %arg2[%dma_start3A_75, %dma_start3A_76] : memref<1000000x32xf32, #tpu.memory_space<hbm>> -> memref<1000000x32xf32, #tpu.memory_space<hbm>>
    tpu.enqueue_indirect_dma source(%dma_start3A_77 : memref<1000000x32xf32, #tpu.memory_space<hbm>>) target(%dma_start3A_72 : memref<128x32xf32, #tpu.memory_space<vmem>>) offsets(%dma_start3A_74 : memref<128xi32, #tpu.memory_space<vmem>>) semaphore(%arg10 : memref<!tpu.dma_semaphore, #tpu.memory_space<semaphore_mem>>)
    %dma_start3A_78 = arith.constant 640 : i32
    %dma_start3A_79 = arith.constant 0 : i32
    %dma_start3A_80 = tpu.memref_slice %arg7[%dma_start3A_78, %dma_start3A_79] : memref<1664x32xf32, #tpu.memory_space<vmem>> -> memref<128x32xf32, #tpu.memory_space<vmem>>
    %dma_start3A_81 = arith.constant 640 : i32
    %dma_start3A_82 = tpu.memref_slice %arg5[%dma_start3A_81] : memref<1664xi32, #tpu.memory_space<vmem>> -> memref<128xi32, #tpu.memory_space<vmem>>
    %dma_start3A_83 = arith.constant 0 : i32
    %dma_start3A_84 = arith.constant 0 : i32
    %dma_start3A_85 = tpu.memref_slice %arg2[%dma_start3A_83, %dma_start3A_84] : memref<1000000x32xf32, #tpu.memory_space<hbm>> -> memref<1000000x32xf32, #tpu.memory_space<hbm>>
    tpu.enqueue_indirect_dma source(%dma_start3A_85 : memref<1000000x32xf32, #tpu.memory_space<hbm>>) target(%dma_start3A_80 : memref<128x32xf32, #tpu.memory_space<vmem>>) offsets(%dma_start3A_82 : memref<128xi32, #tpu.memory_space<vmem>>) semaphore(%arg10 : memref<!tpu.dma_semaphore, #tpu.memory_space<semaphore_mem>>)
    %dma_start3A_86 = arith.constant 768 : i32
    %dma_start3A_87 = arith.constant 0 : i32
    %dma_start3A_88 = tpu.memref_slice %arg7[%dma_start3A_86, %dma_start3A_87] : memref<1664x32xf32, #tpu.memory_space<vmem>> -> memref<128x32xf32, #tpu.memory_space<vmem>>
    %dma_start3A_89 = arith.constant 768 : i32
    %dma_start3A_90 = tpu.memref_slice %arg5[%dma_start3A_89] : memref<1664xi32, #tpu.memory_space<vmem>> -> memref<128xi32, #tpu.memory_space<vmem>>
    %dma_start3A_91 = arith.constant 0 : i32
    %dma_start3A_92 = arith.constant 0 : i32
    %dma_start3A_93 = tpu.memref_slice %arg2[%dma_start3A_91, %dma_start3A_92] : memref<1000000x32xf32, #tpu.memory_space<hbm>> -> memref<1000000x32xf32, #tpu.memory_space<hbm>>
    tpu.enqueue_indirect_dma source(%dma_start3A_93 : memref<1000000x32xf32, #tpu.memory_space<hbm>>) target(%dma_start3A_88 : memref<128x32xf32, #tpu.memory_space<vmem>>) offsets(%dma_start3A_90 : memref<128xi32, #tpu.memory_space<vmem>>) semaphore(%arg10 : memref<!tpu.dma_semaphore, #tpu.memory_space<semaphore_mem>>)
    %dma_start3A_94 = arith.constant 896 : i32
    %dma_start3A_95 = arith.constant 0 : i32
    %dma_start3A_96 = tpu.memref_slice %arg7[%dma_start3A_94, %dma_start3A_95] : memref<1664x32xf32, #tpu.memory_space<vmem>> -> memref<128x32xf32, #tpu.memory_space<vmem>>
    %dma_start3A_97 = arith.constant 896 : i32
    %dma_start3A_98 = tpu.memref_slice %arg5[%dma_start3A_97] : memref<1664xi32, #tpu.memory_space<vmem>> -> memref<128xi32, #tpu.memory_space<vmem>>
    %dma_start3A_99 = arith.constant 0 : i32
    %dma_start3A_100 = arith.constant 0 : i32
    %dma_start3A_101 = tpu.memref_slice %arg2[%dma_start3A_99, %dma_start3A_100] : memref<1000000x32xf32, #tpu.memory_space<hbm>> -> memref<1000000x32xf32, #tpu.memory_space<hbm>>
    tpu.enqueue_indirect_dma source(%dma_start3A_101 : memref<1000000x32xf32, #tpu.memory_space<hbm>>) target(%dma_start3A_96 : memref<128x32xf32, #tpu.memory_space<vmem>>) offsets(%dma_start3A_98 : memref<128xi32, #tpu.memory_space<vmem>>) semaphore(%arg10 : memref<!tpu.dma_semaphore, #tpu.memory_space<semaphore_mem>>)
    %dma_start3A_102 = arith.constant 1024 : i32
    %dma_start3A_103 = arith.constant 0 : i32
    %dma_start3A_104 = tpu.memref_slice %arg7[%dma_start3A_102, %dma_start3A_103] : memref<1664x32xf32, #tpu.memory_space<vmem>> -> memref<128x32xf32, #tpu.memory_space<vmem>>
    %dma_start3A_105 = arith.constant 1024 : i32
    %dma_start3A_106 = tpu.memref_slice %arg5[%dma_start3A_105] : memref<1664xi32, #tpu.memory_space<vmem>> -> memref<128xi32, #tpu.memory_space<vmem>>
    %dma_start3A_107 = arith.constant 0 : i32
    %dma_start3A_108 = arith.constant 0 : i32
    %dma_start3A_109 = tpu.memref_slice %arg2[%dma_start3A_107, %dma_start3A_108] : memref<1000000x32xf32, #tpu.memory_space<hbm>> -> memref<1000000x32xf32, #tpu.memory_space<hbm>>
    tpu.enqueue_indirect_dma source(%dma_start3A_109 : memref<1000000x32xf32, #tpu.memory_space<hbm>>) target(%dma_start3A_104 : memref<128x32xf32, #tpu.memory_space<vmem>>) offsets(%dma_start3A_106 : memref<128xi32, #tpu.memory_space<vmem>>) semaphore(%arg10 : memref<!tpu.dma_semaphore, #tpu.memory_space<semaphore_mem>>)
    %dma_start3A_110 = arith.constant 1152 : i32
    %dma_start3A_111 = arith.constant 0 : i32
    %dma_start3A_112 = tpu.memref_slice %arg7[%dma_start3A_110, %dma_start3A_111] : memref<1664x32xf32, #tpu.memory_space<vmem>> -> memref<128x32xf32, #tpu.memory_space<vmem>>
    %dma_start3A_113 = arith.constant 1152 : i32
    %dma_start3A_114 = tpu.memref_slice %arg5[%dma_start3A_113] : memref<1664xi32, #tpu.memory_space<vmem>> -> memref<128xi32, #tpu.memory_space<vmem>>
    %dma_start3A_115 = arith.constant 0 : i32
    %dma_start3A_116 = arith.constant 0 : i32
    %dma_start3A_117 = tpu.memref_slice %arg2[%dma_start3A_115, %dma_start3A_116] : memref<1000000x32xf32, #tpu.memory_space<hbm>> -> memref<1000000x32xf32, #tpu.memory_space<hbm>>
    tpu.enqueue_indirect_dma source(%dma_start3A_117 : memref<1000000x32xf32, #tpu.memory_space<hbm>>) target(%dma_start3A_112 : memref<128x32xf32, #tpu.memory_space<vmem>>) offsets(%dma_start3A_114 : memref<128xi32, #tpu.memory_space<vmem>>) semaphore(%arg10 : memref<!tpu.dma_semaphore, #tpu.memory_space<semaphore_mem>>)
    %dma_start3A_118 = arith.constant 1280 : i32
    %dma_start3A_119 = arith.constant 0 : i32
    %dma_start3A_120 = tpu.memref_slice %arg7[%dma_start3A_118, %dma_start3A_119] : memref<1664x32xf32, #tpu.memory_space<vmem>> -> memref<128x32xf32, #tpu.memory_space<vmem>>
    %dma_start3A_121 = arith.constant 1280 : i32
    %dma_start3A_122 = tpu.memref_slice %arg5[%dma_start3A_121] : memref<1664xi32, #tpu.memory_space<vmem>> -> memref<128xi32, #tpu.memory_space<vmem>>
    %dma_start3A_123 = arith.constant 0 : i32
    %dma_start3A_124 = arith.constant 0 : i32
    %dma_start3A_125 = tpu.memref_slice %arg2[%dma_start3A_123, %dma_start3A_124] : memref<1000000x32xf32, #tpu.memory_space<hbm>> -> memref<1000000x32xf32, #tpu.memory_space<hbm>>
    tpu.enqueue_indirect_dma source(%dma_start3A_125 : memref<1000000x32xf32, #tpu.memory_space<hbm>>) target(%dma_start3A_120 : memref<128x32xf32, #tpu.memory_space<vmem>>) offsets(%dma_start3A_122 : memref<128xi32, #tpu.memory_space<vmem>>) semaphore(%arg10 : memref<!tpu.dma_semaphore, #tpu.memory_space<semaphore_mem>>)
    %dma_start3A_126 = arith.constant 1408 : i32
    %dma_start3A_127 = arith.constant 0 : i32
    %dma_start3A_128 = tpu.memref_slice %arg7[%dma_start3A_126, %dma_start3A_127] : memref<1664x32xf32, #tpu.memory_space<vmem>> -> memref<128x32xf32, #tpu.memory_space<vmem>>
    %dma_start3A_129 = arith.constant 1408 : i32
    %dma_start3A_130 = tpu.memref_slice %arg5[%dma_start3A_129] : memref<1664xi32, #tpu.memory_space<vmem>> -> memref<128xi32, #tpu.memory_space<vmem>>
    %dma_start3A_131 = arith.constant 0 : i32
    %dma_start3A_132 = arith.constant 0 : i32
    %dma_start3A_133 = tpu.memref_slice %arg2[%dma_start3A_131, %dma_start3A_132] : memref<1000000x32xf32, #tpu.memory_space<hbm>> -> memref<1000000x32xf32, #tpu.memory_space<hbm>>
    tpu.enqueue_indirect_dma source(%dma_start3A_133 : memref<1000000x32xf32, #tpu.memory_space<hbm>>) target(%dma_start3A_128 : memref<128x32xf32, #tpu.memory_space<vmem>>) offsets(%dma_start3A_130 : memref<128xi32, #tpu.memory_space<vmem>>) semaphore(%arg10 : memref<!tpu.dma_semaphore, #tpu.memory_space<semaphore_mem>>)
    %dma_start3A_134 = arith.constant 1536 : i32
    %dma_start3A_135 = arith.constant 0 : i32
    %dma_start3A_136 = tpu.memref_slice %arg7[%dma_start3A_134, %dma_start3A_135] : memref<1664x32xf32, #tpu.memory_space<vmem>> -> memref<128x32xf32, #tpu.memory_space<vmem>>
    %dma_start3A_137 = arith.constant 1536 : i32
    %dma_start3A_138 = tpu.memref_slice %arg5[%dma_start3A_137] : memref<1664xi32, #tpu.memory_space<vmem>> -> memref<128xi32, #tpu.memory_space<vmem>>
    %dma_start3A_139 = arith.constant 0 : i32
    %dma_start3A_140 = arith.constant 0 : i32
    %dma_start3A_141 = tpu.memref_slice %arg2[%dma_start3A_139, %dma_start3A_140] : memref<1000000x32xf32, #tpu.memory_space<hbm>> -> memref<1000000x32xf32, #tpu.memory_space<hbm>>
    tpu.enqueue_indirect_dma source(%dma_start3A_141 : memref<1000000x32xf32, #tpu.memory_space<hbm>>) target(%dma_start3A_136 : memref<128x32xf32, #tpu.memory_space<vmem>>) offsets(%dma_start3A_138 : memref<128xi32, #tpu.memory_space<vmem>>) semaphore(%arg10 : memref<!tpu.dma_semaphore, #tpu.memory_space<semaphore_mem>>)
    %add3A_142 = arith.constant 8 : i32
    %add3A_143 = arith.addi %mul3A_2, %add3A_142 : i32
    %mul3A_144 = arith.constant 200 : i32
    %mul3A_145 = arith.muli %add3A_143, %mul3A_144 : i32
    "tpu.region"() ({
      %run_scoped3A = tpu.sem_alloc : memref<!tpu.dma_semaphore, #tpu.memory_space<semaphore_mem>>
      %dma_start3A_256 = arith.constant 0 : i32
      %dma_start3A_257 = tpu.memref_slice %arg6[%dma_start3A_256] : memref<1664xi32, #tpu.memory_space<vmem>> -> memref<1600xi32, #tpu.memory_space<vmem>>
      %dma_start3A_258 = tpu.memref_slice %arg3[%mul3A_145] : memref<3276800xi32, #tpu.memory_space<hbm>> -> memref<1600xi32, #tpu.memory_space<hbm>>
      %dma_start3A_259 = arith.constant 0 : i32
      %dma_start3A_260 = tpu.memref_slice %arg6[%dma_start3A_259] : memref<1664xi32, #tpu.memory_space<vmem>> -> memref<1600xi32, #tpu.memory_space<vmem>>
      %dma_start3A_261 = tpu.memref_slice %arg3[%mul3A_145] : memref<3276800xi32, #tpu.memory_space<hbm>> -> memref<1600xi32, #tpu.memory_space<hbm>>
      tpu.enqueue_dma source(%dma_start3A_261 : memref<1600xi32, #tpu.memory_space<hbm>>) target(%dma_start3A_260 : memref<1600xi32, #tpu.memory_space<vmem>>) target_semaphore(%run_scoped3A : memref<!tpu.dma_semaphore, #tpu.memory_space<semaphore_mem>>)
      %dma_wait3A = arith.constant 0 : i32
      %dma_wait3A_262 = tpu.memref_slice %arg6[%dma_wait3A] : memref<1664xi32, #tpu.memory_space<vmem>> -> memref<1600xi32, #tpu.memory_space<vmem>>
      %dma_wait3A_263 = tpu.memref_slice %arg3[%mul3A_145] : memref<3276800xi32, #tpu.memory_space<hbm>> -> memref<1600xi32, #tpu.memory_space<hbm>>
      %dma_wait3A_264 = arith.constant 0 : i32
      %dma_wait3A_265 = tpu.memref_slice %arg6[%dma_wait3A_264] : memref<1664xi32, #tpu.memory_space<vmem>> -> memref<1600xi32, #tpu.memory_space<vmem>>
      %dma_wait3A_266 = tpu.memref_slice %arg3[%mul3A_145] : memref<3276800xi32, #tpu.memory_space<hbm>> -> memref<1600xi32, #tpu.memory_space<hbm>>
      tpu.wait_dma2 semaphore(%run_scoped3A : memref<!tpu.dma_semaphore, #tpu.memory_space<semaphore_mem>>) src(%dma_wait3A_266 : memref<1600xi32, #tpu.memory_space<hbm>>) dst(%dma_wait3A_265 : memref<1600xi32, #tpu.memory_space<vmem>>)
      tpu.yield
    }) : () -> ()
    %dma_start3A_146 = arith.constant 0 : i32
    %dma_start3A_147 = arith.constant 0 : i32
    %dma_start3A_148 = tpu.memref_slice %arg8[%dma_start3A_146, %dma_start3A_147] : memref<1664x32xf32, #tpu.memory_space<vmem>> -> memref<128x32xf32, #tpu.memory_space<vmem>>
    %dma_start3A_149 = arith.constant 0 : i32
    %dma_start3A_150 = tpu.memref_slice %arg6[%dma_start3A_149] : memref<1664xi32, #tpu.memory_space<vmem>> -> memref<128xi32, #tpu.memory_space<vmem>>
    %dma_start3A_151 = arith.constant 0 : i32
    %dma_start3A_152 = arith.constant 0 : i32
    %dma_start3A_153 = tpu.memref_slice %arg2[%dma_start3A_151, %dma_start3A_152] : memref<1000000x32xf32, #tpu.memory_space<hbm>> -> memref<1000000x32xf32, #tpu.memory_space<hbm>>
    tpu.enqueue_indirect_dma source(%dma_start3A_153 : memref<1000000x32xf32, #tpu.memory_space<hbm>>) target(%dma_start3A_148 : memref<128x32xf32, #tpu.memory_space<vmem>>) offsets(%dma_start3A_150 : memref<128xi32, #tpu.memory_space<vmem>>) semaphore(%arg11 : memref<!tpu.dma_semaphore, #tpu.memory_space<semaphore_mem>>)
    %dma_start3A_154 = arith.constant 128 : i32
    %dma_start3A_155 = arith.constant 0 : i32
    %dma_start3A_156 = tpu.memref_slice %arg8[%dma_start3A_154, %dma_start3A_155] : memref<1664x32xf32, #tpu.memory_space<vmem>> -> memref<128x32xf32, #tpu.memory_space<vmem>>
    %dma_start3A_157 = arith.constant 128 : i32
    %dma_start3A_158 = tpu.memref_slice %arg6[%dma_start3A_157] : memref<1664xi32, #tpu.memory_space<vmem>> -> memref<128xi32, #tpu.memory_space<vmem>>
    %dma_start3A_159 = arith.constant 0 : i32
    %dma_start3A_160 = arith.constant 0 : i32
    %dma_start3A_161 = tpu.memref_slice %arg2[%dma_start3A_159, %dma_start3A_160] : memref<1000000x32xf32, #tpu.memory_space<hbm>> -> memref<1000000x32xf32, #tpu.memory_space<hbm>>
    tpu.enqueue_indirect_dma source(%dma_start3A_161 : memref<1000000x32xf32, #tpu.memory_space<hbm>>) target(%dma_start3A_156 : memref<128x32xf32, #tpu.memory_space<vmem>>) offsets(%dma_start3A_158 : memref<128xi32, #tpu.memory_space<vmem>>) semaphore(%arg11 : memref<!tpu.dma_semaphore, #tpu.memory_space<semaphore_mem>>)
    %dma_start3A_162 = arith.constant 256 : i32
    %dma_start3A_163 = arith.constant 0 : i32
    %dma_start3A_164 = tpu.memref_slice %arg8[%dma_start3A_162, %dma_start3A_163] : memref<1664x32xf32, #tpu.memory_space<vmem>> -> memref<128x32xf32, #tpu.memory_space<vmem>>
    %dma_start3A_165 = arith.constant 256 : i32
    %dma_start3A_166 = tpu.memref_slice %arg6[%dma_start3A_165] : memref<1664xi32, #tpu.memory_space<vmem>> -> memref<128xi32, #tpu.memory_space<vmem>>
    %dma_start3A_167 = arith.constant 0 : i32
    %dma_start3A_168 = arith.constant 0 : i32
    %dma_start3A_169 = tpu.memref_slice %arg2[%dma_start3A_167, %dma_start3A_168] : memref<1000000x32xf32, #tpu.memory_space<hbm>> -> memref<1000000x32xf32, #tpu.memory_space<hbm>>
    tpu.enqueue_indirect_dma source(%dma_start3A_169 : memref<1000000x32xf32, #tpu.memory_space<hbm>>) target(%dma_start3A_164 : memref<128x32xf32, #tpu.memory_space<vmem>>) offsets(%dma_start3A_166 : memref<128xi32, #tpu.memory_space<vmem>>) semaphore(%arg11 : memref<!tpu.dma_semaphore, #tpu.memory_space<semaphore_mem>>)
    %dma_start3A_170 = arith.constant 384 : i32
    %dma_start3A_171 = arith.constant 0 : i32
    %dma_start3A_172 = tpu.memref_slice %arg8[%dma_start3A_170, %dma_start3A_171] : memref<1664x32xf32, #tpu.memory_space<vmem>> -> memref<128x32xf32, #tpu.memory_space<vmem>>
    %dma_start3A_173 = arith.constant 384 : i32
    %dma_start3A_174 = tpu.memref_slice %arg6[%dma_start3A_173] : memref<1664xi32, #tpu.memory_space<vmem>> -> memref<128xi32, #tpu.memory_space<vmem>>
    %dma_start3A_175 = arith.constant 0 : i32
    %dma_start3A_176 = arith.constant 0 : i32
    %dma_start3A_177 = tpu.memref_slice %arg2[%dma_start3A_175, %dma_start3A_176] : memref<1000000x32xf32, #tpu.memory_space<hbm>> -> memref<1000000x32xf32, #tpu.memory_space<hbm>>
    tpu.enqueue_indirect_dma source(%dma_start3A_177 : memref<1000000x32xf32, #tpu.memory_space<hbm>>) target(%dma_start3A_172 : memref<128x32xf32, #tpu.memory_space<vmem>>) offsets(%dma_start3A_174 : memref<128xi32, #tpu.memory_space<vmem>>) semaphore(%arg11 : memref<!tpu.dma_semaphore, #tpu.memory_space<semaphore_mem>>)
    %dma_start3A_178 = arith.constant 512 : i32
    %dma_start3A_179 = arith.constant 0 : i32
    %dma_start3A_180 = tpu.memref_slice %arg8[%dma_start3A_178, %dma_start3A_179] : memref<1664x32xf32, #tpu.memory_space<vmem>> -> memref<128x32xf32, #tpu.memory_space<vmem>>
    %dma_start3A_181 = arith.constant 512 : i32
    %dma_start3A_182 = tpu.memref_slice %arg6[%dma_start3A_181] : memref<1664xi32, #tpu.memory_space<vmem>> -> memref<128xi32, #tpu.memory_space<vmem>>
    %dma_start3A_183 = arith.constant 0 : i32
    %dma_start3A_184 = arith.constant 0 : i32
    %dma_start3A_185 = tpu.memref_slice %arg2[%dma_start3A_183, %dma_start3A_184] : memref<1000000x32xf32, #tpu.memory_space<hbm>> -> memref<1000000x32xf32, #tpu.memory_space<hbm>>
    tpu.enqueue_indirect_dma source(%dma_start3A_185 : memref<1000000x32xf32, #tpu.memory_space<hbm>>) target(%dma_start3A_180 : memref<128x32xf32, #tpu.memory_space<vmem>>) offsets(%dma_start3A_182 : memref<128xi32, #tpu.memory_space<vmem>>) semaphore(%arg11 : memref<!tpu.dma_semaphore, #tpu.memory_space<semaphore_mem>>)
    %dma_start3A_186 = arith.constant 640 : i32
    %dma_start3A_187 = arith.constant 0 : i32
    %dma_start3A_188 = tpu.memref_slice %arg8[%dma_start3A_186, %dma_start3A_187] : memref<1664x32xf32, #tpu.memory_space<vmem>> -> memref<128x32xf32, #tpu.memory_space<vmem>>
    %dma_start3A_189 = arith.constant 640 : i32
    %dma_start3A_190 = tpu.memref_slice %arg6[%dma_start3A_189] : memref<1664xi32, #tpu.memory_space<vmem>> -> memref<128xi32, #tpu.memory_space<vmem>>
    %dma_start3A_191 = arith.constant 0 : i32
    %dma_start3A_192 = arith.constant 0 : i32
    %dma_start3A_193 = tpu.memref_slice %arg2[%dma_start3A_191, %dma_start3A_192] : memref<1000000x32xf32, #tpu.memory_space<hbm>> -> memref<1000000x32xf32, #tpu.memory_space<hbm>>
    tpu.enqueue_indirect_dma source(%dma_start3A_193 : memref<1000000x32xf32, #tpu.memory_space<hbm>>) target(%dma_start3A_188 : memref<128x32xf32, #tpu.memory_space<vmem>>) offsets(%dma_start3A_190 : memref<128xi32, #tpu.memory_space<vmem>>) semaphore(%arg11 : memref<!tpu.dma_semaphore, #tpu.memory_space<semaphore_mem>>)
    %dma_start3A_194 = arith.constant 768 : i32
    %dma_start3A_195 = arith.constant 0 : i32
    %dma_start3A_196 = tpu.memref_slice %arg8[%dma_start3A_194, %dma_start3A_195] : memref<1664x32xf32, #tpu.memory_space<vmem>> -> memref<128x32xf32, #tpu.memory_space<vmem>>
    %dma_start3A_197 = arith.constant 768 : i32
    %dma_start3A_198 = tpu.memref_slice %arg6[%dma_start3A_197] : memref<1664xi32, #tpu.memory_space<vmem>> -> memref<128xi32, #tpu.memory_space<vmem>>
    %dma_start3A_199 = arith.constant 0 : i32
    %dma_start3A_200 = arith.constant 0 : i32
    %dma_start3A_201 = tpu.memref_slice %arg2[%dma_start3A_199, %dma_start3A_200] : memref<1000000x32xf32, #tpu.memory_space<hbm>> -> memref<1000000x32xf32, #tpu.memory_space<hbm>>
    tpu.enqueue_indirect_dma source(%dma_start3A_201 : memref<1000000x32xf32, #tpu.memory_space<hbm>>) target(%dma_start3A_196 : memref<128x32xf32, #tpu.memory_space<vmem>>) offsets(%dma_start3A_198 : memref<128xi32, #tpu.memory_space<vmem>>) semaphore(%arg11 : memref<!tpu.dma_semaphore, #tpu.memory_space<semaphore_mem>>)
    %dma_start3A_202 = arith.constant 896 : i32
    %dma_start3A_203 = arith.constant 0 : i32
    %dma_start3A_204 = tpu.memref_slice %arg8[%dma_start3A_202, %dma_start3A_203] : memref<1664x32xf32, #tpu.memory_space<vmem>> -> memref<128x32xf32, #tpu.memory_space<vmem>>
    %dma_start3A_205 = arith.constant 896 : i32
    %dma_start3A_206 = tpu.memref_slice %arg6[%dma_start3A_205] : memref<1664xi32, #tpu.memory_space<vmem>> -> memref<128xi32, #tpu.memory_space<vmem>>
    %dma_start3A_207 = arith.constant 0 : i32
    %dma_start3A_208 = arith.constant 0 : i32
    %dma_start3A_209 = tpu.memref_slice %arg2[%dma_start3A_207, %dma_start3A_208] : memref<1000000x32xf32, #tpu.memory_space<hbm>> -> memref<1000000x32xf32, #tpu.memory_space<hbm>>
    tpu.enqueue_indirect_dma source(%dma_start3A_209 : memref<1000000x32xf32, #tpu.memory_space<hbm>>) target(%dma_start3A_204 : memref<128x32xf32, #tpu.memory_space<vmem>>) offsets(%dma_start3A_206 : memref<128xi32, #tpu.memory_space<vmem>>) semaphore(%arg11 : memref<!tpu.dma_semaphore, #tpu.memory_space<semaphore_mem>>)
    %dma_start3A_210 = arith.constant 1024 : i32
    %dma_start3A_211 = arith.constant 0 : i32
    %dma_start3A_212 = tpu.memref_slice %arg8[%dma_start3A_210, %dma_start3A_211] : memref<1664x32xf32, #tpu.memory_space<vmem>> -> memref<128x32xf32, #tpu.memory_space<vmem>>
    %dma_start3A_213 = arith.constant 1024 : i32
    %dma_start3A_214 = tpu.memref_slice %arg6[%dma_start3A_213] : memref<1664xi32, #tpu.memory_space<vmem>> -> memref<128xi32, #tpu.memory_space<vmem>>
    %dma_start3A_215 = arith.constant 0 : i32
    %dma_start3A_216 = arith.constant 0 : i32
    %dma_start3A_217 = tpu.memref_slice %arg2[%dma_start3A_215, %dma_start3A_216] : memref<1000000x32xf32, #tpu.memory_space<hbm>> -> memref<1000000x32xf32, #tpu.memory_space<hbm>>
    tpu.enqueue_indirect_dma source(%dma_start3A_217 : memref<1000000x32xf32, #tpu.memory_space<hbm>>) target(%dma_start3A_212 : memref<128x32xf32, #tpu.memory_space<vmem>>) offsets(%dma_start3A_214 : memref<128xi32, #tpu.memory_space<vmem>>) semaphore(%arg11 : memref<!tpu.dma_semaphore, #tpu.memory_space<semaphore_mem>>)
    %dma_start3A_218 = arith.constant 1152 : i32
    %dma_start3A_219 = arith.constant 0 : i32
    %dma_start3A_220 = tpu.memref_slice %arg8[%dma_start3A_218, %dma_start3A_219] : memref<1664x32xf32, #tpu.memory_space<vmem>> -> memref<128x32xf32, #tpu.memory_space<vmem>>
    %dma_start3A_221 = arith.constant 1152 : i32
    %dma_start3A_222 = tpu.memref_slice %arg6[%dma_start3A_221] : memref<1664xi32, #tpu.memory_space<vmem>> -> memref<128xi32, #tpu.memory_space<vmem>>
    %dma_start3A_223 = arith.constant 0 : i32
    %dma_start3A_224 = arith.constant 0 : i32
    %dma_start3A_225 = tpu.memref_slice %arg2[%dma_start3A_223, %dma_start3A_224] : memref<1000000x32xf32, #tpu.memory_space<hbm>> -> memref<1000000x32xf32, #tpu.memory_space<hbm>>
    tpu.enqueue_indirect_dma source(%dma_start3A_225 : memref<1000000x32xf32, #tpu.memory_space<hbm>>) target(%dma_start3A_220 : memref<128x32xf32, #tpu.memory_space<vmem>>) offsets(%dma_start3A_222 : memref<128xi32, #tpu.memory_space<vmem>>) semaphore(%arg11 : memref<!tpu.dma_semaphore, #tpu.memory_space<semaphore_mem>>)
    %dma_start3A_226 = arith.constant 1280 : i32
    %dma_start3A_227 = arith.constant 0 : i32
    %dma_start3A_228 = tpu.memref_slice %arg8[%dma_start3A_226, %dma_start3A_227] : memref<1664x32xf32, #tpu.memory_space<vmem>> -> memref<128x32xf32, #tpu.memory_space<vmem>>
    %dma_start3A_229 = arith.constant 1280 : i32
    %dma_start3A_230 = tpu.memref_slice %arg6[%dma_start3A_229] : memref<1664xi32, #tpu.memory_space<vmem>> -> memref<128xi32, #tpu.memory_space<vmem>>
    %dma_start3A_231 = arith.constant 0 : i32
    %dma_start3A_232 = arith.constant 0 : i32
    %dma_start3A_233 = tpu.memref_slice %arg2[%dma_start3A_231, %dma_start3A_232] : memref<1000000x32xf32, #tpu.memory_space<hbm>> -> memref<1000000x32xf32, #tpu.memory_space<hbm>>
    tpu.enqueue_indirect_dma source(%dma_start3A_233 : memref<1000000x32xf32, #tpu.memory_space<hbm>>) target(%dma_start3A_228 : memref<128x32xf32, #tpu.memory_space<vmem>>) offsets(%dma_start3A_230 : memref<128xi32, #tpu.memory_space<vmem>>) semaphore(%arg11 : memref<!tpu.dma_semaphore, #tpu.memory_space<semaphore_mem>>)
    %dma_start3A_234 = arith.constant 1408 : i32
    %dma_start3A_235 = arith.constant 0 : i32
    %dma_start3A_236 = tpu.memref_slice %arg8[%dma_start3A_234, %dma_start3A_235] : memref<1664x32xf32, #tpu.memory_space<vmem>> -> memref<128x32xf32, #tpu.memory_space<vmem>>
    %dma_start3A_237 = arith.constant 1408 : i32
    %dma_start3A_238 = tpu.memref_slice %arg6[%dma_start3A_237] : memref<1664xi32, #tpu.memory_space<vmem>> -> memref<128xi32, #tpu.memory_space<vmem>>
    %dma_start3A_239 = arith.constant 0 : i32
    %dma_start3A_240 = arith.constant 0 : i32
    %dma_start3A_241 = tpu.memref_slice %arg2[%dma_start3A_239, %dma_start3A_240] : memref<1000000x32xf32, #tpu.memory_space<hbm>> -> memref<1000000x32xf32, #tpu.memory_space<hbm>>
    tpu.enqueue_indirect_dma source(%dma_start3A_241 : memref<1000000x32xf32, #tpu.memory_space<hbm>>) target(%dma_start3A_236 : memref<128x32xf32, #tpu.memory_space<vmem>>) offsets(%dma_start3A_238 : memref<128xi32, #tpu.memory_space<vmem>>) semaphore(%arg11 : memref<!tpu.dma_semaphore, #tpu.memory_space<semaphore_mem>>)
    %dma_start3A_242 = arith.constant 1536 : i32
    %dma_start3A_243 = arith.constant 0 : i32
    %dma_start3A_244 = tpu.memref_slice %arg8[%dma_start3A_242, %dma_start3A_243] : memref<1664x32xf32, #tpu.memory_space<vmem>> -> memref<128x32xf32, #tpu.memory_space<vmem>>
    %dma_start3A_245 = arith.constant 1536 : i32
    %dma_start3A_246 = tpu.memref_slice %arg6[%dma_start3A_245] : memref<1664xi32, #tpu.memory_space<vmem>> -> memref<128xi32, #tpu.memory_space<vmem>>
    %dma_start3A_247 = arith.constant 0 : i32
    %dma_start3A_248 = arith.constant 0 : i32
    %dma_start3A_249 = tpu.memref_slice %arg2[%dma_start3A_247, %dma_start3A_248] : memref<1000000x32xf32, #tpu.memory_space<hbm>> -> memref<1000000x32xf32, #tpu.memory_space<hbm>>
    tpu.enqueue_indirect_dma source(%dma_start3A_249 : memref<1000000x32xf32, #tpu.memory_space<hbm>>) target(%dma_start3A_244 : memref<128x32xf32, #tpu.memory_space<vmem>>) offsets(%dma_start3A_246 : memref<128xi32, #tpu.memory_space<vmem>>) semaphore(%arg11 : memref<!tpu.dma_semaphore, #tpu.memory_space<semaphore_mem>>)
    %scan3A = arith.constant 0 : i32
    %scan3A_250 = arith.constant 5.000000e-03 : f32
    %scan3A_251 = arith.constant 0 : i32
    %scan3A_252 = arith.constant 32 : i32
    %scan3A_253 = arith.addi %scan3A_251, %scan3A_252 : i32
    %scan3A_254 = arith.constant 1 : i32
    scf.for %scan3A_256 = %scan3A_251 to %scan3A_253 step %scan3A_254  : i32 {
      %mul3A_257 = arith.constant 2 : i32
      %mul3A_258 = arith.muli %scan3A_256, %mul3A_257 : i32
      %dma_wait3A = arith.constant 0 : i32
      %dma_wait3A_259 = arith.constant 0 : i32
      %dma_wait3A_260 = tpu.memref_slice %arg2[%dma_wait3A, %dma_wait3A_259] : memref<1000000x32xf32, #tpu.memory_space<hbm>> -> memref<1664x32xf32, #tpu.memory_space<hbm>>
      %dma_wait3A_261 = arith.constant 0 : i32
      %dma_wait3A_262 = arith.constant 0 : i32
      %dma_wait3A_263 = tpu.memref_slice %arg2[%dma_wait3A_261, %dma_wait3A_262] : memref<1000000x32xf32, #tpu.memory_space<hbm>> -> memref<1664x32xf32, #tpu.memory_space<hbm>>
      tpu.wait_dma2 semaphore(%arg10 : memref<!tpu.dma_semaphore, #tpu.memory_space<semaphore_mem>>) src(%dma_wait3A_263 : memref<1664x32xf32, #tpu.memory_space<hbm>>) dst(%arg7 : memref<1664x32xf32, #tpu.memory_space<vmem>>)
      %add3A_264 = arith.constant 0 : i32
      %add3A_265 = arith.addi %mul3A_258, %add3A_264 : i32
      %broadcast_in_dim3A_266 = arith.constant 0.000000e+00 : f32
      %broadcast_in_dim3A_267 = vector.broadcast %broadcast_in_dim3A_266 : f32 to vector<16xf32>
      %scan3A_268 = arith.constant 0 : i32
      %scan3A_269 = arith.constant 25 : i32
      %scan3A_270 = arith.addi %scan3A_268, %scan3A_269 : i32
      %scan3A_271 = arith.constant 1 : i32
      %scan3A_272:16 = scf.for %scan3A_559 = %scan3A_268 to %scan3A_270 step %scan3A_271 iter_args(%scan3A_560 = %broadcast_in_dim3A_267, %scan3A_561 = %broadcast_in_dim3A_267, %scan3A_562 = %broadcast_in_dim3A_267, %scan3A_563 = %broadcast_in_dim3A_267, %scan3A_564 = %broadcast_in_dim3A_267, %scan3A_565 = %broadcast_in_dim3A_267, %scan3A_566 = %broadcast_in_dim3A_267, %scan3A_567 = %broadcast_in_dim3A_267, %scan3A_568 = %broadcast_in_dim3A_267, %scan3A_569 = %broadcast_in_dim3A_267, %scan3A_570 = %broadcast_in_dim3A_267, %scan3A_571 = %broadcast_in_dim3A_267, %scan3A_572 = %broadcast_in_dim3A_267, %scan3A_573 = %broadcast_in_dim3A_267, %scan3A_574 = %broadcast_in_dim3A_267, %scan3A_575 = %broadcast_in_dim3A_267) -> (vector<16xf32>, vector<16xf32>, vector<16xf32>, vector<16xf32>, vector<16xf32>, vector<16xf32>, vector<16xf32>, vector<16xf32>, vector<16xf32>, vector<16xf32>, vector<16xf32>, vector<16xf32>, vector<16xf32>, vector<16xf32>, vector<16xf32>, vector<16xf32>)  : i32 {
        %mul3A_576 = arith.constant 8 : i32
        %mul3A_577 = arith.muli %scan3A_559, %mul3A_576 : i32
        %add3A_578 = arith.constant 0 : i32
        %add3A_579 = arith.addi %add3A_578, %mul3A_577 : i32
        %add3A_580 = arith.constant 0 : i32
        %add3A_581 = arith.addi %add3A_579, %add3A_580 : i32
        %get3A = arith.index_cast %add3A_581 : i32 to index
        %get3A_582 = arith.constant 0 : index
        %get3A_583 = tpu.vector_load %arg7[%get3A, %get3A_582] {strides = array<i32>} : memref<1664x32xf32, #tpu.memory_space<vmem>>, vector<1x16xf32>,
        %get3A_584 = vector.shape_cast %get3A_583 : vector<1x16xf32> to vector<16xf32>
        %add3A_585 = arith.addf %scan3A_560, %get3A_584 : vector<16xf32>
        %add3A_586 = arith.constant 0 : i32
        %add3A_587 = arith.addi %add3A_579, %add3A_586 : i32
        %get3A_588 = arith.index_cast %add3A_587 : i32 to index
        %get3A_589 = arith.constant 16 : index
        %get3A_590 = tpu.vector_load %arg7[%get3A_588, %get3A_589] {strides = array<i32>} : memref<1664x32xf32, #tpu.memory_space<vmem>>, vector<1x16xf32>,
        %get3A_591 = vector.shape_cast %get3A_590 : vector<1x16xf32> to vector<16xf32>
        %add3A_592 = arith.addf %scan3A_561, %get3A_591 : vector<16xf32>
        %add3A_593 = arith.constant 1 : i32
        %add3A_594 = arith.addi %add3A_579, %add3A_593 : i32
        %get3A_595 = arith.index_cast %add3A_594 : i32 to index
        %get3A_596 = arith.constant 0 : index
        %get3A_597 = tpu.vector_load %arg7[%get3A_595, %get3A_596] {strides = array<i32>} : memref<1664x32xf32, #tpu.memory_space<vmem>>, vector<1x16xf32>,
        %get3A_598 = vector.shape_cast %get3A_597 : vector<1x16xf32> to vector<16xf32>
        %add3A_599 = arith.addf %add3A_585, %get3A_598 : vector<16xf32>
        %add3A_600 = arith.constant 1 : i32
        %add3A_601 = arith.addi %add3A_579, %add3A_600 : i32
        %get3A_602 = arith.index_cast %add3A_601 : i32 to index
        %get3A_603 = arith.constant 16 : index
        %get3A_604 = tpu.vector_load %arg7[%get3A_602, %get3A_603] {strides = array<i32>} : memref<1664x32xf32, #tpu.memory_space<vmem>>, vector<1x16xf32>,
        %get3A_605 = vector.shape_cast %get3A_604 : vector<1x16xf32> to vector<16xf32>
        %add3A_606 = arith.addf %add3A_592, %get3A_605 : vector<16xf32>
        %add3A_607 = arith.constant 2 : i32
        %add3A_608 = arith.addi %add3A_579, %add3A_607 : i32
        %get3A_609 = arith.index_cast %add3A_608 : i32 to index
        %get3A_610 = arith.constant 0 : index
        %get3A_611 = tpu.vector_load %arg7[%get3A_609, %get3A_610] {strides = array<i32>} : memref<1664x32xf32, #tpu.memory_space<vmem>>, vector<1x16xf32>,
        %get3A_612 = vector.shape_cast %get3A_611 : vector<1x16xf32> to vector<16xf32>
        %add3A_613 = arith.addf %add3A_599, %get3A_612 : vector<16xf32>
        %add3A_614 = arith.constant 2 : i32
        %add3A_615 = arith.addi %add3A_579, %add3A_614 : i32
        %get3A_616 = arith.index_cast %add3A_615 : i32 to index
        %get3A_617 = arith.constant 16 : index
        %get3A_618 = tpu.vector_load %arg7[%get3A_616, %get3A_617] {strides = array<i32>} : memref<1664x32xf32, #tpu.memory_space<vmem>>, vector<1x16xf32>,
        %get3A_619 = vector.shape_cast %get3A_618 : vector<1x16xf32> to vector<16xf32>
        %add3A_620 = arith.addf %add3A_606, %get3A_619 : vector<16xf32>
        %add3A_621 = arith.constant 3 : i32
        %add3A_622 = arith.addi %add3A_579, %add3A_621 : i32
        %get3A_623 = arith.index_cast %add3A_622 : i32 to index
        %get3A_624 = arith.constant 0 : index
        %get3A_625 = tpu.vector_load %arg7[%get3A_623, %get3A_624] {strides = array<i32>} : memref<1664x32xf32, #tpu.memory_space<vmem>>, vector<1x16xf32>,
        %get3A_626 = vector.shape_cast %get3A_625 : vector<1x16xf32> to vector<16xf32>
        %add3A_627 = arith.addf %add3A_613, %get3A_626 : vector<16xf32>
        %add3A_628 = arith.constant 3 : i32
        %add3A_629 = arith.addi %add3A_579, %add3A_628 : i32
        %get3A_630 = arith.index_cast %add3A_629 : i32 to index
        %get3A_631 = arith.constant 16 : index
        %get3A_632 = tpu.vector_load %arg7[%get3A_630, %get3A_631] {strides = array<i32>} : memref<1664x32xf32, #tpu.memory_space<vmem>>, vector<1x16xf32>,
        %get3A_633 = vector.shape_cast %get3A_632 : vector<1x16xf32> to vector<16xf32>
        %add3A_634 = arith.addf %add3A_620, %get3A_633 : vector<16xf32>
        %add3A_635 = arith.constant 4 : i32
        %add3A_636 = arith.addi %add3A_579, %add3A_635 : i32
        %get3A_637 = arith.index_cast %add3A_636 : i32 to index
        %get3A_638 = arith.constant 0 : index
        %get3A_639 = tpu.vector_load %arg7[%get3A_637, %get3A_638] {strides = array<i32>} : memref<1664x32xf32, #tpu.memory_space<vmem>>, vector<1x16xf32>,
        %get3A_640 = vector.shape_cast %get3A_639 : vector<1x16xf32> to vector<16xf32>
        %add3A_641 = arith.addf %add3A_627, %get3A_640 : vector<16xf32>
        %add3A_642 = arith.constant 4 : i32
        %add3A_643 = arith.addi %add3A_579, %add3A_642 : i32
        %get3A_644 = arith.index_cast %add3A_643 : i32 to index
        %get3A_645 = arith.constant 16 : index
        %get3A_646 = tpu.vector_load %arg7[%get3A_644, %get3A_645] {strides = array<i32>} : memref<1664x32xf32, #tpu.memory_space<vmem>>, vector<1x16xf32>,
        %get3A_647 = vector.shape_cast %get3A_646 : vector<1x16xf32> to vector<16xf32>
        %add3A_648 = arith.addf %add3A_634, %get3A_647 : vector<16xf32>
        %add3A_649 = arith.constant 5 : i32
        %add3A_650 = arith.addi %add3A_579, %add3A_649 : i32
        %get3A_651 = arith.index_cast %add3A_650 : i32 to index
        %get3A_652 = arith.constant 0 : index
        %get3A_653 = tpu.vector_load %arg7[%get3A_651, %get3A_652] {strides = array<i32>} : memref<1664x32xf32, #tpu.memory_space<vmem>>, vector<1x16xf32>,
        %get3A_654 = vector.shape_cast %get3A_653 : vector<1x16xf32> to vector<16xf32>
        %add3A_655 = arith.addf %add3A_641, %get3A_654 : vector<16xf32>
        %add3A_656 = arith.constant 5 : i32
        %add3A_657 = arith.addi %add3A_579, %add3A_656 : i32
        %get3A_658 = arith.index_cast %add3A_657 : i32 to index
        %get3A_659 = arith.constant 16 : index
        %get3A_660 = tpu.vector_load %arg7[%get3A_658, %get3A_659] {strides = array<i32>} : memref<1664x32xf32, #tpu.memory_space<vmem>>, vector<1x16xf32>,
        %get3A_661 = vector.shape_cast %get3A_660 : vector<1x16xf32> to vector<16xf32>
        %add3A_662 = arith.addf %add3A_648, %get3A_661 : vector<16xf32>
        %add3A_663 = arith.constant 6 : i32
        %add3A_664 = arith.addi %add3A_579, %add3A_663 : i32
        %get3A_665 = arith.index_cast %add3A_664 : i32 to index
        %get3A_666 = arith.constant 0 : index
        %get3A_667 = tpu.vector_load %arg7[%get3A_665, %get3A_666] {strides = array<i32>} : memref<1664x32xf32, #tpu.memory_space<vmem>>, vector<1x16xf32>,
        %get3A_668 = vector.shape_cast %get3A_667 : vector<1x16xf32> to vector<16xf32>
        %add3A_669 = arith.addf %add3A_655, %get3A_668 : vector<16xf32>
        %add3A_670 = arith.constant 6 : i32
        %add3A_671 = arith.addi %add3A_579, %add3A_670 : i32
        %get3A_672 = arith.index_cast %add3A_671 : i32 to index
        %get3A_673 = arith.constant 16 : index
        %get3A_674 = tpu.vector_load %arg7[%get3A_672, %get3A_673] {strides = array<i32>} : memref<1664x32xf32, #tpu.memory_space<vmem>>, vector<1x16xf32>,
        %get3A_675 = vector.shape_cast %get3A_674 : vector<1x16xf32> to vector<16xf32>
        %add3A_676 = arith.addf %add3A_662, %get3A_675 : vector<16xf32>
        %add3A_677 = arith.constant 7 : i32
        %add3A_678 = arith.addi %add3A_579, %add3A_677 : i32
        %get3A_679 = arith.index_cast %add3A_678 : i32 to index
        %get3A_680 = arith.constant 0 : index
        %get3A_681 = tpu.vector_load %arg7[%get3A_679, %get3A_680] {strides = array<i32>} : memref<1664x32xf32, #tpu.memory_space<vmem>>, vector<1x16xf32>,
        %get3A_682 = vector.shape_cast %get3A_681 : vector<1x16xf32> to vector<16xf32>
        %add3A_683 = arith.addf %add3A_669, %get3A_682 : vector<16xf32>
        %add3A_684 = arith.constant 7 : i32
        %add3A_685 = arith.addi %add3A_579, %add3A_684 : i32
        %get3A_686 = arith.index_cast %add3A_685 : i32 to index
        %get3A_687 = arith.constant 16 : index
        %get3A_688 = tpu.vector_load %arg7[%get3A_686, %get3A_687] {strides = array<i32>} : memref<1664x32xf32, #tpu.memory_space<vmem>>, vector<1x16xf32>,
        %get3A_689 = vector.shape_cast %get3A_688 : vector<1x16xf32> to vector<16xf32>
        %add3A_690 = arith.addf %add3A_676, %get3A_689 : vector<16xf32>
        %add3A_691 = arith.constant 200 : i32
        %add3A_692 = arith.addi %add3A_691, %mul3A_577 : i32
        %add3A_693 = arith.constant 0 : i32
        %add3A_694 = arith.addi %add3A_692, %add3A_693 : i32
        %get3A_695 = arith.index_cast %add3A_694 : i32 to index
        %get3A_696 = arith.constant 0 : index
        %get3A_697 = tpu.vector_load %arg7[%get3A_695, %get3A_696] {strides = array<i32>} : memref<1664x32xf32, #tpu.memory_space<vmem>>, vector<1x16xf32>,
        %get3A_698 = vector.shape_cast %get3A_697 : vector<1x16xf32> to vector<16xf32>
        %add3A_699 = arith.addf %scan3A_562, %get3A_698 : vector<16xf32>
        %add3A_700 = arith.constant 0 : i32
        %add3A_701 = arith.addi %add3A_692, %add3A_700 : i32
        %get3A_702 = arith.index_cast %add3A_701 : i32 to index
        %get3A_703 = arith.constant 16 : index
        %get3A_704 = tpu.vector_load %arg7[%get3A_702, %get3A_703] {strides = array<i32>} : memref<1664x32xf32, #tpu.memory_space<vmem>>, vector<1x16xf32>,
        %get3A_705 = vector.shape_cast %get3A_704 : vector<1x16xf32> to vector<16xf32>
        %add3A_706 = arith.addf %scan3A_563, %get3A_705 : vector<16xf32>
        %add3A_707 = arith.constant 1 : i32
        %add3A_708 = arith.addi %add3A_692, %add3A_707 : i32
        %get3A_709 = arith.index_cast %add3A_708 : i32 to index
        %get3A_710 = arith.constant 0 : index
        %get3A_711 = tpu.vector_load %arg7[%get3A_709, %get3A_710] {strides = array<i32>} : memref<1664x32xf32, #tpu.memory_space<vmem>>, vector<1x16xf32>,
        %get3A_712 = vector.shape_cast %get3A_711 : vector<1x16xf32> to vector<16xf32>
        %add3A_713 = arith.addf %add3A_699, %get3A_712 : vector<16xf32>
        %add3A_714 = arith.constant 1 : i32
        %add3A_715 = arith.addi %add3A_692, %add3A_714 : i32
        %get3A_716 = arith.index_cast %add3A_715 : i32 to index
        %get3A_717 = arith.constant 16 : index
        %get3A_718 = tpu.vector_load %arg7[%get3A_716, %get3A_717] {strides = array<i32>} : memref<1664x32xf32, #tpu.memory_space<vmem>>, vector<1x16xf32>,
        %get3A_719 = vector.shape_cast %get3A_718 : vector<1x16xf32> to vector<16xf32>
        %add3A_720 = arith.addf %add3A_706, %get3A_719 : vector<16xf32>
        %add3A_721 = arith.constant 2 : i32
        %add3A_722 = arith.addi %add3A_692, %add3A_721 : i32
        %get3A_723 = arith.index_cast %add3A_722 : i32 to index
        %get3A_724 = arith.constant 0 : index
        %get3A_725 = tpu.vector_load %arg7[%get3A_723, %get3A_724] {strides = array<i32>} : memref<1664x32xf32, #tpu.memory_space<vmem>>, vector<1x16xf32>,
        %get3A_726 = vector.shape_cast %get3A_725 : vector<1x16xf32> to vector<16xf32>
        %add3A_727 = arith.addf %add3A_713, %get3A_726 : vector<16xf32>
        %add3A_728 = arith.constant 2 : i32
        %add3A_729 = arith.addi %add3A_692, %add3A_728 : i32
        %get3A_730 = arith.index_cast %add3A_729 : i32 to index
        %get3A_731 = arith.constant 16 : index
        %get3A_732 = tpu.vector_load %arg7[%get3A_730, %get3A_731] {strides = array<i32>} : memref<1664x32xf32, #tpu.memory_space<vmem>>, vector<1x16xf32>,
        %get3A_733 = vector.shape_cast %get3A_732 : vector<1x16xf32> to vector<16xf32>
        %add3A_734 = arith.addf %add3A_720, %get3A_733 : vector<16xf32>
        %add3A_735 = arith.constant 3 : i32
        %add3A_736 = arith.addi %add3A_692, %add3A_735 : i32
        %get3A_737 = arith.index_cast %add3A_736 : i32 to index
        %get3A_738 = arith.constant 0 : index
        %get3A_739 = tpu.vector_load %arg7[%get3A_737, %get3A_738] {strides = array<i32>} : memref<1664x32xf32, #tpu.memory_space<vmem>>, vector<1x16xf32>,
        %get3A_740 = vector.shape_cast %get3A_739 : vector<1x16xf32> to vector<16xf32>
        %add3A_741 = arith.addf %add3A_727, %get3A_740 : vector<16xf32>
        %add3A_742 = arith.constant 3 : i32
        %add3A_743 = arith.addi %add3A_692, %add3A_742 : i32
        %get3A_744 = arith.index_cast %add3A_743 : i32 to index
        %get3A_745 = arith.constant 16 : index
        %get3A_746 = tpu.vector_load %arg7[%get3A_744, %get3A_745] {strides = array<i32>} : memref<1664x32xf32, #tpu.memory_space<vmem>>, vector<1x16xf32>,
        %get3A_747 = vector.shape_cast %get3A_746 : vector<1x16xf32> to vector<16xf32>
        %add3A_748 = arith.addf %add3A_734, %get3A_747 : vector<16xf32>
        %add3A_749 = arith.constant 4 : i32
        %add3A_750 = arith.addi %add3A_692, %add3A_749 : i32
        %get3A_751 = arith.index_cast %add3A_750 : i32 to index
        %get3A_752 = arith.constant 0 : index
        %get3A_753 = tpu.vector_load %arg7[%get3A_751, %get3A_752] {strides = array<i32>} : memref<1664x32xf32, #tpu.memory_space<vmem>>, vector<1x16xf32>,
        %get3A_754 = vector.shape_cast %get3A_753 : vector<1x16xf32> to vector<16xf32>
        %add3A_755 = arith.addf %add3A_741, %get3A_754 : vector<16xf32>
        %add3A_756 = arith.constant 4 : i32
        %add3A_757 = arith.addi %add3A_692, %add3A_756 : i32
        %get3A_758 = arith.index_cast %add3A_757 : i32 to index
        %get3A_759 = arith.constant 16 : index
        %get3A_760 = tpu.vector_load %arg7[%get3A_758, %get3A_759] {strides = array<i32>} : memref<1664x32xf32, #tpu.memory_space<vmem>>, vector<1x16xf32>,
        %get3A_761 = vector.shape_cast %get3A_760 : vector<1x16xf32> to vector<16xf32>
        %add3A_762 = arith.addf %add3A_748, %get3A_761 : vector<16xf32>
        %add3A_763 = arith.constant 5 : i32
        %add3A_764 = arith.addi %add3A_692, %add3A_763 : i32
        %get3A_765 = arith.index_cast %add3A_764 : i32 to index
        %get3A_766 = arith.constant 0 : index
        %get3A_767 = tpu.vector_load %arg7[%get3A_765, %get3A_766] {strides = array<i32>} : memref<1664x32xf32, #tpu.memory_space<vmem>>, vector<1x16xf32>,
        %get3A_768 = vector.shape_cast %get3A_767 : vector<1x16xf32> to vector<16xf32>
        %add3A_769 = arith.addf %add3A_755, %get3A_768 : vector<16xf32>
        %add3A_770 = arith.constant 5 : i32
        %add3A_771 = arith.addi %add3A_692, %add3A_770 : i32
        %get3A_772 = arith.index_cast %add3A_771 : i32 to index
        %get3A_773 = arith.constant 16 : index
        %get3A_774 = tpu.vector_load %arg7[%get3A_772, %get3A_773] {strides = array<i32>} : memref<1664x32xf32, #tpu.memory_space<vmem>>, vector<1x16xf32>,
        %get3A_775 = vector.shape_cast %get3A_774 : vector<1x16xf32> to vector<16xf32>
        %add3A_776 = arith.addf %add3A_762, %get3A_775 : vector<16xf32>
        %add3A_777 = arith.constant 6 : i32
        %add3A_778 = arith.addi %add3A_692, %add3A_777 : i32
        %get3A_779 = arith.index_cast %add3A_778 : i32 to index
        %get3A_780 = arith.constant 0 : index
        %get3A_781 = tpu.vector_load %arg7[%get3A_779, %get3A_780] {strides = array<i32>} : memref<1664x32xf32, #tpu.memory_space<vmem>>, vector<1x16xf32>,
        %get3A_782 = vector.shape_cast %get3A_781 : vector<1x16xf32> to vector<16xf32>
        %add3A_783 = arith.addf %add3A_769, %get3A_782 : vector<16xf32>
        %add3A_784 = arith.constant 6 : i32
        %add3A_785 = arith.addi %add3A_692, %add3A_784 : i32
        %get3A_786 = arith.index_cast %add3A_785 : i32 to index
        %get3A_787 = arith.constant 16 : index
        %get3A_788 = tpu.vector_load %arg7[%get3A_786, %get3A_787] {strides = array<i32>} : memref<1664x32xf32, #tpu.memory_space<vmem>>, vector<1x16xf32>,
        %get3A_789 = vector.shape_cast %get3A_788 : vector<1x16xf32> to vector<16xf32>
        %add3A_790 = arith.addf %add3A_776, %get3A_789 : vector<16xf32>
        %add3A_791 = arith.constant 7 : i32
        %add3A_792 = arith.addi %add3A_692, %add3A_791 : i32
        %get3A_793 = arith.index_cast %add3A_792 : i32 to index
        %get3A_794 = arith.constant 0 : index
        %get3A_795 = tpu.vector_load %arg7[%get3A_793, %get3A_794] {strides = array<i32>} : memref<1664x32xf32, #tpu.memory_space<vmem>>, vector<1x16xf32>,
        %get3A_796 = vector.shape_cast %get3A_795 : vector<1x16xf32> to vector<16xf32>
        %add3A_797 = arith.addf %add3A_783, %get3A_796 : vector<16xf32>
        %add3A_798 = arith.constant 7 : i32
        %add3A_799 = arith.addi %add3A_692, %add3A_798 : i32
        %get3A_800 = arith.index_cast %add3A_799 : i32 to index
        %get3A_801 = arith.constant 16 : index
        %get3A_802 = tpu.vector_load %arg7[%get3A_800, %get3A_801] {strides = array<i32>} : memref<1664x32xf32, #tpu.memory_space<vmem>>, vector<1x16xf32>,
        %get3A_803 = vector.shape_cast %get3A_802 : vector<1x16xf32> to vector<16xf32>
        %add3A_804 = arith.addf %add3A_790, %get3A_803 : vector<16xf32>
        %add3A_805 = arith.constant 400 : i32
        %add3A_806 = arith.addi %add3A_805, %mul3A_577 : i32
        %add3A_807 = arith.constant 0 : i32
        %add3A_808 = arith.addi %add3A_806, %add3A_807 : i32
        %get3A_809 = arith.index_cast %add3A_808 : i32 to index
        %get3A_810 = arith.constant 0 : index
        %get3A_811 = tpu.vector_load %arg7[%get3A_809, %get3A_810] {strides = array<i32>} : memref<1664x32xf32, #tpu.memory_space<vmem>>, vector<1x16xf32>,
        %get3A_812 = vector.shape_cast %get3A_811 : vector<1x16xf32> to vector<16xf32>
        %add3A_813 = arith.addf %scan3A_564, %get3A_812 : vector<16xf32>
        %add3A_814 = arith.constant 0 : i32
        %add3A_815 = arith.addi %add3A_806, %add3A_814 : i32
        %get3A_816 = arith.index_cast %add3A_815 : i32 to index
        %get3A_817 = arith.constant 16 : index
        %get3A_818 = tpu.vector_load %arg7[%get3A_816, %get3A_817] {strides = array<i32>} : memref<1664x32xf32, #tpu.memory_space<vmem>>, vector<1x16xf32>,
        %get3A_819 = vector.shape_cast %get3A_818 : vector<1x16xf32> to vector<16xf32>
        %add3A_820 = arith.addf %scan3A_565, %get3A_819 : vector<16xf32>
        %add3A_821 = arith.constant 1 : i32
        %add3A_822 = arith.addi %add3A_806, %add3A_821 : i32
        %get3A_823 = arith.index_cast %add3A_822 : i32 to index
        %get3A_824 = arith.constant 0 : index
        %get3A_825 = tpu.vector_load %arg7[%get3A_823, %get3A_824] {strides = array<i32>} : memref<1664x32xf32, #tpu.memory_space<vmem>>, vector<1x16xf32>,
        %get3A_826 = vector.shape_cast %get3A_825 : vector<1x16xf32> to vector<16xf32>
        %add3A_827 = arith.addf %add3A_813, %get3A_826 : vector<16xf32>
        %add3A_828 = arith.constant 1 : i32
        %add3A_829 = arith.addi %add3A_806, %add3A_828 : i32
        %get3A_830 = arith.index_cast %add3A_829 : i32 to index
        %get3A_831 = arith.constant 16 : index
        %get3A_832 = tpu.vector_load %arg7[%get3A_830, %get3A_831] {strides = array<i32>} : memref<1664x32xf32, #tpu.memory_space<vmem>>, vector<1x16xf32>,
        %get3A_833 = vector.shape_cast %get3A_832 : vector<1x16xf32> to vector<16xf32>
        %add3A_834 = arith.addf %add3A_820, %get3A_833 : vector<16xf32>
        %add3A_835 = arith.constant 2 : i32
        %add3A_836 = arith.addi %add3A_806, %add3A_835 : i32
        %get3A_837 = arith.index_cast %add3A_836 : i32 to index
        %get3A_838 = arith.constant 0 : index
        %get3A_839 = tpu.vector_load %arg7[%get3A_837, %get3A_838] {strides = array<i32>} : memref<1664x32xf32, #tpu.memory_space<vmem>>, vector<1x16xf32>,
        %get3A_840 = vector.shape_cast %get3A_839 : vector<1x16xf32> to vector<16xf32>
        %add3A_841 = arith.addf %add3A_827, %get3A_840 : vector<16xf32>
        %add3A_842 = arith.constant 2 : i32
        %add3A_843 = arith.addi %add3A_806, %add3A_842 : i32
        %get3A_844 = arith.index_cast %add3A_843 : i32 to index
        %get3A_845 = arith.constant 16 : index
        %get3A_846 = tpu.vector_load %arg7[%get3A_844, %get3A_845] {strides = array<i32>} : memref<1664x32xf32, #tpu.memory_space<vmem>>, vector<1x16xf32>,
        %get3A_847 = vector.shape_cast %get3A_846 : vector<1x16xf32> to vector<16xf32>
        %add3A_848 = arith.addf %add3A_834, %get3A_847 : vector<16xf32>
        %add3A_849 = arith.constant 3 : i32
        %add3A_850 = arith.addi %add3A_806, %add3A_849 : i32
        %get3A_851 = arith.index_cast %add3A_850 : i32 to index
        %get3A_852 = arith.constant 0 : index
        %get3A_853 = tpu.vector_load %arg7[%get3A_851, %get3A_852] {strides = array<i32>} : memref<1664x32xf32, #tpu.memory_space<vmem>>, vector<1x16xf32>,
        %get3A_854 = vector.shape_cast %get3A_853 : vector<1x16xf32> to vector<16xf32>
        %add3A_855 = arith.addf %add3A_841, %get3A_854 : vector<16xf32>
        %add3A_856 = arith.constant 3 : i32
        %add3A_857 = arith.addi %add3A_806, %add3A_856 : i32
        %get3A_858 = arith.index_cast %add3A_857 : i32 to index
        %get3A_859 = arith.constant 16 : index
        %get3A_860 = tpu.vector_load %arg7[%get3A_858, %get3A_859] {strides = array<i32>} : memref<1664x32xf32, #tpu.memory_space<vmem>>, vector<1x16xf32>,
        %get3A_861 = vector.shape_cast %get3A_860 : vector<1x16xf32> to vector<16xf32>
        %add3A_862 = arith.addf %add3A_848, %get3A_861 : vector<16xf32>
        %add3A_863 = arith.constant 4 : i32
        %add3A_864 = arith.addi %add3A_806, %add3A_863 : i32
        %get3A_865 = arith.index_cast %add3A_864 : i32 to index
        %get3A_866 = arith.constant 0 : index
        %get3A_867 = tpu.vector_load %arg7[%get3A_865, %get3A_866] {strides = array<i32>} : memref<1664x32xf32, #tpu.memory_space<vmem>>, vector<1x16xf32>,
        %get3A_868 = vector.shape_cast %get3A_867 : vector<1x16xf32> to vector<16xf32>
        %add3A_869 = arith.addf %add3A_855, %get3A_868 : vector<16xf32>
        %add3A_870 = arith.constant 4 : i32
        %add3A_871 = arith.addi %add3A_806, %add3A_870 : i32
        %get3A_872 = arith.index_cast %add3A_871 : i32 to index
        %get3A_873 = arith.constant 16 : index
        %get3A_874 = tpu.vector_load %arg7[%get3A_872, %get3A_873] {strides = array<i32>} : memref<1664x32xf32, #tpu.memory_space<vmem>>, vector<1x16xf32>,
        %get3A_875 = vector.shape_cast %get3A_874 : vector<1x16xf32> to vector<16xf32>
        %add3A_876 = arith.addf %add3A_862, %get3A_875 : vector<16xf32>
        %add3A_877 = arith.constant 5 : i32
        %add3A_878 = arith.addi %add3A_806, %add3A_877 : i32
        %get3A_879 = arith.index_cast %add3A_878 : i32 to index
        %get3A_880 = arith.constant 0 : index
        %get3A_881 = tpu.vector_load %arg7[%get3A_879, %get3A_880] {strides = array<i32>} : memref<1664x32xf32, #tpu.memory_space<vmem>>, vector<1x16xf32>,
        %get3A_882 = vector.shape_cast %get3A_881 : vector<1x16xf32> to vector<16xf32>
        %add3A_883 = arith.addf %add3A_869, %get3A_882 : vector<16xf32>
        %add3A_884 = arith.constant 5 : i32
        %add3A_885 = arith.addi %add3A_806, %add3A_884 : i32
        %get3A_886 = arith.index_cast %add3A_885 : i32 to index
        %get3A_887 = arith.constant 16 : index
        %get3A_888 = tpu.vector_load %arg7[%get3A_886, %get3A_887] {strides = array<i32>} : memref<1664x32xf32, #tpu.memory_space<vmem>>, vector<1x16xf32>,
        %get3A_889 = vector.shape_cast %get3A_888 : vector<1x16xf32> to vector<16xf32>
        %add3A_890 = arith.addf %add3A_876, %get3A_889 : vector<16xf32>
        %add3A_891 = arith.constant 6 : i32
        %add3A_892 = arith.addi %add3A_806, %add3A_891 : i32
        %get3A_893 = arith.index_cast %add3A_892 : i32 to index
        %get3A_894 = arith.constant 0 : index
        %get3A_895 = tpu.vector_load %arg7[%get3A_893, %get3A_894] {strides = array<i32>} : memref<1664x32xf32, #tpu.memory_space<vmem>>, vector<1x16xf32>,
        %get3A_896 = vector.shape_cast %get3A_895 : vector<1x16xf32> to vector<16xf32>
        %add3A_897 = arith.addf %add3A_883, %get3A_896 : vector<16xf32>
        %add3A_898 = arith.constant 6 : i32
        %add3A_899 = arith.addi %add3A_806, %add3A_898 : i32
        %get3A_900 = arith.index_cast %add3A_899 : i32 to index
        %get3A_901 = arith.constant 16 : index
        %get3A_902 = tpu.vector_load %arg7[%get3A_900, %get3A_901] {strides = array<i32>} : memref<1664x32xf32, #tpu.memory_space<vmem>>, vector<1x16xf32>,
        %get3A_903 = vector.shape_cast %get3A_902 : vector<1x16xf32> to vector<16xf32>
        %add3A_904 = arith.addf %add3A_890, %get3A_903 : vector<16xf32>
        %add3A_905 = arith.constant 7 : i32
        %add3A_906 = arith.addi %add3A_806, %add3A_905 : i32
        %get3A_907 = arith.index_cast %add3A_906 : i32 to index
        %get3A_908 = arith.constant 0 : index
        %get3A_909 = tpu.vector_load %arg7[%get3A_907, %get3A_908] {strides = array<i32>} : memref<1664x32xf32, #tpu.memory_space<vmem>>, vector<1x16xf32>,
        %get3A_910 = vector.shape_cast %get3A_909 : vector<1x16xf32> to vector<16xf32>
        %add3A_911 = arith.addf %add3A_897, %get3A_910 : vector<16xf32>
        %add3A_912 = arith.constant 7 : i32
        %add3A_913 = arith.addi %add3A_806, %add3A_912 : i32
        %get3A_914 = arith.index_cast %add3A_913 : i32 to index
        %get3A_915 = arith.constant 16 : index
        %get3A_916 = tpu.vector_load %arg7[%get3A_914, %get3A_915] {strides = array<i32>} : memref<1664x32xf32, #tpu.memory_space<vmem>>, vector<1x16xf32>,
        %get3A_917 = vector.shape_cast %get3A_916 : vector<1x16xf32> to vector<16xf32>
        %add3A_918 = arith.addf %add3A_904, %get3A_917 : vector<16xf32>
        %add3A_919 = arith.constant 600 : i32
        %add3A_920 = arith.addi %add3A_919, %mul3A_577 : i32
        %add3A_921 = arith.constant 0 : i32
        %add3A_922 = arith.addi %add3A_920, %add3A_921 : i32
        %get3A_923 = arith.index_cast %add3A_922 : i32 to index
        %get3A_924 = arith.constant 0 : index
        %get3A_925 = tpu.vector_load %arg7[%get3A_923, %get3A_924] {strides = array<i32>} : memref<1664x32xf32, #tpu.memory_space<vmem>>, vector<1x16xf32>,
        %get3A_926 = vector.shape_cast %get3A_925 : vector<1x16xf32> to vector<16xf32>
        %add3A_927 = arith.addf %scan3A_566, %get3A_926 : vector<16xf32>
        %add3A_928 = arith.constant 0 : i32
        %add3A_929 = arith.addi %add3A_920, %add3A_928 : i32
        %get3A_930 = arith.index_cast %add3A_929 : i32 to index
        %get3A_931 = arith.constant 16 : index
        %get3A_932 = tpu.vector_load %arg7[%get3A_930, %get3A_931] {strides = array<i32>} : memref<1664x32xf32, #tpu.memory_space<vmem>>, vector<1x16xf32>,
        %get3A_933 = vector.shape_cast %get3A_932 : vector<1x16xf32> to vector<16xf32>
        %add3A_934 = arith.addf %scan3A_567, %get3A_933 : vector<16xf32>
        %add3A_935 = arith.constant 1 : i32
        %add3A_936 = arith.addi %add3A_920, %add3A_935 : i32
        %get3A_937 = arith.index_cast %add3A_936 : i32 to index
        %get3A_938 = arith.constant 0 : index
        %get3A_939 = tpu.vector_load %arg7[%get3A_937, %get3A_938] {strides = array<i32>} : memref<1664x32xf32, #tpu.memory_space<vmem>>, vector<1x16xf32>,
        %get3A_940 = vector.shape_cast %get3A_939 : vector<1x16xf32> to vector<16xf32>
        %add3A_941 = arith.addf %add3A_927, %get3A_940 : vector<16xf32>
        %add3A_942 = arith.constant 1 : i32
        %add3A_943 = arith.addi %add3A_920, %add3A_942 : i32
        %get3A_944 = arith.index_cast %add3A_943 : i32 to index
        %get3A_945 = arith.constant 16 : index
        %get3A_946 = tpu.vector_load %arg7[%get3A_944, %get3A_945] {strides = array<i32>} : memref<1664x32xf32, #tpu.memory_space<vmem>>, vector<1x16xf32>,
        %get3A_947 = vector.shape_cast %get3A_946 : vector<1x16xf32> to vector<16xf32>
        %add3A_948 = arith.addf %add3A_934, %get3A_947 : vector<16xf32>
        %add3A_949 = arith.constant 2 : i32
        %add3A_950 = arith.addi %add3A_920, %add3A_949 : i32
        %get3A_951 = arith.index_cast %add3A_950 : i32 to index
        %get3A_952 = arith.constant 0 : index
        %get3A_953 = tpu.vector_load %arg7[%get3A_951, %get3A_952] {strides = array<i32>} : memref<1664x32xf32, #tpu.memory_space<vmem>>, vector<1x16xf32>,
        %get3A_954 = vector.shape_cast %get3A_953 : vector<1x16xf32> to vector<16xf32>
        %add3A_955 = arith.addf %add3A_941, %get3A_954 : vector<16xf32>
        %add3A_956 = arith.constant 2 : i32
        %add3A_957 = arith.addi %add3A_920, %add3A_956 : i32
        %get3A_958 = arith.index_cast %add3A_957 : i32 to index
        %get3A_959 = arith.constant 16 : index
        %get3A_960 = tpu.vector_load %arg7[%get3A_958, %get3A_959] {strides = array<i32>} : memref<1664x32xf32, #tpu.memory_space<vmem>>, vector<1x16xf32>,
        %get3A_961 = vector.shape_cast %get3A_960 : vector<1x16xf32> to vector<16xf32>
        %add3A_962 = arith.addf %add3A_948, %get3A_961 : vector<16xf32>
        %add3A_963 = arith.constant 3 : i32
        %add3A_964 = arith.addi %add3A_920, %add3A_963 : i32
        %get3A_965 = arith.index_cast %add3A_964 : i32 to index
        %get3A_966 = arith.constant 0 : index
        %get3A_967 = tpu.vector_load %arg7[%get3A_965, %get3A_966] {strides = array<i32>} : memref<1664x32xf32, #tpu.memory_space<vmem>>, vector<1x16xf32>,
        %get3A_968 = vector.shape_cast %get3A_967 : vector<1x16xf32> to vector<16xf32>
        %add3A_969 = arith.addf %add3A_955, %get3A_968 : vector<16xf32>
        %add3A_970 = arith.constant 3 : i32
        %add3A_971 = arith.addi %add3A_920, %add3A_970 : i32
        %get3A_972 = arith.index_cast %add3A_971 : i32 to index
        %get3A_973 = arith.constant 16 : index
        %get3A_974 = tpu.vector_load %arg7[%get3A_972, %get3A_973] {strides = array<i32>} : memref<1664x32xf32, #tpu.memory_space<vmem>>, vector<1x16xf32>,
        %get3A_975 = vector.shape_cast %get3A_974 : vector<1x16xf32> to vector<16xf32>
        %add3A_976 = arith.addf %add3A_962, %get3A_975 : vector<16xf32>
        %add3A_977 = arith.constant 4 : i32
        %add3A_978 = arith.addi %add3A_920, %add3A_977 : i32
        %get3A_979 = arith.index_cast %add3A_978 : i32 to index
        %get3A_980 = arith.constant 0 : index
        %get3A_981 = tpu.vector_load %arg7[%get3A_979, %get3A_980] {strides = array<i32>} : memref<1664x32xf32, #tpu.memory_space<vmem>>, vector<1x16xf32>,
        %get3A_982 = vector.shape_cast %get3A_981 : vector<1x16xf32> to vector<16xf32>
        %add3A_983 = arith.addf %add3A_969, %get3A_982 : vector<16xf32>
        %add3A_984 = arith.constant 4 : i32
        %add3A_985 = arith.addi %add3A_920, %add3A_984 : i32
        %get3A_986 = arith.index_cast %add3A_985 : i32 to index
        %get3A_987 = arith.constant 16 : index
        %get3A_988 = tpu.vector_load %arg7[%get3A_986, %get3A_987] {strides = array<i32>} : memref<1664x32xf32, #tpu.memory_space<vmem>>, vector<1x16xf32>,
        %get3A_989 = vector.shape_cast %get3A_988 : vector<1x16xf32> to vector<16xf32>
        %add3A_990 = arith.addf %add3A_976, %get3A_989 : vector<16xf32>
        %add3A_991 = arith.constant 5 : i32
        %add3A_992 = arith.addi %add3A_920, %add3A_991 : i32
        %get3A_993 = arith.index_cast %add3A_992 : i32 to index
        %get3A_994 = arith.constant 0 : index
        %get3A_995 = tpu.vector_load %arg7[%get3A_993, %get3A_994] {strides = array<i32>} : memref<1664x32xf32, #tpu.memory_space<vmem>>, vector<1x16xf32>,
        %get3A_996 = vector.shape_cast %get3A_995 : vector<1x16xf32> to vector<16xf32>
        %add3A_997 = arith.addf %add3A_983, %get3A_996 : vector<16xf32>
        %add3A_998 = arith.constant 5 : i32
        %add3A_999 = arith.addi %add3A_920, %add3A_998 : i32
        %get3A_1000 = arith.index_cast %add3A_999 : i32 to index
        %get3A_1001 = arith.constant 16 : index
        %get3A_1002 = tpu.vector_load %arg7[%get3A_1000, %get3A_1001] {strides = array<i32>} : memref<1664x32xf32, #tpu.memory_space<vmem>>, vector<1x16xf32>,
        %get3A_1003 = vector.shape_cast %get3A_1002 : vector<1x16xf32> to vector<16xf32>
        %add3A_1004 = arith.addf %add3A_990, %get3A_1003 : vector<16xf32>
        %add3A_1005 = arith.constant 6 : i32
        %add3A_1006 = arith.addi %add3A_920, %add3A_1005 : i32
        %get3A_1007 = arith.index_cast %add3A_1006 : i32 to index
        %get3A_1008 = arith.constant 0 : index
        %get3A_1009 = tpu.vector_load %arg7[%get3A_1007, %get3A_1008] {strides = array<i32>} : memref<1664x32xf32, #tpu.memory_space<vmem>>, vector<1x16xf32>,
        %get3A_1010 = vector.shape_cast %get3A_1009 : vector<1x16xf32> to vector<16xf32>
        %add3A_1011 = arith.addf %add3A_997, %get3A_1010 : vector<16xf32>
        %add3A_1012 = arith.constant 6 : i32
        %add3A_1013 = arith.addi %add3A_920, %add3A_1012 : i32
        %get3A_1014 = arith.index_cast %add3A_1013 : i32 to index
        %get3A_1015 = arith.constant 16 : index
        %get3A_1016 = tpu.vector_load %arg7[%get3A_1014, %get3A_1015] {strides = array<i32>} : memref<1664x32xf32, #tpu.memory_space<vmem>>, vector<1x16xf32>,
        %get3A_1017 = vector.shape_cast %get3A_1016 : vector<1x16xf32> to vector<16xf32>
        %add3A_1018 = arith.addf %add3A_1004, %get3A_1017 : vector<16xf32>
        %add3A_1019 = arith.constant 7 : i32
        %add3A_1020 = arith.addi %add3A_920, %add3A_1019 : i32
        %get3A_1021 = arith.index_cast %add3A_1020 : i32 to index
        %get3A_1022 = arith.constant 0 : index
        %get3A_1023 = tpu.vector_load %arg7[%get3A_1021, %get3A_1022] {strides = array<i32>} : memref<1664x32xf32, #tpu.memory_space<vmem>>, vector<1x16xf32>,
        %get3A_1024 = vector.shape_cast %get3A_1023 : vector<1x16xf32> to vector<16xf32>
        %add3A_1025 = arith.addf %add3A_1011, %get3A_1024 : vector<16xf32>
        %add3A_1026 = arith.constant 7 : i32
        %add3A_1027 = arith.addi %add3A_920, %add3A_1026 : i32
        %get3A_1028 = arith.index_cast %add3A_1027 : i32 to index
        %get3A_1029 = arith.constant 16 : index
        %get3A_1030 = tpu.vector_load %arg7[%get3A_1028, %get3A_1029] {strides = array<i32>} : memref<1664x32xf32, #tpu.memory_space<vmem>>, vector<1x16xf32>,
        %get3A_1031 = vector.shape_cast %get3A_1030 : vector<1x16xf32> to vector<16xf32>
        %add3A_1032 = arith.addf %add3A_1018, %get3A_1031 : vector<16xf32>
        %add3A_1033 = arith.constant 800 : i32
        %add3A_1034 = arith.addi %add3A_1033, %mul3A_577 : i32
        %add3A_1035 = arith.constant 0 : i32
        %add3A_1036 = arith.addi %add3A_1034, %add3A_1035 : i32
        %get3A_1037 = arith.index_cast %add3A_1036 : i32 to index
        %get3A_1038 = arith.constant 0 : index
        %get3A_1039 = tpu.vector_load %arg7[%get3A_1037, %get3A_1038] {strides = array<i32>} : memref<1664x32xf32, #tpu.memory_space<vmem>>, vector<1x16xf32>,
        %get3A_1040 = vector.shape_cast %get3A_1039 : vector<1x16xf32> to vector<16xf32>
        %add3A_1041 = arith.addf %scan3A_568, %get3A_1040 : vector<16xf32>
        %add3A_1042 = arith.constant 0 : i32
        %add3A_1043 = arith.addi %add3A_1034, %add3A_1042 : i32
        %get3A_1044 = arith.index_cast %add3A_1043 : i32 to index
        %get3A_1045 = arith.constant 16 : index
        %get3A_1046 = tpu.vector_load %arg7[%get3A_1044, %get3A_1045] {strides = array<i32>} : memref<1664x32xf32, #tpu.memory_space<vmem>>, vector<1x16xf32>,
        %get3A_1047 = vector.shape_cast %get3A_1046 : vector<1x16xf32> to vector<16xf32>
        %add3A_1048 = arith.addf %scan3A_569, %get3A_1047 : vector<16xf32>
        %add3A_1049 = arith.constant 1 : i32
        %add3A_1050 = arith.addi %add3A_1034, %add3A_1049 : i32
        %get3A_1051 = arith.index_cast %add3A_1050 : i32 to index
        %get3A_1052 = arith.constant 0 : index
        %get3A_1053 = tpu.vector_load %arg7[%get3A_1051, %get3A_1052] {strides = array<i32>} : memref<1664x32xf32, #tpu.memory_space<vmem>>, vector<1x16xf32>,
        %get3A_1054 = vector.shape_cast %get3A_1053 : vector<1x16xf32> to vector<16xf32>
        %add3A_1055 = arith.addf %add3A_1041, %get3A_1054 : vector<16xf32>
        %add3A_1056 = arith.constant 1 : i32
        %add3A_1057 = arith.addi %add3A_1034, %add3A_1056 : i32
        %get3A_1058 = arith.index_cast %add3A_1057 : i32 to index
        %get3A_1059 = arith.constant 16 : index
        %get3A_1060 = tpu.vector_load %arg7[%get3A_1058, %get3A_1059] {strides = array<i32>} : memref<1664x32xf32, #tpu.memory_space<vmem>>, vector<1x16xf32>,
        %get3A_1061 = vector.shape_cast %get3A_1060 : vector<1x16xf32> to vector<16xf32>
        %add3A_1062 = arith.addf %add3A_1048, %get3A_1061 : vector<16xf32>
        %add3A_1063 = arith.constant 2 : i32
        %add3A_1064 = arith.addi %add3A_1034, %add3A_1063 : i32
        %get3A_1065 = arith.index_cast %add3A_1064 : i32 to index
        %get3A_1066 = arith.constant 0 : index
        %get3A_1067 = tpu.vector_load %arg7[%get3A_1065, %get3A_1066] {strides = array<i32>} : memref<1664x32xf32, #tpu.memory_space<vmem>>, vector<1x16xf32>,
        %get3A_1068 = vector.shape_cast %get3A_1067 : vector<1x16xf32> to vector<16xf32>
        %add3A_1069 = arith.addf %add3A_1055, %get3A_1068 : vector<16xf32>
        %add3A_1070 = arith.constant 2 : i32
        %add3A_1071 = arith.addi %add3A_1034, %add3A_1070 : i32
        %get3A_1072 = arith.index_cast %add3A_1071 : i32 to index
        %get3A_1073 = arith.constant 16 : index
        %get3A_1074 = tpu.vector_load %arg7[%get3A_1072, %get3A_1073] {strides = array<i32>} : memref<1664x32xf32, #tpu.memory_space<vmem>>, vector<1x16xf32>,
        %get3A_1075 = vector.shape_cast %get3A_1074 : vector<1x16xf32> to vector<16xf32>
        %add3A_1076 = arith.addf %add3A_1062, %get3A_1075 : vector<16xf32>
        %add3A_1077 = arith.constant 3 : i32
        %add3A_1078 = arith.addi %add3A_1034, %add3A_1077 : i32
        %get3A_1079 = arith.index_cast %add3A_1078 : i32 to index
        %get3A_1080 = arith.constant 0 : index
        %get3A_1081 = tpu.vector_load %arg7[%get3A_1079, %get3A_1080] {strides = array<i32>} : memref<1664x32xf32, #tpu.memory_space<vmem>>, vector<1x16xf32>,
        %get3A_1082 = vector.shape_cast %get3A_1081 : vector<1x16xf32> to vector<16xf32>
        %add3A_1083 = arith.addf %add3A_1069, %get3A_1082 : vector<16xf32>
        %add3A_1084 = arith.constant 3 : i32
        %add3A_1085 = arith.addi %add3A_1034, %add3A_1084 : i32
        %get3A_1086 = arith.index_cast %add3A_1085 : i32 to index
        %get3A_1087 = arith.constant 16 : index
        %get3A_1088 = tpu.vector_load %arg7[%get3A_1086, %get3A_1087] {strides = array<i32>} : memref<1664x32xf32, #tpu.memory_space<vmem>>, vector<1x16xf32>,
        %get3A_1089 = vector.shape_cast %get3A_1088 : vector<1x16xf32> to vector<16xf32>
        %add3A_1090 = arith.addf %add3A_1076, %get3A_1089 : vector<16xf32>
        %add3A_1091 = arith.constant 4 : i32
        %add3A_1092 = arith.addi %add3A_1034, %add3A_1091 : i32
        %get3A_1093 = arith.index_cast %add3A_1092 : i32 to index
        %get3A_1094 = arith.constant 0 : index
        %get3A_1095 = tpu.vector_load %arg7[%get3A_1093, %get3A_1094] {strides = array<i32>} : memref<1664x32xf32, #tpu.memory_space<vmem>>, vector<1x16xf32>,
        %get3A_1096 = vector.shape_cast %get3A_1095 : vector<1x16xf32> to vector<16xf32>
        %add3A_1097 = arith.addf %add3A_1083, %get3A_1096 : vector<16xf32>
        %add3A_1098 = arith.constant 4 : i32
        %add3A_1099 = arith.addi %add3A_1034, %add3A_1098 : i32
        %get3A_1100 = arith.index_cast %add3A_1099 : i32 to index
        %get3A_1101 = arith.constant 16 : index
        %get3A_1102 = tpu.vector_load %arg7[%get3A_1100, %get3A_1101] {strides = array<i32>} : memref<1664x32xf32, #tpu.memory_space<vmem>>, vector<1x16xf32>,
        %get3A_1103 = vector.shape_cast %get3A_1102 : vector<1x16xf32> to vector<16xf32>
        %add3A_1104 = arith.addf %add3A_1090, %get3A_1103 : vector<16xf32>
        %add3A_1105 = arith.constant 5 : i32
        %add3A_1106 = arith.addi %add3A_1034, %add3A_1105 : i32
        %get3A_1107 = arith.index_cast %add3A_1106 : i32 to index
        %get3A_1108 = arith.constant 0 : index
        %get3A_1109 = tpu.vector_load %arg7[%get3A_1107, %get3A_1108] {strides = array<i32>} : memref<1664x32xf32, #tpu.memory_space<vmem>>, vector<1x16xf32>,
        %get3A_1110 = vector.shape_cast %get3A_1109 : vector<1x16xf32> to vector<16xf32>
        %add3A_1111 = arith.addf %add3A_1097, %get3A_1110 : vector<16xf32>
        %add3A_1112 = arith.constant 5 : i32
        %add3A_1113 = arith.addi %add3A_1034, %add3A_1112 : i32
        %get3A_1114 = arith.index_cast %add3A_1113 : i32 to index
        %get3A_1115 = arith.constant 16 : index
        %get3A_1116 = tpu.vector_load %arg7[%get3A_1114, %get3A_1115] {strides = array<i32>} : memref<1664x32xf32, #tpu.memory_space<vmem>>, vector<1x16xf32>,
        %get3A_1117 = vector.shape_cast %get3A_1116 : vector<1x16xf32> to vector<16xf32>
        %add3A_1118 = arith.addf %add3A_1104, %get3A_1117 : vector<16xf32>
        %add3A_1119 = arith.constant 6 : i32
        %add3A_1120 = arith.addi %add3A_1034, %add3A_1119 : i32
        %get3A_1121 = arith.index_cast %add3A_1120 : i32 to index
        %get3A_1122 = arith.constant 0 : index
        %get3A_1123 = tpu.vector_load %arg7[%get3A_1121, %get3A_1122] {strides = array<i32>} : memref<1664x32xf32, #tpu.memory_space<vmem>>, vector<1x16xf32>,
        %get3A_1124 = vector.shape_cast %get3A_1123 : vector<1x16xf32> to vector<16xf32>
        %add3A_1125 = arith.addf %add3A_1111, %get3A_1124 : vector<16xf32>
        %add3A_1126 = arith.constant 6 : i32
        %add3A_1127 = arith.addi %add3A_1034, %add3A_1126 : i32
        %get3A_1128 = arith.index_cast %add3A_1127 : i32 to index
        %get3A_1129 = arith.constant 16 : index
        %get3A_1130 = tpu.vector_load %arg7[%get3A_1128, %get3A_1129] {strides = array<i32>} : memref<1664x32xf32, #tpu.memory_space<vmem>>, vector<1x16xf32>,
        %get3A_1131 = vector.shape_cast %get3A_1130 : vector<1x16xf32> to vector<16xf32>
        %add3A_1132 = arith.addf %add3A_1118, %get3A_1131 : vector<16xf32>
        %add3A_1133 = arith.constant 7 : i32
        %add3A_1134 = arith.addi %add3A_1034, %add3A_1133 : i32
        %get3A_1135 = arith.index_cast %add3A_1134 : i32 to index
        %get3A_1136 = arith.constant 0 : index
        %get3A_1137 = tpu.vector_load %arg7[%get3A_1135, %get3A_1136] {strides = array<i32>} : memref<1664x32xf32, #tpu.memory_space<vmem>>, vector<1x16xf32>,
        %get3A_1138 = vector.shape_cast %get3A_1137 : vector<1x16xf32> to vector<16xf32>
        %add3A_1139 = arith.addf %add3A_1125, %get3A_1138 : vector<16xf32>
        %add3A_1140 = arith.constant 7 : i32
        %add3A_1141 = arith.addi %add3A_1034, %add3A_1140 : i32
        %get3A_1142 = arith.index_cast %add3A_1141 : i32 to index
        %get3A_1143 = arith.constant 16 : index
        %get3A_1144 = tpu.vector_load %arg7[%get3A_1142, %get3A_1143] {strides = array<i32>} : memref<1664x32xf32, #tpu.memory_space<vmem>>, vector<1x16xf32>,
        %get3A_1145 = vector.shape_cast %get3A_1144 : vector<1x16xf32> to vector<16xf32>
        %add3A_1146 = arith.addf %add3A_1132, %get3A_1145 : vector<16xf32>
        %add3A_1147 = arith.constant 1000 : i32
        %add3A_1148 = arith.addi %add3A_1147, %mul3A_577 : i32
        %add3A_1149 = arith.constant 0 : i32
        %add3A_1150 = arith.addi %add3A_1148, %add3A_1149 : i32
        %get3A_1151 = arith.index_cast %add3A_1150 : i32 to index
        %get3A_1152 = arith.constant 0 : index
        %get3A_1153 = tpu.vector_load %arg7[%get3A_1151, %get3A_1152] {strides = array<i32>} : memref<1664x32xf32, #tpu.memory_space<vmem>>, vector<1x16xf32>,
        %get3A_1154 = vector.shape_cast %get3A_1153 : vector<1x16xf32> to vector<16xf32>
        %add3A_1155 = arith.addf %scan3A_570, %get3A_1154 : vector<16xf32>
        %add3A_1156 = arith.constant 0 : i32
        %add3A_1157 = arith.addi %add3A_1148, %add3A_1156 : i32
        %get3A_1158 = arith.index_cast %add3A_1157 : i32 to index
        %get3A_1159 = arith.constant 16 : index
        %get3A_1160 = tpu.vector_load %arg7[%get3A_1158, %get3A_1159] {strides = array<i32>} : memref<1664x32xf32, #tpu.memory_space<vmem>>, vector<1x16xf32>,
        %get3A_1161 = vector.shape_cast %get3A_1160 : vector<1x16xf32> to vector<16xf32>
        %add3A_1162 = arith.addf %scan3A_571, %get3A_1161 : vector<16xf32>
        %add3A_1163 = arith.constant 1 : i32
        %add3A_1164 = arith.addi %add3A_1148, %add3A_1163 : i32
        %get3A_1165 = arith.index_cast %add3A_1164 : i32 to index
        %get3A_1166 = arith.constant 0 : index
        %get3A_1167 = tpu.vector_load %arg7[%get3A_1165, %get3A_1166] {strides = array<i32>} : memref<1664x32xf32, #tpu.memory_space<vmem>>, vector<1x16xf32>,
        %get3A_1168 = vector.shape_cast %get3A_1167 : vector<1x16xf32> to vector<16xf32>
        %add3A_1169 = arith.addf %add3A_1155, %get3A_1168 : vector<16xf32>
        %add3A_1170 = arith.constant 1 : i32
        %add3A_1171 = arith.addi %add3A_1148, %add3A_1170 : i32
        %get3A_1172 = arith.index_cast %add3A_1171 : i32 to index
        %get3A_1173 = arith.constant 16 : index
        %get3A_1174 = tpu.vector_load %arg7[%get3A_1172, %get3A_1173] {strides = array<i32>} : memref<1664x32xf32, #tpu.memory_space<vmem>>, vector<1x16xf32>,
        %get3A_1175 = vector.shape_cast %get3A_1174 : vector<1x16xf32> to vector<16xf32>
        %add3A_1176 = arith.addf %add3A_1162, %get3A_1175 : vector<16xf32>
        %add3A_1177 = arith.constant 2 : i32
        %add3A_1178 = arith.addi %add3A_1148, %add3A_1177 : i32
        %get3A_1179 = arith.index_cast %add3A_1178 : i32 to index
        %get3A_1180 = arith.constant 0 : index
        %get3A_1181 = tpu.vector_load %arg7[%get3A_1179, %get3A_1180] {strides = array<i32>} : memref<1664x32xf32, #tpu.memory_space<vmem>>, vector<1x16xf32>,
        %get3A_1182 = vector.shape_cast %get3A_1181 : vector<1x16xf32> to vector<16xf32>
        %add3A_1183 = arith.addf %add3A_1169, %get3A_1182 : vector<16xf32>
        %add3A_1184 = arith.constant 2 : i32
        %add3A_1185 = arith.addi %add3A_1148, %add3A_1184 : i32
        %get3A_1186 = arith.index_cast %add3A_1185 : i32 to index
        %get3A_1187 = arith.constant 16 : index
        %get3A_1188 = tpu.vector_load %arg7[%get3A_1186, %get3A_1187] {strides = array<i32>} : memref<1664x32xf32, #tpu.memory_space<vmem>>, vector<1x16xf32>,
        %get3A_1189 = vector.shape_cast %get3A_1188 : vector<1x16xf32> to vector<16xf32>
        %add3A_1190 = arith.addf %add3A_1176, %get3A_1189 : vector<16xf32>
        %add3A_1191 = arith.constant 3 : i32
        %add3A_1192 = arith.addi %add3A_1148, %add3A_1191 : i32
        %get3A_1193 = arith.index_cast %add3A_1192 : i32 to index
        %get3A_1194 = arith.constant 0 : index
        %get3A_1195 = tpu.vector_load %arg7[%get3A_1193, %get3A_1194] {strides = array<i32>} : memref<1664x32xf32, #tpu.memory_space<vmem>>, vector<1x16xf32>,
        %get3A_1196 = vector.shape_cast %get3A_1195 : vector<1x16xf32> to vector<16xf32>
        %add3A_1197 = arith.addf %add3A_1183, %get3A_1196 : vector<16xf32>
        %add3A_1198 = arith.constant 3 : i32
        %add3A_1199 = arith.addi %add3A_1148, %add3A_1198 : i32
        %get3A_1200 = arith.index_cast %add3A_1199 : i32 to index
        %get3A_1201 = arith.constant 16 : index
        %get3A_1202 = tpu.vector_load %arg7[%get3A_1200, %get3A_1201] {strides = array<i32>} : memref<1664x32xf32, #tpu.memory_space<vmem>>, vector<1x16xf32>,
        %get3A_1203 = vector.shape_cast %get3A_1202 : vector<1x16xf32> to vector<16xf32>
        %add3A_1204 = arith.addf %add3A_1190, %get3A_1203 : vector<16xf32>
        %add3A_1205 = arith.constant 4 : i32
        %add3A_1206 = arith.addi %add3A_1148, %add3A_1205 : i32
        %get3A_1207 = arith.index_cast %add3A_1206 : i32 to index
        %get3A_1208 = arith.constant 0 : index
        %get3A_1209 = tpu.vector_load %arg7[%get3A_1207, %get3A_1208] {strides = array<i32>} : memref<1664x32xf32, #tpu.memory_space<vmem>>, vector<1x16xf32>,
        %get3A_1210 = vector.shape_cast %get3A_1209 : vector<1x16xf32> to vector<16xf32>
        %add3A_1211 = arith.addf %add3A_1197, %get3A_1210 : vector<16xf32>
        %add3A_1212 = arith.constant 4 : i32
        %add3A_1213 = arith.addi %add3A_1148, %add3A_1212 : i32
        %get3A_1214 = arith.index_cast %add3A_1213 : i32 to index
        %get3A_1215 = arith.constant 16 : index
        %get3A_1216 = tpu.vector_load %arg7[%get3A_1214, %get3A_1215] {strides = array<i32>} : memref<1664x32xf32, #tpu.memory_space<vmem>>, vector<1x16xf32>,
        %get3A_1217 = vector.shape_cast %get3A_1216 : vector<1x16xf32> to vector<16xf32>
        %add3A_1218 = arith.addf %add3A_1204, %get3A_1217 : vector<16xf32>
        %add3A_1219 = arith.constant 5 : i32
        %add3A_1220 = arith.addi %add3A_1148, %add3A_1219 : i32
        %get3A_1221 = arith.index_cast %add3A_1220 : i32 to index
        %get3A_1222 = arith.constant 0 : index
        %get3A_1223 = tpu.vector_load %arg7[%get3A_1221, %get3A_1222] {strides = array<i32>} : memref<1664x32xf32, #tpu.memory_space<vmem>>, vector<1x16xf32>,
        %get3A_1224 = vector.shape_cast %get3A_1223 : vector<1x16xf32> to vector<16xf32>
        %add3A_1225 = arith.addf %add3A_1211, %get3A_1224 : vector<16xf32>
        %add3A_1226 = arith.constant 5 : i32
        %add3A_1227 = arith.addi %add3A_1148, %add3A_1226 : i32
        %get3A_1228 = arith.index_cast %add3A_1227 : i32 to index
        %get3A_1229 = arith.constant 16 : index
        %get3A_1230 = tpu.vector_load %arg7[%get3A_1228, %get3A_1229] {strides = array<i32>} : memref<1664x32xf32, #tpu.memory_space<vmem>>, vector<1x16xf32>,
        %get3A_1231 = vector.shape_cast %get3A_1230 : vector<1x16xf32> to vector<16xf32>
        %add3A_1232 = arith.addf %add3A_1218, %get3A_1231 : vector<16xf32>
        %add3A_1233 = arith.constant 6 : i32
        %add3A_1234 = arith.addi %add3A_1148, %add3A_1233 : i32
        %get3A_1235 = arith.index_cast %add3A_1234 : i32 to index
        %get3A_1236 = arith.constant 0 : index
        %get3A_1237 = tpu.vector_load %arg7[%get3A_1235, %get3A_1236] {strides = array<i32>} : memref<1664x32xf32, #tpu.memory_space<vmem>>, vector<1x16xf32>,
        %get3A_1238 = vector.shape_cast %get3A_1237 : vector<1x16xf32> to vector<16xf32>
        %add3A_1239 = arith.addf %add3A_1225, %get3A_1238 : vector<16xf32>
        %add3A_1240 = arith.constant 6 : i32
        %add3A_1241 = arith.addi %add3A_1148, %add3A_1240 : i32
        %get3A_1242 = arith.index_cast %add3A_1241 : i32 to index
        %get3A_1243 = arith.constant 16 : index
        %get3A_1244 = tpu.vector_load %arg7[%get3A_1242, %get3A_1243] {strides = array<i32>} : memref<1664x32xf32, #tpu.memory_space<vmem>>, vector<1x16xf32>,
        %get3A_1245 = vector.shape_cast %get3A_1244 : vector<1x16xf32> to vector<16xf32>
        %add3A_1246 = arith.addf %add3A_1232, %get3A_1245 : vector<16xf32>
        %add3A_1247 = arith.constant 7 : i32
        %add3A_1248 = arith.addi %add3A_1148, %add3A_1247 : i32
        %get3A_1249 = arith.index_cast %add3A_1248 : i32 to index
        %get3A_1250 = arith.constant 0 : index
        %get3A_1251 = tpu.vector_load %arg7[%get3A_1249, %get3A_1250] {strides = array<i32>} : memref<1664x32xf32, #tpu.memory_space<vmem>>, vector<1x16xf32>,
        %get3A_1252 = vector.shape_cast %get3A_1251 : vector<1x16xf32> to vector<16xf32>
        %add3A_1253 = arith.addf %add3A_1239, %get3A_1252 : vector<16xf32>
        %add3A_1254 = arith.constant 7 : i32
        %add3A_1255 = arith.addi %add3A_1148, %add3A_1254 : i32
        %get3A_1256 = arith.index_cast %add3A_1255 : i32 to index
        %get3A_1257 = arith.constant 16 : index
        %get3A_1258 = tpu.vector_load %arg7[%get3A_1256, %get3A_1257] {strides = array<i32>} : memref<1664x32xf32, #tpu.memory_space<vmem>>, vector<1x16xf32>,
        %get3A_1259 = vector.shape_cast %get3A_1258 : vector<1x16xf32> to vector<16xf32>
        %add3A_1260 = arith.addf %add3A_1246, %get3A_1259 : vector<16xf32>
        %add3A_1261 = arith.constant 1200 : i32
        %add3A_1262 = arith.addi %add3A_1261, %mul3A_577 : i32
        %add3A_1263 = arith.constant 0 : i32
        %add3A_1264 = arith.addi %add3A_1262, %add3A_1263 : i32
        %get3A_1265 = arith.index_cast %add3A_1264 : i32 to index
        %get3A_1266 = arith.constant 0 : index
        %get3A_1267 = tpu.vector_load %arg7[%get3A_1265, %get3A_1266] {strides = array<i32>} : memref<1664x32xf32, #tpu.memory_space<vmem>>, vector<1x16xf32>,
        %get3A_1268 = vector.shape_cast %get3A_1267 : vector<1x16xf32> to vector<16xf32>
        %add3A_1269 = arith.addf %scan3A_572, %get3A_1268 : vector<16xf32>
        %add3A_1270 = arith.constant 0 : i32
        %add3A_1271 = arith.addi %add3A_1262, %add3A_1270 : i32
        %get3A_1272 = arith.index_cast %add3A_1271 : i32 to index
        %get3A_1273 = arith.constant 16 : index
        %get3A_1274 = tpu.vector_load %arg7[%get3A_1272, %get3A_1273] {strides = array<i32>} : memref<1664x32xf32, #tpu.memory_space<vmem>>, vector<1x16xf32>,
        %get3A_1275 = vector.shape_cast %get3A_1274 : vector<1x16xf32> to vector<16xf32>
        %add3A_1276 = arith.addf %scan3A_573, %get3A_1275 : vector<16xf32>
        %add3A_1277 = arith.constant 1 : i32
        %add3A_1278 = arith.addi %add3A_1262, %add3A_1277 : i32
        %get3A_1279 = arith.index_cast %add3A_1278 : i32 to index
        %get3A_1280 = arith.constant 0 : index
        %get3A_1281 = tpu.vector_load %arg7[%get3A_1279, %get3A_1280] {strides = array<i32>} : memref<1664x32xf32, #tpu.memory_space<vmem>>, vector<1x16xf32>,
        %get3A_1282 = vector.shape_cast %get3A_1281 : vector<1x16xf32> to vector<16xf32>
        %add3A_1283 = arith.addf %add3A_1269, %get3A_1282 : vector<16xf32>
        %add3A_1284 = arith.constant 1 : i32
        %add3A_1285 = arith.addi %add3A_1262, %add3A_1284 : i32
        %get3A_1286 = arith.index_cast %add3A_1285 : i32 to index
        %get3A_1287 = arith.constant 16 : index
        %get3A_1288 = tpu.vector_load %arg7[%get3A_1286, %get3A_1287] {strides = array<i32>} : memref<1664x32xf32, #tpu.memory_space<vmem>>, vector<1x16xf32>,
        %get3A_1289 = vector.shape_cast %get3A_1288 : vector<1x16xf32> to vector<16xf32>
        %add3A_1290 = arith.addf %add3A_1276, %get3A_1289 : vector<16xf32>
        %add3A_1291 = arith.constant 2 : i32
        %add3A_1292 = arith.addi %add3A_1262, %add3A_1291 : i32
        %get3A_1293 = arith.index_cast %add3A_1292 : i32 to index
        %get3A_1294 = arith.constant 0 : index
        %get3A_1295 = tpu.vector_load %arg7[%get3A_1293, %get3A_1294] {strides = array<i32>} : memref<1664x32xf32, #tpu.memory_space<vmem>>, vector<1x16xf32>,
        %get3A_1296 = vector.shape_cast %get3A_1295 : vector<1x16xf32> to vector<16xf32>
        %add3A_1297 = arith.addf %add3A_1283, %get3A_1296 : vector<16xf32>
        %add3A_1298 = arith.constant 2 : i32
        %add3A_1299 = arith.addi %add3A_1262, %add3A_1298 : i32
        %get3A_1300 = arith.index_cast %add3A_1299 : i32 to index
        %get3A_1301 = arith.constant 16 : index
        %get3A_1302 = tpu.vector_load %arg7[%get3A_1300, %get3A_1301] {strides = array<i32>} : memref<1664x32xf32, #tpu.memory_space<vmem>>, vector<1x16xf32>,
        %get3A_1303 = vector.shape_cast %get3A_1302 : vector<1x16xf32> to vector<16xf32>
        %add3A_1304 = arith.addf %add3A_1290, %get3A_1303 : vector<16xf32>
        %add3A_1305 = arith.constant 3 : i32
        %add3A_1306 = arith.addi %add3A_1262, %add3A_1305 : i32
        %get3A_1307 = arith.index_cast %add3A_1306 : i32 to index
        %get3A_1308 = arith.constant 0 : index
        %get3A_1309 = tpu.vector_load %arg7[%get3A_1307, %get3A_1308] {strides = array<i32>} : memref<1664x32xf32, #tpu.memory_space<vmem>>, vector<1x16xf32>,
        %get3A_1310 = vector.shape_cast %get3A_1309 : vector<1x16xf32> to vector<16xf32>
        %add3A_1311 = arith.addf %add3A_1297, %get3A_1310 : vector<16xf32>
        %add3A_1312 = arith.constant 3 : i32
        %add3A_1313 = arith.addi %add3A_1262, %add3A_1312 : i32
        %get3A_1314 = arith.index_cast %add3A_1313 : i32 to index
        %get3A_1315 = arith.constant 16 : index
        %get3A_1316 = tpu.vector_load %arg7[%get3A_1314, %get3A_1315] {strides = array<i32>} : memref<1664x32xf32, #tpu.memory_space<vmem>>, vector<1x16xf32>,
        %get3A_1317 = vector.shape_cast %get3A_1316 : vector<1x16xf32> to vector<16xf32>
        %add3A_1318 = arith.addf %add3A_1304, %get3A_1317 : vector<16xf32>
        %add3A_1319 = arith.constant 4 : i32
        %add3A_1320 = arith.addi %add3A_1262, %add3A_1319 : i32
        %get3A_1321 = arith.index_cast %add3A_1320 : i32 to index
        %get3A_1322 = arith.constant 0 : index
        %get3A_1323 = tpu.vector_load %arg7[%get3A_1321, %get3A_1322] {strides = array<i32>} : memref<1664x32xf32, #tpu.memory_space<vmem>>, vector<1x16xf32>,
        %get3A_1324 = vector.shape_cast %get3A_1323 : vector<1x16xf32> to vector<16xf32>
        %add3A_1325 = arith.addf %add3A_1311, %get3A_1324 : vector<16xf32>
        %add3A_1326 = arith.constant 4 : i32
        %add3A_1327 = arith.addi %add3A_1262, %add3A_1326 : i32
        %get3A_1328 = arith.index_cast %add3A_1327 : i32 to index
        %get3A_1329 = arith.constant 16 : index
        %get3A_1330 = tpu.vector_load %arg7[%get3A_1328, %get3A_1329] {strides = array<i32>} : memref<1664x32xf32, #tpu.memory_space<vmem>>, vector<1x16xf32>,
        %get3A_1331 = vector.shape_cast %get3A_1330 : vector<1x16xf32> to vector<16xf32>
        %add3A_1332 = arith.addf %add3A_1318, %get3A_1331 : vector<16xf32>
        %add3A_1333 = arith.constant 5 : i32
        %add3A_1334 = arith.addi %add3A_1262, %add3A_1333 : i32
        %get3A_1335 = arith.index_cast %add3A_1334 : i32 to index
        %get3A_1336 = arith.constant 0 : index
        %get3A_1337 = tpu.vector_load %arg7[%get3A_1335, %get3A_1336] {strides = array<i32>} : memref<1664x32xf32, #tpu.memory_space<vmem>>, vector<1x16xf32>,
        %get3A_1338 = vector.shape_cast %get3A_1337 : vector<1x16xf32> to vector<16xf32>
        %add3A_1339 = arith.addf %add3A_1325, %get3A_1338 : vector<16xf32>
        %add3A_1340 = arith.constant 5 : i32
        %add3A_1341 = arith.addi %add3A_1262, %add3A_1340 : i32
        %get3A_1342 = arith.index_cast %add3A_1341 : i32 to index
        %get3A_1343 = arith.constant 16 : index
        %get3A_1344 = tpu.vector_load %arg7[%get3A_1342, %get3A_1343] {strides = array<i32>} : memref<1664x32xf32, #tpu.memory_space<vmem>>, vector<1x16xf32>,
        %get3A_1345 = vector.shape_cast %get3A_1344 : vector<1x16xf32> to vector<16xf32>
        %add3A_1346 = arith.addf %add3A_1332, %get3A_1345 : vector<16xf32>
        %add3A_1347 = arith.constant 6 : i32
        %add3A_1348 = arith.addi %add3A_1262, %add3A_1347 : i32
        %get3A_1349 = arith.index_cast %add3A_1348 : i32 to index
        %get3A_1350 = arith.constant 0 : index
        %get3A_1351 = tpu.vector_load %arg7[%get3A_1349, %get3A_1350] {strides = array<i32>} : memref<1664x32xf32, #tpu.memory_space<vmem>>, vector<1x16xf32>,
        %get3A_1352 = vector.shape_cast %get3A_1351 : vector<1x16xf32> to vector<16xf32>
        %add3A_1353 = arith.addf %add3A_1339, %get3A_1352 : vector<16xf32>
        %add3A_1354 = arith.constant 6 : i32
        %add3A_1355 = arith.addi %add3A_1262, %add3A_1354 : i32
        %get3A_1356 = arith.index_cast %add3A_1355 : i32 to index
        %get3A_1357 = arith.constant 16 : index
        %get3A_1358 = tpu.vector_load %arg7[%get3A_1356, %get3A_1357] {strides = array<i32>} : memref<1664x32xf32, #tpu.memory_space<vmem>>, vector<1x16xf32>,
        %get3A_1359 = vector.shape_cast %get3A_1358 : vector<1x16xf32> to vector<16xf32>
        %add3A_1360 = arith.addf %add3A_1346, %get3A_1359 : vector<16xf32>
        %add3A_1361 = arith.constant 7 : i32
        %add3A_1362 = arith.addi %add3A_1262, %add3A_1361 : i32
        %get3A_1363 = arith.index_cast %add3A_1362 : i32 to index
        %get3A_1364 = arith.constant 0 : index
        %get3A_1365 = tpu.vector_load %arg7[%get3A_1363, %get3A_1364] {strides = array<i32>} : memref<1664x32xf32, #tpu.memory_space<vmem>>, vector<1x16xf32>,
        %get3A_1366 = vector.shape_cast %get3A_1365 : vector<1x16xf32> to vector<16xf32>
        %add3A_1367 = arith.addf %add3A_1353, %get3A_1366 : vector<16xf32>
        %add3A_1368 = arith.constant 7 : i32
        %add3A_1369 = arith.addi %add3A_1262, %add3A_1368 : i32
        %get3A_1370 = arith.index_cast %add3A_1369 : i32 to index
        %get3A_1371 = arith.constant 16 : index
        %get3A_1372 = tpu.vector_load %arg7[%get3A_1370, %get3A_1371] {strides = array<i32>} : memref<1664x32xf32, #tpu.memory_space<vmem>>, vector<1x16xf32>,
        %get3A_1373 = vector.shape_cast %get3A_1372 : vector<1x16xf32> to vector<16xf32>
        %add3A_1374 = arith.addf %add3A_1360, %get3A_1373 : vector<16xf32>
        %add3A_1375 = arith.constant 1400 : i32
        %add3A_1376 = arith.addi %add3A_1375, %mul3A_577 : i32
        %add3A_1377 = arith.constant 0 : i32
        %add3A_1378 = arith.addi %add3A_1376, %add3A_1377 : i32
        %get3A_1379 = arith.index_cast %add3A_1378 : i32 to index
        %get3A_1380 = arith.constant 0 : index
        %get3A_1381 = tpu.vector_load %arg7[%get3A_1379, %get3A_1380] {strides = array<i32>} : memref<1664x32xf32, #tpu.memory_space<vmem>>, vector<1x16xf32>,
        %get3A_1382 = vector.shape_cast %get3A_1381 : vector<1x16xf32> to vector<16xf32>
        %add3A_1383 = arith.addf %scan3A_574, %get3A_1382 : vector<16xf32>
        %add3A_1384 = arith.constant 0 : i32
        %add3A_1385 = arith.addi %add3A_1376, %add3A_1384 : i32
        %get3A_1386 = arith.index_cast %add3A_1385 : i32 to index
        %get3A_1387 = arith.constant 16 : index
        %get3A_1388 = tpu.vector_load %arg7[%get3A_1386, %get3A_1387] {strides = array<i32>} : memref<1664x32xf32, #tpu.memory_space<vmem>>, vector<1x16xf32>,
        %get3A_1389 = vector.shape_cast %get3A_1388 : vector<1x16xf32> to vector<16xf32>
        %add3A_1390 = arith.addf %scan3A_575, %get3A_1389 : vector<16xf32>
        %add3A_1391 = arith.constant 1 : i32
        %add3A_1392 = arith.addi %add3A_1376, %add3A_1391 : i32
        %get3A_1393 = arith.index_cast %add3A_1392 : i32 to index
        %get3A_1394 = arith.constant 0 : index
        %get3A_1395 = tpu.vector_load %arg7[%get3A_1393, %get3A_1394] {strides = array<i32>} : memref<1664x32xf32, #tpu.memory_space<vmem>>, vector<1x16xf32>,
        %get3A_1396 = vector.shape_cast %get3A_1395 : vector<1x16xf32> to vector<16xf32>
        %add3A_1397 = arith.addf %add3A_1383, %get3A_1396 : vector<16xf32>
        %add3A_1398 = arith.constant 1 : i32
        %add3A_1399 = arith.addi %add3A_1376, %add3A_1398 : i32
        %get3A_1400 = arith.index_cast %add3A_1399 : i32 to index
        %get3A_1401 = arith.constant 16 : index
        %get3A_1402 = tpu.vector_load %arg7[%get3A_1400, %get3A_1401] {strides = array<i32>} : memref<1664x32xf32, #tpu.memory_space<vmem>>, vector<1x16xf32>,
        %get3A_1403 = vector.shape_cast %get3A_1402 : vector<1x16xf32> to vector<16xf32>
        %add3A_1404 = arith.addf %add3A_1390, %get3A_1403 : vector<16xf32>
        %add3A_1405 = arith.constant 2 : i32
        %add3A_1406 = arith.addi %add3A_1376, %add3A_1405 : i32
        %get3A_1407 = arith.index_cast %add3A_1406 : i32 to index
        %get3A_1408 = arith.constant 0 : index
        %get3A_1409 = tpu.vector_load %arg7[%get3A_1407, %get3A_1408] {strides = array<i32>} : memref<1664x32xf32, #tpu.memory_space<vmem>>, vector<1x16xf32>,
        %get3A_1410 = vector.shape_cast %get3A_1409 : vector<1x16xf32> to vector<16xf32>
        %add3A_1411 = arith.addf %add3A_1397, %get3A_1410 : vector<16xf32>
        %add3A_1412 = arith.constant 2 : i32
        %add3A_1413 = arith.addi %add3A_1376, %add3A_1412 : i32
        %get3A_1414 = arith.index_cast %add3A_1413 : i32 to index
        %get3A_1415 = arith.constant 16 : index
        %get3A_1416 = tpu.vector_load %arg7[%get3A_1414, %get3A_1415] {strides = array<i32>} : memref<1664x32xf32, #tpu.memory_space<vmem>>, vector<1x16xf32>,
        %get3A_1417 = vector.shape_cast %get3A_1416 : vector<1x16xf32> to vector<16xf32>
        %add3A_1418 = arith.addf %add3A_1404, %get3A_1417 : vector<16xf32>
        %add3A_1419 = arith.constant 3 : i32
        %add3A_1420 = arith.addi %add3A_1376, %add3A_1419 : i32
        %get3A_1421 = arith.index_cast %add3A_1420 : i32 to index
        %get3A_1422 = arith.constant 0 : index
        %get3A_1423 = tpu.vector_load %arg7[%get3A_1421, %get3A_1422] {strides = array<i32>} : memref<1664x32xf32, #tpu.memory_space<vmem>>, vector<1x16xf32>,
        %get3A_1424 = vector.shape_cast %get3A_1423 : vector<1x16xf32> to vector<16xf32>
        %add3A_1425 = arith.addf %add3A_1411, %get3A_1424 : vector<16xf32>
        %add3A_1426 = arith.constant 3 : i32
        %add3A_1427 = arith.addi %add3A_1376, %add3A_1426 : i32
        %get3A_1428 = arith.index_cast %add3A_1427 : i32 to index
        %get3A_1429 = arith.constant 16 : index
        %get3A_1430 = tpu.vector_load %arg7[%get3A_1428, %get3A_1429] {strides = array<i32>} : memref<1664x32xf32, #tpu.memory_space<vmem>>, vector<1x16xf32>,
        %get3A_1431 = vector.shape_cast %get3A_1430 : vector<1x16xf32> to vector<16xf32>
        %add3A_1432 = arith.addf %add3A_1418, %get3A_1431 : vector<16xf32>
        %add3A_1433 = arith.constant 4 : i32
        %add3A_1434 = arith.addi %add3A_1376, %add3A_1433 : i32
        %get3A_1435 = arith.index_cast %add3A_1434 : i32 to index
        %get3A_1436 = arith.constant 0 : index
        %get3A_1437 = tpu.vector_load %arg7[%get3A_1435, %get3A_1436] {strides = array<i32>} : memref<1664x32xf32, #tpu.memory_space<vmem>>, vector<1x16xf32>,
        %get3A_1438 = vector.shape_cast %get3A_1437 : vector<1x16xf32> to vector<16xf32>
        %add3A_1439 = arith.addf %add3A_1425, %get3A_1438 : vector<16xf32>
        %add3A_1440 = arith.constant 4 : i32
        %add3A_1441 = arith.addi %add3A_1376, %add3A_1440 : i32
        %get3A_1442 = arith.index_cast %add3A_1441 : i32 to index
        %get3A_1443 = arith.constant 16 : index
        %get3A_1444 = tpu.vector_load %arg7[%get3A_1442, %get3A_1443] {strides = array<i32>} : memref<1664x32xf32, #tpu.memory_space<vmem>>, vector<1x16xf32>,
        %get3A_1445 = vector.shape_cast %get3A_1444 : vector<1x16xf32> to vector<16xf32>
        %add3A_1446 = arith.addf %add3A_1432, %get3A_1445 : vector<16xf32>
        %add3A_1447 = arith.constant 5 : i32
        %add3A_1448 = arith.addi %add3A_1376, %add3A_1447 : i32
        %get3A_1449 = arith.index_cast %add3A_1448 : i32 to index
        %get3A_1450 = arith.constant 0 : index
        %get3A_1451 = tpu.vector_load %arg7[%get3A_1449, %get3A_1450] {strides = array<i32>} : memref<1664x32xf32, #tpu.memory_space<vmem>>, vector<1x16xf32>,
        %get3A_1452 = vector.shape_cast %get3A_1451 : vector<1x16xf32> to vector<16xf32>
        %add3A_1453 = arith.addf %add3A_1439, %get3A_1452 : vector<16xf32>
        %add3A_1454 = arith.constant 5 : i32
        %add3A_1455 = arith.addi %add3A_1376, %add3A_1454 : i32
        %get3A_1456 = arith.index_cast %add3A_1455 : i32 to index
        %get3A_1457 = arith.constant 16 : index
        %get3A_1458 = tpu.vector_load %arg7[%get3A_1456, %get3A_1457] {strides = array<i32>} : memref<1664x32xf32, #tpu.memory_space<vmem>>, vector<1x16xf32>,
        %get3A_1459 = vector.shape_cast %get3A_1458 : vector<1x16xf32> to vector<16xf32>
        %add3A_1460 = arith.addf %add3A_1446, %get3A_1459 : vector<16xf32>
        %add3A_1461 = arith.constant 6 : i32
        %add3A_1462 = arith.addi %add3A_1376, %add3A_1461 : i32
        %get3A_1463 = arith.index_cast %add3A_1462 : i32 to index
        %get3A_1464 = arith.constant 0 : index
        %get3A_1465 = tpu.vector_load %arg7[%get3A_1463, %get3A_1464] {strides = array<i32>} : memref<1664x32xf32, #tpu.memory_space<vmem>>, vector<1x16xf32>,
        %get3A_1466 = vector.shape_cast %get3A_1465 : vector<1x16xf32> to vector<16xf32>
        %add3A_1467 = arith.addf %add3A_1453, %get3A_1466 : vector<16xf32>
        %add3A_1468 = arith.constant 6 : i32
        %add3A_1469 = arith.addi %add3A_1376, %add3A_1468 : i32
        %get3A_1470 = arith.index_cast %add3A_1469 : i32 to index
        %get3A_1471 = arith.constant 16 : index
        %get3A_1472 = tpu.vector_load %arg7[%get3A_1470, %get3A_1471] {strides = array<i32>} : memref<1664x32xf32, #tpu.memory_space<vmem>>, vector<1x16xf32>,
        %get3A_1473 = vector.shape_cast %get3A_1472 : vector<1x16xf32> to vector<16xf32>
        %add3A_1474 = arith.addf %add3A_1460, %get3A_1473 : vector<16xf32>
        %add3A_1475 = arith.constant 7 : i32
        %add3A_1476 = arith.addi %add3A_1376, %add3A_1475 : i32
        %get3A_1477 = arith.index_cast %add3A_1476 : i32 to index
        %get3A_1478 = arith.constant 0 : index
        %get3A_1479 = tpu.vector_load %arg7[%get3A_1477, %get3A_1478] {strides = array<i32>} : memref<1664x32xf32, #tpu.memory_space<vmem>>, vector<1x16xf32>,
        %get3A_1480 = vector.shape_cast %get3A_1479 : vector<1x16xf32> to vector<16xf32>
        %add3A_1481 = arith.addf %add3A_1467, %get3A_1480 : vector<16xf32>
        %add3A_1482 = arith.constant 7 : i32
        %add3A_1483 = arith.addi %add3A_1376, %add3A_1482 : i32
        %get3A_1484 = arith.index_cast %add3A_1483 : i32 to index
        %get3A_1485 = arith.constant 16 : index
        %get3A_1486 = tpu.vector_load %arg7[%get3A_1484, %get3A_1485] {strides = array<i32>} : memref<1664x32xf32, #tpu.memory_space<vmem>>, vector<1x16xf32>,
        %get3A_1487 = vector.shape_cast %get3A_1486 : vector<1x16xf32> to vector<16xf32>
        %add3A_1488 = arith.addf %add3A_1474, %get3A_1487 : vector<16xf32>
        scf.yield %add3A_683, %add3A_690, %add3A_797, %add3A_804, %add3A_911, %add3A_918, %add3A_1025, %add3A_1032, %add3A_1139, %add3A_1146, %add3A_1253, %add3A_1260, %add3A_1367, %add3A_1374, %add3A_1481, %add3A_1488 : vector<16xf32>, vector<16xf32>, vector<16xf32>, vector<16xf32>, vector<16xf32>, vector<16xf32>, vector<16xf32>, vector<16xf32>, vector<16xf32>, vector<16xf32>, vector<16xf32>, vector<16xf32>, vector<16xf32>, vector<16xf32>, vector<16xf32>, vector<16xf32>
      }
      %scan3A_273 = arith.constant 25 : i32
      %mul3A_274 = vector.broadcast %scan3A_250 : f32 to vector<16xf32>
      %mul3A_275 = arith.mulf %scan3A_272#0, %mul3A_274 : vector<16xf32>
      %swap3A_276 = arith.constant 0 : i32
      %swap3A_277 = arith.index_cast %swap3A_276 : i32 to index
      %swap3A_278 = arith.constant 0 : index
      %swap3A_279 = tpu.vector_load %arg9[%swap3A_277, %swap3A_278] {strides = array<i32>} : memref<8x32xf32, #tpu.memory_space<vmem>>, vector<1x16xf32>,
      %swap3A_280 = vector.shape_cast %swap3A_279 : vector<1x16xf32> to vector<16xf32>
      %swap3A_281 = vector.shape_cast %mul3A_275 : vector<16xf32> to vector<1x16xf32>
      tpu.vector_store %arg9[%swap3A_277, %swap3A_278], %swap3A_281 {strides = array<i32>} : memref<8x32xf32, #tpu.memory_space<vmem>>, vector<1x16xf32>,
      %mul3A_282 = vector.broadcast %scan3A_250 : f32 to vector<16xf32>
      %mul3A_283 = arith.mulf %scan3A_272#1, %mul3A_282 : vector<16xf32>
      %swap3A_284 = arith.constant 0 : i32
      %swap3A_285 = arith.index_cast %swap3A_284 : i32 to index
      %swap3A_286 = arith.constant 16 : index
      %swap3A_287 = tpu.vector_load %arg9[%swap3A_285, %swap3A_286] {strides = array<i32>} : memref<8x32xf32, #tpu.memory_space<vmem>>, vector<1x16xf32>,
      %swap3A_288 = vector.shape_cast %swap3A_287 : vector<1x16xf32> to vector<16xf32>
      %swap3A_289 = vector.shape_cast %mul3A_283 : vector<16xf32> to vector<1x16xf32>
      tpu.vector_store %arg9[%swap3A_285, %swap3A_286], %swap3A_289 {strides = array<i32>} : memref<8x32xf32, #tpu.memory_space<vmem>>, vector<1x16xf32>,
      %mul3A_290 = vector.broadcast %scan3A_250 : f32 to vector<16xf32>
      %mul3A_291 = arith.mulf %scan3A_272#2, %mul3A_290 : vector<16xf32>
      %swap3A_292 = arith.constant 1 : i32
      %swap3A_293 = arith.index_cast %swap3A_292 : i32 to index
      %swap3A_294 = arith.constant 0 : index
      %swap3A_295 = tpu.vector_load %arg9[%swap3A_293, %swap3A_294] {strides = array<i32>} : memref<8x32xf32, #tpu.memory_space<vmem>>, vector<1x16xf32>,
      %swap3A_296 = vector.shape_cast %swap3A_295 : vector<1x16xf32> to vector<16xf32>
      %swap3A_297 = vector.shape_cast %mul3A_291 : vector<16xf32> to vector<1x16xf32>
      tpu.vector_store %arg9[%swap3A_293, %swap3A_294], %swap3A_297 {strides = array<i32>} : memref<8x32xf32, #tpu.memory_space<vmem>>, vector<1x16xf32>,
      %mul3A_298 = vector.broadcast %scan3A_250 : f32 to vector<16xf32>
      %mul3A_299 = arith.mulf %scan3A_272#3, %mul3A_298 : vector<16xf32>
      %swap3A_300 = arith.constant 1 : i32
      %swap3A_301 = arith.index_cast %swap3A_300 : i32 to index
      %swap3A_302 = arith.constant 16 : index
      %swap3A_303 = tpu.vector_load %arg9[%swap3A_301, %swap3A_302] {strides = array<i32>} : memref<8x32xf32, #tpu.memory_space<vmem>>, vector<1x16xf32>,
      %swap3A_304 = vector.shape_cast %swap3A_303 : vector<1x16xf32> to vector<16xf32>
      %swap3A_305 = vector.shape_cast %mul3A_299 : vector<16xf32> to vector<1x16xf32>
      tpu.vector_store %arg9[%swap3A_301, %swap3A_302], %swap3A_305 {strides = array<i32>} : memref<8x32xf32, #tpu.memory_space<vmem>>, vector<1x16xf32>,
      %mul3A_306 = vector.broadcast %scan3A_250 : f32 to vector<16xf32>
      %mul3A_307 = arith.mulf %scan3A_272#4, %mul3A_306 : vector<16xf32>
      %swap3A_308 = arith.constant 2 : i32
      %swap3A_309 = arith.index_cast %swap3A_308 : i32 to index
      %swap3A_310 = arith.constant 0 : index
      %swap3A_311 = tpu.vector_load %arg9[%swap3A_309, %swap3A_310] {strides = array<i32>} : memref<8x32xf32, #tpu.memory_space<vmem>>, vector<1x16xf32>,
      %swap3A_312 = vector.shape_cast %swap3A_311 : vector<1x16xf32> to vector<16xf32>
      %swap3A_313 = vector.shape_cast %mul3A_307 : vector<16xf32> to vector<1x16xf32>
      tpu.vector_store %arg9[%swap3A_309, %swap3A_310], %swap3A_313 {strides = array<i32>} : memref<8x32xf32, #tpu.memory_space<vmem>>, vector<1x16xf32>,
      %mul3A_314 = vector.broadcast %scan3A_250 : f32 to vector<16xf32>
      %mul3A_315 = arith.mulf %scan3A_272#5, %mul3A_314 : vector<16xf32>
      %swap3A_316 = arith.constant 2 : i32
      %swap3A_317 = arith.index_cast %swap3A_316 : i32 to index
      %swap3A_318 = arith.constant 16 : index
      %swap3A_319 = tpu.vector_load %arg9[%swap3A_317, %swap3A_318] {strides = array<i32>} : memref<8x32xf32, #tpu.memory_space<vmem>>, vector<1x16xf32>,
      %swap3A_320 = vector.shape_cast %swap3A_319 : vector<1x16xf32> to vector<16xf32>
      %swap3A_321 = vector.shape_cast %mul3A_315 : vector<16xf32> to vector<1x16xf32>
      tpu.vector_store %arg9[%swap3A_317, %swap3A_318], %swap3A_321 {strides = array<i32>} : memref<8x32xf32, #tpu.memory_space<vmem>>, vector<1x16xf32>,
      %mul3A_322 = vector.broadcast %scan3A_250 : f32 to vector<16xf32>
      %mul3A_323 = arith.mulf %scan3A_272#6, %mul3A_322 : vector<16xf32>
      %swap3A_324 = arith.constant 3 : i32
      %swap3A_325 = arith.index_cast %swap3A_324 : i32 to index
      %swap3A_326 = arith.constant 0 : index
      %swap3A_327 = tpu.vector_load %arg9[%swap3A_325, %swap3A_326] {strides = array<i32>} : memref<8x32xf32, #tpu.memory_space<vmem>>, vector<1x16xf32>,
      %swap3A_328 = vector.shape_cast %swap3A_327 : vector<1x16xf32> to vector<16xf32>
      %swap3A_329 = vector.shape_cast %mul3A_323 : vector<16xf32> to vector<1x16xf32>
      tpu.vector_store %arg9[%swap3A_325, %swap3A_326], %swap3A_329 {strides = array<i32>} : memref<8x32xf32, #tpu.memory_space<vmem>>, vector<1x16xf32>,
      %mul3A_330 = vector.broadcast %scan3A_250 : f32 to vector<16xf32>
      %mul3A_331 = arith.mulf %scan3A_272#7, %mul3A_330 : vector<16xf32>
      %swap3A_332 = arith.constant 3 : i32
      %swap3A_333 = arith.index_cast %swap3A_332 : i32 to index
      %swap3A_334 = arith.constant 16 : index
      %swap3A_335 = tpu.vector_load %arg9[%swap3A_333, %swap3A_334] {strides = array<i32>} : memref<8x32xf32, #tpu.memory_space<vmem>>, vector<1x16xf32>,
      %swap3A_336 = vector.shape_cast %swap3A_335 : vector<1x16xf32> to vector<16xf32>
      %swap3A_337 = vector.shape_cast %mul3A_331 : vector<16xf32> to vector<1x16xf32>
      tpu.vector_store %arg9[%swap3A_333, %swap3A_334], %swap3A_337 {strides = array<i32>} : memref<8x32xf32, #tpu.memory_space<vmem>>, vector<1x16xf32>,
      %mul3A_338 = vector.broadcast %scan3A_250 : f32 to vector<16xf32>
      %mul3A_339 = arith.mulf %scan3A_272#8, %mul3A_338 : vector<16xf32>
      %swap3A_340 = arith.constant 4 : i32
      %swap3A_341 = arith.index_cast %swap3A_340 : i32 to index
      %swap3A_342 = arith.constant 0 : index
      %swap3A_343 = tpu.vector_load %arg9[%swap3A_341, %swap3A_342] {strides = array<i32>} : memref<8x32xf32, #tpu.memory_space<vmem>>, vector<1x16xf32>,
      %swap3A_344 = vector.shape_cast %swap3A_343 : vector<1x16xf32> to vector<16xf32>
      %swap3A_345 = vector.shape_cast %mul3A_339 : vector<16xf32> to vector<1x16xf32>
      tpu.vector_store %arg9[%swap3A_341, %swap3A_342], %swap3A_345 {strides = array<i32>} : memref<8x32xf32, #tpu.memory_space<vmem>>, vector<1x16xf32>,
      %mul3A_346 = vector.broadcast %scan3A_250 : f32 to vector<16xf32>
      %mul3A_347 = arith.mulf %scan3A_272#9, %mul3A_346 : vector<16xf32>
      %swap3A_348 = arith.constant 4 : i32
      %swap3A_349 = arith.index_cast %swap3A_348 : i32 to index
      %swap3A_350 = arith.constant 16 : index
      %swap3A_351 = tpu.vector_load %arg9[%swap3A_349, %swap3A_350] {strides = array<i32>} : memref<8x32xf32, #tpu.memory_space<vmem>>, vector<1x16xf32>,
      %swap3A_352 = vector.shape_cast %swap3A_351 : vector<1x16xf32> to vector<16xf32>
      %swap3A_353 = vector.shape_cast %mul3A_347 : vector<16xf32> to vector<1x16xf32>
      tpu.vector_store %arg9[%swap3A_349, %swap3A_350], %swap3A_353 {strides = array<i32>} : memref<8x32xf32, #tpu.memory_space<vmem>>, vector<1x16xf32>,
      %mul3A_354 = vector.broadcast %scan3A_250 : f32 to vector<16xf32>
      %mul3A_355 = arith.mulf %scan3A_272#10, %mul3A_354 : vector<16xf32>
      %swap3A_356 = arith.constant 5 : i32
      %swap3A_357 = arith.index_cast %swap3A_356 : i32 to index
      %swap3A_358 = arith.constant 0 : index
      %swap3A_359 = tpu.vector_load %arg9[%swap3A_357, %swap3A_358] {strides = array<i32>} : memref<8x32xf32, #tpu.memory_space<vmem>>, vector<1x16xf32>,
      %swap3A_360 = vector.shape_cast %swap3A_359 : vector<1x16xf32> to vector<16xf32>
      %swap3A_361 = vector.shape_cast %mul3A_355 : vector<16xf32> to vector<1x16xf32>
      tpu.vector_store %arg9[%swap3A_357, %swap3A_358], %swap3A_361 {strides = array<i32>} : memref<8x32xf32, #tpu.memory_space<vmem>>, vector<1x16xf32>,
      %mul3A_362 = vector.broadcast %scan3A_250 : f32 to vector<16xf32>
      %mul3A_363 = arith.mulf %scan3A_272#11, %mul3A_362 : vector<16xf32>
      %swap3A_364 = arith.constant 5 : i32
      %swap3A_365 = arith.index_cast %swap3A_364 : i32 to index
      %swap3A_366 = arith.constant 16 : index
      %swap3A_367 = tpu.vector_load %arg9[%swap3A_365, %swap3A_366] {strides = array<i32>} : memref<8x32xf32, #tpu.memory_space<vmem>>, vector<1x16xf32>,
      %swap3A_368 = vector.shape_cast %swap3A_367 : vector<1x16xf32> to vector<16xf32>
      %swap3A_369 = vector.shape_cast %mul3A_363 : vector<16xf32> to vector<1x16xf32>
      tpu.vector_store %arg9[%swap3A_365, %swap3A_366], %swap3A_369 {strides = array<i32>} : memref<8x32xf32, #tpu.memory_space<vmem>>, vector<1x16xf32>,
      %mul3A_370 = vector.broadcast %scan3A_250 : f32 to vector<16xf32>
      %mul3A_371 = arith.mulf %scan3A_272#12, %mul3A_370 : vector<16xf32>
      %swap3A_372 = arith.constant 6 : i32
      %swap3A_373 = arith.index_cast %swap3A_372 : i32 to index
      %swap3A_374 = arith.constant 0 : index
      %swap3A_375 = tpu.vector_load %arg9[%swap3A_373, %swap3A_374] {strides = array<i32>} : memref<8x32xf32, #tpu.memory_space<vmem>>, vector<1x16xf32>,
      %swap3A_376 = vector.shape_cast %swap3A_375 : vector<1x16xf32> to vector<16xf32>
      %swap3A_377 = vector.shape_cast %mul3A_371 : vector<16xf32> to vector<1x16xf32>
      tpu.vector_store %arg9[%swap3A_373, %swap3A_374], %swap3A_377 {strides = array<i32>} : memref<8x32xf32, #tpu.memory_space<vmem>>, vector<1x16xf32>,
      %mul3A_378 = vector.broadcast %scan3A_250 : f32 to vector<16xf32>
      %mul3A_379 = arith.mulf %scan3A_272#13, %mul3A_378 : vector<16xf32>
      %swap3A_380 = arith.constant 6 : i32
      %swap3A_381 = arith.index_cast %swap3A_380 : i32 to index
      %swap3A_382 = arith.constant 16 : index
      %swap3A_383 = tpu.vector_load %arg9[%swap3A_381, %swap3A_382] {strides = array<i32>} : memref<8x32xf32, #tpu.memory_space<vmem>>, vector<1x16xf32>,
      %swap3A_384 = vector.shape_cast %swap3A_383 : vector<1x16xf32> to vector<16xf32>
      %swap3A_385 = vector.shape_cast %mul3A_379 : vector<16xf32> to vector<1x16xf32>
      tpu.vector_store %arg9[%swap3A_381, %swap3A_382], %swap3A_385 {strides = array<i32>} : memref<8x32xf32, #tpu.memory_space<vmem>>, vector<1x16xf32>,
      %mul3A_386 = vector.broadcast %scan3A_250 : f32 to vector<16xf32>
      %mul3A_387 = arith.mulf %scan3A_272#14, %mul3A_386 : vector<16xf32>
      %swap3A_388 = arith.constant 7 : i32
      %swap3A_389 = arith.index_cast %swap3A_388 : i32 to index
      %swap3A_390 = arith.constant 0 : index
      %swap3A_391 = tpu.vector_load %arg9[%swap3A_389, %swap3A_390] {strides = array<i32>} : memref<8x32xf32, #tpu.memory_space<vmem>>, vector<1x16xf32>,
      %swap3A_392 = vector.shape_cast %swap3A_391 : vector<1x16xf32> to vector<16xf32>
      %swap3A_393 = vector.shape_cast %mul3A_387 : vector<16xf32> to vector<1x16xf32>
      tpu.vector_store %arg9[%swap3A_389, %swap3A_390], %swap3A_393 {strides = array<i32>} : memref<8x32xf32, #tpu.memory_space<vmem>>, vector<1x16xf32>,
      %mul3A_394 = vector.broadcast %scan3A_250 : f32 to vector<16xf32>
      %mul3A_395 = arith.mulf %scan3A_272#15, %mul3A_394 : vector<16xf32>
      %swap3A_396 = arith.constant 7 : i32
      %swap3A_397 = arith.index_cast %swap3A_396 : i32 to index
      %swap3A_398 = arith.constant 16 : index
      %swap3A_399 = tpu.vector_load %arg9[%swap3A_397, %swap3A_398] {strides = array<i32>} : memref<8x32xf32, #tpu.memory_space<vmem>>, vector<1x16xf32>,
      %swap3A_400 = vector.shape_cast %swap3A_399 : vector<1x16xf32> to vector<16xf32>
      %swap3A_401 = vector.shape_cast %mul3A_395 : vector<16xf32> to vector<1x16xf32>
      tpu.vector_store %arg9[%swap3A_397, %swap3A_398], %swap3A_401 {strides = array<i32>} : memref<8x32xf32, #tpu.memory_space<vmem>>, vector<1x16xf32>,
      %mul3A_402 = arith.constant 8 : i32
      %mul3A_403 = arith.muli %add3A_265, %mul3A_402 : i32
      %add3A_404 = arith.addi %mul3A_2, %mul3A_403 : i32
      "tpu.region"() ({
        %run_scoped3A = tpu.sem_alloc : memref<!tpu.dma_semaphore, #tpu.memory_space<semaphore_mem>>
        %dma_start3A_559 = arith.constant 0 : i32
        %dma_start3A_560 = tpu.memref_slice %arg4[%add3A_404, %dma_start3A_559] : memref<16384x32xf32, #tpu.memory_space<hbm>> -> memref<8x32xf32, #tpu.memory_space<hbm>>
        %dma_start3A_561 = arith.constant 0 : i32
        %dma_start3A_562 = tpu.memref_slice %arg4[%add3A_404, %dma_start3A_561] : memref<16384x32xf32, #tpu.memory_space<hbm>> -> memref<8x32xf32, #tpu.memory_space<hbm>>
        tpu.enqueue_dma source(%arg9 : memref<8x32xf32, #tpu.memory_space<vmem>>) target(%dma_start3A_562 : memref<8x32xf32, #tpu.memory_space<hbm>>) target_semaphore(%run_scoped3A : memref<!tpu.dma_semaphore, #tpu.memory_space<semaphore_mem>>)
        %dma_wait3A_563 = arith.constant 0 : i32
        %dma_wait3A_564 = tpu.memref_slice %arg4[%add3A_404, %dma_wait3A_563] : memref<16384x32xf32, #tpu.memory_space<hbm>> -> memref<8x32xf32, #tpu.memory_space<hbm>>
        %dma_wait3A_565 = arith.constant 0 : i32
        %dma_wait3A_566 = tpu.memref_slice %arg4[%add3A_404, %dma_wait3A_565] : memref<16384x32xf32, #tpu.memory_space<hbm>> -> memref<8x32xf32, #tpu.memory_space<hbm>>
        tpu.wait_dma2 semaphore(%run_scoped3A : memref<!tpu.dma_semaphore, #tpu.memory_space<semaphore_mem>>) src(%arg9 : memref<8x32xf32, #tpu.memory_space<vmem>>) dst(%dma_wait3A_566 : memref<8x32xf32, #tpu.memory_space<hbm>>)
        tpu.yield
      }) : () -> ()
      %lt3A = arith.constant 31 : i32
      %lt3A_405 = arith.cmpi slt, %scan3A_256, %lt3A : i32
      %convert_element_type3A = arith.extui %lt3A_405 : i1 to i32
      %cond3A = arith.constant 0 : i32
      %cond3A_406 = arith.cmpi ne, %convert_element_type3A, %cond3A : i32
      scf.if %cond3A_406 {
        %add3A_559 = arith.constant 0 : i32
        %add3A_560 = arith.addi %mul3A_258, %add3A_559 : i32
        %add3A_561 = arith.constant 2 : i32
        %add3A_562 = arith.addi %add3A_560, %add3A_561 : i32
        %mul3A_563 = arith.constant 8 : i32
        %mul3A_564 = arith.muli %add3A_562, %mul3A_563 : i32
        %add3A_565 = arith.addi %mul3A_2, %mul3A_564 : i32
        %mul3A_566 = arith.constant 200 : i32
        %mul3A_567 = arith.muli %add3A_565, %mul3A_566 : i32
        "tpu.region"() ({
          %run_scoped3A = tpu.sem_alloc : memref<!tpu.dma_semaphore, #tpu.memory_space<semaphore_mem>>
          %dma_start3A_672 = arith.constant 0 : i32
          %dma_start3A_673 = tpu.memref_slice %arg5[%dma_start3A_672] : memref<1664xi32, #tpu.memory_space<vmem>> -> memref<1600xi32, #tpu.memory_space<vmem>>
          %dma_start3A_674 = tpu.memref_slice %arg3[%mul3A_567] : memref<3276800xi32, #tpu.memory_space<hbm>> -> memref<1600xi32, #tpu.memory_space<hbm>>
          %dma_start3A_675 = arith.constant 0 : i32
          %dma_start3A_676 = tpu.memref_slice %arg5[%dma_start3A_675] : memref<1664xi32, #tpu.memory_space<vmem>> -> memref<1600xi32, #tpu.memory_space<vmem>>
          %dma_start3A_677 = tpu.memref_slice %arg3[%mul3A_567] : memref<3276800xi32, #tpu.memory_space<hbm>> -> memref<1600xi32, #tpu.memory_space<hbm>>
          tpu.enqueue_dma source(%dma_start3A_677 : memref<1600xi32, #tpu.memory_space<hbm>>) target(%dma_start3A_676 : memref<1600xi32, #tpu.memory_space<vmem>>) target_semaphore(%run_scoped3A : memref<!tpu.dma_semaphore, #tpu.memory_space<semaphore_mem>>)
          %dma_wait3A_678 = arith.constant 0 : i32
          %dma_wait3A_679 = tpu.memref_slice %arg5[%dma_wait3A_678] : memref<1664xi32, #tpu.memory_space<vmem>> -> memref<1600xi32, #tpu.memory_space<vmem>>
          %dma_wait3A_680 = tpu.memref_slice %arg3[%mul3A_567] : memref<3276800xi32, #tpu.memory_space<hbm>> -> memref<1600xi32, #tpu.memory_space<hbm>>
          %dma_wait3A_681 = arith.constant 0 : i32
          %dma_wait3A_682 = tpu.memref_slice %arg5[%dma_wait3A_681] : memref<1664xi32, #tpu.memory_space<vmem>> -> memref<1600xi32, #tpu.memory_space<vmem>>
          %dma_wait3A_683 = tpu.memref_slice %arg3[%mul3A_567] : memref<3276800xi32, #tpu.memory_space<hbm>> -> memref<1600xi32, #tpu.memory_space<hbm>>
          tpu.wait_dma2 semaphore(%run_scoped3A : memref<!tpu.dma_semaphore, #tpu.memory_space<semaphore_mem>>) src(%dma_wait3A_683 : memref<1600xi32, #tpu.memory_space<hbm>>) dst(%dma_wait3A_682 : memref<1600xi32, #tpu.memory_space<vmem>>)
          tpu.yield
        }) : () -> ()
        %dma_start3A_568 = arith.constant 0 : i32
        %dma_start3A_569 = arith.constant 0 : i32
        %dma_start3A_570 = tpu.memref_slice %arg7[%dma_start3A_568, %dma_start3A_569] : memref<1664x32xf32, #tpu.memory_space<vmem>> -> memref<128x32xf32, #tpu.memory_space<vmem>>
        %dma_start3A_571 = arith.constant 0 : i32
        %dma_start3A_572 = tpu.memref_slice %arg5[%dma_start3A_571] : memref<1664xi32, #tpu.memory_space<vmem>> -> memref<128xi32, #tpu.memory_space<vmem>>
        %dma_start3A_573 = arith.constant 0 : i32
        %dma_start3A_574 = arith.constant 0 : i32
        %dma_start3A_575 = tpu.memref_slice %arg2[%dma_start3A_573, %dma_start3A_574] : memref<1000000x32xf32, #tpu.memory_space<hbm>> -> memref<1000000x32xf32, #tpu.memory_space<hbm>>
        tpu.enqueue_indirect_dma source(%dma_start3A_575 : memref<1000000x32xf32, #tpu.memory_space<hbm>>) target(%dma_start3A_570 : memref<128x32xf32, #tpu.memory_space<vmem>>) offsets(%dma_start3A_572 : memref<128xi32, #tpu.memory_space<vmem>>) semaphore(%arg10 : memref<!tpu.dma_semaphore, #tpu.memory_space<semaphore_mem>>)
        %dma_start3A_576 = arith.constant 128 : i32
        %dma_start3A_577 = arith.constant 0 : i32
        %dma_start3A_578 = tpu.memref_slice %arg7[%dma_start3A_576, %dma_start3A_577] : memref<1664x32xf32, #tpu.memory_space<vmem>> -> memref<128x32xf32, #tpu.memory_space<vmem>>
        %dma_start3A_579 = arith.constant 128 : i32
        %dma_start3A_580 = tpu.memref_slice %arg5[%dma_start3A_579] : memref<1664xi32, #tpu.memory_space<vmem>> -> memref<128xi32, #tpu.memory_space<vmem>>
        %dma_start3A_581 = arith.constant 0 : i32
        %dma_start3A_582 = arith.constant 0 : i32
        %dma_start3A_583 = tpu.memref_slice %arg2[%dma_start3A_581, %dma_start3A_582] : memref<1000000x32xf32, #tpu.memory_space<hbm>> -> memref<1000000x32xf32, #tpu.memory_space<hbm>>
        tpu.enqueue_indirect_dma source(%dma_start3A_583 : memref<1000000x32xf32, #tpu.memory_space<hbm>>) target(%dma_start3A_578 : memref<128x32xf32, #tpu.memory_space<vmem>>) offsets(%dma_start3A_580 : memref<128xi32, #tpu.memory_space<vmem>>) semaphore(%arg10 : memref<!tpu.dma_semaphore, #tpu.memory_space<semaphore_mem>>)
        %dma_start3A_584 = arith.constant 256 : i32
        %dma_start3A_585 = arith.constant 0 : i32
        %dma_start3A_586 = tpu.memref_slice %arg7[%dma_start3A_584, %dma_start3A_585] : memref<1664x32xf32, #tpu.memory_space<vmem>> -> memref<128x32xf32, #tpu.memory_space<vmem>>
        %dma_start3A_587 = arith.constant 256 : i32
        %dma_start3A_588 = tpu.memref_slice %arg5[%dma_start3A_587] : memref<1664xi32, #tpu.memory_space<vmem>> -> memref<128xi32, #tpu.memory_space<vmem>>
        %dma_start3A_589 = arith.constant 0 : i32
        %dma_start3A_590 = arith.constant 0 : i32
        %dma_start3A_591 = tpu.memref_slice %arg2[%dma_start3A_589, %dma_start3A_590] : memref<1000000x32xf32, #tpu.memory_space<hbm>> -> memref<1000000x32xf32, #tpu.memory_space<hbm>>
        tpu.enqueue_indirect_dma source(%dma_start3A_591 : memref<1000000x32xf32, #tpu.memory_space<hbm>>) target(%dma_start3A_586 : memref<128x32xf32, #tpu.memory_space<vmem>>) offsets(%dma_start3A_588 : memref<128xi32, #tpu.memory_space<vmem>>) semaphore(%arg10 : memref<!tpu.dma_semaphore, #tpu.memory_space<semaphore_mem>>)
        %dma_start3A_592 = arith.constant 384 : i32
        %dma_start3A_593 = arith.constant 0 : i32
        %dma_start3A_594 = tpu.memref_slice %arg7[%dma_start3A_592, %dma_start3A_593] : memref<1664x32xf32, #tpu.memory_space<vmem>> -> memref<128x32xf32, #tpu.memory_space<vmem>>
        %dma_start3A_595 = arith.constant 384 : i32
        %dma_start3A_596 = tpu.memref_slice %arg5[%dma_start3A_595] : memref<1664xi32, #tpu.memory_space<vmem>> -> memref<128xi32, #tpu.memory_space<vmem>>
        %dma_start3A_597 = arith.constant 0 : i32
        %dma_start3A_598 = arith.constant 0 : i32
        %dma_start3A_599 = tpu.memref_slice %arg2[%dma_start3A_597, %dma_start3A_598] : memref<1000000x32xf32, #tpu.memory_space<hbm>> -> memref<1000000x32xf32, #tpu.memory_space<hbm>>
        tpu.enqueue_indirect_dma source(%dma_start3A_599 : memref<1000000x32xf32, #tpu.memory_space<hbm>>) target(%dma_start3A_594 : memref<128x32xf32, #tpu.memory_space<vmem>>) offsets(%dma_start3A_596 : memref<128xi32, #tpu.memory_space<vmem>>) semaphore(%arg10 : memref<!tpu.dma_semaphore, #tpu.memory_space<semaphore_mem>>)
        %dma_start3A_600 = arith.constant 512 : i32
        %dma_start3A_601 = arith.constant 0 : i32
        %dma_start3A_602 = tpu.memref_slice %arg7[%dma_start3A_600, %dma_start3A_601] : memref<1664x32xf32, #tpu.memory_space<vmem>> -> memref<128x32xf32, #tpu.memory_space<vmem>>
        %dma_start3A_603 = arith.constant 512 : i32
        %dma_start3A_604 = tpu.memref_slice %arg5[%dma_start3A_603] : memref<1664xi32, #tpu.memory_space<vmem>> -> memref<128xi32, #tpu.memory_space<vmem>>
        %dma_start3A_605 = arith.constant 0 : i32
        %dma_start3A_606 = arith.constant 0 : i32
        %dma_start3A_607 = tpu.memref_slice %arg2[%dma_start3A_605, %dma_start3A_606] : memref<1000000x32xf32, #tpu.memory_space<hbm>> -> memref<1000000x32xf32, #tpu.memory_space<hbm>>
        tpu.enqueue_indirect_dma source(%dma_start3A_607 : memref<1000000x32xf32, #tpu.memory_space<hbm>>) target(%dma_start3A_602 : memref<128x32xf32, #tpu.memory_space<vmem>>) offsets(%dma_start3A_604 : memref<128xi32, #tpu.memory_space<vmem>>) semaphore(%arg10 : memref<!tpu.dma_semaphore, #tpu.memory_space<semaphore_mem>>)
        %dma_start3A_608 = arith.constant 640 : i32
        %dma_start3A_609 = arith.constant 0 : i32
        %dma_start3A_610 = tpu.memref_slice %arg7[%dma_start3A_608, %dma_start3A_609] : memref<1664x32xf32, #tpu.memory_space<vmem>> -> memref<128x32xf32, #tpu.memory_space<vmem>>
        %dma_start3A_611 = arith.constant 640 : i32
        %dma_start3A_612 = tpu.memref_slice %arg5[%dma_start3A_611] : memref<1664xi32, #tpu.memory_space<vmem>> -> memref<128xi32, #tpu.memory_space<vmem>>
        %dma_start3A_613 = arith.constant 0 : i32
        %dma_start3A_614 = arith.constant 0 : i32
        %dma_start3A_615 = tpu.memref_slice %arg2[%dma_start3A_613, %dma_start3A_614] : memref<1000000x32xf32, #tpu.memory_space<hbm>> -> memref<1000000x32xf32, #tpu.memory_space<hbm>>
        tpu.enqueue_indirect_dma source(%dma_start3A_615 : memref<1000000x32xf32, #tpu.memory_space<hbm>>) target(%dma_start3A_610 : memref<128x32xf32, #tpu.memory_space<vmem>>) offsets(%dma_start3A_612 : memref<128xi32, #tpu.memory_space<vmem>>) semaphore(%arg10 : memref<!tpu.dma_semaphore, #tpu.memory_space<semaphore_mem>>)
        %dma_start3A_616 = arith.constant 768 : i32
        %dma_start3A_617 = arith.constant 0 : i32
        %dma_start3A_618 = tpu.memref_slice %arg7[%dma_start3A_616, %dma_start3A_617] : memref<1664x32xf32, #tpu.memory_space<vmem>> -> memref<128x32xf32, #tpu.memory_space<vmem>>
        %dma_start3A_619 = arith.constant 768 : i32
        %dma_start3A_620 = tpu.memref_slice %arg5[%dma_start3A_619] : memref<1664xi32, #tpu.memory_space<vmem>> -> memref<128xi32, #tpu.memory_space<vmem>>
        %dma_start3A_621 = arith.constant 0 : i32
        %dma_start3A_622 = arith.constant 0 : i32
        %dma_start3A_623 = tpu.memref_slice %arg2[%dma_start3A_621, %dma_start3A_622] : memref<1000000x32xf32, #tpu.memory_space<hbm>> -> memref<1000000x32xf32, #tpu.memory_space<hbm>>
        tpu.enqueue_indirect_dma source(%dma_start3A_623 : memref<1000000x32xf32, #tpu.memory_space<hbm>>) target(%dma_start3A_618 : memref<128x32xf32, #tpu.memory_space<vmem>>) offsets(%dma_start3A_620 : memref<128xi32, #tpu.memory_space<vmem>>) semaphore(%arg10 : memref<!tpu.dma_semaphore, #tpu.memory_space<semaphore_mem>>)
        %dma_start3A_624 = arith.constant 896 : i32
        %dma_start3A_625 = arith.constant 0 : i32
        %dma_start3A_626 = tpu.memref_slice %arg7[%dma_start3A_624, %dma_start3A_625] : memref<1664x32xf32, #tpu.memory_space<vmem>> -> memref<128x32xf32, #tpu.memory_space<vmem>>
        %dma_start3A_627 = arith.constant 896 : i32
        %dma_start3A_628 = tpu.memref_slice %arg5[%dma_start3A_627] : memref<1664xi32, #tpu.memory_space<vmem>> -> memref<128xi32, #tpu.memory_space<vmem>>
        %dma_start3A_629 = arith.constant 0 : i32
        %dma_start3A_630 = arith.constant 0 : i32
        %dma_start3A_631 = tpu.memref_slice %arg2[%dma_start3A_629, %dma_start3A_630] : memref<1000000x32xf32, #tpu.memory_space<hbm>> -> memref<1000000x32xf32, #tpu.memory_space<hbm>>
        tpu.enqueue_indirect_dma source(%dma_start3A_631 : memref<1000000x32xf32, #tpu.memory_space<hbm>>) target(%dma_start3A_626 : memref<128x32xf32, #tpu.memory_space<vmem>>) offsets(%dma_start3A_628 : memref<128xi32, #tpu.memory_space<vmem>>) semaphore(%arg10 : memref<!tpu.dma_semaphore, #tpu.memory_space<semaphore_mem>>)
        %dma_start3A_632 = arith.constant 1024 : i32
        %dma_start3A_633 = arith.constant 0 : i32
        %dma_start3A_634 = tpu.memref_slice %arg7[%dma_start3A_632, %dma_start3A_633] : memref<1664x32xf32, #tpu.memory_space<vmem>> -> memref<128x32xf32, #tpu.memory_space<vmem>>
        %dma_start3A_635 = arith.constant 1024 : i32
        %dma_start3A_636 = tpu.memref_slice %arg5[%dma_start3A_635] : memref<1664xi32, #tpu.memory_space<vmem>> -> memref<128xi32, #tpu.memory_space<vmem>>
        %dma_start3A_637 = arith.constant 0 : i32
        %dma_start3A_638 = arith.constant 0 : i32
        %dma_start3A_639 = tpu.memref_slice %arg2[%dma_start3A_637, %dma_start3A_638] : memref<1000000x32xf32, #tpu.memory_space<hbm>> -> memref<1000000x32xf32, #tpu.memory_space<hbm>>
        tpu.enqueue_indirect_dma source(%dma_start3A_639 : memref<1000000x32xf32, #tpu.memory_space<hbm>>) target(%dma_start3A_634 : memref<128x32xf32, #tpu.memory_space<vmem>>) offsets(%dma_start3A_636 : memref<128xi32, #tpu.memory_space<vmem>>) semaphore(%arg10 : memref<!tpu.dma_semaphore, #tpu.memory_space<semaphore_mem>>)
        %dma_start3A_640 = arith.constant 1152 : i32
        %dma_start3A_641 = arith.constant 0 : i32
        %dma_start3A_642 = tpu.memref_slice %arg7[%dma_start3A_640, %dma_start3A_641] : memref<1664x32xf32, #tpu.memory_space<vmem>> -> memref<128x32xf32, #tpu.memory_space<vmem>>
        %dma_start3A_643 = arith.constant 1152 : i32
        %dma_start3A_644 = tpu.memref_slice %arg5[%dma_start3A_643] : memref<1664xi32, #tpu.memory_space<vmem>> -> memref<128xi32, #tpu.memory_space<vmem>>
        %dma_start3A_645 = arith.constant 0 : i32
        %dma_start3A_646 = arith.constant 0 : i32
        %dma_start3A_647 = tpu.memref_slice %arg2[%dma_start3A_645, %dma_start3A_646] : memref<1000000x32xf32, #tpu.memory_space<hbm>> -> memref<1000000x32xf32, #tpu.memory_space<hbm>>
        tpu.enqueue_indirect_dma source(%dma_start3A_647 : memref<1000000x32xf32, #tpu.memory_space<hbm>>) target(%dma_start3A_642 : memref<128x32xf32, #tpu.memory_space<vmem>>) offsets(%dma_start3A_644 : memref<128xi32, #tpu.memory_space<vmem>>) semaphore(%arg10 : memref<!tpu.dma_semaphore, #tpu.memory_space<semaphore_mem>>)
        %dma_start3A_648 = arith.constant 1280 : i32
        %dma_start3A_649 = arith.constant 0 : i32
        %dma_start3A_650 = tpu.memref_slice %arg7[%dma_start3A_648, %dma_start3A_649] : memref<1664x32xf32, #tpu.memory_space<vmem>> -> memref<128x32xf32, #tpu.memory_space<vmem>>
        %dma_start3A_651 = arith.constant 1280 : i32
        %dma_start3A_652 = tpu.memref_slice %arg5[%dma_start3A_651] : memref<1664xi32, #tpu.memory_space<vmem>> -> memref<128xi32, #tpu.memory_space<vmem>>
        %dma_start3A_653 = arith.constant 0 : i32
        %dma_start3A_654 = arith.constant 0 : i32
        %dma_start3A_655 = tpu.memref_slice %arg2[%dma_start3A_653, %dma_start3A_654] : memref<1000000x32xf32, #tpu.memory_space<hbm>> -> memref<1000000x32xf32, #tpu.memory_space<hbm>>
        tpu.enqueue_indirect_dma source(%dma_start3A_655 : memref<1000000x32xf32, #tpu.memory_space<hbm>>) target(%dma_start3A_650 : memref<128x32xf32, #tpu.memory_space<vmem>>) offsets(%dma_start3A_652 : memref<128xi32, #tpu.memory_space<vmem>>) semaphore(%arg10 : memref<!tpu.dma_semaphore, #tpu.memory_space<semaphore_mem>>)
        %dma_start3A_656 = arith.constant 1408 : i32
        %dma_start3A_657 = arith.constant 0 : i32
        %dma_start3A_658 = tpu.memref_slice %arg7[%dma_start3A_656, %dma_start3A_657] : memref<1664x32xf32, #tpu.memory_space<vmem>> -> memref<128x32xf32, #tpu.memory_space<vmem>>
        %dma_start3A_659 = arith.constant 1408 : i32
        %dma_start3A_660 = tpu.memref_slice %arg5[%dma_start3A_659] : memref<1664xi32, #tpu.memory_space<vmem>> -> memref<128xi32, #tpu.memory_space<vmem>>
        %dma_start3A_661 = arith.constant 0 : i32
        %dma_start3A_662 = arith.constant 0 : i32
        %dma_start3A_663 = tpu.memref_slice %arg2[%dma_start3A_661, %dma_start3A_662] : memref<1000000x32xf32, #tpu.memory_space<hbm>> -> memref<1000000x32xf32, #tpu.memory_space<hbm>>
        tpu.enqueue_indirect_dma source(%dma_start3A_663 : memref<1000000x32xf32, #tpu.memory_space<hbm>>) target(%dma_start3A_658 : memref<128x32xf32, #tpu.memory_space<vmem>>) offsets(%dma_start3A_660 : memref<128xi32, #tpu.memory_space<vmem>>) semaphore(%arg10 : memref<!tpu.dma_semaphore, #tpu.memory_space<semaphore_mem>>)
        %dma_start3A_664 = arith.constant 1536 : i32
        %dma_start3A_665 = arith.constant 0 : i32
        %dma_start3A_666 = tpu.memref_slice %arg7[%dma_start3A_664, %dma_start3A_665] : memref<1664x32xf32, #tpu.memory_space<vmem>> -> memref<128x32xf32, #tpu.memory_space<vmem>>
        %dma_start3A_667 = arith.constant 1536 : i32
        %dma_start3A_668 = tpu.memref_slice %arg5[%dma_start3A_667] : memref<1664xi32, #tpu.memory_space<vmem>> -> memref<128xi32, #tpu.memory_space<vmem>>
        %dma_start3A_669 = arith.constant 0 : i32
        %dma_start3A_670 = arith.constant 0 : i32
        %dma_start3A_671 = tpu.memref_slice %arg2[%dma_start3A_669, %dma_start3A_670] : memref<1000000x32xf32, #tpu.memory_space<hbm>> -> memref<1000000x32xf32, #tpu.memory_space<hbm>>
        tpu.enqueue_indirect_dma source(%dma_start3A_671 : memref<1000000x32xf32, #tpu.memory_space<hbm>>) target(%dma_start3A_666 : memref<128x32xf32, #tpu.memory_space<vmem>>) offsets(%dma_start3A_668 : memref<128xi32, #tpu.memory_space<vmem>>) semaphore(%arg10 : memref<!tpu.dma_semaphore, #tpu.memory_space<semaphore_mem>>)
      } else {
      }
      %dma_wait3A_407 = arith.constant 0 : i32
      %dma_wait3A_408 = arith.constant 0 : i32
      %dma_wait3A_409 = tpu.memref_slice %arg2[%dma_wait3A_407, %dma_wait3A_408] : memref<1000000x32xf32, #tpu.memory_space<hbm>> -> memref<1664x32xf32, #tpu.memory_space<hbm>>
      %dma_wait3A_410 = arith.constant 0 : i32
      %dma_wait3A_411 = arith.constant 0 : i32
      %dma_wait3A_412 = tpu.memref_slice %arg2[%dma_wait3A_410, %dma_wait3A_411] : memref<1000000x32xf32, #tpu.memory_space<hbm>> -> memref<1664x32xf32, #tpu.memory_space<hbm>>
      tpu.wait_dma2 semaphore(%arg11 : memref<!tpu.dma_semaphore, #tpu.memory_space<semaphore_mem>>) src(%dma_wait3A_412 : memref<1664x32xf32, #tpu.memory_space<hbm>>) dst(%arg8 : memref<1664x32xf32, #tpu.memory_space<vmem>>)
      %add3A_413 = arith.constant 1 : i32
      %add3A_414 = arith.addi %mul3A_258, %add3A_413 : i32
      %broadcast_in_dim3A_415 = arith.constant 0.000000e+00 : f32
      %broadcast_in_dim3A_416 = vector.broadcast %broadcast_in_dim3A_415 : f32 to vector<16xf32>
      %scan3A_417 = arith.constant 0 : i32
      %scan3A_418 = arith.constant 25 : i32
      %scan3A_419 = arith.addi %scan3A_417, %scan3A_418 : i32
      %scan3A_420 = arith.constant 1 : i32
      %scan3A_421:16 = scf.for %scan3A_559 = %scan3A_417 to %scan3A_419 step %scan3A_420 iter_args(%scan3A_560 = %broadcast_in_dim3A_416, %scan3A_561 = %broadcast_in_dim3A_416, %scan3A_562 = %broadcast_in_dim3A_416, %scan3A_563 = %broadcast_in_dim3A_416, %scan3A_564 = %broadcast_in_dim3A_416, %scan3A_565 = %broadcast_in_dim3A_416, %scan3A_566 = %broadcast_in_dim3A_416, %scan3A_567 = %broadcast_in_dim3A_416, %scan3A_568 = %broadcast_in_dim3A_416, %scan3A_569 = %broadcast_in_dim3A_416, %scan3A_570 = %broadcast_in_dim3A_416, %scan3A_571 = %broadcast_in_dim3A_416, %scan3A_572 = %broadcast_in_dim3A_416, %scan3A_573 = %broadcast_in_dim3A_416, %scan3A_574 = %broadcast_in_dim3A_416, %scan3A_575 = %broadcast_in_dim3A_416) -> (vector<16xf32>, vector<16xf32>, vector<16xf32>, vector<16xf32>, vector<16xf32>, vector<16xf32>, vector<16xf32>, vector<16xf32>, vector<16xf32>, vector<16xf32>, vector<16xf32>, vector<16xf32>, vector<16xf32>, vector<16xf32>, vector<16xf32>, vector<16xf32>)  : i32 {
        %mul3A_576 = arith.constant 8 : i32
        %mul3A_577 = arith.muli %scan3A_559, %mul3A_576 : i32
        %add3A_578 = arith.constant 0 : i32
        %add3A_579 = arith.addi %add3A_578, %mul3A_577 : i32
        %add3A_580 = arith.constant 0 : i32
        %add3A_581 = arith.addi %add3A_579, %add3A_580 : i32
        %get3A = arith.index_cast %add3A_581 : i32 to index
        %get3A_582 = arith.constant 0 : index
        %get3A_583 = tpu.vector_load %arg8[%get3A, %get3A_582] {strides = array<i32>} : memref<1664x32xf32, #tpu.memory_space<vmem>>, vector<1x16xf32>,
        %get3A_584 = vector.shape_cast %get3A_583 : vector<1x16xf32> to vector<16xf32>
        %add3A_585 = arith.addf %scan3A_560, %get3A_584 : vector<16xf32>
        %add3A_586 = arith.constant 0 : i32
        %add3A_587 = arith.addi %add3A_579, %add3A_586 : i32
        %get3A_588 = arith.index_cast %add3A_587 : i32 to index
        %get3A_589 = arith.constant 16 : index
        %get3A_590 = tpu.vector_load %arg8[%get3A_588, %get3A_589] {strides = array<i32>} : memref<1664x32xf32, #tpu.memory_space<vmem>>, vector<1x16xf32>,
        %get3A_591 = vector.shape_cast %get3A_590 : vector<1x16xf32> to vector<16xf32>
        %add3A_592 = arith.addf %scan3A_561, %get3A_591 : vector<16xf32>
        %add3A_593 = arith.constant 1 : i32
        %add3A_594 = arith.addi %add3A_579, %add3A_593 : i32
        %get3A_595 = arith.index_cast %add3A_594 : i32 to index
        %get3A_596 = arith.constant 0 : index
        %get3A_597 = tpu.vector_load %arg8[%get3A_595, %get3A_596] {strides = array<i32>} : memref<1664x32xf32, #tpu.memory_space<vmem>>, vector<1x16xf32>,
        %get3A_598 = vector.shape_cast %get3A_597 : vector<1x16xf32> to vector<16xf32>
        %add3A_599 = arith.addf %add3A_585, %get3A_598 : vector<16xf32>
        %add3A_600 = arith.constant 1 : i32
        %add3A_601 = arith.addi %add3A_579, %add3A_600 : i32
        %get3A_602 = arith.index_cast %add3A_601 : i32 to index
        %get3A_603 = arith.constant 16 : index
        %get3A_604 = tpu.vector_load %arg8[%get3A_602, %get3A_603] {strides = array<i32>} : memref<1664x32xf32, #tpu.memory_space<vmem>>, vector<1x16xf32>,
        %get3A_605 = vector.shape_cast %get3A_604 : vector<1x16xf32> to vector<16xf32>
        %add3A_606 = arith.addf %add3A_592, %get3A_605 : vector<16xf32>
        %add3A_607 = arith.constant 2 : i32
        %add3A_608 = arith.addi %add3A_579, %add3A_607 : i32
        %get3A_609 = arith.index_cast %add3A_608 : i32 to index
        %get3A_610 = arith.constant 0 : index
        %get3A_611 = tpu.vector_load %arg8[%get3A_609, %get3A_610] {strides = array<i32>} : memref<1664x32xf32, #tpu.memory_space<vmem>>, vector<1x16xf32>,
        %get3A_612 = vector.shape_cast %get3A_611 : vector<1x16xf32> to vector<16xf32>
        %add3A_613 = arith.addf %add3A_599, %get3A_612 : vector<16xf32>
        %add3A_614 = arith.constant 2 : i32
        %add3A_615 = arith.addi %add3A_579, %add3A_614 : i32
        %get3A_616 = arith.index_cast %add3A_615 : i32 to index
        %get3A_617 = arith.constant 16 : index
        %get3A_618 = tpu.vector_load %arg8[%get3A_616, %get3A_617] {strides = array<i32>} : memref<1664x32xf32, #tpu.memory_space<vmem>>, vector<1x16xf32>,
        %get3A_619 = vector.shape_cast %get3A_618 : vector<1x16xf32> to vector<16xf32>
        %add3A_620 = arith.addf %add3A_606, %get3A_619 : vector<16xf32>
        %add3A_621 = arith.constant 3 : i32
        %add3A_622 = arith.addi %add3A_579, %add3A_621 : i32
        %get3A_623 = arith.index_cast %add3A_622 : i32 to index
        %get3A_624 = arith.constant 0 : index
        %get3A_625 = tpu.vector_load %arg8[%get3A_623, %get3A_624] {strides = array<i32>} : memref<1664x32xf32, #tpu.memory_space<vmem>>, vector<1x16xf32>,
        %get3A_626 = vector.shape_cast %get3A_625 : vector<1x16xf32> to vector<16xf32>
        %add3A_627 = arith.addf %add3A_613, %get3A_626 : vector<16xf32>
        %add3A_628 = arith.constant 3 : i32
        %add3A_629 = arith.addi %add3A_579, %add3A_628 : i32
        %get3A_630 = arith.index_cast %add3A_629 : i32 to index
        %get3A_631 = arith.constant 16 : index
        %get3A_632 = tpu.vector_load %arg8[%get3A_630, %get3A_631] {strides = array<i32>} : memref<1664x32xf32, #tpu.memory_space<vmem>>, vector<1x16xf32>,
        %get3A_633 = vector.shape_cast %get3A_632 : vector<1x16xf32> to vector<16xf32>
        %add3A_634 = arith.addf %add3A_620, %get3A_633 : vector<16xf32>
        %add3A_635 = arith.constant 4 : i32
        %add3A_636 = arith.addi %add3A_579, %add3A_635 : i32
        %get3A_637 = arith.index_cast %add3A_636 : i32 to index
        %get3A_638 = arith.constant 0 : index
        %get3A_639 = tpu.vector_load %arg8[%get3A_637, %get3A_638] {strides = array<i32>} : memref<1664x32xf32, #tpu.memory_space<vmem>>, vector<1x16xf32>,
        %get3A_640 = vector.shape_cast %get3A_639 : vector<1x16xf32> to vector<16xf32>
        %add3A_641 = arith.addf %add3A_627, %get3A_640 : vector<16xf32>
        %add3A_642 = arith.constant 4 : i32
        %add3A_643 = arith.addi %add3A_579, %add3A_642 : i32
        %get3A_644 = arith.index_cast %add3A_643 : i32 to index
        %get3A_645 = arith.constant 16 : index
        %get3A_646 = tpu.vector_load %arg8[%get3A_644, %get3A_645] {strides = array<i32>} : memref<1664x32xf32, #tpu.memory_space<vmem>>, vector<1x16xf32>,
        %get3A_647 = vector.shape_cast %get3A_646 : vector<1x16xf32> to vector<16xf32>
        %add3A_648 = arith.addf %add3A_634, %get3A_647 : vector<16xf32>
        %add3A_649 = arith.constant 5 : i32
        %add3A_650 = arith.addi %add3A_579, %add3A_649 : i32
        %get3A_651 = arith.index_cast %add3A_650 : i32 to index
        %get3A_652 = arith.constant 0 : index
        %get3A_653 = tpu.vector_load %arg8[%get3A_651, %get3A_652] {strides = array<i32>} : memref<1664x32xf32, #tpu.memory_space<vmem>>, vector<1x16xf32>,
        %get3A_654 = vector.shape_cast %get3A_653 : vector<1x16xf32> to vector<16xf32>
        %add3A_655 = arith.addf %add3A_641, %get3A_654 : vector<16xf32>
        %add3A_656 = arith.constant 5 : i32
        %add3A_657 = arith.addi %add3A_579, %add3A_656 : i32
        %get3A_658 = arith.index_cast %add3A_657 : i32 to index
        %get3A_659 = arith.constant 16 : index
        %get3A_660 = tpu.vector_load %arg8[%get3A_658, %get3A_659] {strides = array<i32>} : memref<1664x32xf32, #tpu.memory_space<vmem>>, vector<1x16xf32>,
        %get3A_661 = vector.shape_cast %get3A_660 : vector<1x16xf32> to vector<16xf32>
        %add3A_662 = arith.addf %add3A_648, %get3A_661 : vector<16xf32>
        %add3A_663 = arith.constant 6 : i32
        %add3A_664 = arith.addi %add3A_579, %add3A_663 : i32
        %get3A_665 = arith.index_cast %add3A_664 : i32 to index
        %get3A_666 = arith.constant 0 : index
        %get3A_667 = tpu.vector_load %arg8[%get3A_665, %get3A_666] {strides = array<i32>} : memref<1664x32xf32, #tpu.memory_space<vmem>>, vector<1x16xf32>,
        %get3A_668 = vector.shape_cast %get3A_667 : vector<1x16xf32> to vector<16xf32>
        %add3A_669 = arith.addf %add3A_655, %get3A_668 : vector<16xf32>
        %add3A_670 = arith.constant 6 : i32
        %add3A_671 = arith.addi %add3A_579, %add3A_670 : i32
        %get3A_672 = arith.index_cast %add3A_671 : i32 to index
        %get3A_673 = arith.constant 16 : index
        %get3A_674 = tpu.vector_load %arg8[%get3A_672, %get3A_673] {strides = array<i32>} : memref<1664x32xf32, #tpu.memory_space<vmem>>, vector<1x16xf32>,
        %get3A_675 = vector.shape_cast %get3A_674 : vector<1x16xf32> to vector<16xf32>
        %add3A_676 = arith.addf %add3A_662, %get3A_675 : vector<16xf32>
        %add3A_677 = arith.constant 7 : i32
        %add3A_678 = arith.addi %add3A_579, %add3A_677 : i32
        %get3A_679 = arith.index_cast %add3A_678 : i32 to index
        %get3A_680 = arith.constant 0 : index
        %get3A_681 = tpu.vector_load %arg8[%get3A_679, %get3A_680] {strides = array<i32>} : memref<1664x32xf32, #tpu.memory_space<vmem>>, vector<1x16xf32>,
        %get3A_682 = vector.shape_cast %get3A_681 : vector<1x16xf32> to vector<16xf32>
        %add3A_683 = arith.addf %add3A_669, %get3A_682 : vector<16xf32>
        %add3A_684 = arith.constant 7 : i32
        %add3A_685 = arith.addi %add3A_579, %add3A_684 : i32
        %get3A_686 = arith.index_cast %add3A_685 : i32 to index
        %get3A_687 = arith.constant 16 : index
        %get3A_688 = tpu.vector_load %arg8[%get3A_686, %get3A_687] {strides = array<i32>} : memref<1664x32xf32, #tpu.memory_space<vmem>>, vector<1x16xf32>,
        %get3A_689 = vector.shape_cast %get3A_688 : vector<1x16xf32> to vector<16xf32>
        %add3A_690 = arith.addf %add3A_676, %get3A_689 : vector<16xf32>
        %add3A_691 = arith.constant 200 : i32
        %add3A_692 = arith.addi %add3A_691, %mul3A_577 : i32
        %add3A_693 = arith.constant 0 : i32
        %add3A_694 = arith.addi %add3A_692, %add3A_693 : i32
        %get3A_695 = arith.index_cast %add3A_694 : i32 to index
        %get3A_696 = arith.constant 0 : index
        %get3A_697 = tpu.vector_load %arg8[%get3A_695, %get3A_696] {strides = array<i32>} : memref<1664x32xf32, #tpu.memory_space<vmem>>, vector<1x16xf32>,
        %get3A_698 = vector.shape_cast %get3A_697 : vector<1x16xf32> to vector<16xf32>
        %add3A_699 = arith.addf %scan3A_562, %get3A_698 : vector<16xf32>
        %add3A_700 = arith.constant 0 : i32
        %add3A_701 = arith.addi %add3A_692, %add3A_700 : i32
        %get3A_702 = arith.index_cast %add3A_701 : i32 to index
        %get3A_703 = arith.constant 16 : index
        %get3A_704 = tpu.vector_load %arg8[%get3A_702, %get3A_703] {strides = array<i32>} : memref<1664x32xf32, #tpu.memory_space<vmem>>, vector<1x16xf32>,
        %get3A_705 = vector.shape_cast %get3A_704 : vector<1x16xf32> to vector<16xf32>
        %add3A_706 = arith.addf %scan3A_563, %get3A_705 : vector<16xf32>
        %add3A_707 = arith.constant 1 : i32
        %add3A_708 = arith.addi %add3A_692, %add3A_707 : i32
        %get3A_709 = arith.index_cast %add3A_708 : i32 to index
        %get3A_710 = arith.constant 0 : index
        %get3A_711 = tpu.vector_load %arg8[%get3A_709, %get3A_710] {strides = array<i32>} : memref<1664x32xf32, #tpu.memory_space<vmem>>, vector<1x16xf32>,
        %get3A_712 = vector.shape_cast %get3A_711 : vector<1x16xf32> to vector<16xf32>
        %add3A_713 = arith.addf %add3A_699, %get3A_712 : vector<16xf32>
        %add3A_714 = arith.constant 1 : i32
        %add3A_715 = arith.addi %add3A_692, %add3A_714 : i32
        %get3A_716 = arith.index_cast %add3A_715 : i32 to index
        %get3A_717 = arith.constant 16 : index
        %get3A_718 = tpu.vector_load %arg8[%get3A_716, %get3A_717] {strides = array<i32>} : memref<1664x32xf32, #tpu.memory_space<vmem>>, vector<1x16xf32>,
        %get3A_719 = vector.shape_cast %get3A_718 : vector<1x16xf32> to vector<16xf32>
        %add3A_720 = arith.addf %add3A_706, %get3A_719 : vector<16xf32>
        %add3A_721 = arith.constant 2 : i32
        %add3A_722 = arith.addi %add3A_692, %add3A_721 : i32
        %get3A_723 = arith.index_cast %add3A_722 : i32 to index
        %get3A_724 = arith.constant 0 : index
        %get3A_725 = tpu.vector_load %arg8[%get3A_723, %get3A_724] {strides = array<i32>} : memref<1664x32xf32, #tpu.memory_space<vmem>>, vector<1x16xf32>,
        %get3A_726 = vector.shape_cast %get3A_725 : vector<1x16xf32> to vector<16xf32>
        %add3A_727 = arith.addf %add3A_713, %get3A_726 : vector<16xf32>
        %add3A_728 = arith.constant 2 : i32
        %add3A_729 = arith.addi %add3A_692, %add3A_728 : i32
        %get3A_730 = arith.index_cast %add3A_729 : i32 to index
        %get3A_731 = arith.constant 16 : index
        %get3A_732 = tpu.vector_load %arg8[%get3A_730, %get3A_731] {strides = array<i32>} : memref<1664x32xf32, #tpu.memory_space<vmem>>, vector<1x16xf32>,
        %get3A_733 = vector.shape_cast %get3A_732 : vector<1x16xf32> to vector<16xf32>
        %add3A_734 = arith.addf %add3A_720, %get3A_733 : vector<16xf32>
        %add3A_735 = arith.constant 3 : i32
        %add3A_736 = arith.addi %add3A_692, %add3A_735 : i32
        %get3A_737 = arith.index_cast %add3A_736 : i32 to index
        %get3A_738 = arith.constant 0 : index
        %get3A_739 = tpu.vector_load %arg8[%get3A_737, %get3A_738] {strides = array<i32>} : memref<1664x32xf32, #tpu.memory_space<vmem>>, vector<1x16xf32>,
        %get3A_740 = vector.shape_cast %get3A_739 : vector<1x16xf32> to vector<16xf32>
        %add3A_741 = arith.addf %add3A_727, %get3A_740 : vector<16xf32>
        %add3A_742 = arith.constant 3 : i32
        %add3A_743 = arith.addi %add3A_692, %add3A_742 : i32
        %get3A_744 = arith.index_cast %add3A_743 : i32 to index
        %get3A_745 = arith.constant 16 : index
        %get3A_746 = tpu.vector_load %arg8[%get3A_744, %get3A_745] {strides = array<i32>} : memref<1664x32xf32, #tpu.memory_space<vmem>>, vector<1x16xf32>,
        %get3A_747 = vector.shape_cast %get3A_746 : vector<1x16xf32> to vector<16xf32>
        %add3A_748 = arith.addf %add3A_734, %get3A_747 : vector<16xf32>
        %add3A_749 = arith.constant 4 : i32
        %add3A_750 = arith.addi %add3A_692, %add3A_749 : i32
        %get3A_751 = arith.index_cast %add3A_750 : i32 to index
        %get3A_752 = arith.constant 0 : index
        %get3A_753 = tpu.vector_load %arg8[%get3A_751, %get3A_752] {strides = array<i32>} : memref<1664x32xf32, #tpu.memory_space<vmem>>, vector<1x16xf32>,
        %get3A_754 = vector.shape_cast %get3A_753 : vector<1x16xf32> to vector<16xf32>
        %add3A_755 = arith.addf %add3A_741, %get3A_754 : vector<16xf32>
        %add3A_756 = arith.constant 4 : i32
        %add3A_757 = arith.addi %add3A_692, %add3A_756 : i32
        %get3A_758 = arith.index_cast %add3A_757 : i32 to index
        %get3A_759 = arith.constant 16 : index
        %get3A_760 = tpu.vector_load %arg8[%get3A_758, %get3A_759] {strides = array<i32>} : memref<1664x32xf32, #tpu.memory_space<vmem>>, vector<1x16xf32>,
        %get3A_761 = vector.shape_cast %get3A_760 : vector<1x16xf32> to vector<16xf32>
        %add3A_762 = arith.addf %add3A_748, %get3A_761 : vector<16xf32>
        %add3A_763 = arith.constant 5 : i32
        %add3A_764 = arith.addi %add3A_692, %add3A_763 : i32
        %get3A_765 = arith.index_cast %add3A_764 : i32 to index
        %get3A_766 = arith.constant 0 : index
        %get3A_767 = tpu.vector_load %arg8[%get3A_765, %get3A_766] {strides = array<i32>} : memref<1664x32xf32, #tpu.memory_space<vmem>>, vector<1x16xf32>,
        %get3A_768 = vector.shape_cast %get3A_767 : vector<1x16xf32> to vector<16xf32>
        %add3A_769 = arith.addf %add3A_755, %get3A_768 : vector<16xf32>
        %add3A_770 = arith.constant 5 : i32
        %add3A_771 = arith.addi %add3A_692, %add3A_770 : i32
        %get3A_772 = arith.index_cast %add3A_771 : i32 to index
        %get3A_773 = arith.constant 16 : index
        %get3A_774 = tpu.vector_load %arg8[%get3A_772, %get3A_773] {strides = array<i32>} : memref<1664x32xf32, #tpu.memory_space<vmem>>, vector<1x16xf32>,
        %get3A_775 = vector.shape_cast %get3A_774 : vector<1x16xf32> to vector<16xf32>
        %add3A_776 = arith.addf %add3A_762, %get3A_775 : vector<16xf32>
        %add3A_777 = arith.constant 6 : i32
        %add3A_778 = arith.addi %add3A_692, %add3A_777 : i32
        %get3A_779 = arith.index_cast %add3A_778 : i32 to index
        %get3A_780 = arith.constant 0 : index
        %get3A_781 = tpu.vector_load %arg8[%get3A_779, %get3A_780] {strides = array<i32>} : memref<1664x32xf32, #tpu.memory_space<vmem>>, vector<1x16xf32>,
        %get3A_782 = vector.shape_cast %get3A_781 : vector<1x16xf32> to vector<16xf32>
        %add3A_783 = arith.addf %add3A_769, %get3A_782 : vector<16xf32>
        %add3A_784 = arith.constant 6 : i32
        %add3A_785 = arith.addi %add3A_692, %add3A_784 : i32
        %get3A_786 = arith.index_cast %add3A_785 : i32 to index
        %get3A_787 = arith.constant 16 : index
        %get3A_788 = tpu.vector_load %arg8[%get3A_786, %get3A_787] {strides = array<i32>} : memref<1664x32xf32, #tpu.memory_space<vmem>>, vector<1x16xf32>,
        %get3A_789 = vector.shape_cast %get3A_788 : vector<1x16xf32> to vector<16xf32>
        %add3A_790 = arith.addf %add3A_776, %get3A_789 : vector<16xf32>
        %add3A_791 = arith.constant 7 : i32
        %add3A_792 = arith.addi %add3A_692, %add3A_791 : i32
        %get3A_793 = arith.index_cast %add3A_792 : i32 to index
        %get3A_794 = arith.constant 0 : index
        %get3A_795 = tpu.vector_load %arg8[%get3A_793, %get3A_794] {strides = array<i32>} : memref<1664x32xf32, #tpu.memory_space<vmem>>, vector<1x16xf32>,
        %get3A_796 = vector.shape_cast %get3A_795 : vector<1x16xf32> to vector<16xf32>
        %add3A_797 = arith.addf %add3A_783, %get3A_796 : vector<16xf32>
        %add3A_798 = arith.constant 7 : i32
        %add3A_799 = arith.addi %add3A_692, %add3A_798 : i32
        %get3A_800 = arith.index_cast %add3A_799 : i32 to index
        %get3A_801 = arith.constant 16 : index
        %get3A_802 = tpu.vector_load %arg8[%get3A_800, %get3A_801] {strides = array<i32>} : memref<1664x32xf32, #tpu.memory_space<vmem>>, vector<1x16xf32>,
        %get3A_803 = vector.shape_cast %get3A_802 : vector<1x16xf32> to vector<16xf32>
        %add3A_804 = arith.addf %add3A_790, %get3A_803 : vector<16xf32>
        %add3A_805 = arith.constant 400 : i32
        %add3A_806 = arith.addi %add3A_805, %mul3A_577 : i32
        %add3A_807 = arith.constant 0 : i32
        %add3A_808 = arith.addi %add3A_806, %add3A_807 : i32
        %get3A_809 = arith.index_cast %add3A_808 : i32 to index
        %get3A_810 = arith.constant 0 : index
        %get3A_811 = tpu.vector_load %arg8[%get3A_809, %get3A_810] {strides = array<i32>} : memref<1664x32xf32, #tpu.memory_space<vmem>>, vector<1x16xf32>,
        %get3A_812 = vector.shape_cast %get3A_811 : vector<1x16xf32> to vector<16xf32>
        %add3A_813 = arith.addf %scan3A_564, %get3A_812 : vector<16xf32>
        %add3A_814 = arith.constant 0 : i32
        %add3A_815 = arith.addi %add3A_806, %add3A_814 : i32
        %get3A_816 = arith.index_cast %add3A_815 : i32 to index
        %get3A_817 = arith.constant 16 : index
        %get3A_818 = tpu.vector_load %arg8[%get3A_816, %get3A_817] {strides = array<i32>} : memref<1664x32xf32, #tpu.memory_space<vmem>>, vector<1x16xf32>,
        %get3A_819 = vector.shape_cast %get3A_818 : vector<1x16xf32> to vector<16xf32>
        %add3A_820 = arith.addf %scan3A_565, %get3A_819 : vector<16xf32>
        %add3A_821 = arith.constant 1 : i32
        %add3A_822 = arith.addi %add3A_806, %add3A_821 : i32
        %get3A_823 = arith.index_cast %add3A_822 : i32 to index
        %get3A_824 = arith.constant 0 : index
        %get3A_825 = tpu.vector_load %arg8[%get3A_823, %get3A_824] {strides = array<i32>} : memref<1664x32xf32, #tpu.memory_space<vmem>>, vector<1x16xf32>,
        %get3A_826 = vector.shape_cast %get3A_825 : vector<1x16xf32> to vector<16xf32>
        %add3A_827 = arith.addf %add3A_813, %get3A_826 : vector<16xf32>
        %add3A_828 = arith.constant 1 : i32
        %add3A_829 = arith.addi %add3A_806, %add3A_828 : i32
        %get3A_830 = arith.index_cast %add3A_829 : i32 to index
        %get3A_831 = arith.constant 16 : index
        %get3A_832 = tpu.vector_load %arg8[%get3A_830, %get3A_831] {strides = array<i32>} : memref<1664x32xf32, #tpu.memory_space<vmem>>, vector<1x16xf32>,
        %get3A_833 = vector.shape_cast %get3A_832 : vector<1x16xf32> to vector<16xf32>
        %add3A_834 = arith.addf %add3A_820, %get3A_833 : vector<16xf32>
        %add3A_835 = arith.constant 2 : i32
        %add3A_836 = arith.addi %add3A_806, %add3A_835 : i32
        %get3A_837 = arith.index_cast %add3A_836 : i32 to index
        %get3A_838 = arith.constant 0 : index
        %get3A_839 = tpu.vector_load %arg8[%get3A_837, %get3A_838] {strides = array<i32>} : memref<1664x32xf32, #tpu.memory_space<vmem>>, vector<1x16xf32>,
        %get3A_840 = vector.shape_cast %get3A_839 : vector<1x16xf32> to vector<16xf32>
        %add3A_841 = arith.addf %add3A_827, %get3A_840 : vector<16xf32>
        %add3A_842 = arith.constant 2 : i32
        %add3A_843 = arith.addi %add3A_806, %add3A_842 : i32
        %get3A_844 = arith.index_cast %add3A_843 : i32 to index
        %get3A_845 = arith.constant 16 : index
        %get3A_846 = tpu.vector_load %arg8[%get3A_844, %get3A_845] {strides = array<i32>} : memref<1664x32xf32, #tpu.memory_space<vmem>>, vector<1x16xf32>,
        %get3A_847 = vector.shape_cast %get3A_846 : vector<1x16xf32> to vector<16xf32>
        %add3A_848 = arith.addf %add3A_834, %get3A_847 : vector<16xf32>
        %add3A_849 = arith.constant 3 : i32
        %add3A_850 = arith.addi %add3A_806, %add3A_849 : i32
        %get3A_851 = arith.index_cast %add3A_850 : i32 to index
        %get3A_852 = arith.constant 0 : index
        %get3A_853 = tpu.vector_load %arg8[%get3A_851, %get3A_852] {strides = array<i32>} : memref<1664x32xf32, #tpu.memory_space<vmem>>, vector<1x16xf32>,
        %get3A_854 = vector.shape_cast %get3A_853 : vector<1x16xf32> to vector<16xf32>
        %add3A_855 = arith.addf %add3A_841, %get3A_854 : vector<16xf32>
        %add3A_856 = arith.constant 3 : i32
        %add3A_857 = arith.addi %add3A_806, %add3A_856 : i32
        %get3A_858 = arith.index_cast %add3A_857 : i32 to index
        %get3A_859 = arith.constant 16 : index
        %get3A_860 = tpu.vector_load %arg8[%get3A_858, %get3A_859] {strides = array<i32>} : memref<1664x32xf32, #tpu.memory_space<vmem>>, vector<1x16xf32>,
        %get3A_861 = vector.shape_cast %get3A_860 : vector<1x16xf32> to vector<16xf32>
        %add3A_862 = arith.addf %add3A_848, %get3A_861 : vector<16xf32>
        %add3A_863 = arith.constant 4 : i32
        %add3A_864 = arith.addi %add3A_806, %add3A_863 : i32
        %get3A_865 = arith.index_cast %add3A_864 : i32 to index
        %get3A_866 = arith.constant 0 : index
        %get3A_867 = tpu.vector_load %arg8[%get3A_865, %get3A_866] {strides = array<i32>} : memref<1664x32xf32, #tpu.memory_space<vmem>>, vector<1x16xf32>,
        %get3A_868 = vector.shape_cast %get3A_867 : vector<1x16xf32> to vector<16xf32>
        %add3A_869 = arith.addf %add3A_855, %get3A_868 : vector<16xf32>
        %add3A_870 = arith.constant 4 : i32
        %add3A_871 = arith.addi %add3A_806, %add3A_870 : i32
        %get3A_872 = arith.index_cast %add3A_871 : i32 to index
        %get3A_873 = arith.constant 16 : index
        %get3A_874 = tpu.vector_load %arg8[%get3A_872, %get3A_873] {strides = array<i32>} : memref<1664x32xf32, #tpu.memory_space<vmem>>, vector<1x16xf32>,
        %get3A_875 = vector.shape_cast %get3A_874 : vector<1x16xf32> to vector<16xf32>
        %add3A_876 = arith.addf %add3A_862, %get3A_875 : vector<16xf32>
        %add3A_877 = arith.constant 5 : i32
        %add3A_878 = arith.addi %add3A_806, %add3A_877 : i32
        %get3A_879 = arith.index_cast %add3A_878 : i32 to index
        %get3A_880 = arith.constant 0 : index
        %get3A_881 = tpu.vector_load %arg8[%get3A_879, %get3A_880] {strides = array<i32>} : memref<1664x32xf32, #tpu.memory_space<vmem>>, vector<1x16xf32>,
        %get3A_882 = vector.shape_cast %get3A_881 : vector<1x16xf32> to vector<16xf32>
        %add3A_883 = arith.addf %add3A_869, %get3A_882 : vector<16xf32>
        %add3A_884 = arith.constant 5 : i32
        %add3A_885 = arith.addi %add3A_806, %add3A_884 : i32
        %get3A_886 = arith.index_cast %add3A_885 : i32 to index
        %get3A_887 = arith.constant 16 : index
        %get3A_888 = tpu.vector_load %arg8[%get3A_886, %get3A_887] {strides = array<i32>} : memref<1664x32xf32, #tpu.memory_space<vmem>>, vector<1x16xf32>,
        %get3A_889 = vector.shape_cast %get3A_888 : vector<1x16xf32> to vector<16xf32>
        %add3A_890 = arith.addf %add3A_876, %get3A_889 : vector<16xf32>
        %add3A_891 = arith.constant 6 : i32
        %add3A_892 = arith.addi %add3A_806, %add3A_891 : i32
        %get3A_893 = arith.index_cast %add3A_892 : i32 to index
        %get3A_894 = arith.constant 0 : index
        %get3A_895 = tpu.vector_load %arg8[%get3A_893, %get3A_894] {strides = array<i32>} : memref<1664x32xf32, #tpu.memory_space<vmem>>, vector<1x16xf32>,
        %get3A_896 = vector.shape_cast %get3A_895 : vector<1x16xf32> to vector<16xf32>
        %add3A_897 = arith.addf %add3A_883, %get3A_896 : vector<16xf32>
        %add3A_898 = arith.constant 6 : i32
        %add3A_899 = arith.addi %add3A_806, %add3A_898 : i32
        %get3A_900 = arith.index_cast %add3A_899 : i32 to index
        %get3A_901 = arith.constant 16 : index
        %get3A_902 = tpu.vector_load %arg8[%get3A_900, %get3A_901] {strides = array<i32>} : memref<1664x32xf32, #tpu.memory_space<vmem>>, vector<1x16xf32>,
        %get3A_903 = vector.shape_cast %get3A_902 : vector<1x16xf32> to vector<16xf32>
        %add3A_904 = arith.addf %add3A_890, %get3A_903 : vector<16xf32>
        %add3A_905 = arith.constant 7 : i32
        %add3A_906 = arith.addi %add3A_806, %add3A_905 : i32
        %get3A_907 = arith.index_cast %add3A_906 : i32 to index
        %get3A_908 = arith.constant 0 : index
        %get3A_909 = tpu.vector_load %arg8[%get3A_907, %get3A_908] {strides = array<i32>} : memref<1664x32xf32, #tpu.memory_space<vmem>>, vector<1x16xf32>,
        %get3A_910 = vector.shape_cast %get3A_909 : vector<1x16xf32> to vector<16xf32>
        %add3A_911 = arith.addf %add3A_897, %get3A_910 : vector<16xf32>
        %add3A_912 = arith.constant 7 : i32
        %add3A_913 = arith.addi %add3A_806, %add3A_912 : i32
        %get3A_914 = arith.index_cast %add3A_913 : i32 to index
        %get3A_915 = arith.constant 16 : index
        %get3A_916 = tpu.vector_load %arg8[%get3A_914, %get3A_915] {strides = array<i32>} : memref<1664x32xf32, #tpu.memory_space<vmem>>, vector<1x16xf32>,
        %get3A_917 = vector.shape_cast %get3A_916 : vector<1x16xf32> to vector<16xf32>
        %add3A_918 = arith.addf %add3A_904, %get3A_917 : vector<16xf32>
        %add3A_919 = arith.constant 600 : i32
        %add3A_920 = arith.addi %add3A_919, %mul3A_577 : i32
        %add3A_921 = arith.constant 0 : i32
        %add3A_922 = arith.addi %add3A_920, %add3A_921 : i32
        %get3A_923 = arith.index_cast %add3A_922 : i32 to index
        %get3A_924 = arith.constant 0 : index
        %get3A_925 = tpu.vector_load %arg8[%get3A_923, %get3A_924] {strides = array<i32>} : memref<1664x32xf32, #tpu.memory_space<vmem>>, vector<1x16xf32>,
        %get3A_926 = vector.shape_cast %get3A_925 : vector<1x16xf32> to vector<16xf32>
        %add3A_927 = arith.addf %scan3A_566, %get3A_926 : vector<16xf32>
        %add3A_928 = arith.constant 0 : i32
        %add3A_929 = arith.addi %add3A_920, %add3A_928 : i32
        %get3A_930 = arith.index_cast %add3A_929 : i32 to index
        %get3A_931 = arith.constant 16 : index
        %get3A_932 = tpu.vector_load %arg8[%get3A_930, %get3A_931] {strides = array<i32>} : memref<1664x32xf32, #tpu.memory_space<vmem>>, vector<1x16xf32>,
        %get3A_933 = vector.shape_cast %get3A_932 : vector<1x16xf32> to vector<16xf32>
        %add3A_934 = arith.addf %scan3A_567, %get3A_933 : vector<16xf32>
        %add3A_935 = arith.constant 1 : i32
        %add3A_936 = arith.addi %add3A_920, %add3A_935 : i32
        %get3A_937 = arith.index_cast %add3A_936 : i32 to index
        %get3A_938 = arith.constant 0 : index
        %get3A_939 = tpu.vector_load %arg8[%get3A_937, %get3A_938] {strides = array<i32>} : memref<1664x32xf32, #tpu.memory_space<vmem>>, vector<1x16xf32>,
        %get3A_940 = vector.shape_cast %get3A_939 : vector<1x16xf32> to vector<16xf32>
        %add3A_941 = arith.addf %add3A_927, %get3A_940 : vector<16xf32>
        %add3A_942 = arith.constant 1 : i32
        %add3A_943 = arith.addi %add3A_920, %add3A_942 : i32
        %get3A_944 = arith.index_cast %add3A_943 : i32 to index
        %get3A_945 = arith.constant 16 : index
        %get3A_946 = tpu.vector_load %arg8[%get3A_944, %get3A_945] {strides = array<i32>} : memref<1664x32xf32, #tpu.memory_space<vmem>>, vector<1x16xf32>,
        %get3A_947 = vector.shape_cast %get3A_946 : vector<1x16xf32> to vector<16xf32>
        %add3A_948 = arith.addf %add3A_934, %get3A_947 : vector<16xf32>
        %add3A_949 = arith.constant 2 : i32
        %add3A_950 = arith.addi %add3A_920, %add3A_949 : i32
        %get3A_951 = arith.index_cast %add3A_950 : i32 to index
        %get3A_952 = arith.constant 0 : index
        %get3A_953 = tpu.vector_load %arg8[%get3A_951, %get3A_952] {strides = array<i32>} : memref<1664x32xf32, #tpu.memory_space<vmem>>, vector<1x16xf32>,
        %get3A_954 = vector.shape_cast %get3A_953 : vector<1x16xf32> to vector<16xf32>
        %add3A_955 = arith.addf %add3A_941, %get3A_954 : vector<16xf32>
        %add3A_956 = arith.constant 2 : i32
        %add3A_957 = arith.addi %add3A_920, %add3A_956 : i32
        %get3A_958 = arith.index_cast %add3A_957 : i32 to index
        %get3A_959 = arith.constant 16 : index
        %get3A_960 = tpu.vector_load %arg8[%get3A_958, %get3A_959] {strides = array<i32>} : memref<1664x32xf32, #tpu.memory_space<vmem>>, vector<1x16xf32>,
        %get3A_961 = vector.shape_cast %get3A_960 : vector<1x16xf32> to vector<16xf32>
        %add3A_962 = arith.addf %add3A_948, %get3A_961 : vector<16xf32>
        %add3A_963 = arith.constant 3 : i32
        %add3A_964 = arith.addi %add3A_920, %add3A_963 : i32
        %get3A_965 = arith.index_cast %add3A_964 : i32 to index
        %get3A_966 = arith.constant 0 : index
        %get3A_967 = tpu.vector_load %arg8[%get3A_965, %get3A_966] {strides = array<i32>} : memref<1664x32xf32, #tpu.memory_space<vmem>>, vector<1x16xf32>,
        %get3A_968 = vector.shape_cast %get3A_967 : vector<1x16xf32> to vector<16xf32>
        %add3A_969 = arith.addf %add3A_955, %get3A_968 : vector<16xf32>
        %add3A_970 = arith.constant 3 : i32
        %add3A_971 = arith.addi %add3A_920, %add3A_970 : i32
        %get3A_972 = arith.index_cast %add3A_971 : i32 to index
        %get3A_973 = arith.constant 16 : index
        %get3A_974 = tpu.vector_load %arg8[%get3A_972, %get3A_973] {strides = array<i32>} : memref<1664x32xf32, #tpu.memory_space<vmem>>, vector<1x16xf32>,
        %get3A_975 = vector.shape_cast %get3A_974 : vector<1x16xf32> to vector<16xf32>
        %add3A_976 = arith.addf %add3A_962, %get3A_975 : vector<16xf32>
        %add3A_977 = arith.constant 4 : i32
        %add3A_978 = arith.addi %add3A_920, %add3A_977 : i32
        %get3A_979 = arith.index_cast %add3A_978 : i32 to index
        %get3A_980 = arith.constant 0 : index
        %get3A_981 = tpu.vector_load %arg8[%get3A_979, %get3A_980] {strides = array<i32>} : memref<1664x32xf32, #tpu.memory_space<vmem>>, vector<1x16xf32>,
        %get3A_982 = vector.shape_cast %get3A_981 : vector<1x16xf32> to vector<16xf32>
        %add3A_983 = arith.addf %add3A_969, %get3A_982 : vector<16xf32>
        %add3A_984 = arith.constant 4 : i32
        %add3A_985 = arith.addi %add3A_920, %add3A_984 : i32
        %get3A_986 = arith.index_cast %add3A_985 : i32 to index
        %get3A_987 = arith.constant 16 : index
        %get3A_988 = tpu.vector_load %arg8[%get3A_986, %get3A_987] {strides = array<i32>} : memref<1664x32xf32, #tpu.memory_space<vmem>>, vector<1x16xf32>,
        %get3A_989 = vector.shape_cast %get3A_988 : vector<1x16xf32> to vector<16xf32>
        %add3A_990 = arith.addf %add3A_976, %get3A_989 : vector<16xf32>
        %add3A_991 = arith.constant 5 : i32
        %add3A_992 = arith.addi %add3A_920, %add3A_991 : i32
        %get3A_993 = arith.index_cast %add3A_992 : i32 to index
        %get3A_994 = arith.constant 0 : index
        %get3A_995 = tpu.vector_load %arg8[%get3A_993, %get3A_994] {strides = array<i32>} : memref<1664x32xf32, #tpu.memory_space<vmem>>, vector<1x16xf32>,
        %get3A_996 = vector.shape_cast %get3A_995 : vector<1x16xf32> to vector<16xf32>
        %add3A_997 = arith.addf %add3A_983, %get3A_996 : vector<16xf32>
        %add3A_998 = arith.constant 5 : i32
        %add3A_999 = arith.addi %add3A_920, %add3A_998 : i32
        %get3A_1000 = arith.index_cast %add3A_999 : i32 to index
        %get3A_1001 = arith.constant 16 : index
        %get3A_1002 = tpu.vector_load %arg8[%get3A_1000, %get3A_1001] {strides = array<i32>} : memref<1664x32xf32, #tpu.memory_space<vmem>>, vector<1x16xf32>,
        %get3A_1003 = vector.shape_cast %get3A_1002 : vector<1x16xf32> to vector<16xf32>
        %add3A_1004 = arith.addf %add3A_990, %get3A_1003 : vector<16xf32>
        %add3A_1005 = arith.constant 6 : i32
        %add3A_1006 = arith.addi %add3A_920, %add3A_1005 : i32
        %get3A_1007 = arith.index_cast %add3A_1006 : i32 to index
        %get3A_1008 = arith.constant 0 : index
        %get3A_1009 = tpu.vector_load %arg8[%get3A_1007, %get3A_1008] {strides = array<i32>} : memref<1664x32xf32, #tpu.memory_space<vmem>>, vector<1x16xf32>,
        %get3A_1010 = vector.shape_cast %get3A_1009 : vector<1x16xf32> to vector<16xf32>
        %add3A_1011 = arith.addf %add3A_997, %get3A_1010 : vector<16xf32>
        %add3A_1012 = arith.constant 6 : i32
        %add3A_1013 = arith.addi %add3A_920, %add3A_1012 : i32
        %get3A_1014 = arith.index_cast %add3A_1013 : i32 to index
        %get3A_1015 = arith.constant 16 : index
        %get3A_1016 = tpu.vector_load %arg8[%get3A_1014, %get3A_1015] {strides = array<i32>} : memref<1664x32xf32, #tpu.memory_space<vmem>>, vector<1x16xf32>,
        %get3A_1017 = vector.shape_cast %get3A_1016 : vector<1x16xf32> to vector<16xf32>
        %add3A_1018 = arith.addf %add3A_1004, %get3A_1017 : vector<16xf32>
        %add3A_1019 = arith.constant 7 : i32
        %add3A_1020 = arith.addi %add3A_920, %add3A_1019 : i32
        %get3A_1021 = arith.index_cast %add3A_1020 : i32 to index
        %get3A_1022 = arith.constant 0 : index
        %get3A_1023 = tpu.vector_load %arg8[%get3A_1021, %get3A_1022] {strides = array<i32>} : memref<1664x32xf32, #tpu.memory_space<vmem>>, vector<1x16xf32>,
        %get3A_1024 = vector.shape_cast %get3A_1023 : vector<1x16xf32> to vector<16xf32>
        %add3A_1025 = arith.addf %add3A_1011, %get3A_1024 : vector<16xf32>
        %add3A_1026 = arith.constant 7 : i32
        %add3A_1027 = arith.addi %add3A_920, %add3A_1026 : i32
        %get3A_1028 = arith.index_cast %add3A_1027 : i32 to index
        %get3A_1029 = arith.constant 16 : index
        %get3A_1030 = tpu.vector_load %arg8[%get3A_1028, %get3A_1029] {strides = array<i32>} : memref<1664x32xf32, #tpu.memory_space<vmem>>, vector<1x16xf32>,
        %get3A_1031 = vector.shape_cast %get3A_1030 : vector<1x16xf32> to vector<16xf32>
        %add3A_1032 = arith.addf %add3A_1018, %get3A_1031 : vector<16xf32>
        %add3A_1033 = arith.constant 800 : i32
        %add3A_1034 = arith.addi %add3A_1033, %mul3A_577 : i32
        %add3A_1035 = arith.constant 0 : i32
        %add3A_1036 = arith.addi %add3A_1034, %add3A_1035 : i32
        %get3A_1037 = arith.index_cast %add3A_1036 : i32 to index
        %get3A_1038 = arith.constant 0 : index
        %get3A_1039 = tpu.vector_load %arg8[%get3A_1037, %get3A_1038] {strides = array<i32>} : memref<1664x32xf32, #tpu.memory_space<vmem>>, vector<1x16xf32>,
        %get3A_1040 = vector.shape_cast %get3A_1039 : vector<1x16xf32> to vector<16xf32>
        %add3A_1041 = arith.addf %scan3A_568, %get3A_1040 : vector<16xf32>
        %add3A_1042 = arith.constant 0 : i32
        %add3A_1043 = arith.addi %add3A_1034, %add3A_1042 : i32
        %get3A_1044 = arith.index_cast %add3A_1043 : i32 to index
        %get3A_1045 = arith.constant 16 : index
        %get3A_1046 = tpu.vector_load %arg8[%get3A_1044, %get3A_1045] {strides = array<i32>} : memref<1664x32xf32, #tpu.memory_space<vmem>>, vector<1x16xf32>,
        %get3A_1047 = vector.shape_cast %get3A_1046 : vector<1x16xf32> to vector<16xf32>
        %add3A_1048 = arith.addf %scan3A_569, %get3A_1047 : vector<16xf32>
        %add3A_1049 = arith.constant 1 : i32
        %add3A_1050 = arith.addi %add3A_1034, %add3A_1049 : i32
        %get3A_1051 = arith.index_cast %add3A_1050 : i32 to index
        %get3A_1052 = arith.constant 0 : index
        %get3A_1053 = tpu.vector_load %arg8[%get3A_1051, %get3A_1052] {strides = array<i32>} : memref<1664x32xf32, #tpu.memory_space<vmem>>, vector<1x16xf32>,
        %get3A_1054 = vector.shape_cast %get3A_1053 : vector<1x16xf32> to vector<16xf32>
        %add3A_1055 = arith.addf %add3A_1041, %get3A_1054 : vector<16xf32>
        %add3A_1056 = arith.constant 1 : i32
        %add3A_1057 = arith.addi %add3A_1034, %add3A_1056 : i32
        %get3A_1058 = arith.index_cast %add3A_1057 : i32 to index
        %get3A_1059 = arith.constant 16 : index
        %get3A_1060 = tpu.vector_load %arg8[%get3A_1058, %get3A_1059] {strides = array<i32>} : memref<1664x32xf32, #tpu.memory_space<vmem>>, vector<1x16xf32>,
        %get3A_1061 = vector.shape_cast %get3A_1060 : vector<1x16xf32> to vector<16xf32>
        %add3A_1062 = arith.addf %add3A_1048, %get3A_1061 : vector<16xf32>
        %add3A_1063 = arith.constant 2 : i32
        %add3A_1064 = arith.addi %add3A_1034, %add3A_1063 : i32
        %get3A_1065 = arith.index_cast %add3A_1064 : i32 to index
        %get3A_1066 = arith.constant 0 : index
        %get3A_1067 = tpu.vector_load %arg8[%get3A_1065, %get3A_1066] {strides = array<i32>} : memref<1664x32xf32, #tpu.memory_space<vmem>>, vector<1x16xf32>,
        %get3A_1068 = vector.shape_cast %get3A_1067 : vector<1x16xf32> to vector<16xf32>
        %add3A_1069 = arith.addf %add3A_1055, %get3A_1068 : vector<16xf32>
        %add3A_1070 = arith.constant 2 : i32
        %add3A_1071 = arith.addi %add3A_1034, %add3A_1070 : i32
        %get3A_1072 = arith.index_cast %add3A_1071 : i32 to index
        %get3A_1073 = arith.constant 16 : index
        %get3A_1074 = tpu.vector_load %arg8[%get3A_1072, %get3A_1073] {strides = array<i32>} : memref<1664x32xf32, #tpu.memory_space<vmem>>, vector<1x16xf32>,
        %get3A_1075 = vector.shape_cast %get3A_1074 : vector<1x16xf32> to vector<16xf32>
        %add3A_1076 = arith.addf %add3A_1062, %get3A_1075 : vector<16xf32>
        %add3A_1077 = arith.constant 3 : i32
        %add3A_1078 = arith.addi %add3A_1034, %add3A_1077 : i32
        %get3A_1079 = arith.index_cast %add3A_1078 : i32 to index
        %get3A_1080 = arith.constant 0 : index
        %get3A_1081 = tpu.vector_load %arg8[%get3A_1079, %get3A_1080] {strides = array<i32>} : memref<1664x32xf32, #tpu.memory_space<vmem>>, vector<1x16xf32>,
        %get3A_1082 = vector.shape_cast %get3A_1081 : vector<1x16xf32> to vector<16xf32>
        %add3A_1083 = arith.addf %add3A_1069, %get3A_1082 : vector<16xf32>
        %add3A_1084 = arith.constant 3 : i32
        %add3A_1085 = arith.addi %add3A_1034, %add3A_1084 : i32
        %get3A_1086 = arith.index_cast %add3A_1085 : i32 to index
        %get3A_1087 = arith.constant 16 : index
        %get3A_1088 = tpu.vector_load %arg8[%get3A_1086, %get3A_1087] {strides = array<i32>} : memref<1664x32xf32, #tpu.memory_space<vmem>>, vector<1x16xf32>,
        %get3A_1089 = vector.shape_cast %get3A_1088 : vector<1x16xf32> to vector<16xf32>
        %add3A_1090 = arith.addf %add3A_1076, %get3A_1089 : vector<16xf32>
        %add3A_1091 = arith.constant 4 : i32
        %add3A_1092 = arith.addi %add3A_1034, %add3A_1091 : i32
        %get3A_1093 = arith.index_cast %add3A_1092 : i32 to index
        %get3A_1094 = arith.constant 0 : index
        %get3A_1095 = tpu.vector_load %arg8[%get3A_1093, %get3A_1094] {strides = array<i32>} : memref<1664x32xf32, #tpu.memory_space<vmem>>, vector<1x16xf32>,
        %get3A_1096 = vector.shape_cast %get3A_1095 : vector<1x16xf32> to vector<16xf32>
        %add3A_1097 = arith.addf %add3A_1083, %get3A_1096 : vector<16xf32>
        %add3A_1098 = arith.constant 4 : i32
        %add3A_1099 = arith.addi %add3A_1034, %add3A_1098 : i32
        %get3A_1100 = arith.index_cast %add3A_1099 : i32 to index
        %get3A_1101 = arith.constant 16 : index
        %get3A_1102 = tpu.vector_load %arg8[%get3A_1100, %get3A_1101] {strides = array<i32>} : memref<1664x32xf32, #tpu.memory_space<vmem>>, vector<1x16xf32>,
        %get3A_1103 = vector.shape_cast %get3A_1102 : vector<1x16xf32> to vector<16xf32>
        %add3A_1104 = arith.addf %add3A_1090, %get3A_1103 : vector<16xf32>
        %add3A_1105 = arith.constant 5 : i32
        %add3A_1106 = arith.addi %add3A_1034, %add3A_1105 : i32
        %get3A_1107 = arith.index_cast %add3A_1106 : i32 to index
        %get3A_1108 = arith.constant 0 : index
        %get3A_1109 = tpu.vector_load %arg8[%get3A_1107, %get3A_1108] {strides = array<i32>} : memref<1664x32xf32, #tpu.memory_space<vmem>>, vector<1x16xf32>,
        %get3A_1110 = vector.shape_cast %get3A_1109 : vector<1x16xf32> to vector<16xf32>
        %add3A_1111 = arith.addf %add3A_1097, %get3A_1110 : vector<16xf32>
        %add3A_1112 = arith.constant 5 : i32
        %add3A_1113 = arith.addi %add3A_1034, %add3A_1112 : i32
        %get3A_1114 = arith.index_cast %add3A_1113 : i32 to index
        %get3A_1115 = arith.constant 16 : index
        %get3A_1116 = tpu.vector_load %arg8[%get3A_1114, %get3A_1115] {strides = array<i32>} : memref<1664x32xf32, #tpu.memory_space<vmem>>, vector<1x16xf32>,
        %get3A_1117 = vector.shape_cast %get3A_1116 : vector<1x16xf32> to vector<16xf32>
        %add3A_1118 = arith.addf %add3A_1104, %get3A_1117 : vector<16xf32>
        %add3A_1119 = arith.constant 6 : i32
        %add3A_1120 = arith.addi %add3A_1034, %add3A_1119 : i32
        %get3A_1121 = arith.index_cast %add3A_1120 : i32 to index
        %get3A_1122 = arith.constant 0 : index
        %get3A_1123 = tpu.vector_load %arg8[%get3A_1121, %get3A_1122] {strides = array<i32>} : memref<1664x32xf32, #tpu.memory_space<vmem>>, vector<1x16xf32>,
        %get3A_1124 = vector.shape_cast %get3A_1123 : vector<1x16xf32> to vector<16xf32>
        %add3A_1125 = arith.addf %add3A_1111, %get3A_1124 : vector<16xf32>
        %add3A_1126 = arith.constant 6 : i32
        %add3A_1127 = arith.addi %add3A_1034, %add3A_1126 : i32
        %get3A_1128 = arith.index_cast %add3A_1127 : i32 to index
        %get3A_1129 = arith.constant 16 : index
        %get3A_1130 = tpu.vector_load %arg8[%get3A_1128, %get3A_1129] {strides = array<i32>} : memref<1664x32xf32, #tpu.memory_space<vmem>>, vector<1x16xf32>,
        %get3A_1131 = vector.shape_cast %get3A_1130 : vector<1x16xf32> to vector<16xf32>
        %add3A_1132 = arith.addf %add3A_1118, %get3A_1131 : vector<16xf32>
        %add3A_1133 = arith.constant 7 : i32
        %add3A_1134 = arith.addi %add3A_1034, %add3A_1133 : i32
        %get3A_1135 = arith.index_cast %add3A_1134 : i32 to index
        %get3A_1136 = arith.constant 0 : index
        %get3A_1137 = tpu.vector_load %arg8[%get3A_1135, %get3A_1136] {strides = array<i32>} : memref<1664x32xf32, #tpu.memory_space<vmem>>, vector<1x16xf32>,
        %get3A_1138 = vector.shape_cast %get3A_1137 : vector<1x16xf32> to vector<16xf32>
        %add3A_1139 = arith.addf %add3A_1125, %get3A_1138 : vector<16xf32>
        %add3A_1140 = arith.constant 7 : i32
        %add3A_1141 = arith.addi %add3A_1034, %add3A_1140 : i32
        %get3A_1142 = arith.index_cast %add3A_1141 : i32 to index
        %get3A_1143 = arith.constant 16 : index
        %get3A_1144 = tpu.vector_load %arg8[%get3A_1142, %get3A_1143] {strides = array<i32>} : memref<1664x32xf32, #tpu.memory_space<vmem>>, vector<1x16xf32>,
        %get3A_1145 = vector.shape_cast %get3A_1144 : vector<1x16xf32> to vector<16xf32>
        %add3A_1146 = arith.addf %add3A_1132, %get3A_1145 : vector<16xf32>
        %add3A_1147 = arith.constant 1000 : i32
        %add3A_1148 = arith.addi %add3A_1147, %mul3A_577 : i32
        %add3A_1149 = arith.constant 0 : i32
        %add3A_1150 = arith.addi %add3A_1148, %add3A_1149 : i32
        %get3A_1151 = arith.index_cast %add3A_1150 : i32 to index
        %get3A_1152 = arith.constant 0 : index
        %get3A_1153 = tpu.vector_load %arg8[%get3A_1151, %get3A_1152] {strides = array<i32>} : memref<1664x32xf32, #tpu.memory_space<vmem>>, vector<1x16xf32>,
        %get3A_1154 = vector.shape_cast %get3A_1153 : vector<1x16xf32> to vector<16xf32>
        %add3A_1155 = arith.addf %scan3A_570, %get3A_1154 : vector<16xf32>
        %add3A_1156 = arith.constant 0 : i32
        %add3A_1157 = arith.addi %add3A_1148, %add3A_1156 : i32
        %get3A_1158 = arith.index_cast %add3A_1157 : i32 to index
        %get3A_1159 = arith.constant 16 : index
        %get3A_1160 = tpu.vector_load %arg8[%get3A_1158, %get3A_1159] {strides = array<i32>} : memref<1664x32xf32, #tpu.memory_space<vmem>>, vector<1x16xf32>,
        %get3A_1161 = vector.shape_cast %get3A_1160 : vector<1x16xf32> to vector<16xf32>
        %add3A_1162 = arith.addf %scan3A_571, %get3A_1161 : vector<16xf32>
        %add3A_1163 = arith.constant 1 : i32
        %add3A_1164 = arith.addi %add3A_1148, %add3A_1163 : i32
        %get3A_1165 = arith.index_cast %add3A_1164 : i32 to index
        %get3A_1166 = arith.constant 0 : index
        %get3A_1167 = tpu.vector_load %arg8[%get3A_1165, %get3A_1166] {strides = array<i32>} : memref<1664x32xf32, #tpu.memory_space<vmem>>, vector<1x16xf32>,
        %get3A_1168 = vector.shape_cast %get3A_1167 : vector<1x16xf32> to vector<16xf32>
        %add3A_1169 = arith.addf %add3A_1155, %get3A_1168 : vector<16xf32>
        %add3A_1170 = arith.constant 1 : i32
        %add3A_1171 = arith.addi %add3A_1148, %add3A_1170 : i32
        %get3A_1172 = arith.index_cast %add3A_1171 : i32 to index
        %get3A_1173 = arith.constant 16 : index
        %get3A_1174 = tpu.vector_load %arg8[%get3A_1172, %get3A_1173] {strides = array<i32>} : memref<1664x32xf32, #tpu.memory_space<vmem>>, vector<1x16xf32>,
        %get3A_1175 = vector.shape_cast %get3A_1174 : vector<1x16xf32> to vector<16xf32>
        %add3A_1176 = arith.addf %add3A_1162, %get3A_1175 : vector<16xf32>
        %add3A_1177 = arith.constant 2 : i32
        %add3A_1178 = arith.addi %add3A_1148, %add3A_1177 : i32
        %get3A_1179 = arith.index_cast %add3A_1178 : i32 to index
        %get3A_1180 = arith.constant 0 : index
        %get3A_1181 = tpu.vector_load %arg8[%get3A_1179, %get3A_1180] {strides = array<i32>} : memref<1664x32xf32, #tpu.memory_space<vmem>>, vector<1x16xf32>,
        %get3A_1182 = vector.shape_cast %get3A_1181 : vector<1x16xf32> to vector<16xf32>
        %add3A_1183 = arith.addf %add3A_1169, %get3A_1182 : vector<16xf32>
        %add3A_1184 = arith.constant 2 : i32
        %add3A_1185 = arith.addi %add3A_1148, %add3A_1184 : i32
        %get3A_1186 = arith.index_cast %add3A_1185 : i32 to index
        %get3A_1187 = arith.constant 16 : index
        %get3A_1188 = tpu.vector_load %arg8[%get3A_1186, %get3A_1187] {strides = array<i32>} : memref<1664x32xf32, #tpu.memory_space<vmem>>, vector<1x16xf32>,
        %get3A_1189 = vector.shape_cast %get3A_1188 : vector<1x16xf32> to vector<16xf32>
        %add3A_1190 = arith.addf %add3A_1176, %get3A_1189 : vector<16xf32>
        %add3A_1191 = arith.constant 3 : i32
        %add3A_1192 = arith.addi %add3A_1148, %add3A_1191 : i32
        %get3A_1193 = arith.index_cast %add3A_1192 : i32 to index
        %get3A_1194 = arith.constant 0 : index
        %get3A_1195 = tpu.vector_load %arg8[%get3A_1193, %get3A_1194] {strides = array<i32>} : memref<1664x32xf32, #tpu.memory_space<vmem>>, vector<1x16xf32>,
        %get3A_1196 = vector.shape_cast %get3A_1195 : vector<1x16xf32> to vector<16xf32>
        %add3A_1197 = arith.addf %add3A_1183, %get3A_1196 : vector<16xf32>
        %add3A_1198 = arith.constant 3 : i32
        %add3A_1199 = arith.addi %add3A_1148, %add3A_1198 : i32
        %get3A_1200 = arith.index_cast %add3A_1199 : i32 to index
        %get3A_1201 = arith.constant 16 : index
        %get3A_1202 = tpu.vector_load %arg8[%get3A_1200, %get3A_1201] {strides = array<i32>} : memref<1664x32xf32, #tpu.memory_space<vmem>>, vector<1x16xf32>,
        %get3A_1203 = vector.shape_cast %get3A_1202 : vector<1x16xf32> to vector<16xf32>
        %add3A_1204 = arith.addf %add3A_1190, %get3A_1203 : vector<16xf32>
        %add3A_1205 = arith.constant 4 : i32
        %add3A_1206 = arith.addi %add3A_1148, %add3A_1205 : i32
        %get3A_1207 = arith.index_cast %add3A_1206 : i32 to index
        %get3A_1208 = arith.constant 0 : index
        %get3A_1209 = tpu.vector_load %arg8[%get3A_1207, %get3A_1208] {strides = array<i32>} : memref<1664x32xf32, #tpu.memory_space<vmem>>, vector<1x16xf32>,
        %get3A_1210 = vector.shape_cast %get3A_1209 : vector<1x16xf32> to vector<16xf32>
        %add3A_1211 = arith.addf %add3A_1197, %get3A_1210 : vector<16xf32>
        %add3A_1212 = arith.constant 4 : i32
        %add3A_1213 = arith.addi %add3A_1148, %add3A_1212 : i32
        %get3A_1214 = arith.index_cast %add3A_1213 : i32 to index
        %get3A_1215 = arith.constant 16 : index
        %get3A_1216 = tpu.vector_load %arg8[%get3A_1214, %get3A_1215] {strides = array<i32>} : memref<1664x32xf32, #tpu.memory_space<vmem>>, vector<1x16xf32>,
        %get3A_1217 = vector.shape_cast %get3A_1216 : vector<1x16xf32> to vector<16xf32>
        %add3A_1218 = arith.addf %add3A_1204, %get3A_1217 : vector<16xf32>
        %add3A_1219 = arith.constant 5 : i32
        %add3A_1220 = arith.addi %add3A_1148, %add3A_1219 : i32
        %get3A_1221 = arith.index_cast %add3A_1220 : i32 to index
        %get3A_1222 = arith.constant 0 : index
        %get3A_1223 = tpu.vector_load %arg8[%get3A_1221, %get3A_1222] {strides = array<i32>} : memref<1664x32xf32, #tpu.memory_space<vmem>>, vector<1x16xf32>,
        %get3A_1224 = vector.shape_cast %get3A_1223 : vector<1x16xf32> to vector<16xf32>
        %add3A_1225 = arith.addf %add3A_1211, %get3A_1224 : vector<16xf32>
        %add3A_1226 = arith.constant 5 : i32
        %add3A_1227 = arith.addi %add3A_1148, %add3A_1226 : i32
        %get3A_1228 = arith.index_cast %add3A_1227 : i32 to index
        %get3A_1229 = arith.constant 16 : index
        %get3A_1230 = tpu.vector_load %arg8[%get3A_1228, %get3A_1229] {strides = array<i32>} : memref<1664x32xf32, #tpu.memory_space<vmem>>, vector<1x16xf32>,
        %get3A_1231 = vector.shape_cast %get3A_1230 : vector<1x16xf32> to vector<16xf32>
        %add3A_1232 = arith.addf %add3A_1218, %get3A_1231 : vector<16xf32>
        %add3A_1233 = arith.constant 6 : i32
        %add3A_1234 = arith.addi %add3A_1148, %add3A_1233 : i32
        %get3A_1235 = arith.index_cast %add3A_1234 : i32 to index
        %get3A_1236 = arith.constant 0 : index
        %get3A_1237 = tpu.vector_load %arg8[%get3A_1235, %get3A_1236] {strides = array<i32>} : memref<1664x32xf32, #tpu.memory_space<vmem>>, vector<1x16xf32>,
        %get3A_1238 = vector.shape_cast %get3A_1237 : vector<1x16xf32> to vector<16xf32>
        %add3A_1239 = arith.addf %add3A_1225, %get3A_1238 : vector<16xf32>
        %add3A_1240 = arith.constant 6 : i32
        %add3A_1241 = arith.addi %add3A_1148, %add3A_1240 : i32
        %get3A_1242 = arith.index_cast %add3A_1241 : i32 to index
        %get3A_1243 = arith.constant 16 : index
        %get3A_1244 = tpu.vector_load %arg8[%get3A_1242, %get3A_1243] {strides = array<i32>} : memref<1664x32xf32, #tpu.memory_space<vmem>>, vector<1x16xf32>,
        %get3A_1245 = vector.shape_cast %get3A_1244 : vector<1x16xf32> to vector<16xf32>
        %add3A_1246 = arith.addf %add3A_1232, %get3A_1245 : vector<16xf32>
        %add3A_1247 = arith.constant 7 : i32
        %add3A_1248 = arith.addi %add3A_1148, %add3A_1247 : i32
        %get3A_1249 = arith.index_cast %add3A_1248 : i32 to index
        %get3A_1250 = arith.constant 0 : index
        %get3A_1251 = tpu.vector_load %arg8[%get3A_1249, %get3A_1250] {strides = array<i32>} : memref<1664x32xf32, #tpu.memory_space<vmem>>, vector<1x16xf32>,
        %get3A_1252 = vector.shape_cast %get3A_1251 : vector<1x16xf32> to vector<16xf32>
        %add3A_1253 = arith.addf %add3A_1239, %get3A_1252 : vector<16xf32>
        %add3A_1254 = arith.constant 7 : i32
        %add3A_1255 = arith.addi %add3A_1148, %add3A_1254 : i32
        %get3A_1256 = arith.index_cast %add3A_1255 : i32 to index
        %get3A_1257 = arith.constant 16 : index
        %get3A_1258 = tpu.vector_load %arg8[%get3A_1256, %get3A_1257] {strides = array<i32>} : memref<1664x32xf32, #tpu.memory_space<vmem>>, vector<1x16xf32>,
        %get3A_1259 = vector.shape_cast %get3A_1258 : vector<1x16xf32> to vector<16xf32>
        %add3A_1260 = arith.addf %add3A_1246, %get3A_1259 : vector<16xf32>
        %add3A_1261 = arith.constant 1200 : i32
        %add3A_1262 = arith.addi %add3A_1261, %mul3A_577 : i32
        %add3A_1263 = arith.constant 0 : i32
        %add3A_1264 = arith.addi %add3A_1262, %add3A_1263 : i32
        %get3A_1265 = arith.index_cast %add3A_1264 : i32 to index
        %get3A_1266 = arith.constant 0 : index
        %get3A_1267 = tpu.vector_load %arg8[%get3A_1265, %get3A_1266] {strides = array<i32>} : memref<1664x32xf32, #tpu.memory_space<vmem>>, vector<1x16xf32>,
        %get3A_1268 = vector.shape_cast %get3A_1267 : vector<1x16xf32> to vector<16xf32>
        %add3A_1269 = arith.addf %scan3A_572, %get3A_1268 : vector<16xf32>
        %add3A_1270 = arith.constant 0 : i32
        %add3A_1271 = arith.addi %add3A_1262, %add3A_1270 : i32
        %get3A_1272 = arith.index_cast %add3A_1271 : i32 to index
        %get3A_1273 = arith.constant 16 : index
        %get3A_1274 = tpu.vector_load %arg8[%get3A_1272, %get3A_1273] {strides = array<i32>} : memref<1664x32xf32, #tpu.memory_space<vmem>>, vector<1x16xf32>,
        %get3A_1275 = vector.shape_cast %get3A_1274 : vector<1x16xf32> to vector<16xf32>
        %add3A_1276 = arith.addf %scan3A_573, %get3A_1275 : vector<16xf32>
        %add3A_1277 = arith.constant 1 : i32
        %add3A_1278 = arith.addi %add3A_1262, %add3A_1277 : i32
        %get3A_1279 = arith.index_cast %add3A_1278 : i32 to index
        %get3A_1280 = arith.constant 0 : index
        %get3A_1281 = tpu.vector_load %arg8[%get3A_1279, %get3A_1280] {strides = array<i32>} : memref<1664x32xf32, #tpu.memory_space<vmem>>, vector<1x16xf32>,
        %get3A_1282 = vector.shape_cast %get3A_1281 : vector<1x16xf32> to vector<16xf32>
        %add3A_1283 = arith.addf %add3A_1269, %get3A_1282 : vector<16xf32>
        %add3A_1284 = arith.constant 1 : i32
        %add3A_1285 = arith.addi %add3A_1262, %add3A_1284 : i32
        %get3A_1286 = arith.index_cast %add3A_1285 : i32 to index
        %get3A_1287 = arith.constant 16 : index
        %get3A_1288 = tpu.vector_load %arg8[%get3A_1286, %get3A_1287] {strides = array<i32>} : memref<1664x32xf32, #tpu.memory_space<vmem>>, vector<1x16xf32>,
        %get3A_1289 = vector.shape_cast %get3A_1288 : vector<1x16xf32> to vector<16xf32>
        %add3A_1290 = arith.addf %add3A_1276, %get3A_1289 : vector<16xf32>
        %add3A_1291 = arith.constant 2 : i32
        %add3A_1292 = arith.addi %add3A_1262, %add3A_1291 : i32
        %get3A_1293 = arith.index_cast %add3A_1292 : i32 to index
        %get3A_1294 = arith.constant 0 : index
        %get3A_1295 = tpu.vector_load %arg8[%get3A_1293, %get3A_1294] {strides = array<i32>} : memref<1664x32xf32, #tpu.memory_space<vmem>>, vector<1x16xf32>,
        %get3A_1296 = vector.shape_cast %get3A_1295 : vector<1x16xf32> to vector<16xf32>
        %add3A_1297 = arith.addf %add3A_1283, %get3A_1296 : vector<16xf32>
        %add3A_1298 = arith.constant 2 : i32
        %add3A_1299 = arith.addi %add3A_1262, %add3A_1298 : i32
        %get3A_1300 = arith.index_cast %add3A_1299 : i32 to index
        %get3A_1301 = arith.constant 16 : index
        %get3A_1302 = tpu.vector_load %arg8[%get3A_1300, %get3A_1301] {strides = array<i32>} : memref<1664x32xf32, #tpu.memory_space<vmem>>, vector<1x16xf32>,
        %get3A_1303 = vector.shape_cast %get3A_1302 : vector<1x16xf32> to vector<16xf32>
        %add3A_1304 = arith.addf %add3A_1290, %get3A_1303 : vector<16xf32>
        %add3A_1305 = arith.constant 3 : i32
        %add3A_1306 = arith.addi %add3A_1262, %add3A_1305 : i32
        %get3A_1307 = arith.index_cast %add3A_1306 : i32 to index
        %get3A_1308 = arith.constant 0 : index
        %get3A_1309 = tpu.vector_load %arg8[%get3A_1307, %get3A_1308] {strides = array<i32>} : memref<1664x32xf32, #tpu.memory_space<vmem>>, vector<1x16xf32>,
        %get3A_1310 = vector.shape_cast %get3A_1309 : vector<1x16xf32> to vector<16xf32>
        %add3A_1311 = arith.addf %add3A_1297, %get3A_1310 : vector<16xf32>
        %add3A_1312 = arith.constant 3 : i32
        %add3A_1313 = arith.addi %add3A_1262, %add3A_1312 : i32
        %get3A_1314 = arith.index_cast %add3A_1313 : i32 to index
        %get3A_1315 = arith.constant 16 : index
        %get3A_1316 = tpu.vector_load %arg8[%get3A_1314, %get3A_1315] {strides = array<i32>} : memref<1664x32xf32, #tpu.memory_space<vmem>>, vector<1x16xf32>,
        %get3A_1317 = vector.shape_cast %get3A_1316 : vector<1x16xf32> to vector<16xf32>
        %add3A_1318 = arith.addf %add3A_1304, %get3A_1317 : vector<16xf32>
        %add3A_1319 = arith.constant 4 : i32
        %add3A_1320 = arith.addi %add3A_1262, %add3A_1319 : i32
        %get3A_1321 = arith.index_cast %add3A_1320 : i32 to index
        %get3A_1322 = arith.constant 0 : index
        %get3A_1323 = tpu.vector_load %arg8[%get3A_1321, %get3A_1322] {strides = array<i32>} : memref<1664x32xf32, #tpu.memory_space<vmem>>, vector<1x16xf32>,
        %get3A_1324 = vector.shape_cast %get3A_1323 : vector<1x16xf32> to vector<16xf32>
        %add3A_1325 = arith.addf %add3A_1311, %get3A_1324 : vector<16xf32>
        %add3A_1326 = arith.constant 4 : i32
        %add3A_1327 = arith.addi %add3A_1262, %add3A_1326 : i32
        %get3A_1328 = arith.index_cast %add3A_1327 : i32 to index
        %get3A_1329 = arith.constant 16 : index
        %get3A_1330 = tpu.vector_load %arg8[%get3A_1328, %get3A_1329] {strides = array<i32>} : memref<1664x32xf32, #tpu.memory_space<vmem>>, vector<1x16xf32>,
        %get3A_1331 = vector.shape_cast %get3A_1330 : vector<1x16xf32> to vector<16xf32>
        %add3A_1332 = arith.addf %add3A_1318, %get3A_1331 : vector<16xf32>
        %add3A_1333 = arith.constant 5 : i32
        %add3A_1334 = arith.addi %add3A_1262, %add3A_1333 : i32
        %get3A_1335 = arith.index_cast %add3A_1334 : i32 to index
        %get3A_1336 = arith.constant 0 : index
        %get3A_1337 = tpu.vector_load %arg8[%get3A_1335, %get3A_1336] {strides = array<i32>} : memref<1664x32xf32, #tpu.memory_space<vmem>>, vector<1x16xf32>,
        %get3A_1338 = vector.shape_cast %get3A_1337 : vector<1x16xf32> to vector<16xf32>
        %add3A_1339 = arith.addf %add3A_1325, %get3A_1338 : vector<16xf32>
        %add3A_1340 = arith.constant 5 : i32
        %add3A_1341 = arith.addi %add3A_1262, %add3A_1340 : i32
        %get3A_1342 = arith.index_cast %add3A_1341 : i32 to index
        %get3A_1343 = arith.constant 16 : index
        %get3A_1344 = tpu.vector_load %arg8[%get3A_1342, %get3A_1343] {strides = array<i32>} : memref<1664x32xf32, #tpu.memory_space<vmem>>, vector<1x16xf32>,
        %get3A_1345 = vector.shape_cast %get3A_1344 : vector<1x16xf32> to vector<16xf32>
        %add3A_1346 = arith.addf %add3A_1332, %get3A_1345 : vector<16xf32>
        %add3A_1347 = arith.constant 6 : i32
        %add3A_1348 = arith.addi %add3A_1262, %add3A_1347 : i32
        %get3A_1349 = arith.index_cast %add3A_1348 : i32 to index
        %get3A_1350 = arith.constant 0 : index
        %get3A_1351 = tpu.vector_load %arg8[%get3A_1349, %get3A_1350] {strides = array<i32>} : memref<1664x32xf32, #tpu.memory_space<vmem>>, vector<1x16xf32>,
        %get3A_1352 = vector.shape_cast %get3A_1351 : vector<1x16xf32> to vector<16xf32>
        %add3A_1353 = arith.addf %add3A_1339, %get3A_1352 : vector<16xf32>
        %add3A_1354 = arith.constant 6 : i32
        %add3A_1355 = arith.addi %add3A_1262, %add3A_1354 : i32
        %get3A_1356 = arith.index_cast %add3A_1355 : i32 to index
        %get3A_1357 = arith.constant 16 : index
        %get3A_1358 = tpu.vector_load %arg8[%get3A_1356, %get3A_1357] {strides = array<i32>} : memref<1664x32xf32, #tpu.memory_space<vmem>>, vector<1x16xf32>,
        %get3A_1359 = vector.shape_cast %get3A_1358 : vector<1x16xf32> to vector<16xf32>
        %add3A_1360 = arith.addf %add3A_1346, %get3A_1359 : vector<16xf32>
        %add3A_1361 = arith.constant 7 : i32
        %add3A_1362 = arith.addi %add3A_1262, %add3A_1361 : i32
        %get3A_1363 = arith.index_cast %add3A_1362 : i32 to index
        %get3A_1364 = arith.constant 0 : index
        %get3A_1365 = tpu.vector_load %arg8[%get3A_1363, %get3A_1364] {strides = array<i32>} : memref<1664x32xf32, #tpu.memory_space<vmem>>, vector<1x16xf32>,
        %get3A_1366 = vector.shape_cast %get3A_1365 : vector<1x16xf32> to vector<16xf32>
        %add3A_1367 = arith.addf %add3A_1353, %get3A_1366 : vector<16xf32>
        %add3A_1368 = arith.constant 7 : i32
        %add3A_1369 = arith.addi %add3A_1262, %add3A_1368 : i32
        %get3A_1370 = arith.index_cast %add3A_1369 : i32 to index
        %get3A_1371 = arith.constant 16 : index
        %get3A_1372 = tpu.vector_load %arg8[%get3A_1370, %get3A_1371] {strides = array<i32>} : memref<1664x32xf32, #tpu.memory_space<vmem>>, vector<1x16xf32>,
        %get3A_1373 = vector.shape_cast %get3A_1372 : vector<1x16xf32> to vector<16xf32>
        %add3A_1374 = arith.addf %add3A_1360, %get3A_1373 : vector<16xf32>
        %add3A_1375 = arith.constant 1400 : i32
        %add3A_1376 = arith.addi %add3A_1375, %mul3A_577 : i32
        %add3A_1377 = arith.constant 0 : i32
        %add3A_1378 = arith.addi %add3A_1376, %add3A_1377 : i32
        %get3A_1379 = arith.index_cast %add3A_1378 : i32 to index
        %get3A_1380 = arith.constant 0 : index
        %get3A_1381 = tpu.vector_load %arg8[%get3A_1379, %get3A_1380] {strides = array<i32>} : memref<1664x32xf32, #tpu.memory_space<vmem>>, vector<1x16xf32>,
        %get3A_1382 = vector.shape_cast %get3A_1381 : vector<1x16xf32> to vector<16xf32>
        %add3A_1383 = arith.addf %scan3A_574, %get3A_1382 : vector<16xf32>
        %add3A_1384 = arith.constant 0 : i32
        %add3A_1385 = arith.addi %add3A_1376, %add3A_1384 : i32
        %get3A_1386 = arith.index_cast %add3A_1385 : i32 to index
        %get3A_1387 = arith.constant 16 : index
        %get3A_1388 = tpu.vector_load %arg8[%get3A_1386, %get3A_1387] {strides = array<i32>} : memref<1664x32xf32, #tpu.memory_space<vmem>>, vector<1x16xf32>,
        %get3A_1389 = vector.shape_cast %get3A_1388 : vector<1x16xf32> to vector<16xf32>
        %add3A_1390 = arith.addf %scan3A_575, %get3A_1389 : vector<16xf32>
        %add3A_1391 = arith.constant 1 : i32
        %add3A_1392 = arith.addi %add3A_1376, %add3A_1391 : i32
        %get3A_1393 = arith.index_cast %add3A_1392 : i32 to index
        %get3A_1394 = arith.constant 0 : index
        %get3A_1395 = tpu.vector_load %arg8[%get3A_1393, %get3A_1394] {strides = array<i32>} : memref<1664x32xf32, #tpu.memory_space<vmem>>, vector<1x16xf32>,
        %get3A_1396 = vector.shape_cast %get3A_1395 : vector<1x16xf32> to vector<16xf32>
        %add3A_1397 = arith.addf %add3A_1383, %get3A_1396 : vector<16xf32>
        %add3A_1398 = arith.constant 1 : i32
        %add3A_1399 = arith.addi %add3A_1376, %add3A_1398 : i32
        %get3A_1400 = arith.index_cast %add3A_1399 : i32 to index
        %get3A_1401 = arith.constant 16 : index
        %get3A_1402 = tpu.vector_load %arg8[%get3A_1400, %get3A_1401] {strides = array<i32>} : memref<1664x32xf32, #tpu.memory_space<vmem>>, vector<1x16xf32>,
        %get3A_1403 = vector.shape_cast %get3A_1402 : vector<1x16xf32> to vector<16xf32>
        %add3A_1404 = arith.addf %add3A_1390, %get3A_1403 : vector<16xf32>
        %add3A_1405 = arith.constant 2 : i32
        %add3A_1406 = arith.addi %add3A_1376, %add3A_1405 : i32
        %get3A_1407 = arith.index_cast %add3A_1406 : i32 to index
        %get3A_1408 = arith.constant 0 : index
        %get3A_1409 = tpu.vector_load %arg8[%get3A_1407, %get3A_1408] {strides = array<i32>} : memref<1664x32xf32, #tpu.memory_space<vmem>>, vector<1x16xf32>,
        %get3A_1410 = vector.shape_cast %get3A_1409 : vector<1x16xf32> to vector<16xf32>
        %add3A_1411 = arith.addf %add3A_1397, %get3A_1410 : vector<16xf32>
        %add3A_1412 = arith.constant 2 : i32
        %add3A_1413 = arith.addi %add3A_1376, %add3A_1412 : i32
        %get3A_1414 = arith.index_cast %add3A_1413 : i32 to index
        %get3A_1415 = arith.constant 16 : index
        %get3A_1416 = tpu.vector_load %arg8[%get3A_1414, %get3A_1415] {strides = array<i32>} : memref<1664x32xf32, #tpu.memory_space<vmem>>, vector<1x16xf32>,
        %get3A_1417 = vector.shape_cast %get3A_1416 : vector<1x16xf32> to vector<16xf32>
        %add3A_1418 = arith.addf %add3A_1404, %get3A_1417 : vector<16xf32>
        %add3A_1419 = arith.constant 3 : i32
        %add3A_1420 = arith.addi %add3A_1376, %add3A_1419 : i32
        %get3A_1421 = arith.index_cast %add3A_1420 : i32 to index
        %get3A_1422 = arith.constant 0 : index
        %get3A_1423 = tpu.vector_load %arg8[%get3A_1421, %get3A_1422] {strides = array<i32>} : memref<1664x32xf32, #tpu.memory_space<vmem>>, vector<1x16xf32>,
        %get3A_1424 = vector.shape_cast %get3A_1423 : vector<1x16xf32> to vector<16xf32>
        %add3A_1425 = arith.addf %add3A_1411, %get3A_1424 : vector<16xf32>
        %add3A_1426 = arith.constant 3 : i32
        %add3A_1427 = arith.addi %add3A_1376, %add3A_1426 : i32
        %get3A_1428 = arith.index_cast %add3A_1427 : i32 to index
        %get3A_1429 = arith.constant 16 : index
        %get3A_1430 = tpu.vector_load %arg8[%get3A_1428, %get3A_1429] {strides = array<i32>} : memref<1664x32xf32, #tpu.memory_space<vmem>>, vector<1x16xf32>,
        %get3A_1431 = vector.shape_cast %get3A_1430 : vector<1x16xf32> to vector<16xf32>
        %add3A_1432 = arith.addf %add3A_1418, %get3A_1431 : vector<16xf32>
        %add3A_1433 = arith.constant 4 : i32
        %add3A_1434 = arith.addi %add3A_1376, %add3A_1433 : i32
        %get3A_1435 = arith.index_cast %add3A_1434 : i32 to index
        %get3A_1436 = arith.constant 0 : index
        %get3A_1437 = tpu.vector_load %arg8[%get3A_1435, %get3A_1436] {strides = array<i32>} : memref<1664x32xf32, #tpu.memory_space<vmem>>, vector<1x16xf32>,
        %get3A_1438 = vector.shape_cast %get3A_1437 : vector<1x16xf32> to vector<16xf32>
        %add3A_1439 = arith.addf %add3A_1425, %get3A_1438 : vector<16xf32>
        %add3A_1440 = arith.constant 4 : i32
        %add3A_1441 = arith.addi %add3A_1376, %add3A_1440 : i32
        %get3A_1442 = arith.index_cast %add3A_1441 : i32 to index
        %get3A_1443 = arith.constant 16 : index
        %get3A_1444 = tpu.vector_load %arg8[%get3A_1442, %get3A_1443] {strides = array<i32>} : memref<1664x32xf32, #tpu.memory_space<vmem>>, vector<1x16xf32>,
        %get3A_1445 = vector.shape_cast %get3A_1444 : vector<1x16xf32> to vector<16xf32>
        %add3A_1446 = arith.addf %add3A_1432, %get3A_1445 : vector<16xf32>
        %add3A_1447 = arith.constant 5 : i32
        %add3A_1448 = arith.addi %add3A_1376, %add3A_1447 : i32
        %get3A_1449 = arith.index_cast %add3A_1448 : i32 to index
        %get3A_1450 = arith.constant 0 : index
        %get3A_1451 = tpu.vector_load %arg8[%get3A_1449, %get3A_1450] {strides = array<i32>} : memref<1664x32xf32, #tpu.memory_space<vmem>>, vector<1x16xf32>,
        %get3A_1452 = vector.shape_cast %get3A_1451 : vector<1x16xf32> to vector<16xf32>
        %add3A_1453 = arith.addf %add3A_1439, %get3A_1452 : vector<16xf32>
        %add3A_1454 = arith.constant 5 : i32
        %add3A_1455 = arith.addi %add3A_1376, %add3A_1454 : i32
        %get3A_1456 = arith.index_cast %add3A_1455 : i32 to index
        %get3A_1457 = arith.constant 16 : index
        %get3A_1458 = tpu.vector_load %arg8[%get3A_1456, %get3A_1457] {strides = array<i32>} : memref<1664x32xf32, #tpu.memory_space<vmem>>, vector<1x16xf32>,
        %get3A_1459 = vector.shape_cast %get3A_1458 : vector<1x16xf32> to vector<16xf32>
        %add3A_1460 = arith.addf %add3A_1446, %get3A_1459 : vector<16xf32>
        %add3A_1461 = arith.constant 6 : i32
        %add3A_1462 = arith.addi %add3A_1376, %add3A_1461 : i32
        %get3A_1463 = arith.index_cast %add3A_1462 : i32 to index
        %get3A_1464 = arith.constant 0 : index
        %get3A_1465 = tpu.vector_load %arg8[%get3A_1463, %get3A_1464] {strides = array<i32>} : memref<1664x32xf32, #tpu.memory_space<vmem>>, vector<1x16xf32>,
        %get3A_1466 = vector.shape_cast %get3A_1465 : vector<1x16xf32> to vector<16xf32>
        %add3A_1467 = arith.addf %add3A_1453, %get3A_1466 : vector<16xf32>
        %add3A_1468 = arith.constant 6 : i32
        %add3A_1469 = arith.addi %add3A_1376, %add3A_1468 : i32
        %get3A_1470 = arith.index_cast %add3A_1469 : i32 to index
        %get3A_1471 = arith.constant 16 : index
        %get3A_1472 = tpu.vector_load %arg8[%get3A_1470, %get3A_1471] {strides = array<i32>} : memref<1664x32xf32, #tpu.memory_space<vmem>>, vector<1x16xf32>,
        %get3A_1473 = vector.shape_cast %get3A_1472 : vector<1x16xf32> to vector<16xf32>
        %add3A_1474 = arith.addf %add3A_1460, %get3A_1473 : vector<16xf32>
        %add3A_1475 = arith.constant 7 : i32
        %add3A_1476 = arith.addi %add3A_1376, %add3A_1475 : i32
        %get3A_1477 = arith.index_cast %add3A_1476 : i32 to index
        %get3A_1478 = arith.constant 0 : index
        %get3A_1479 = tpu.vector_load %arg8[%get3A_1477, %get3A_1478] {strides = array<i32>} : memref<1664x32xf32, #tpu.memory_space<vmem>>, vector<1x16xf32>,
        %get3A_1480 = vector.shape_cast %get3A_1479 : vector<1x16xf32> to vector<16xf32>
        %add3A_1481 = arith.addf %add3A_1467, %get3A_1480 : vector<16xf32>
        %add3A_1482 = arith.constant 7 : i32
        %add3A_1483 = arith.addi %add3A_1376, %add3A_1482 : i32
        %get3A_1484 = arith.index_cast %add3A_1483 : i32 to index
        %get3A_1485 = arith.constant 16 : index
        %get3A_1486 = tpu.vector_load %arg8[%get3A_1484, %get3A_1485] {strides = array<i32>} : memref<1664x32xf32, #tpu.memory_space<vmem>>, vector<1x16xf32>,
        %get3A_1487 = vector.shape_cast %get3A_1486 : vector<1x16xf32> to vector<16xf32>
        %add3A_1488 = arith.addf %add3A_1474, %get3A_1487 : vector<16xf32>
        scf.yield %add3A_683, %add3A_690, %add3A_797, %add3A_804, %add3A_911, %add3A_918, %add3A_1025, %add3A_1032, %add3A_1139, %add3A_1146, %add3A_1253, %add3A_1260, %add3A_1367, %add3A_1374, %add3A_1481, %add3A_1488 : vector<16xf32>, vector<16xf32>, vector<16xf32>, vector<16xf32>, vector<16xf32>, vector<16xf32>, vector<16xf32>, vector<16xf32>, vector<16xf32>, vector<16xf32>, vector<16xf32>, vector<16xf32>, vector<16xf32>, vector<16xf32>, vector<16xf32>, vector<16xf32>
      }
      %scan3A_422 = arith.constant 25 : i32
      %mul3A_423 = vector.broadcast %scan3A_250 : f32 to vector<16xf32>
      %mul3A_424 = arith.mulf %scan3A_421#0, %mul3A_423 : vector<16xf32>
      %swap3A_425 = arith.constant 0 : i32
      %swap3A_426 = arith.index_cast %swap3A_425 : i32 to index
      %swap3A_427 = arith.constant 0 : index
      %swap3A_428 = tpu.vector_load %arg9[%swap3A_426, %swap3A_427] {strides = array<i32>} : memref<8x32xf32, #tpu.memory_space<vmem>>, vector<1x16xf32>,
      %swap3A_429 = vector.shape_cast %swap3A_428 : vector<1x16xf32> to vector<16xf32>
      %swap3A_430 = vector.shape_cast %mul3A_424 : vector<16xf32> to vector<1x16xf32>
      tpu.vector_store %arg9[%swap3A_426, %swap3A_427], %swap3A_430 {strides = array<i32>} : memref<8x32xf32, #tpu.memory_space<vmem>>, vector<1x16xf32>,
      %mul3A_431 = vector.broadcast %scan3A_250 : f32 to vector<16xf32>
      %mul3A_432 = arith.mulf %scan3A_421#1, %mul3A_431 : vector<16xf32>
      %swap3A_433 = arith.constant 0 : i32
      %swap3A_434 = arith.index_cast %swap3A_433 : i32 to index
      %swap3A_435 = arith.constant 16 : index
      %swap3A_436 = tpu.vector_load %arg9[%swap3A_434, %swap3A_435] {strides = array<i32>} : memref<8x32xf32, #tpu.memory_space<vmem>>, vector<1x16xf32>,
      %swap3A_437 = vector.shape_cast %swap3A_436 : vector<1x16xf32> to vector<16xf32>
      %swap3A_438 = vector.shape_cast %mul3A_432 : vector<16xf32> to vector<1x16xf32>
      tpu.vector_store %arg9[%swap3A_434, %swap3A_435], %swap3A_438 {strides = array<i32>} : memref<8x32xf32, #tpu.memory_space<vmem>>, vector<1x16xf32>,
      %mul3A_439 = vector.broadcast %scan3A_250 : f32 to vector<16xf32>
      %mul3A_440 = arith.mulf %scan3A_421#2, %mul3A_439 : vector<16xf32>
      %swap3A_441 = arith.constant 1 : i32
      %swap3A_442 = arith.index_cast %swap3A_441 : i32 to index
      %swap3A_443 = arith.constant 0 : index
      %swap3A_444 = tpu.vector_load %arg9[%swap3A_442, %swap3A_443] {strides = array<i32>} : memref<8x32xf32, #tpu.memory_space<vmem>>, vector<1x16xf32>,
      %swap3A_445 = vector.shape_cast %swap3A_444 : vector<1x16xf32> to vector<16xf32>
      %swap3A_446 = vector.shape_cast %mul3A_440 : vector<16xf32> to vector<1x16xf32>
      tpu.vector_store %arg9[%swap3A_442, %swap3A_443], %swap3A_446 {strides = array<i32>} : memref<8x32xf32, #tpu.memory_space<vmem>>, vector<1x16xf32>,
      %mul3A_447 = vector.broadcast %scan3A_250 : f32 to vector<16xf32>
      %mul3A_448 = arith.mulf %scan3A_421#3, %mul3A_447 : vector<16xf32>
      %swap3A_449 = arith.constant 1 : i32
      %swap3A_450 = arith.index_cast %swap3A_449 : i32 to index
      %swap3A_451 = arith.constant 16 : index
      %swap3A_452 = tpu.vector_load %arg9[%swap3A_450, %swap3A_451] {strides = array<i32>} : memref<8x32xf32, #tpu.memory_space<vmem>>, vector<1x16xf32>,
      %swap3A_453 = vector.shape_cast %swap3A_452 : vector<1x16xf32> to vector<16xf32>
      %swap3A_454 = vector.shape_cast %mul3A_448 : vector<16xf32> to vector<1x16xf32>
      tpu.vector_store %arg9[%swap3A_450, %swap3A_451], %swap3A_454 {strides = array<i32>} : memref<8x32xf32, #tpu.memory_space<vmem>>, vector<1x16xf32>,
      %mul3A_455 = vector.broadcast %scan3A_250 : f32 to vector<16xf32>
      %mul3A_456 = arith.mulf %scan3A_421#4, %mul3A_455 : vector<16xf32>
      %swap3A_457 = arith.constant 2 : i32
      %swap3A_458 = arith.index_cast %swap3A_457 : i32 to index
      %swap3A_459 = arith.constant 0 : index
      %swap3A_460 = tpu.vector_load %arg9[%swap3A_458, %swap3A_459] {strides = array<i32>} : memref<8x32xf32, #tpu.memory_space<vmem>>, vector<1x16xf32>,
      %swap3A_461 = vector.shape_cast %swap3A_460 : vector<1x16xf32> to vector<16xf32>
      %swap3A_462 = vector.shape_cast %mul3A_456 : vector<16xf32> to vector<1x16xf32>
      tpu.vector_store %arg9[%swap3A_458, %swap3A_459], %swap3A_462 {strides = array<i32>} : memref<8x32xf32, #tpu.memory_space<vmem>>, vector<1x16xf32>,
      %mul3A_463 = vector.broadcast %scan3A_250 : f32 to vector<16xf32>
      %mul3A_464 = arith.mulf %scan3A_421#5, %mul3A_463 : vector<16xf32>
      %swap3A_465 = arith.constant 2 : i32
      %swap3A_466 = arith.index_cast %swap3A_465 : i32 to index
      %swap3A_467 = arith.constant 16 : index
      %swap3A_468 = tpu.vector_load %arg9[%swap3A_466, %swap3A_467] {strides = array<i32>} : memref<8x32xf32, #tpu.memory_space<vmem>>, vector<1x16xf32>,
      %swap3A_469 = vector.shape_cast %swap3A_468 : vector<1x16xf32> to vector<16xf32>
      %swap3A_470 = vector.shape_cast %mul3A_464 : vector<16xf32> to vector<1x16xf32>
      tpu.vector_store %arg9[%swap3A_466, %swap3A_467], %swap3A_470 {strides = array<i32>} : memref<8x32xf32, #tpu.memory_space<vmem>>, vector<1x16xf32>,
      %mul3A_471 = vector.broadcast %scan3A_250 : f32 to vector<16xf32>
      %mul3A_472 = arith.mulf %scan3A_421#6, %mul3A_471 : vector<16xf32>
      %swap3A_473 = arith.constant 3 : i32
      %swap3A_474 = arith.index_cast %swap3A_473 : i32 to index
      %swap3A_475 = arith.constant 0 : index
      %swap3A_476 = tpu.vector_load %arg9[%swap3A_474, %swap3A_475] {strides = array<i32>} : memref<8x32xf32, #tpu.memory_space<vmem>>, vector<1x16xf32>,
      %swap3A_477 = vector.shape_cast %swap3A_476 : vector<1x16xf32> to vector<16xf32>
      %swap3A_478 = vector.shape_cast %mul3A_472 : vector<16xf32> to vector<1x16xf32>
      tpu.vector_store %arg9[%swap3A_474, %swap3A_475], %swap3A_478 {strides = array<i32>} : memref<8x32xf32, #tpu.memory_space<vmem>>, vector<1x16xf32>,
      %mul3A_479 = vector.broadcast %scan3A_250 : f32 to vector<16xf32>
      %mul3A_480 = arith.mulf %scan3A_421#7, %mul3A_479 : vector<16xf32>
      %swap3A_481 = arith.constant 3 : i32
      %swap3A_482 = arith.index_cast %swap3A_481 : i32 to index
      %swap3A_483 = arith.constant 16 : index
      %swap3A_484 = tpu.vector_load %arg9[%swap3A_482, %swap3A_483] {strides = array<i32>} : memref<8x32xf32, #tpu.memory_space<vmem>>, vector<1x16xf32>,
      %swap3A_485 = vector.shape_cast %swap3A_484 : vector<1x16xf32> to vector<16xf32>
      %swap3A_486 = vector.shape_cast %mul3A_480 : vector<16xf32> to vector<1x16xf32>
      tpu.vector_store %arg9[%swap3A_482, %swap3A_483], %swap3A_486 {strides = array<i32>} : memref<8x32xf32, #tpu.memory_space<vmem>>, vector<1x16xf32>,
      %mul3A_487 = vector.broadcast %scan3A_250 : f32 to vector<16xf32>
      %mul3A_488 = arith.mulf %scan3A_421#8, %mul3A_487 : vector<16xf32>
      %swap3A_489 = arith.constant 4 : i32
      %swap3A_490 = arith.index_cast %swap3A_489 : i32 to index
      %swap3A_491 = arith.constant 0 : index
      %swap3A_492 = tpu.vector_load %arg9[%swap3A_490, %swap3A_491] {strides = array<i32>} : memref<8x32xf32, #tpu.memory_space<vmem>>, vector<1x16xf32>,
      %swap3A_493 = vector.shape_cast %swap3A_492 : vector<1x16xf32> to vector<16xf32>
      %swap3A_494 = vector.shape_cast %mul3A_488 : vector<16xf32> to vector<1x16xf32>
      tpu.vector_store %arg9[%swap3A_490, %swap3A_491], %swap3A_494 {strides = array<i32>} : memref<8x32xf32, #tpu.memory_space<vmem>>, vector<1x16xf32>,
      %mul3A_495 = vector.broadcast %scan3A_250 : f32 to vector<16xf32>
      %mul3A_496 = arith.mulf %scan3A_421#9, %mul3A_495 : vector<16xf32>
      %swap3A_497 = arith.constant 4 : i32
      %swap3A_498 = arith.index_cast %swap3A_497 : i32 to index
      %swap3A_499 = arith.constant 16 : index
      %swap3A_500 = tpu.vector_load %arg9[%swap3A_498, %swap3A_499] {strides = array<i32>} : memref<8x32xf32, #tpu.memory_space<vmem>>, vector<1x16xf32>,
      %swap3A_501 = vector.shape_cast %swap3A_500 : vector<1x16xf32> to vector<16xf32>
      %swap3A_502 = vector.shape_cast %mul3A_496 : vector<16xf32> to vector<1x16xf32>
      tpu.vector_store %arg9[%swap3A_498, %swap3A_499], %swap3A_502 {strides = array<i32>} : memref<8x32xf32, #tpu.memory_space<vmem>>, vector<1x16xf32>,
      %mul3A_503 = vector.broadcast %scan3A_250 : f32 to vector<16xf32>
      %mul3A_504 = arith.mulf %scan3A_421#10, %mul3A_503 : vector<16xf32>
      %swap3A_505 = arith.constant 5 : i32
      %swap3A_506 = arith.index_cast %swap3A_505 : i32 to index
      %swap3A_507 = arith.constant 0 : index
      %swap3A_508 = tpu.vector_load %arg9[%swap3A_506, %swap3A_507] {strides = array<i32>} : memref<8x32xf32, #tpu.memory_space<vmem>>, vector<1x16xf32>,
      %swap3A_509 = vector.shape_cast %swap3A_508 : vector<1x16xf32> to vector<16xf32>
      %swap3A_510 = vector.shape_cast %mul3A_504 : vector<16xf32> to vector<1x16xf32>
      tpu.vector_store %arg9[%swap3A_506, %swap3A_507], %swap3A_510 {strides = array<i32>} : memref<8x32xf32, #tpu.memory_space<vmem>>, vector<1x16xf32>,
      %mul3A_511 = vector.broadcast %scan3A_250 : f32 to vector<16xf32>
      %mul3A_512 = arith.mulf %scan3A_421#11, %mul3A_511 : vector<16xf32>
      %swap3A_513 = arith.constant 5 : i32
      %swap3A_514 = arith.index_cast %swap3A_513 : i32 to index
      %swap3A_515 = arith.constant 16 : index
      %swap3A_516 = tpu.vector_load %arg9[%swap3A_514, %swap3A_515] {strides = array<i32>} : memref<8x32xf32, #tpu.memory_space<vmem>>, vector<1x16xf32>,
      %swap3A_517 = vector.shape_cast %swap3A_516 : vector<1x16xf32> to vector<16xf32>
      %swap3A_518 = vector.shape_cast %mul3A_512 : vector<16xf32> to vector<1x16xf32>
      tpu.vector_store %arg9[%swap3A_514, %swap3A_515], %swap3A_518 {strides = array<i32>} : memref<8x32xf32, #tpu.memory_space<vmem>>, vector<1x16xf32>,
      %mul3A_519 = vector.broadcast %scan3A_250 : f32 to vector<16xf32>
      %mul3A_520 = arith.mulf %scan3A_421#12, %mul3A_519 : vector<16xf32>
      %swap3A_521 = arith.constant 6 : i32
      %swap3A_522 = arith.index_cast %swap3A_521 : i32 to index
      %swap3A_523 = arith.constant 0 : index
      %swap3A_524 = tpu.vector_load %arg9[%swap3A_522, %swap3A_523] {strides = array<i32>} : memref<8x32xf32, #tpu.memory_space<vmem>>, vector<1x16xf32>,
      %swap3A_525 = vector.shape_cast %swap3A_524 : vector<1x16xf32> to vector<16xf32>
      %swap3A_526 = vector.shape_cast %mul3A_520 : vector<16xf32> to vector<1x16xf32>
      tpu.vector_store %arg9[%swap3A_522, %swap3A_523], %swap3A_526 {strides = array<i32>} : memref<8x32xf32, #tpu.memory_space<vmem>>, vector<1x16xf32>,
      %mul3A_527 = vector.broadcast %scan3A_250 : f32 to vector<16xf32>
      %mul3A_528 = arith.mulf %scan3A_421#13, %mul3A_527 : vector<16xf32>
      %swap3A_529 = arith.constant 6 : i32
      %swap3A_530 = arith.index_cast %swap3A_529 : i32 to index
      %swap3A_531 = arith.constant 16 : index
      %swap3A_532 = tpu.vector_load %arg9[%swap3A_530, %swap3A_531] {strides = array<i32>} : memref<8x32xf32, #tpu.memory_space<vmem>>, vector<1x16xf32>,
      %swap3A_533 = vector.shape_cast %swap3A_532 : vector<1x16xf32> to vector<16xf32>
      %swap3A_534 = vector.shape_cast %mul3A_528 : vector<16xf32> to vector<1x16xf32>
      tpu.vector_store %arg9[%swap3A_530, %swap3A_531], %swap3A_534 {strides = array<i32>} : memref<8x32xf32, #tpu.memory_space<vmem>>, vector<1x16xf32>,
      %mul3A_535 = vector.broadcast %scan3A_250 : f32 to vector<16xf32>
      %mul3A_536 = arith.mulf %scan3A_421#14, %mul3A_535 : vector<16xf32>
      %swap3A_537 = arith.constant 7 : i32
      %swap3A_538 = arith.index_cast %swap3A_537 : i32 to index
      %swap3A_539 = arith.constant 0 : index
      %swap3A_540 = tpu.vector_load %arg9[%swap3A_538, %swap3A_539] {strides = array<i32>} : memref<8x32xf32, #tpu.memory_space<vmem>>, vector<1x16xf32>,
      %swap3A_541 = vector.shape_cast %swap3A_540 : vector<1x16xf32> to vector<16xf32>
      %swap3A_542 = vector.shape_cast %mul3A_536 : vector<16xf32> to vector<1x16xf32>
      tpu.vector_store %arg9[%swap3A_538, %swap3A_539], %swap3A_542 {strides = array<i32>} : memref<8x32xf32, #tpu.memory_space<vmem>>, vector<1x16xf32>,
      %mul3A_543 = vector.broadcast %scan3A_250 : f32 to vector<16xf32>
      %mul3A_544 = arith.mulf %scan3A_421#15, %mul3A_543 : vector<16xf32>
      %swap3A_545 = arith.constant 7 : i32
      %swap3A_546 = arith.index_cast %swap3A_545 : i32 to index
      %swap3A_547 = arith.constant 16 : index
      %swap3A_548 = tpu.vector_load %arg9[%swap3A_546, %swap3A_547] {strides = array<i32>} : memref<8x32xf32, #tpu.memory_space<vmem>>, vector<1x16xf32>,
      %swap3A_549 = vector.shape_cast %swap3A_548 : vector<1x16xf32> to vector<16xf32>
      %swap3A_550 = vector.shape_cast %mul3A_544 : vector<16xf32> to vector<1x16xf32>
      tpu.vector_store %arg9[%swap3A_546, %swap3A_547], %swap3A_550 {strides = array<i32>} : memref<8x32xf32, #tpu.memory_space<vmem>>, vector<1x16xf32>,
      %mul3A_551 = arith.constant 8 : i32
      %mul3A_552 = arith.muli %add3A_414, %mul3A_551 : i32
      %add3A_553 = arith.addi %mul3A_2, %mul3A_552 : i32
      "tpu.region"() ({
        %run_scoped3A = tpu.sem_alloc : memref<!tpu.dma_semaphore, #tpu.memory_space<semaphore_mem>>
        %dma_start3A_559 = arith.constant 0 : i32
        %dma_start3A_560 = tpu.memref_slice %arg4[%add3A_553, %dma_start3A_559] : memref<16384x32xf32, #tpu.memory_space<hbm>> -> memref<8x32xf32, #tpu.memory_space<hbm>>
        %dma_start3A_561 = arith.constant 0 : i32
        %dma_start3A_562 = tpu.memref_slice %arg4[%add3A_553, %dma_start3A_561] : memref<16384x32xf32, #tpu.memory_space<hbm>> -> memref<8x32xf32, #tpu.memory_space<hbm>>
        tpu.enqueue_dma source(%arg9 : memref<8x32xf32, #tpu.memory_space<vmem>>) target(%dma_start3A_562 : memref<8x32xf32, #tpu.memory_space<hbm>>) target_semaphore(%run_scoped3A : memref<!tpu.dma_semaphore, #tpu.memory_space<semaphore_mem>>)
        %dma_wait3A_563 = arith.constant 0 : i32
        %dma_wait3A_564 = tpu.memref_slice %arg4[%add3A_553, %dma_wait3A_563] : memref<16384x32xf32, #tpu.memory_space<hbm>> -> memref<8x32xf32, #tpu.memory_space<hbm>>
        %dma_wait3A_565 = arith.constant 0 : i32
        %dma_wait3A_566 = tpu.memref_slice %arg4[%add3A_553, %dma_wait3A_565] : memref<16384x32xf32, #tpu.memory_space<hbm>> -> memref<8x32xf32, #tpu.memory_space<hbm>>
        tpu.wait_dma2 semaphore(%run_scoped3A : memref<!tpu.dma_semaphore, #tpu.memory_space<semaphore_mem>>) src(%arg9 : memref<8x32xf32, #tpu.memory_space<vmem>>) dst(%dma_wait3A_566 : memref<8x32xf32, #tpu.memory_space<hbm>>)
        tpu.yield
      }) : () -> ()
      %lt3A_554 = arith.constant 31 : i32
      %lt3A_555 = arith.cmpi slt, %scan3A_256, %lt3A_554 : i32
      %convert_element_type3A_556 = arith.extui %lt3A_555 : i1 to i32
      %cond3A_557 = arith.constant 0 : i32
      %cond3A_558 = arith.cmpi ne, %convert_element_type3A_556, %cond3A_557 : i32
      scf.if %cond3A_558 {
        %add3A_559 = arith.constant 1 : i32
        %add3A_560 = arith.addi %mul3A_258, %add3A_559 : i32
        %add3A_561 = arith.constant 2 : i32
        %add3A_562 = arith.addi %add3A_560, %add3A_561 : i32
        %mul3A_563 = arith.constant 8 : i32
        %mul3A_564 = arith.muli %add3A_562, %mul3A_563 : i32
        %add3A_565 = arith.addi %mul3A_2, %mul3A_564 : i32
        %mul3A_566 = arith.constant 200 : i32
        %mul3A_567 = arith.muli %add3A_565, %mul3A_566 : i32
        "tpu.region"() ({
          %run_scoped3A = tpu.sem_alloc : memref<!tpu.dma_semaphore, #tpu.memory_space<semaphore_mem>>
          %dma_start3A_672 = arith.constant 0 : i32
          %dma_start3A_673 = tpu.memref_slice %arg6[%dma_start3A_672] : memref<1664xi32, #tpu.memory_space<vmem>> -> memref<1600xi32, #tpu.memory_space<vmem>>
          %dma_start3A_674 = tpu.memref_slice %arg3[%mul3A_567] : memref<3276800xi32, #tpu.memory_space<hbm>> -> memref<1600xi32, #tpu.memory_space<hbm>>
          %dma_start3A_675 = arith.constant 0 : i32
          %dma_start3A_676 = tpu.memref_slice %arg6[%dma_start3A_675] : memref<1664xi32, #tpu.memory_space<vmem>> -> memref<1600xi32, #tpu.memory_space<vmem>>
          %dma_start3A_677 = tpu.memref_slice %arg3[%mul3A_567] : memref<3276800xi32, #tpu.memory_space<hbm>> -> memref<1600xi32, #tpu.memory_space<hbm>>
          tpu.enqueue_dma source(%dma_start3A_677 : memref<1600xi32, #tpu.memory_space<hbm>>) target(%dma_start3A_676 : memref<1600xi32, #tpu.memory_space<vmem>>) target_semaphore(%run_scoped3A : memref<!tpu.dma_semaphore, #tpu.memory_space<semaphore_mem>>)
          %dma_wait3A_678 = arith.constant 0 : i32
          %dma_wait3A_679 = tpu.memref_slice %arg6[%dma_wait3A_678] : memref<1664xi32, #tpu.memory_space<vmem>> -> memref<1600xi32, #tpu.memory_space<vmem>>
          %dma_wait3A_680 = tpu.memref_slice %arg3[%mul3A_567] : memref<3276800xi32, #tpu.memory_space<hbm>> -> memref<1600xi32, #tpu.memory_space<hbm>>
          %dma_wait3A_681 = arith.constant 0 : i32
          %dma_wait3A_682 = tpu.memref_slice %arg6[%dma_wait3A_681] : memref<1664xi32, #tpu.memory_space<vmem>> -> memref<1600xi32, #tpu.memory_space<vmem>>
          %dma_wait3A_683 = tpu.memref_slice %arg3[%mul3A_567] : memref<3276800xi32, #tpu.memory_space<hbm>> -> memref<1600xi32, #tpu.memory_space<hbm>>
          tpu.wait_dma2 semaphore(%run_scoped3A : memref<!tpu.dma_semaphore, #tpu.memory_space<semaphore_mem>>) src(%dma_wait3A_683 : memref<1600xi32, #tpu.memory_space<hbm>>) dst(%dma_wait3A_682 : memref<1600xi32, #tpu.memory_space<vmem>>)
          tpu.yield
        }) : () -> ()
        %dma_start3A_568 = arith.constant 0 : i32
        %dma_start3A_569 = arith.constant 0 : i32
        %dma_start3A_570 = tpu.memref_slice %arg8[%dma_start3A_568, %dma_start3A_569] : memref<1664x32xf32, #tpu.memory_space<vmem>> -> memref<128x32xf32, #tpu.memory_space<vmem>>
        %dma_start3A_571 = arith.constant 0 : i32
        %dma_start3A_572 = tpu.memref_slice %arg6[%dma_start3A_571] : memref<1664xi32, #tpu.memory_space<vmem>> -> memref<128xi32, #tpu.memory_space<vmem>>
        %dma_start3A_573 = arith.constant 0 : i32
        %dma_start3A_574 = arith.constant 0 : i32
        %dma_start3A_575 = tpu.memref_slice %arg2[%dma_start3A_573, %dma_start3A_574] : memref<1000000x32xf32, #tpu.memory_space<hbm>> -> memref<1000000x32xf32, #tpu.memory_space<hbm>>
        tpu.enqueue_indirect_dma source(%dma_start3A_575 : memref<1000000x32xf32, #tpu.memory_space<hbm>>) target(%dma_start3A_570 : memref<128x32xf32, #tpu.memory_space<vmem>>) offsets(%dma_start3A_572 : memref<128xi32, #tpu.memory_space<vmem>>) semaphore(%arg11 : memref<!tpu.dma_semaphore, #tpu.memory_space<semaphore_mem>>)
        %dma_start3A_576 = arith.constant 128 : i32
        %dma_start3A_577 = arith.constant 0 : i32
        %dma_start3A_578 = tpu.memref_slice %arg8[%dma_start3A_576, %dma_start3A_577] : memref<1664x32xf32, #tpu.memory_space<vmem>> -> memref<128x32xf32, #tpu.memory_space<vmem>>
        %dma_start3A_579 = arith.constant 128 : i32
        %dma_start3A_580 = tpu.memref_slice %arg6[%dma_start3A_579] : memref<1664xi32, #tpu.memory_space<vmem>> -> memref<128xi32, #tpu.memory_space<vmem>>
        %dma_start3A_581 = arith.constant 0 : i32
        %dma_start3A_582 = arith.constant 0 : i32
        %dma_start3A_583 = tpu.memref_slice %arg2[%dma_start3A_581, %dma_start3A_582] : memref<1000000x32xf32, #tpu.memory_space<hbm>> -> memref<1000000x32xf32, #tpu.memory_space<hbm>>
        tpu.enqueue_indirect_dma source(%dma_start3A_583 : memref<1000000x32xf32, #tpu.memory_space<hbm>>) target(%dma_start3A_578 : memref<128x32xf32, #tpu.memory_space<vmem>>) offsets(%dma_start3A_580 : memref<128xi32, #tpu.memory_space<vmem>>) semaphore(%arg11 : memref<!tpu.dma_semaphore, #tpu.memory_space<semaphore_mem>>)
        %dma_start3A_584 = arith.constant 256 : i32
        %dma_start3A_585 = arith.constant 0 : i32
        %dma_start3A_586 = tpu.memref_slice %arg8[%dma_start3A_584, %dma_start3A_585] : memref<1664x32xf32, #tpu.memory_space<vmem>> -> memref<128x32xf32, #tpu.memory_space<vmem>>
        %dma_start3A_587 = arith.constant 256 : i32
        %dma_start3A_588 = tpu.memref_slice %arg6[%dma_start3A_587] : memref<1664xi32, #tpu.memory_space<vmem>> -> memref<128xi32, #tpu.memory_space<vmem>>
        %dma_start3A_589 = arith.constant 0 : i32
        %dma_start3A_590 = arith.constant 0 : i32
        %dma_start3A_591 = tpu.memref_slice %arg2[%dma_start3A_589, %dma_start3A_590] : memref<1000000x32xf32, #tpu.memory_space<hbm>> -> memref<1000000x32xf32, #tpu.memory_space<hbm>>
        tpu.enqueue_indirect_dma source(%dma_start3A_591 : memref<1000000x32xf32, #tpu.memory_space<hbm>>) target(%dma_start3A_586 : memref<128x32xf32, #tpu.memory_space<vmem>>) offsets(%dma_start3A_588 : memref<128xi32, #tpu.memory_space<vmem>>) semaphore(%arg11 : memref<!tpu.dma_semaphore, #tpu.memory_space<semaphore_mem>>)
        %dma_start3A_592 = arith.constant 384 : i32
        %dma_start3A_593 = arith.constant 0 : i32
        %dma_start3A_594 = tpu.memref_slice %arg8[%dma_start3A_592, %dma_start3A_593] : memref<1664x32xf32, #tpu.memory_space<vmem>> -> memref<128x32xf32, #tpu.memory_space<vmem>>
        %dma_start3A_595 = arith.constant 384 : i32
        %dma_start3A_596 = tpu.memref_slice %arg6[%dma_start3A_595] : memref<1664xi32, #tpu.memory_space<vmem>> -> memref<128xi32, #tpu.memory_space<vmem>>
        %dma_start3A_597 = arith.constant 0 : i32
        %dma_start3A_598 = arith.constant 0 : i32
        %dma_start3A_599 = tpu.memref_slice %arg2[%dma_start3A_597, %dma_start3A_598] : memref<1000000x32xf32, #tpu.memory_space<hbm>> -> memref<1000000x32xf32, #tpu.memory_space<hbm>>
        tpu.enqueue_indirect_dma source(%dma_start3A_599 : memref<1000000x32xf32, #tpu.memory_space<hbm>>) target(%dma_start3A_594 : memref<128x32xf32, #tpu.memory_space<vmem>>) offsets(%dma_start3A_596 : memref<128xi32, #tpu.memory_space<vmem>>) semaphore(%arg11 : memref<!tpu.dma_semaphore, #tpu.memory_space<semaphore_mem>>)
        %dma_start3A_600 = arith.constant 512 : i32
        %dma_start3A_601 = arith.constant 0 : i32
        %dma_start3A_602 = tpu.memref_slice %arg8[%dma_start3A_600, %dma_start3A_601] : memref<1664x32xf32, #tpu.memory_space<vmem>> -> memref<128x32xf32, #tpu.memory_space<vmem>>
        %dma_start3A_603 = arith.constant 512 : i32
        %dma_start3A_604 = tpu.memref_slice %arg6[%dma_start3A_603] : memref<1664xi32, #tpu.memory_space<vmem>> -> memref<128xi32, #tpu.memory_space<vmem>>
        %dma_start3A_605 = arith.constant 0 : i32
        %dma_start3A_606 = arith.constant 0 : i32
        %dma_start3A_607 = tpu.memref_slice %arg2[%dma_start3A_605, %dma_start3A_606] : memref<1000000x32xf32, #tpu.memory_space<hbm>> -> memref<1000000x32xf32, #tpu.memory_space<hbm>>
        tpu.enqueue_indirect_dma source(%dma_start3A_607 : memref<1000000x32xf32, #tpu.memory_space<hbm>>) target(%dma_start3A_602 : memref<128x32xf32, #tpu.memory_space<vmem>>) offsets(%dma_start3A_604 : memref<128xi32, #tpu.memory_space<vmem>>) semaphore(%arg11 : memref<!tpu.dma_semaphore, #tpu.memory_space<semaphore_mem>>)
        %dma_start3A_608 = arith.constant 640 : i32
        %dma_start3A_609 = arith.constant 0 : i32
        %dma_start3A_610 = tpu.memref_slice %arg8[%dma_start3A_608, %dma_start3A_609] : memref<1664x32xf32, #tpu.memory_space<vmem>> -> memref<128x32xf32, #tpu.memory_space<vmem>>
        %dma_start3A_611 = arith.constant 640 : i32
        %dma_start3A_612 = tpu.memref_slice %arg6[%dma_start3A_611] : memref<1664xi32, #tpu.memory_space<vmem>> -> memref<128xi32, #tpu.memory_space<vmem>>
        %dma_start3A_613 = arith.constant 0 : i32
        %dma_start3A_614 = arith.constant 0 : i32
        %dma_start3A_615 = tpu.memref_slice %arg2[%dma_start3A_613, %dma_start3A_614] : memref<1000000x32xf32, #tpu.memory_space<hbm>> -> memref<1000000x32xf32, #tpu.memory_space<hbm>>
        tpu.enqueue_indirect_dma source(%dma_start3A_615 : memref<1000000x32xf32, #tpu.memory_space<hbm>>) target(%dma_start3A_610 : memref<128x32xf32, #tpu.memory_space<vmem>>) offsets(%dma_start3A_612 : memref<128xi32, #tpu.memory_space<vmem>>) semaphore(%arg11 : memref<!tpu.dma_semaphore, #tpu.memory_space<semaphore_mem>>)
        %dma_start3A_616 = arith.constant 768 : i32
        %dma_start3A_617 = arith.constant 0 : i32
        %dma_start3A_618 = tpu.memref_slice %arg8[%dma_start3A_616, %dma_start3A_617] : memref<1664x32xf32, #tpu.memory_space<vmem>> -> memref<128x32xf32, #tpu.memory_space<vmem>>
        %dma_start3A_619 = arith.constant 768 : i32
        %dma_start3A_620 = tpu.memref_slice %arg6[%dma_start3A_619] : memref<1664xi32, #tpu.memory_space<vmem>> -> memref<128xi32, #tpu.memory_space<vmem>>
        %dma_start3A_621 = arith.constant 0 : i32
        %dma_start3A_622 = arith.constant 0 : i32
        %dma_start3A_623 = tpu.memref_slice %arg2[%dma_start3A_621, %dma_start3A_622] : memref<1000000x32xf32, #tpu.memory_space<hbm>> -> memref<1000000x32xf32, #tpu.memory_space<hbm>>
        tpu.enqueue_indirect_dma source(%dma_start3A_623 : memref<1000000x32xf32, #tpu.memory_space<hbm>>) target(%dma_start3A_618 : memref<128x32xf32, #tpu.memory_space<vmem>>) offsets(%dma_start3A_620 : memref<128xi32, #tpu.memory_space<vmem>>) semaphore(%arg11 : memref<!tpu.dma_semaphore, #tpu.memory_space<semaphore_mem>>)
        %dma_start3A_624 = arith.constant 896 : i32
        %dma_start3A_625 = arith.constant 0 : i32
        %dma_start3A_626 = tpu.memref_slice %arg8[%dma_start3A_624, %dma_start3A_625] : memref<1664x32xf32, #tpu.memory_space<vmem>> -> memref<128x32xf32, #tpu.memory_space<vmem>>
        %dma_start3A_627 = arith.constant 896 : i32
        %dma_start3A_628 = tpu.memref_slice %arg6[%dma_start3A_627] : memref<1664xi32, #tpu.memory_space<vmem>> -> memref<128xi32, #tpu.memory_space<vmem>>
        %dma_start3A_629 = arith.constant 0 : i32
        %dma_start3A_630 = arith.constant 0 : i32
        %dma_start3A_631 = tpu.memref_slice %arg2[%dma_start3A_629, %dma_start3A_630] : memref<1000000x32xf32, #tpu.memory_space<hbm>> -> memref<1000000x32xf32, #tpu.memory_space<hbm>>
        tpu.enqueue_indirect_dma source(%dma_start3A_631 : memref<1000000x32xf32, #tpu.memory_space<hbm>>) target(%dma_start3A_626 : memref<128x32xf32, #tpu.memory_space<vmem>>) offsets(%dma_start3A_628 : memref<128xi32, #tpu.memory_space<vmem>>) semaphore(%arg11 : memref<!tpu.dma_semaphore, #tpu.memory_space<semaphore_mem>>)
        %dma_start3A_632 = arith.constant 1024 : i32
        %dma_start3A_633 = arith.constant 0 : i32
        %dma_start3A_634 = tpu.memref_slice %arg8[%dma_start3A_632, %dma_start3A_633] : memref<1664x32xf32, #tpu.memory_space<vmem>> -> memref<128x32xf32, #tpu.memory_space<vmem>>
        %dma_start3A_635 = arith.constant 1024 : i32
        %dma_start3A_636 = tpu.memref_slice %arg6[%dma_start3A_635] : memref<1664xi32, #tpu.memory_space<vmem>> -> memref<128xi32, #tpu.memory_space<vmem>>
        %dma_start3A_637 = arith.constant 0 : i32
        %dma_start3A_638 = arith.constant 0 : i32
        %dma_start3A_639 = tpu.memref_slice %arg2[%dma_start3A_637, %dma_start3A_638] : memref<1000000x32xf32, #tpu.memory_space<hbm>> -> memref<1000000x32xf32, #tpu.memory_space<hbm>>
        tpu.enqueue_indirect_dma source(%dma_start3A_639 : memref<1000000x32xf32, #tpu.memory_space<hbm>>) target(%dma_start3A_634 : memref<128x32xf32, #tpu.memory_space<vmem>>) offsets(%dma_start3A_636 : memref<128xi32, #tpu.memory_space<vmem>>) semaphore(%arg11 : memref<!tpu.dma_semaphore, #tpu.memory_space<semaphore_mem>>)
        %dma_start3A_640 = arith.constant 1152 : i32
        %dma_start3A_641 = arith.constant 0 : i32
        %dma_start3A_642 = tpu.memref_slice %arg8[%dma_start3A_640, %dma_start3A_641] : memref<1664x32xf32, #tpu.memory_space<vmem>> -> memref<128x32xf32, #tpu.memory_space<vmem>>
        %dma_start3A_643 = arith.constant 1152 : i32
        %dma_start3A_644 = tpu.memref_slice %arg6[%dma_start3A_643] : memref<1664xi32, #tpu.memory_space<vmem>> -> memref<128xi32, #tpu.memory_space<vmem>>
        %dma_start3A_645 = arith.constant 0 : i32
        %dma_start3A_646 = arith.constant 0 : i32
        %dma_start3A_647 = tpu.memref_slice %arg2[%dma_start3A_645, %dma_start3A_646] : memref<1000000x32xf32, #tpu.memory_space<hbm>> -> memref<1000000x32xf32, #tpu.memory_space<hbm>>
        tpu.enqueue_indirect_dma source(%dma_start3A_647 : memref<1000000x32xf32, #tpu.memory_space<hbm>>) target(%dma_start3A_642 : memref<128x32xf32, #tpu.memory_space<vmem>>) offsets(%dma_start3A_644 : memref<128xi32, #tpu.memory_space<vmem>>) semaphore(%arg11 : memref<!tpu.dma_semaphore, #tpu.memory_space<semaphore_mem>>)
        %dma_start3A_648 = arith.constant 1280 : i32
        %dma_start3A_649 = arith.constant 0 : i32
        %dma_start3A_650 = tpu.memref_slice %arg8[%dma_start3A_648, %dma_start3A_649] : memref<1664x32xf32, #tpu.memory_space<vmem>> -> memref<128x32xf32, #tpu.memory_space<vmem>>
        %dma_start3A_651 = arith.constant 1280 : i32
        %dma_start3A_652 = tpu.memref_slice %arg6[%dma_start3A_651] : memref<1664xi32, #tpu.memory_space<vmem>> -> memref<128xi32, #tpu.memory_space<vmem>>
        %dma_start3A_653 = arith.constant 0 : i32
        %dma_start3A_654 = arith.constant 0 : i32
        %dma_start3A_655 = tpu.memref_slice %arg2[%dma_start3A_653, %dma_start3A_654] : memref<1000000x32xf32, #tpu.memory_space<hbm>> -> memref<1000000x32xf32, #tpu.memory_space<hbm>>
        tpu.enqueue_indirect_dma source(%dma_start3A_655 : memref<1000000x32xf32, #tpu.memory_space<hbm>>) target(%dma_start3A_650 : memref<128x32xf32, #tpu.memory_space<vmem>>) offsets(%dma_start3A_652 : memref<128xi32, #tpu.memory_space<vmem>>) semaphore(%arg11 : memref<!tpu.dma_semaphore, #tpu.memory_space<semaphore_mem>>)
        %dma_start3A_656 = arith.constant 1408 : i32
        %dma_start3A_657 = arith.constant 0 : i32
        %dma_start3A_658 = tpu.memref_slice %arg8[%dma_start3A_656, %dma_start3A_657] : memref<1664x32xf32, #tpu.memory_space<vmem>> -> memref<128x32xf32, #tpu.memory_space<vmem>>
        %dma_start3A_659 = arith.constant 1408 : i32
        %dma_start3A_660 = tpu.memref_slice %arg6[%dma_start3A_659] : memref<1664xi32, #tpu.memory_space<vmem>> -> memref<128xi32, #tpu.memory_space<vmem>>
        %dma_start3A_661 = arith.constant 0 : i32
        %dma_start3A_662 = arith.constant 0 : i32
        %dma_start3A_663 = tpu.memref_slice %arg2[%dma_start3A_661, %dma_start3A_662] : memref<1000000x32xf32, #tpu.memory_space<hbm>> -> memref<1000000x32xf32, #tpu.memory_space<hbm>>
        tpu.enqueue_indirect_dma source(%dma_start3A_663 : memref<1000000x32xf32, #tpu.memory_space<hbm>>) target(%dma_start3A_658 : memref<128x32xf32, #tpu.memory_space<vmem>>) offsets(%dma_start3A_660 : memref<128xi32, #tpu.memory_space<vmem>>) semaphore(%arg11 : memref<!tpu.dma_semaphore, #tpu.memory_space<semaphore_mem>>)
        %dma_start3A_664 = arith.constant 1536 : i32
        %dma_start3A_665 = arith.constant 0 : i32
        %dma_start3A_666 = tpu.memref_slice %arg8[%dma_start3A_664, %dma_start3A_665] : memref<1664x32xf32, #tpu.memory_space<vmem>> -> memref<128x32xf32, #tpu.memory_space<vmem>>
        %dma_start3A_667 = arith.constant 1536 : i32
        %dma_start3A_668 = tpu.memref_slice %arg6[%dma_start3A_667] : memref<1664xi32, #tpu.memory_space<vmem>> -> memref<128xi32, #tpu.memory_space<vmem>>
        %dma_start3A_669 = arith.constant 0 : i32
        %dma_start3A_670 = arith.constant 0 : i32
        %dma_start3A_671 = tpu.memref_slice %arg2[%dma_start3A_669, %dma_start3A_670] : memref<1000000x32xf32, #tpu.memory_space<hbm>> -> memref<1000000x32xf32, #tpu.memory_space<hbm>>
        tpu.enqueue_indirect_dma source(%dma_start3A_671 : memref<1000000x32xf32, #tpu.memory_space<hbm>>) target(%dma_start3A_666 : memref<128x32xf32, #tpu.memory_space<vmem>>) offsets(%dma_start3A_668 : memref<128xi32, #tpu.memory_space<vmem>>) semaphore(%arg11 : memref<!tpu.dma_semaphore, #tpu.memory_space<semaphore_mem>>)
      } else {
      }
    }
    %scan3A_255 = arith.constant 32 : i32
    return
  }
}

module attributes {stable_mosaic.version = 14 : i64} {
  func.func @body(%arg0: i32, %arg1: memref<1024x32xf32, #tpu.memory_space<vmem>>, %arg2: memref<32x64xf32, #tpu.memory_space<vmem>>, %arg3: memref<1x64xf32, #tpu.memory_space<vmem>>, %arg4: memref<64x2xf32, #tpu.memory_space<vmem>>, %arg5: memref<1x2xf32, #tpu.memory_space<vmem>>, %arg6: memref<1024x2xf32, #tpu.memory_space<vmem>>) attributes {dimension_semantics = [#tpu.dimension_semantics<arbitrary>], iteration_bounds = array<i64: 16>, scalar_prefetch = 0 : i64, scratch_operands = 0 : i64, tpu.core_type = #tpu.core_type<tc>, window_params = [{transform_indices = @transform_0, window_bounds = array<i64: 1024, 32>}, {pipeline_mode = #tpu.pipeline_mode<synchronous>, transform_indices = @transform_1, window_bounds = array<i64: 32, 64>}, {pipeline_mode = #tpu.pipeline_mode<synchronous>, transform_indices = @transform_2, window_bounds = array<i64: 1, 64>}, {pipeline_mode = #tpu.pipeline_mode<synchronous>, transform_indices = @transform_3, window_bounds = array<i64: 64, 2>}, {pipeline_mode = #tpu.pipeline_mode<synchronous>, transform_indices = @transform_4, window_bounds = array<i64: 1, 2>}, {transform_indices = @transform_5, window_bounds = array<i64: 1024, 2>}]} {
    %get3A = arith.constant 0 : index
    %get3A_0 = arith.constant 0 : index
    %get3A_1 = vector.load %arg1[%get3A, %get3A_0] : memref<1024x32xf32, #tpu.memory_space<vmem>>, vector<1024x32xf32>
    %get3A_2 = arith.constant 0 : index
    %get3A_3 = arith.constant 0 : index
    %get3A_4 = vector.load %arg2[%get3A_2, %get3A_3] : memref<32x64xf32, #tpu.memory_space<vmem>>, vector<32x64xf32>
    %dot_general3A = arith.constant dense<0.000000e+00> : vector<1024x64xf32>
    %dot_general3A_5 = tpu.matmul %get3A_1, %get3A_4, %dot_general3A {dimension_numbers = #tpu.dot_dimension_numbers<[1], [0], [0], [1], [0, 0, 1, 1], [], []>, transpose_lhs_hint = false} : vector<1024x32xf32>, vector<32x64xf32>, vector<1024x64xf32> -> vector<1024x64xf32>
    %get3A_6 = arith.constant 0 : index
    %get3A_7 = arith.constant 0 : index
    %get3A_8 = vector.load %arg3[%get3A_6, %get3A_7] : memref<1x64xf32, #tpu.memory_space<vmem>>, vector<1x64xf32>
    %add3A = vector.broadcast %get3A_8 : vector<1x64xf32> to vector<1024x64xf32>
    %add3A_9 = arith.addf %dot_general3A_5, %add3A : vector<1024x64xf32>
    %max3A = arith.constant 0.000000e+00 : f32
    %max3A_10 = vector.broadcast %max3A : f32 to vector<1024x64xf32>
    %max3A_11 = arith.maximumf %add3A_9, %max3A_10 : vector<1024x64xf32>
    %get3A_12 = arith.constant 0 : index
    %get3A_13 = arith.constant 0 : index
    %get3A_14 = vector.load %arg4[%get3A_12, %get3A_13] : memref<64x2xf32, #tpu.memory_space<vmem>>, vector<64x2xf32>
    %dot_general3A_15 = arith.constant dense<0.000000e+00> : vector<1024x2xf32>
    %dot_general3A_16 = tpu.matmul %max3A_11, %get3A_14, %dot_general3A_15 {dimension_numbers = #tpu.dot_dimension_numbers<[1], [0], [0], [1], [0, 0, 1, 1], [], []>, transpose_lhs_hint = false} : vector<1024x64xf32>, vector<64x2xf32>, vector<1024x2xf32> -> vector<1024x2xf32>
    %get3A_17 = arith.constant 0 : index
    %get3A_18 = arith.constant 0 : index
    %get3A_19 = vector.load %arg5[%get3A_17, %get3A_18] : memref<1x2xf32, #tpu.memory_space<vmem>>, vector<1x2xf32>
    %add3A_20 = vector.broadcast %get3A_19 : vector<1x2xf32> to vector<1024x2xf32>
    %add3A_21 = arith.addf %dot_general3A_16, %add3A_20 : vector<1024x2xf32>
    %swap3A = arith.constant 0 : index
    %swap3A_22 = arith.constant 0 : index
    %swap3A_23 = vector.load %arg6[%swap3A, %swap3A_22] : memref<1024x2xf32, #tpu.memory_space<vmem>>, vector<1024x2xf32>
    tpu.vector_store %arg6[%swap3A, %swap3A_22], %add3A_21 {strides = array<i32>} : memref<1024x2xf32, #tpu.memory_space<vmem>>, vector<1024x2xf32>,
    return
  }
  func.func @transform_0(%arg0: i32) -> (i32, i32) {
    %c0_i32 = arith.constant 0 : i32
    %c0_i32_0 = arith.constant 0 : i32
    return %arg0, %c0_i32 : i32, i32
  }
  func.func @transform_1(%arg0: i32) -> (i32, i32) {
    %c0_i32 = arith.constant 0 : i32
    %c0_i32_0 = arith.constant 0 : i32
    %c0_i32_1 = arith.constant 0 : i32
    return %c0_i32, %c0_i32_0 : i32, i32
  }
  func.func @transform_2(%arg0: i32) -> (i32, i32) {
    %c0_i32 = arith.constant 0 : i32
    %c0_i32_0 = arith.constant 0 : i32
    %c0_i32_1 = arith.constant 0 : i32
    return %c0_i32, %c0_i32_0 : i32, i32
  }
  func.func @transform_3(%arg0: i32) -> (i32, i32) {
    %c0_i32 = arith.constant 0 : i32
    %c0_i32_0 = arith.constant 0 : i32
    %c0_i32_1 = arith.constant 0 : i32
    return %c0_i32, %c0_i32_0 : i32, i32
  }
  func.func @transform_4(%arg0: i32) -> (i32, i32) {
    %c0_i32 = arith.constant 0 : i32
    %c0_i32_0 = arith.constant 0 : i32
    %c0_i32_1 = arith.constant 0 : i32
    return %c0_i32, %c0_i32_0 : i32, i32
  }
  func.func @transform_5(%arg0: i32) -> (i32, i32) {
    %c0_i32 = arith.constant 0 : i32
    %c0_i32_0 = arith.constant 0 : i32
    return %arg0, %c0_i32 : i32, i32
  }
}

</mosaic_0001>

<sc_bundles>
// kernel: kernel.4.cloned.1.call-start
scs
__scs_entry_jumppad:
0x0: {  	(pc) =	sbr.rel $0x88, $3  }
0x1: {  	(tag) =	ssettag $0x0;
	lr =	simm.s32 $0x1  }
0x2: {  	[smem:$0x3F9B] =	sst lr;
	_ =	strace $0xD0000000  }
0x3: {  	_ = 	snop  }
0x4: {  	_ = 	snop  }
0x5: {  	_ = 	snop  }
0x6: {  	_ = 	snop  }
0x7: {  	_ = 	snop  }
__scs_overlays_trampoline_lowered:
0x8: {  	[smem:$0x3FAA] =	sst s0  }
0x9: {  	[smem:$0x3FAB] =	sst s1  }
0xa: {  	[smem:$0x3FAC] =	sst s2  }
0xb: {  	[smem:$0x3FAD] =	sst s3  }
0xc: {  	[smem:$0x3FAE] =	sst s4  }
0xd: {  	[smem:$0x3FAF] =	sst s5  }
0xe: {  	[smem:$0x3FB0] =	sst s6  }
0xf: {  	[smem:$0x3FB1] =	sst s7  }
0x10: {  	[smem:$0x3FB2] =	sst s8  }
0x11: {  	[smem:$0x3FB3] =	sst s9;
	s0 =	simm.s32 @!p0 $0x0  }
0x12: {  	s1 =	sld [smem:$0x3F99];
	s0 =	simm.s32 @p0 $0x1  }
0x13: {  	[smem:$0x3FB4] =	sst s0;
	s0 =	simm.s32 @!p1 $0x0  }
0x14: {  	s2 =	sld [smem:$0x3F98];
	s0 =	simm.s32 @p1 $0x1  }
0x15: {  	[smem:$0x3FB5] =	sst s0;
	s0 =	simm.s32 @!p2 $0x0  }
0x16: {  	s3 =	sld [smem:$0x3FDB];
	s0 =	simm.s32 @p2 $0x1  }
0x17: {  	s4 =	simm.s32 $0x1BF5;
	[smem:$0x3FB7] =	sst s0  }
0x18: {  	s0 =	sld [smem:$0x3F9A];
	_ =	swait.ge [sflag:s4], $0x0  }
0x19: {  	s7 =	sld [smem:$0x3F9B]  }
0x1a: {  	s8 =	sadd.s32 $0xFFFFE003, lr  }
0x1b: {  	s9 =	sadd.s32 $0xFFFFFEF7, lr;
	s5 =	simm.s32 $0xFFFFFFFF;
	p2 =	slt.u32 s8, $0xFFFFF086  }
0x1c: {  	p1 =	slt.u32 s9, $0xF7A;
	s5 =	simm.s32 @!p2 $0x0  }
0x1d: {  	s5 =	simm.s32 @p1 $0x1;
	p0 =	seq.s32 s7, s2  }
0x1e: {  	s7 =	smul.u32 @!p0 $0xF7A, s2;
	p2 =	seq.s32 @!p0 s5, $0x0  }
0x1f: {  	s9 =	smul.u32 $0xF7A, s1;
	s8 =	simm.s32 @!p0 $0x1BF5;
	p2 =	por !p2, p0  }
0x20: {  	[sflag:s8] =	ssyncset.s32 @!p0 $0xFFFFF086;
	s6 =	sadd.s32 @!p0 s3, s7;
	s7 =	simm.s32 @!p0 $0x108  }
0x21: {  	s3 =	sadd.s32 s3, s9;
	s6 =	sadd.s32 @!p0 $0x88, s6;
	s7 =	simm.s32 @p2 $0x1082  }
0x22: {  	[simem:s7], [sflag:s8] =	dma.local @!p0 [hbm:s6], $0xF7A  }
0x23: {  	s9 =	sor.u32 $0xD0000000, s2;
	s6 =	simm.s32 $0x108;
	_ =	swait.ge @!p0 [sflag:s8], $0x0  }
0x24: {  	s3 =	sadd.s32 $0x88, s3;
	s6 =	simm.s32 @!p1 $0x1082;
	[sflag:s4] =	ssyncset.s32 $0xFFFFF086  }
0x25: {  	[simem:s6], [sflag:s4] =	dma.local [hbm:s3], $0xF7A  }
0x26: {  	[smem:$0x3F9B] =	sst s1;
	(tag) =	ssettag s2;
	_ =	strace s9  }
0x27: {  	s1 =	sld [smem:$0x3FAB]  }
0x28: {  	s2 =	sld [smem:$0x3FAC]  }
0x29: {  	s4 =	sld [smem:$0x3FAE]  }
0x2a: {  	p0 =	seq.s32 s5, $0x0;
	s5 =	sld [smem:$0x3FAF]  }
0x2b: {  	s6 =	sld [smem:$0x3FB0]  }
0x2c: {  	s7 =	sld [smem:$0x3FB1]  }
0x2d: {  	s3 =	simm.s32 $0x108;
	s8 =	sld [smem:$0x3FB2]  }
0x2e: {  	s3 =	simm.s32 @!p0 $0x1082;
	s9 =	sld [smem:$0x3FB3]  }
0x2f: {  	lr =	sadd.s32 s0, s3;
	s0 =	sld [smem:$0x3FAA]  }
0x30: {  	s3 =	sld [smem:$0x3FAD]  }
0x31: {  	[smem:$0x3FB6] =	sst s10  }
0x32: {  	s10 =	sld [smem:$0x3FB4];
	_ =	sdelay $0x3  }
0x33: {  	p0 =	seq.s32 s10, $0x1;
	s10 =	sld [smem:$0x3FB6];
	_ =	sdelay $0x3  }
0x34: {  	[smem:$0x3FB6] =	sst s10  }
0x35: {  	s10 =	sld [smem:$0x3FB5];
	_ =	sdelay $0x3  }
0x36: {  	p1 =	seq.s32 s10, $0x1;
	s10 =	sld [smem:$0x3FB6];
	_ =	sdelay $0x3  }
0x37: {  	[smem:$0x3FB6] =	sst s10  }
0x38: {  	s10 =	sld [smem:$0x3FB7]  }
0x39: {  	_ = 	snop;
	(pc) =	sbr.ind lr, $3  }
0x3a: {  	_ = 	snop  }
0x3b: {  	_ = 	snop  }
0x3c: {  	p2 =	seq.s32 s10, $0x1;
	s10 =	sld [smem:$0x3FB6]  }
0x3d: {  	_ =	shalt  }
0x3e: {  	_ =	shalt  }
0x3f: {  	_ =	shalt  }
0x40: {  	_ =	shalt  }
0x41: {  	_ =	shalt  }
0x42: {  	_ =	shalt  }
0x43: {  	_ =	shalt  }
0x44: {  	_ =	shalt  }
0x45: {  	_ =	shalt  }
0x46: {  	_ =	shalt  }
0x47: {  	_ =	shalt  }
0x48: {  	_ =	shalt  }
0x49: {  	_ =	shalt  }
0x4a: {  	_ =	shalt  }
0x4b: {  	_ =	shalt  }
0x4c: {  	_ =	shalt  }
0x4d: {  	_ =	shalt  }
0x4e: {  	_ =	shalt  }
0x4f: {  	_ =	shalt  }
0x50: {  	_ =	shalt  }
0x51: {  	_ =	shalt  }
0x52: {  	_ =	shalt  }
0x53: {  	_ =	shalt  }
0x54: {  	_ =	shalt  }
0x55: {  	_ =	shalt  }
0x56: {  	_ =	shalt  }
0x57: {  	_ =	shalt  }
0x58: {  	_ =	shalt  }
0x59: {  	_ =	shalt  }
0x5a: {  	_ =	shalt  }
0x5b: {  	_ =	shalt  }
0x5c: {  	_ =	shalt  }
0x5d: {  	_ =	shalt  }
0x5e: {  	_ =	shalt  }
0x5f: {  	_ =	shalt  }
0x60: {  	_ =	shalt  }
0x61: {  	_ =	shalt  }
0x62: {  	_ =	shalt  }
0x63: {  	_ =	shalt  }
0x64: {  	_ =	shalt  }
0x65: {  	_ =	shalt  }
0x66: {  	_ =	shalt  }
0x67: {  	_ =	shalt  }
0x68: {  	_ =	shalt  }
0x69: {  	_ =	shalt  }
0x6a: {  	_ =	shalt  }
0x6b: {  	_ =	shalt  }
0x6c: {  	_ =	shalt  }
0x6d: {  	_ =	shalt  }
0x6e: {  	_ =	shalt  }
0x6f: {  	_ =	shalt  }
0x70: {  	_ =	shalt  }
0x71: {  	_ =	shalt  }
0x72: {  	_ =	shalt  }
0x73: {  	_ =	shalt  }
0x74: {  	_ =	shalt  }
0x75: {  	_ =	shalt  }
0x76: {  	_ =	shalt  }
0x77: {  	_ =	shalt  }
0x78: {  	_ =	shalt  }
0x79: {  	_ =	shalt  }
0x7a: {  	_ =	shalt  }
0x7b: {  	_ =	shalt  }
0x7c: {  	_ =	shalt  }
0x7d: {  	_ =	shalt  }
0x7e: {  	_ =	shalt  }
0x7f: {  	_ =	shalt  }
0x80: {  	_ =	shalt  }
0x81: {  	_ =	shalt  }
0x82: {  	_ =	shalt  }
0x83: {  	_ =	shalt  }
0x84: {  	_ =	shalt  }
0x85: {  	_ =	shalt  }
0x86: {  	_ =	shalt  }
0x87: {  	_ =	shalt  }
.Lfunc_end0:
.L_simem_size_0:
called_computation_lowered:
.L_overlay_start_0:
0x88: {  	s2 =	sld [smem:$0x3FD9]  }
0x89: {  	s3 =	sld [smem:$0x3FFE];
	_ =	sdelay $0x1  }
0x8a: {  	s1 =	srdreg.scid  }
0x8b: {  	s0 =	sand.u32 $0x1, s1  }
0x8c: {  	s16 =	sshll.u32 s0, $0xA;
	s2 =	sadd.s32 s3, s2  }
0x8d: {  	s2 =	sadd.s32 s2, s16  }
0x8e: {  	[smem:$0x3FC2] =	sst s2  }
0x8f: {  	_ = 	snop  }
0x90: {  	(tm) =	ssettm $0x1  }
0x91: {  	s17 =	sld [smem:$0x3FFB];
	_ =	sdelay $0x3  }
0x92: {  	_ =	strace s17  }
0x93: {  	s2 =	sld [smem:$0x3FFC];
	_ =	sdelay $0x3  }
0x94: {  	_ =	strace s2  }
0x95: {  	s2 =	sld [smem:$0x3FFD];
	_ =	sdelay $0x3  }
0x96: {  	_ =	strace s2  }
0x97: {  	_ =	strace $0x8FFFFFFF  }
0x98: {  	s18 =	sld [smem:$0x3FDB];
	_ =	sdelay $0x1  }
0x99: {  	s19 =	simm.s32 $_scs_section_size  }
0x9a: {  	s4 =	simm.s32 $_size__tile_overlayer_lowered;
	s5 =	simm.s32 $_tile_overlayer_lowered  }
0x9b: {  	s22 =	simm.s32 $0x1BFF;
	s21 =	sshll.u32 s5, $0x1;
	s2 =	sadd.s32 s19, s18  }
0x9c: {  	s6 =	simm.s32 $0x0;
	s20 =	sshll.u32 s4, $0x1;
	s4 =	sadd.s32 s21, s2  }
0x9d: {  	[timem:s6], [sflag:s22] =	dma.local [hbm:s4], s20  }
0x9e: {  	_ =	swait.ge [sflag:s22], s20  }
0x9f: {  	s3 =	ssub.s32 $0x0, s20;
	[sflag:s22] =	ssyncset.done $0x0  }
0xa0: {  	[sflag:s22] =	ssyncadd.s32 s3;
	_ =	sdelay $0x1  }
0xa1: {  	s23 =	simm.s32 $0x1B8B  }
0xa2: {  	_ =	swait.ge [sflag:s23], $0x1  }
0xa3: {  	[sflag:s23] =	ssyncset.done $0x0  }
0xa4: {  	s25 =	simm.s32 $0x1B8E;
	s24 =	sld [smem:$0x3FFE];
	[sflag:s23] =	ssyncadd.s32 $0xFFFFFFFF  }
0xa5: {  	s26 =	simm.s32 $execute0_lowered;
	[smem:$0x3FD2] =	sst s25  }
0xa6: {  	s4 =	sshll.u32 s26, $0x1;
	_ =	strace $0x80000046;
	[dreg:$0x1] =	wrdreg $0xFFFFFFFF  }
0xa7: {  	s28 =	simm.s32 $_size_execute0_lowered;
	s2 =	sadd.s32 s2, s4;
	[dreg:$0x0] =	wrdreg $0x0  }
0xa8: {  	s4 =	sshll.u32 s28, $0x1;
	[dreg:$0x2] =	wrdreg s2  }
0xa9: {  	[dreg:$0x3] =	wrdreg s4  }
0xaa: {  	[dreg:$0x4] =	wrdreg $0xC0  }
0xab: {  	_ =	task [dreg:s6], $0x5FFFF  }
0xac: {  	[dreg:$0x1] =	wrdreg $0xFFFFFFFF  }
0xad: {  	[dreg:$0x0] =	wrdreg $0x60  }
0xae: {  	[dreg:$0x2] =	wrdreg s24  }
0xaf: {  	[dreg:$0x3] =	wrdreg $0x9  }
0xb0: {  	_ =	task.clear_ibuf [dreg:s6], $0x4FFFF;
	_ =	strace $0x90000046  }
0xb1: {  	s29 =	simm.s32 $0x9;
	_ =	strace $0x80000048  }
0xb2: {  	_ =	swait.ge [sflag:s29], $0x1  }
0xb3: {  	[sflag:s29] =	ssyncadd.s32 $0xFFFFFFFF  }
0xb4: {  	_ =	strace $0x90000048  }
0xb5: {  	_ =	sfence  }
0xb6: {  	s30 =	sld [smem:$0x0];
	_ =	sdelay $0x2  }
0xb7: {  	s31 =	sshll.u32 s1, $0xD;
	s1 =	sshrl.u32 s1, $0x2  }
0xb8: {  	s3 =	sand.u32 $0x4000, s31;
	s1 =	sadd.s32 s1, s30  }
0xb9: {  	s0 =	sor.u32 s3, s0;
	s1 =	sshll.u32 s1, $0x11  }
0xba: {  	s0 =	sor.u32 s1, s0  }
0xbb: {  	s0 =	sadd.s32 $0x8F2B, s0  }
0xbc: {  	[sflag:s0] =	ssyncadd.remote.s32 $0x1  }
0xbd: {  	_ =	sfence.sel $0xFFFF  }
0xbe: {  	[dreg:$0x0] =	wrdreg $0xFFFFFFFF;
	(pc) =	sbr.abs _section_cstart, $3  }
0xbf: {  	[dreg:$0x1] =	wrdreg $0xFFFFFFFF  }
0xc0: {  	_ =	task.clear_ibuf [dreg:s6], $0x2FFFF;
	_ =	strace $0x9FFFFFFF  }
0xc1: {  	(tm) =	ssettm $0x7FFFFFFF  }
tec
execute0_lowered:
.L_overlay_start_1:
0x0: {  	(tag) =	ssettag $0x1  }
0x1: {  	s0 =	rddreg [dreg:$0x0];
	s1 =	srdreg.scid  }
0x2: {  	s3 =	stileid.u32;
	s2 =	simm.s32 $0x0;
	s13 =	simm.s32 $0x3  }
0x3: {  	s14 =	simm.s32 $0x80;
	s21 =	simm.s32 $0x680;
	s17 =	simm.s32 $0xA00  }
0x4: {  	s18 =	simm.s32 $0x14D00;
	s19 =	simm.s32 $0xA80;
	s20 =	simm.s32 $0x15D00  }
0x5: {  	s12 =	simm.s32 $0x16D00;
	s22 =	simm.s32 $0x17D00;
	s23 =	simm.s32 $0xC00  }
0x6: {  	s24 =	simm.s32 $0x18D00;
	s28 =	simm.s32 $0x1;
	s29 =	simm.s32 $0x1AD00  }
0x7: {  	s30 =	simm.s32 $0x2;
	s1 =	sand.u32 $0x1, s1;
	s3 =	sshll.u32 s3, $0x1  }
0x8: {  	[smem:$0x7FF] =	sst s2;
	s4 =	sadd.s32 $0xE00, s0;
	s5 =	sadd.s32 $0x64E00, s0  }
0x9: {  	s6 =	sor.u32 s1, s3;
	_ =	strace $0x80000047;
	s1 =	ssub.s32 $0x2, s1  }
0xa: {  	s7 =	smul.u32 $0x3200, s6;
	s8 =	sshrl.u32 s1, $0x1;
	s31 =	sshll.u32 s6, $0xB  }
0xb: {  	s3 =	sadd.s32 $0xF43200, s0;
	s25 =	ssub.s32 s1, s8;
	s9 =	sadd.s32 s5, s31  }
.Ltmp0:
0xc: {  	s8 =	simm.s32 $0xB00;
	s26 =	sadd.s32 s4, s7;
	(pc) =	sbr.rel .LBB2_1-.Ltmp0, $4  }
0xd: {  	s7 =	sshll.u32 s6, $0x9;
	s0 =	smax.u32 s25, $0x1;
	s6 =	simm.s32 $0xB80  }
0xe: {  	s25 =	simm.s32 $0xC80;
	[dreg:$0x2] =	wrdreg s26;
	s1 =	sadd.s32 $0xC8, s26  }
0xf: {  	s10 =	sor.u32 $0x10, s7;
	s11 =	sor.u32 $0x18, s7;
	[dreg:$0x4] =	wrdreg s0  }
0x10: {  	s26 =	simm.s32 $0x19D00;
	[dreg:$0x3] =	wrdreg s1;
	s1 =	simm.s32 $0x0  }
.LBB2_8:
0x11: {  	s1 =	rddreg [dreg:$0x5]  }
0x12: {  	s0 =	rddreg [dreg:$0x4];
	s1 =	sadd.s32 $0x1, s1  }
0x13: {  	p0 =	sne.s32 s1, s0  }
.Ltmp1:
0x14: {  	_ = 	snop;
	(pc) =	sbr.rel @!p0 .LBB2_9-.Ltmp1, $1  }
0x15: {  	_ =	sdelay $0x3  }
.LBB2_1:
0x16: {  	v0 =	vimm.s32 $0x0  }
0x17: {  	[tilespmem:$0x640] =	vst v0  }
0x18: {  	[tilespmem:$0x650] =	vst v0  }
0x19: {  	[tilespmem:$0x660] =	vst v0  }
0x1a: {  	[tilespmem:$0x670] =	vst v0  }
0x1b: {  	[tilespmem:$0xCC0] =	vst v0  }
0x1c: {  	[tilespmem:$0xCD0] =	vst v0  }
0x1d: {  	[dreg:$0x5] =	wrdreg s1;
	[tilespmem:$0xCE0] =	vst v0  }
0x1e: {  	s0 =	rddreg [dreg:$0x2];
	[tilespmem:$0xCF0] =	vst v0  }
0x1f: {  	[tilespmem:s2], [sflag:$0x3] =	stream.linear.gather [hbm4b:s0+s2], $0x640, $0x38;
	[tilespmem:$0x1AE00] =	vst v63  }
0x20: {  	_ =	swait.ge [sflag:s13], $0x640  }
0x21: {  	[sflag:s13] =	ssyncset.done $0x0  }
0x22: {  	s16 =	simm.s32 $0xD00;
	[sflag:s13] =	ssyncadd.s32 $0xFFFFF9C0  }
0x23: {  	[tilespmem:s16], [sflag:$0x1] =	stream.indirect.gather [hbm4b:s3+s14], $0x20, s2, s14, $0xb8;
	[tilespmem:$0x1AE00] =	vst v63  }
0x24: {  	s1 =	simm.s32 $0x1D00  }
0x25: {  	[tilespmem:s1], [sflag:$0x1] =	stream.indirect.gather [hbm4b:s3+s14], $0x20, s14, s14, $0xb8;
	[tilespmem:$0x1AE00] =	vst v63  }
0x26: {  	s15 =	simm.s32 $0x100;
	s16 =	simm.s32 $0x2D00  }
0x27: {  	[tilespmem:s16], [sflag:$0x1] =	stream.indirect.gather [hbm4b:s3+s14], $0x20, s15, s14, $0xb8;
	[tilespmem:$0x1AE00] =	vst v63  }
0x28: {  	s15 =	simm.s32 $0x180;
	s16 =	simm.s32 $0x3D00  }
0x29: {  	[tilespmem:s16], [sflag:$0x1] =	stream.indirect.gather [hbm4b:s3+s14], $0x20, s15, s14, $0xb8;
	[tilespmem:$0x1AE00] =	vst v63  }
0x2a: {  	s15 =	simm.s32 $0x200;
	s16 =	simm.s32 $0x4D00  }
0x2b: {  	[tilespmem:s16], [sflag:$0x1] =	stream.indirect.gather [hbm4b:s3+s14], $0x20, s15, s14, $0xb8;
	[tilespmem:$0x1AE00] =	vst v63  }
0x2c: {  	s15 =	simm.s32 $0x280;
	s16 =	simm.s32 $0x5D00  }
0x2d: {  	[tilespmem:s16], [sflag:$0x1] =	stream.indirect.gather [hbm4b:s3+s14], $0x20, s15, s14, $0xb8;
	[tilespmem:$0x1AE00] =	vst v63  }
0x2e: {  	s15 =	simm.s32 $0x300;
	s16 =	simm.s32 $0x6D00  }
0x2f: {  	[tilespmem:s16], [sflag:$0x1] =	stream.indirect.gather [hbm4b:s3+s14], $0x20, s15, s14, $0xb8;
	[tilespmem:$0x1AE00] =	vst v63  }
0x30: {  	s15 =	simm.s32 $0x380;
	s16 =	simm.s32 $0x7D00  }
0x31: {  	[tilespmem:s16], [sflag:$0x1] =	stream.indirect.gather [hbm4b:s3+s14], $0x20, s15, s14, $0xb8;
	[tilespmem:$0x1AE00] =	vst v63  }
0x32: {  	s15 =	simm.s32 $0x400;
	s16 =	simm.s32 $0x8D00  }
0x33: {  	[tilespmem:s16], [sflag:$0x1] =	stream.indirect.gather [hbm4b:s3+s14], $0x20, s15, s14, $0xb8;
	[tilespmem:$0x1AE00] =	vst v63  }
0x34: {  	s15 =	simm.s32 $0x480;
	s16 =	simm.s32 $0x9D00  }
0x35: {  	[tilespmem:s16], [sflag:$0x1] =	stream.indirect.gather [hbm4b:s3+s14], $0x20, s15, s14, $0xb8;
	[tilespmem:$0x1AE00] =	vst v63  }
0x36: {  	s15 =	simm.s32 $0x500;
	s16 =	simm.s32 $0xAD00  }
0x37: {  	[tilespmem:s16], [sflag:$0x1] =	stream.indirect.gather [hbm4b:s3+s14], $0x20, s15, s14, $0xb8;
	[tilespmem:$0x1AE00] =	vst v63  }
0x38: {  	s15 =	simm.s32 $0x580;
	s16 =	simm.s32 $0xBD00  }
0x39: {  	[tilespmem:s16], [sflag:$0x1] =	stream.indirect.gather [hbm4b:s3+s14], $0x20, s15, s14, $0xb8;
	[tilespmem:$0x1AE00] =	vst v63  }
0x3a: {  	s1 =	simm.s32 $0x600;
	s15 =	simm.s32 $0xCD00  }
0x3b: {  	[tilespmem:s15], [sflag:$0x1] =	stream.indirect.gather [hbm4b:s3+s14], $0x20, s1, s14, $0xb8;
	[tilespmem:$0x1AE00] =	vst v63  }
0x3c: {  	s16 =	rddreg [dreg:$0x3]  }
0x3d: {  	[tilespmem:s21], [sflag:$0x3] =	stream.linear.gather [hbm4b:s16+s2], $0x640, $0x38;
	[tilespmem:$0x1AE00] =	vst v63  }
0x3e: {  	_ =	swait.ge [sflag:s13], $0x640  }
0x3f: {  	[sflag:s13] =	ssyncset.done $0x0  }
0x40: {  	s1 =	simm.s32 $0xDD00;
	[sflag:s13] =	ssyncadd.s32 $0xFFFFF9C0  }
0x41: {  	[tilespmem:s1], [sflag:$0x2] =	stream.indirect.gather [hbm4b:s3+s14], $0x20, s21, s14, $0xb8;
	[tilespmem:$0x1AE00] =	vst v63  }
0x42: {  	s15 =	simm.s32 $0x700;
	s16 =	simm.s32 $0xED00  }
0x43: {  	[tilespmem:s16], [sflag:$0x2] =	stream.indirect.gather [hbm4b:s3+s14], $0x20, s15, s14, $0xb8;
	[tilespmem:$0x1AE00] =	vst v63  }
0x44: {  	s15 =	simm.s32 $0x780;
	s16 =	simm.s32 $0xFD00  }
0x45: {  	[tilespmem:s16], [sflag:$0x2] =	stream.indirect.gather [hbm4b:s3+s14], $0x20, s15, s14, $0xb8;
	[tilespmem:$0x1AE00] =	vst v63  }
0x46: {  	s15 =	simm.s32 $0x800;
	s16 =	simm.s32 $0x10D00  }
0x47: {  	[tilespmem:s16], [sflag:$0x2] =	stream.indirect.gather [hbm4b:s3+s14], $0x20, s15, s14, $0xb8;
	[tilespmem:$0x1AE00] =	vst v63  }
0x48: {  	s15 =	simm.s32 $0x880;
	s16 =	simm.s32 $0x11D00  }
0x49: {  	[tilespmem:s16], [sflag:$0x2] =	stream.indirect.gather [hbm4b:s3+s14], $0x20, s15, s14, $0xb8;
	[tilespmem:$0x1AE00] =	vst v63  }
0x4a: {  	s15 =	simm.s32 $0x900;
	s16 =	simm.s32 $0x12D00  }
0x4b: {  	[tilespmem:s16], [sflag:$0x2] =	stream.indirect.gather [hbm4b:s3+s14], $0x20, s15, s14, $0xb8;
	[tilespmem:$0x1AE00] =	vst v63  }
0x4c: {  	s15 =	simm.s32 $0x980;
	s16 =	simm.s32 $0x13D00  }
0x4d: {  	[tilespmem:s16], [sflag:$0x2] =	stream.indirect.gather [hbm4b:s3+s14], $0x20, s15, s14, $0xb8;
	[tilespmem:$0x1AE00] =	vst v63  }
0x4e: {  	_ = 	snop  }
0x4f: {  	[tilespmem:s18], [sflag:$0x2] =	stream.indirect.gather [hbm4b:s3+s14], $0x20, s17, s14, $0xb8;
	[tilespmem:$0x1AE00] =	vst v63  }
0x50: {  	_ = 	snop  }
0x51: {  	[tilespmem:s20], [sflag:$0x2] =	stream.indirect.gather [hbm4b:s3+s14], $0x20, s19, s14, $0xb8;
	[tilespmem:$0x1AE00] =	vst v63  }
0x52: {  	_ = 	snop  }
0x53: {  	[tilespmem:s12], [sflag:$0x2] =	stream.indirect.gather [hbm4b:s3+s14], $0x20, s8, s14, $0xb8;
	[tilespmem:$0x1AE00] =	vst v63  }
0x54: {  	_ = 	snop  }
0x55: {  	[tilespmem:s22], [sflag:$0x2] =	stream.indirect.gather [hbm4b:s3+s14], $0x20, s6, s14, $0xb8;
	[tilespmem:$0x1AE00] =	vst v63  }
0x56: {  	_ = 	snop  }
0x57: {  	[tilespmem:s24], [sflag:$0x2] =	stream.indirect.gather [hbm4b:s3+s14], $0x20, s23, s14, $0xb8;
	[tilespmem:$0x1AE00] =	vst v63  }
0x58: {  	s31 =	simm.s32 $0x0  }
0x59: {  	[tilespmem:s26], [sflag:$0x2] =	stream.indirect.gather [hbm4b:s3+s14], $0x20, s25, s14, $0xb8;
	[tilespmem:$0x1AE00] =	vst v63  }
.LBB2_2:
0x5a: {  	_ =	swait.ge [sflag:s28], $0xD000  }
0x5b: {  	[sflag:s28] =	ssyncset.done $0x0  }
0x5c: {  	s0 =	simm.s32 $0x0;
	[sflag:s28] =	ssyncadd.s32 $0xFFFF3000  }
0x5d: {  	v25 =	vld [tilespmem:s0+$0xDE0]  }
0x5e: {  	v26 =	vld [tilespmem:s0+$0xDF0]  }
0x5f: {  	v36 =	vld [tilespmem:s0+$0x26E0]  }
0x60: {  	v37 =	vld [tilespmem:s0+$0x26F0]  }
0x61: {  	v28 =	vld [tilespmem:s0+$0x3FE0]  }
0x62: {  	v15 =	vld [tilespmem:s0+$0x3FF0]  }
0x63: {  	v13 =	vld [tilespmem:s0+$0x58E0]  }
0x64: {  	v14 =	vld [tilespmem:s0+$0x58F0]  }
0x65: {  	v0 =	vld [tilespmem:s0+$0x71E0]  }
0x66: {  	v20 =	vld [tilespmem:s0+$0x8AF0]  }
0x67: {  	v23 =	vld [tilespmem:s0+$0xDC0]  }
0x68: {  	v24 =	vld [tilespmem:s0+$0xDD0]  }
0x69: {  	v38 =	vld [tilespmem:s0+$0x26C0]  }
0x6a: {  	v2 =	vld [tilespmem:s0+$0x26D0]  }
0x6b: {  	v34 =	vld [tilespmem:s0+$0x3FC0]  }
0x6c: {  	v35 =	vld [tilespmem:s0+$0x3FD0]  }
0x6d: {  	v27 =	vld [tilespmem:s0+$0x58C0]  }
0x6e: {  	v33 =	vld [tilespmem:s0+$0x58D0]  }
0x6f: {  	v7 =	vld [tilespmem:s0+$0x71C0]  }
0x70: {  	v8 =	vld [tilespmem:s0+$0x71D0]  }
0x71: {  	[tilespmem:$0x1FF60] =	vst v0;
	v0 =	vld [tilespmem:s0+$0x71F0]  }
0x72: {  	v10 =	vld [tilespmem:s0+$0x8AC0]  }
0x73: {  	v11 =	vld [tilespmem:s0+$0x8AD0]  }
0x74: {  	v1 =	vld [tilespmem:s0+$0xDA0]  }
0x75: {  	v41 =	vld [tilespmem:s0+$0xDB0]  }
0x76: {  	[tilespmem:$0x1FF70] =	vst v0;
	v0 =	vld [tilespmem:s0+$0x8AE0]  }
0x77: {  	v42 =	vld [tilespmem:s0+$0x26A0]  }
0x78: {  	v43 =	vld [tilespmem:s0+$0x26B0]  }
0x79: {  	v44 =	vld [tilespmem:s0+$0x3FA0]  }
0x7a: {  	v45 =	vld [tilespmem:s0+$0x3FB0]  }
0x7b: {  	[tilespmem:$0x1FF80] =	vst v0;
	v0 =	vld [tilespmem:s0+$0xA3E0]  }
0x7c: {  	v46 =	vld [tilespmem:s0+$0x58A0]  }
0x7d: {  	v47 =	vld [tilespmem:s0+$0x58B0]  }
0x7e: {  	v6 =	vld [tilespmem:s0+$0x71A0]  }
0x7f: {  	v9 =	vld [tilespmem:s0+$0x71B0]  }
0x80: {  	[tilespmem:$0x1FF90] =	vst v0;
	v0 =	vld [tilespmem:s0+$0xA3F0]  }
0x81: {  	v4 =	vld [tilespmem:s0+$0x8AA0]  }
0x82: {  	v5 =	vld [tilespmem:s0+$0x8AB0]  }
0x83: {  	v48 =	vld [tilespmem:s0+$0xD80]  }
0x84: {  	v49 =	vld [tilespmem:s0+$0xD90]  }
0x85: {  	[tilespmem:$0x1FFA0] =	vst v0;
	v0 =	vld [tilespmem:s0+$0xA3C0]  }
0x86: {  	v50 =	vld [tilespmem:s0+$0x2680]  }
0x87: {  	v51 =	vld [tilespmem:s0+$0x2690]  }
0x88: {  	v52 =	vld [tilespmem:s0+$0x3F80]  }
0x89: {  	v53 =	vld [tilespmem:s0+$0x3F90]  }
0x8a: {  	[tilespmem:$0x1FFB0] =	vst v0;
	v0 =	vld [tilespmem:s0+$0xA3D0]  }
0x8b: {  	v54 =	vld [tilespmem:s0+$0x5880]  }
0x8c: {  	v55 =	vld [tilespmem:s0+$0x5890]  }
0x8d: {  	v32 =	vld [tilespmem:s0+$0x7180]  }
0x8e: {  	v31 =	vld [tilespmem:s0+$0x7190]  }
0x8f: {  	[tilespmem:$0x1FFC0] =	vst v0;
	v0 =	vld [tilespmem:s0+$0xA3A0]  }
0x90: {  	v29 =	vld [tilespmem:s0+$0x8A80]  }
0x91: {  	v30 =	vld [tilespmem:s0+$0x8A90]  }
0x92: {  	v57 =	vld [tilespmem:s0+$0xD70]  }
0x93: {  	v61 =	vld [tilespmem:s0+$0xD30]  }
0x94: {  	[tilespmem:$0x1FFD0] =	vst v0;
	v0 =	vld [tilespmem:s0+$0xA3B0]  }
0x95: {  	v12 =	vld [tilespmem:s0+$0x2610]  }
0x96: {  	v63 =	vld [tilespmem:s0+$0xD10]  }
0x97: {  	v18 =	vld [tilespmem:s0+$0x2630]  }
0x98: {  	v19 =	vld [tilespmem:s0+$0x2650]  }
0x99: {  	v3 =	vimm.f32 $0.0e+00;
	[tilespmem:$0x1FFE0] =	vst v0;
	v0 =	vld [tilespmem:s0+$0xA380]  }
0x9a: {  	v59 =	vld [tilespmem:s0+$0xD50];
	v12 =	vadd.f32 v12, v3  }
0x9b: {  	v40 =	vld [tilespmem:s0+$0x2670]  }
0x9c: {  	v62 =	vld [tilespmem:s0+$0xD00];
	v63 =	vadd.f32 v63, v3;
	v12 =	vadd.f32 v18, v12  }
0x9d: {  	v60 =	vld [tilespmem:s0+$0xD20]  }
0x9e: {  	v61 =	vadd.f32 v61, v63;
	v12 =	vadd.f32 v19, v12;
	[tilespmem:$0x1FFF0] =	vst v0;
	v0 =	vld [tilespmem:s0+$0x2600]  }
0x9f: {  	v58 =	vld [tilespmem:s0+$0xD40]  }
0xa0: {  	v17 =	vld [tilespmem:s0+$0x2620];
	v18 =	vadd.f32 v59, v61;
	v12 =	vadd.f32 v40, v12  }
0xa1: {  	v56 =	vld [tilespmem:s0+$0xD60];
	v62 =	vadd.f32 v62, v3  }
0xa2: {  	v21 =	vld [tilespmem:s0+$0x2640];
	v18 =	vadd.f32 v57, v18;
	v12 =	vadd.f32 v51, v12  }
0xa3: {  	v22 =	vld [tilespmem:s0+$0x2660];
	v60 =	vadd.f32 v60, v62;
	v0 =	vadd.f32 v0, v3  }
0xa4: {  	v63 =	vld [tilespmem:s0+$0x3F60];
	v18 =	vadd.f32 v49, v18;
	v12 =	vadd.f32 v43, v12  }
0xa5: {  	v59 =	vld [tilespmem:s0+$0x3F30];
	v0 =	vadd.f32 v17, v0;
	v17 =	vadd.f32 v58, v60  }
0xa6: {  	v61 =	vld [tilespmem:s0+$0x5800];
	v18 =	vadd.f32 v41, v18;
	v12 =	vadd.f32 v2, v12  }
0xa7: {  	v57 =	vld [tilespmem:s0+$0x8A10];
	v0 =	vadd.f32 v21, v0;
	v17 =	vadd.f32 v56, v17  }
0xa8: {  	v18 =	vadd.f32 v24, v18;
	v24 =	vld [tilespmem:s0+$0x5820];
	v3 =	vadd.f32 v37, v12  }
0xa9: {  	v12 =	vld [tilespmem:s0+$0x5850];
	v0 =	vadd.f32 v22, v0;
	v17 =	vadd.f32 v48, v17  }
0xaa: {  	v60 =	vld [tilespmem:s0+$0x3F00]  }
0xab: {  	v21 =	vld [tilespmem:s0+$0x3F40];
	v0 =	vadd.f32 v50, v0;
	v17 =	vadd.f32 v1, v17  }
0xac: {  	v1 =	vld [tilespmem:s0+$0x3F10]  }
0xad: {  	v0 =	vadd.f32 v42, v0;
	v17 =	vadd.f32 v23, v17;
	v23 =	vld [tilespmem:s0+$0x5810]  }
0xae: {  	v22 =	vld [tilespmem:s0+$0x3F20]  }
0xaf: {  	v0 =	vadd.f32 v38, v0;
	v43 =	vadd.f32 v25, v17;
	v17 =	vimm.f32 $0.0e+00;
	v25 =	vld [tilespmem:s0+$0x5830]  }
0xb0: {  	v40 =	vadd.f32 v26, v18;
	v56 =	vld [tilespmem:s0+$0x3F50];
	v26 =	vadd.f32 v60, v17  }
0xb1: {  	v62 =	vadd.f32 v1, v17;
	v39 =	vadd.f32 v36, v0;
	v0 =	vld [tilespmem:s0+$0x5840]  }
0xb2: {  	v58 =	vld [tilespmem:s0+$0x3F70];
	v42 =	vadd.f32 v61, v17;
	v23 =	vadd.f32 v23, v17  }
0xb3: {  	v1 =	vld [tilespmem:s0+$0x5860];
	v22 =	vadd.f32 v22, v26;
	v26 =	vadd.f32 v59, v62  }
0xb4: {  	v48 =	vld [tilespmem:s0+$0x5870];
	v24 =	vadd.f32 v24, v42;
	v23 =	vadd.f32 v25, v23  }
0xb5: {  	v21 =	vadd.f32 v21, v22;
	v22 =	vadd.f32 v56, v26;
	v56 =	vld [tilespmem:s0+$0x8A00]  }
0xb6: {  	v49 =	vld [tilespmem:s0+$0x7140];
	v0 =	vadd.f32 v0, v24  }
0xb7: {  	v51 =	vld [tilespmem:s0+$0x7120];
	v23 =	vadd.f32 v12, v23;
	v21 =	vadd.f32 v63, v21  }
0xb8: {  	v41 =	vld [tilespmem:s0+$0xA320];
	v22 =	vadd.f32 v58, v22;
	v0 =	vadd.f32 v1, v0  }
0xb9: {  	v2 =	vld [tilespmem:s0+$0x7130];
	v23 =	vadd.f32 v48, v23;
	v21 =	vadd.f32 v52, v21  }
0xba: {  	v50 =	vld [tilespmem:s0+$0x7150];
	v22 =	vadd.f32 v53, v22;
	v60 =	vadd.f32 v56, v17  }
0xbb: {  	v61 =	vld [tilespmem:s0+$0x8A60];
	v0 =	vadd.f32 v54, v0;
	v23 =	vadd.f32 v55, v23  }
0xbc: {  	v21 =	vadd.f32 v44, v21;
	v22 =	vadd.f32 v45, v22;
	v55 =	vld [tilespmem:s0+$0x7110]  }
0xbd: {  	v1 =	vld [tilespmem:s0+$0x7100];
	v0 =	vadd.f32 v46, v0;
	v23 =	vadd.f32 v47, v23  }
0xbe: {  	v26 =	vld [tilespmem:s0+$0x7170];
	v21 =	vadd.f32 v34, v21;
	v22 =	vadd.f32 v35, v22  }
0xbf: {  	v58 =	vld [tilespmem:s0+$0x8A20];
	v0 =	vadd.f32 v27, v0;
	v27 =	vadd.f32 v33, v23  }
0xc0: {  	v24 =	vadd.f32 v28, v21;
	v23 =	vadd.f32 v15, v22;
	v28 =	vld [tilespmem:s0+$0x8A30]  }
0xc1: {  	v59 =	vadd.f32 v55, v17;
	v22 =	vadd.f32 v13, v0;
	v0 =	vld [tilespmem:s0+$0x8A40]  }
0xc2: {  	v44 =	vadd.f32 v14, v27;
	v27 =	vadd.f32 v1, v17;
	v1 =	vld [tilespmem:s0+$0x8A50]  }
0xc3: {  	v25 =	vld [tilespmem:s0+$0x7160];
	v34 =	vadd.f32 v57, v17;
	v35 =	vadd.f32 v2, v59  }
0xc4: {  	v62 =	vld [tilespmem:s0+$0x8A70];
	v2 =	vadd.f32 v58, v60;
	v27 =	vadd.f32 v51, v27  }
0xc5: {  	v37 =	vld [tilespmem:s0+$0xA310];
	v34 =	vadd.f32 v28, v34;
	v35 =	vadd.f32 v50, v35  }
0xc6: {  	v38 =	vld [tilespmem:s0+$0xBC00];
	v27 =	vadd.f32 v49, v27;
	v0 =	vadd.f32 v0, v2  }
0xc7: {  	v36 =	vld [tilespmem:s0+$0xA350];
	v63 =	vadd.f32 v1, v34;
	v26 =	vadd.f32 v26, v35  }
0xc8: {  	v42 =	vld [tilespmem:s0+$0xA330];
	v25 =	vadd.f32 v25, v27;
	v0 =	vadd.f32 v61, v0  }
0xc9: {  	v33 =	vld [tilespmem:s0+$0xA360];
	v27 =	vadd.f32 v62, v63;
	v26 =	vadd.f32 v31, v26  }
0xca: {  	v28 =	vld [tilespmem:s0+$0xA390];
	v25 =	vadd.f32 v32, v25;
	v31 =	vadd.f32 v29, v0  }
0xcb: {  	v34 =	vld [tilespmem:s0+$0xA370];
	v27 =	vadd.f32 v30, v27;
	v29 =	vadd.f32 v9, v26  }
0xcc: {  	v35 =	vld [tilespmem:s0+$0xA340];
	v26 =	vimm.f32 $0.0e+00;
	v30 =	vadd.f32 v6, v25;
	v25 =	vimm.f32 $0.0e+00  }
0xcd: {  	s1 =	simm.s32 $0x400;
	v21 =	vmovc v3;
	v0 =	vld [tilespmem:s0+$0xA300];
	v31 =	vadd.f32 v4, v31;
	v32 =	vadd.f32 v5, v27;
	v27 =	vimm.f32 $0.0e+00  }
.LBB2_3:
0xce: {  	v1 =	vld [tilespmem:$0x1FF60];
	_ =	sdelay $0x2  }
0xcf: {  	v14 =	vadd.f32 v7, v30;
	_ =	sdelay $0x1  }
0xd0: {  	v1 =	vadd.f32 v1, v14;
	_ =	sdelay $0x1  }
0xd1: {  	[tilespmem:$0x1FEF0] =	vst v1;
	v1 =	vld [tilespmem:$0x1FF70];
	_ =	sdelay $0x2  }
0xd2: {  	v16 =	vadd.f32 v8, v29;
	_ =	sdelay $0x1  }
0xd3: {  	v1 =	vadd.f32 v1, v16;
	_ =	sdelay $0x1  }
0xd4: {  	[tilespmem:$0x1FF00] =	vst v1;
	v1 =	vld [tilespmem:$0x1FF80];
	_ =	sdelay $0x2  }
0xd5: {  	v13 =	vadd.f32 v10, v31  }
0xd6: {  	v63 =	vld [tilespmem:s0+$0xBC10]  }
0xd7: {  	v5 =	vld [tilespmem:s0+$0xBC40];
	v15 =	vadd.f32 v11, v32;
	v1 =	vadd.f32 v1, v13  }
0xd8: {  	[tilespmem:$0x1FEB0] =	vst v44;
	v44 =	vmov v40;
	v40 =	vld [tilespmem:s0+$0xBC80];
	v0 =	vadd.f32 v0, v17  }
0xd9: {  	v9 =	vld [tilespmem:s0+$0xBCF0];
	[tilespmem:$0x1FF10] =	vst v1;
	v1 =	vadd.f32 v20, v15  }
0xda: {  	v32 =	vld [tilespmem:s0+$0xBC20];
	v0 =	vadd.f32 v41, v0  }
0xdb: {  	[tilespmem:$0x1FF20] =	vst v1;
	v1 =	vld [tilespmem:$0x1FFF0]  }
0xdc: {  	v8 =	vld [tilespmem:s0+$0xBC50];
	v0 =	vadd.f32 v35, v0  }
0xdd: {  	v7 =	vld [tilespmem:s0+$0xBC30]  }
0xde: {  	v29 =	vmov v39;
	v39 =	vld [tilespmem:s0+$0xBC60];
	v0 =	vadd.f32 v33, v0  }
0xdf: {  	v6 =	vadd.f32 v37, v27;
	v11 =	vadd.f32 v38, v26;
	v41 =	vld [tilespmem:s0+$0xBCC0]  }
0xe0: {  	v38 =	vadd.f32 v63, v25;
	v0 =	vadd.f32 v1, v0;
	v1 =	vld [tilespmem:$0x1FFD0]  }
0xe1: {  	v6 =	vadd.f32 v42, v6;
	v11 =	vadd.f32 v32, v11;
	v42 =	vld [tilespmem:s0+$0xBCE0]  }
0xe2: {  	v7 =	vadd.f32 v7, v38;
	v15 =	vld [tilespmem:s0+$0xBC70]  }
0xe3: {  	v5 =	vadd.f32 v5, v11;
	v11 =	vld [tilespmem:s0+$0xBCB0]  }
0xe4: {  	v6 =	vadd.f32 v36, v6;
	v7 =	vadd.f32 v8, v7;
	v8 =	vld [tilespmem:s0+$0xBCA0]  }
0xe5: {  	v0 =	vadd.f32 v1, v0;
	v1 =	vld [tilespmem:$0x1FFE0]  }
0xe6: {  	v6 =	vadd.f32 v34, v6;
	v16 =	vld [tilespmem:s0+$0xBC90]  }
0xe7: {  	v7 =	vadd.f32 v15, v7;
	v15 =	vld [tilespmem:s0+$0xBCD0];
	s0 =	sshra.s32 s1, $0x2  }
0xe8: {  	v6 =	vadd.f32 v28, v6;
	v45 =	vld [tilespmem:s0+$0xDE0]  }
0xe9: {  	v46 =	vld [tilespmem:s0+$0xDF0]  }
0xea: {  	v6 =	vadd.f32 v1, v6;
	v1 =	vld [tilespmem:$0x1FFB0]  }
0xeb: {  	v47 =	vld [tilespmem:s0+$0x26E0]  }
0xec: {  	v50 =	vld [tilespmem:s0+$0x26F0]  }
0xed: {  	v34 =	vld [tilespmem:s0+$0x58F0]  }
0xee: {  	v20 =	vmov v43;
	v43 =	vld [tilespmem:s0+$0x8AF0]  }
0xef: {  	v5 =	vadd.f32 v39, v5;
	v0 =	vadd.f32 v1, v0;
	v1 =	vld [tilespmem:$0x1FFC0]  }
0xf0: {  	v57 =	vld [tilespmem:s0+$0xDC0]  }
0xf1: {  	v5 =	vadd.f32 v40, v5;
	v59 =	vld [tilespmem:s0+$0xDD0]  }
0xf2: {  	v58 =	vld [tilespmem:s0+$0x26C0]  }
0xf3: {  	v5 =	vadd.f32 v8, v5;
	v60 =	vld [tilespmem:s0+$0x26D0]  }
0xf4: {  	v3 =	vadd.f32 v1, v6;
	v1 =	vld [tilespmem:$0x1FF90]  }
0xf5: {  	v4 =	vadd.f32 v41, v5;
	v41 =	vld [tilespmem:s0+$0x3FC0]  }
0xf6: {  	v31 =	vld [tilespmem:s0+$0x3FD0]  }
0xf7: {  	v26 =	vadd.f32 v42, v4;
	v42 =	vld [tilespmem:s0+$0x58C0]  }
0xf8: {  	v30 =	vld [tilespmem:s0+$0x58D0]  }
0xf9: {  	v32 =	vadd.f32 v1, v0;
	v0 =	vld [tilespmem:$0x1FFA0]  }
0xfa: {  	v36 =	vld [tilespmem:s0+$0x71D0]  }
0xfb: {  	v35 =	vld [tilespmem:s0+$0x8AC0]  }
0xfc: {  	v33 =	vld [tilespmem:s0+$0x8AD0]  }
0xfd: {  	v2 =	vld [tilespmem:s0+$0xDB0]  }
0xfe: {  	v27 =	vadd.f32 v0, v3;
	v0 =	vld [tilespmem:s0+$0x3FE0]  }
0xff: {  	v4 =	vld [tilespmem:s0+$0x26B0]  }
0x100: {  	v53 =	vld [tilespmem:s0+$0x3FA0]  }
0x101: {  	v55 =	vld [tilespmem:s0+$0x3FB0]  }
0x102: {  	v54 =	vld [tilespmem:s0+$0x58A0]  }
0x103: {  	[tilespmem:$0x1FEC0] =	vst v0;
	v0 =	vld [tilespmem:s0+$0x3FF0]  }
0x104: {  	v56 =	vld [tilespmem:s0+$0x58B0]  }
0x105: {  	v37 =	vld [tilespmem:s0+$0x71B0]  }
0x106: {  	v38 =	vld [tilespmem:s0+$0x8AB0]  }
0x107: {  	v8 =	vld [tilespmem:s0+$0x2690]  }
0x108: {  	[tilespmem:$0x1FED0] =	vst v0;
	v0 =	vld [tilespmem:s0+$0x58E0]  }
0x109: {  	v61 =	vld [tilespmem:s0+$0x3F80]  }
0x10a: {  	v63 =	vld [tilespmem:s0+$0x3F90]  }
0x10b: {  	v62 =	vld [tilespmem:s0+$0x5880]  }
0x10c: {  	v48 =	vld [tilespmem:s0+$0x7180]  }
0x10d: {  	[tilespmem:$0x1FEE0] =	vst v0;
	v0 =	vld [tilespmem:s0+$0x71E0]  }
0x10e: {  	v51 =	vld [tilespmem:s0+$0x7190]  }
0x10f: {  	v49 =	vld [tilespmem:s0+$0x8A80]  }
0x110: {  	v52 =	vld [tilespmem:s0+$0x8A90]  }
0x111: {  	v28 =	vld [tilespmem:s0+$0xA390]  }
0x112: {  	[tilespmem:$0x1FF60] =	vst v0;
	v0 =	vld [tilespmem:s0+$0x71F0]  }
0x113: {  	v10 =	vld [tilespmem:s0+$0xD70]  }
0x114: {  	v12 =	vld [tilespmem:s0+$0xD50]  }
0x115: {  	v13 =	vld [tilespmem:s0+$0xD20]  }
0x116: {  	v40 =	vld [tilespmem:s0+$0xD30]  }
0x117: {  	[tilespmem:$0x1FF70] =	vst v0;
	v0 =	vld [tilespmem:s0+$0x8AE0]  }
0x118: {  	v14 =	vld [tilespmem:s0+$0xD00]  }
0x119: {  	v39 =	vld [tilespmem:s0+$0x2600]  }
0x11a: {  	v17 =	vld [tilespmem:s0+$0x2620]  }
0x11b: {  	v18 =	vld [tilespmem:s0+$0x2630]  }
0x11c: {  	v7 =	vadd.f32 v16, v7;
	[tilespmem:$0x1FF80] =	vst v0;
	v0 =	vld [tilespmem:s0+$0xA3E0]  }
0x11d: {  	v19 =	vld [tilespmem:s0+$0x2640]  }
0x11e: {  	v16 =	vld [tilespmem:s0+$0x2610];
	v7 =	vadd.f32 v11, v7  }
0x11f: {  	v11 =	vld [tilespmem:s0+$0xD40]  }
0x120: {  	v5 =	vadd.f32 v15, v7;
	v7 =	vld [tilespmem:s0+$0x2680]  }
0x121: {  	[tilespmem:$0x1FF90] =	vst v0;
	v0 =	vld [tilespmem:s0+$0xA3F0]  }
0x122: {  	v15 =	vld [tilespmem:s0+$0xD10]  }
0x123: {  	v14 =	vadd.f32 v14, v20;
	v20 =	vld [tilespmem:s0+$0x2650]  }
0x124: {  	v25 =	vadd.f32 v9, v5;
	v9 =	vld [tilespmem:s0+$0xA380]  }
0x125: {  	v16 =	vadd.f32 v16, v21;
	v21 =	vld [tilespmem:s0+$0x2660]  }
0x126: {  	[tilespmem:$0x1FFA0] =	vst v0;
	v0 =	vld [tilespmem:s0+$0x71C0]  }
0x127: {  	v39 =	vadd.f32 v39, v29;
	v5 =	vld [tilespmem:s0+$0xD80];
	v15 =	vadd.f32 v15, v44  }
0x128: {  	v16 =	vadd.f32 v18, v16;
	v18 =	vld [tilespmem:s0+$0x3F60]  }
0x129: {  	v17 =	vadd.f32 v17, v39;
	[tilespmem:$0x1FFF0] =	vst v9;
	v9 =	vld [tilespmem:s0+$0xD60];
	v44 =	vadd.f32 v40, v15  }
0x12a: {  	v6 =	vld [tilespmem:s0+$0xD90]  }
0x12b: {  	v40 =	vadd.f32 v19, v17;
	v12 =	vadd.f32 v12, v44;
	[tilespmem:$0x1FF30] =	vst v0;
	v0 =	vld [tilespmem:s0+$0xA3C0]  }
0x12c: {  	v13 =	vadd.f32 v13, v14;
	v16 =	vadd.f32 v20, v16;
	v3 =	vld [tilespmem:s0+$0x26A0]  }
0x12d: {  	v20 =	vmov v43;
	v15 =	vld [tilespmem:s0+$0x2670];
	v43 =	vadd.f32 v21, v40;
	v10 =	vadd.f32 v10, v12  }
0x12e: {  	v11 =	vadd.f32 v11, v13;
	v1 =	vld [tilespmem:s0+$0xDA0]  }
0x12f: {  	v7 =	vadd.f32 v7, v43;
	v6 =	vadd.f32 v6, v10;
	v10 =	vld [tilespmem:s0+$0x3F00]  }
0x130: {  	v9 =	vadd.f32 v9, v11;
	[tilespmem:$0x1FFB0] =	vst v0;
	v0 =	vld [tilespmem:s0+$0xA3D0]  }
0x131: {  	v13 =	vld [tilespmem:s0+$0x3F70];
	v3 =	vadd.f32 v3, v7  }
0x132: {  	v44 =	vadd.f32 v15, v16;
	v15 =	vld [tilespmem:s0+$0x3F20];
	v5 =	vadd.f32 v5, v9  }
0x133: {  	v17 =	vld [tilespmem:s0+$0x3F40];
	v3 =	vadd.f32 v58, v3  }
0x134: {  	v8 =	vadd.f32 v8, v44;
	v1 =	vadd.f32 v1, v5;
	v5 =	vld [tilespmem:s0+$0x3F10]  }
0x135: {  	v39 =	vadd.f32 v47, v3;
	v3 =	vadd.f32 v10, v24;
	[tilespmem:$0x1FFC0] =	vst v0;
	v0 =	vld [tilespmem:s0+$0x71A0]  }
0x136: {  	v11 =	vld [tilespmem:s0+$0x3F50];
	v4 =	vadd.f32 v4, v8  }
0x137: {  	v9 =	vld [tilespmem:s0+$0x3F30];
	v3 =	vadd.f32 v15, v3  }
0x138: {  	v4 =	vadd.f32 v60, v4;
	v2 =	vadd.f32 v2, v6;
	v6 =	vld [tilespmem:s0+$0x5800]  }
0x139: {  	v7 =	vld [tilespmem:s0+$0x5810];
	v3 =	vadd.f32 v17, v3  }
0x13a: {  	v21 =	vadd.f32 v50, v4;
	v4 =	vadd.f32 v5, v23;
	[tilespmem:$0x1FF40] =	vst v0;
	v0 =	vld [tilespmem:s0+$0x8AA0]  }
0x13b: {  	v2 =	vadd.f32 v59, v2;
	v10 =	vld [tilespmem:$0x1FEB0];
	v3 =	vadd.f32 v18, v3  }
0x13c: {  	v8 =	vld [tilespmem:s0+$0x5820];
	v4 =	vadd.f32 v9, v4  }
0x13d: {  	v40 =	vadd.f32 v46, v2;
	v2 =	vld [tilespmem:s0+$0x5840];
	v3 =	vadd.f32 v61, v3  }
0x13e: {  	v1 =	vadd.f32 v57, v1;
	v4 =	vadd.f32 v11, v4;
	v15 =	vld [tilespmem:$0x1FEC0]  }
0x13f: {  	v6 =	vadd.f32 v6, v22;
	v3 =	vadd.f32 v53, v3;
	[tilespmem:$0x1FF50] =	vst v0;
	v0 =	vld [tilespmem:s0+$0xA3A0]  }
0x140: {  	v4 =	vadd.f32 v13, v4;
	v7 =	vadd.f32 v7, v10;
	v10 =	vld [tilespmem:s0+$0x5860]  }
0x141: {  	v60 =	vld [tilespmem:s0+$0x8A10];
	v6 =	vadd.f32 v8, v6;
	v3 =	vadd.f32 v41, v3  }
0x142: {  	v43 =	vadd.f32 v45, v1;
	v1 =	vld [tilespmem:s0+$0x5830];
	v4 =	vadd.f32 v63, v4  }
0x143: {  	v2 =	vadd.f32 v2, v6;
	v24 =	vadd.f32 v15, v3;
	v3 =	vld [tilespmem:$0x1FED0]  }
0x144: {  	v4 =	vadd.f32 v55, v4;
	[tilespmem:$0x1FFD0] =	vst v0;
	v0 =	vld [tilespmem:s0+$0xA3B0]  }
0x145: {  	v5 =	vld [tilespmem:s0+$0x5850];
	v2 =	vadd.f32 v10, v2  }
0x146: {  	v59 =	vld [tilespmem:s0+$0x8A00];
	v4 =	vadd.f32 v31, v4  }
0x147: {  	v9 =	vld [tilespmem:s0+$0x5870];
	v2 =	vadd.f32 v62, v2  }
0x148: {  	v1 =	vadd.f32 v1, v7;
	v23 =	vadd.f32 v3, v4;
	v4 =	vld [tilespmem:$0x1FEE0]  }
0x149: {  	v2 =	vadd.f32 v54, v2;
	[tilespmem:$0x1FFE0] =	vst v0;
	v0 =	vld [tilespmem:s0+$0x5890]  }
0x14a: {  	v8 =	vld [tilespmem:s0+$0x7170];
	v1 =	vadd.f32 v5, v1  }
0x14b: {  	v6 =	vld [tilespmem:s0+$0x7150];
	v2 =	vadd.f32 v42, v2  }
0x14c: {  	v11 =	vld [tilespmem:s0+$0x7110];
	v1 =	vadd.f32 v9, v1  }
0x14d: {  	v22 =	vadd.f32 v4, v2;
	v2 =	vld [tilespmem:$0x1FEF0]  }
0x14e: {  	v0 =	vadd.f32 v0, v1;
	v1 =	vld [tilespmem:s0+$0x7100]  }
0x14f: {  	v63 =	vld [tilespmem:s0+$0x8A60]  }
0x150: {  	v7 =	vld [tilespmem:s0+$0x7160]  }
0x151: {  	v61 =	vld [tilespmem:s0+$0x8A20]  }
0x152: {  	v5 =	vld [tilespmem:s0+$0x7140]  }
0x153: {  	v1 =	vadd.f32 v1, v2;
	v2 =	vld [tilespmem:$0x1FF00]  }
0x154: {  	v10 =	vld [tilespmem:s0+$0x7130]  }
0x155: {  	v9 =	vld [tilespmem:s0+$0x7120]  }
0x156: {  	v62 =	vld [tilespmem:$0x1FF20]  }
0x157: {  	v3 =	vld [tilespmem:s0+$0x8A30];
	v0 =	vadd.f32 v56, v0  }
0x158: {  	v2 =	vadd.f32 v11, v2;
	v11 =	vld [tilespmem:$0x1FF10]  }
0x159: {  	v41 =	vld [tilespmem:s0+$0xA320];
	v0 =	vadd.f32 v30, v0  }
0x15a: {  	v4 =	vld [tilespmem:s0+$0x8A50];
	v1 =	vadd.f32 v9, v1  }
0x15b: {  	v12 =	vadd.f32 v60, v62;
	v44 =	vadd.f32 v34, v0;
	v0 =	vld [tilespmem:s0+$0x8A40]  }
0x15c: {  	v9 =	vld [tilespmem:s0+$0x8A70];
	v1 =	vadd.f32 v5, v1  }
0x15d: {  	v3 =	vadd.f32 v3, v12;
	v5 =	vld [tilespmem:$0x1FF40];
	v15 =	vadd.f32 v59, v11  }
0x15e: {  	v42 =	vld [tilespmem:s0+$0xA330];
	v1 =	vadd.f32 v7, v1;
	v2 =	vadd.f32 v10, v2  }
0x15f: {  	v3 =	vadd.f32 v4, v3;
	v34 =	vld [tilespmem:s0+$0xA370];
	v14 =	vadd.f32 v61, v15  }
0x160: {  	v7 =	vld [tilespmem:$0x1FF30];
	v1 =	vadd.f32 v48, v1;
	v2 =	vadd.f32 v6, v2  }
0x161: {  	v10 =	vmov v35;
	v35 =	vld [tilespmem:s0+$0xA340];
	v3 =	vadd.f32 v9, v3;
	v0 =	vadd.f32 v0, v14  }
0x162: {  	p0 =	sne.s32 s1, $0x6000;
	v30 =	vadd.f32 v5, v1;
	v1 =	vld [tilespmem:$0x1FF50];
	v2 =	vadd.f32 v8, v2  }
.Ltmp2:
0x163: {  	v3 =	vadd.f32 v52, v3;
	v11 =	vmov v33;
	v33 =	vld [tilespmem:s0+$0xA360];
	v0 =	vadd.f32 v63, v0;
	(pc) =	sbr.rel @p0 .LBB2_3-.Ltmp2, $4  }
0x164: {  	v8 =	vmov v36;
	v36 =	vld [tilespmem:s0+$0xA350];
	v2 =	vadd.f32 v51, v2  }
0x165: {  	v17 =	vmov v32;
	v32 =	vadd.f32 v38, v3;
	v38 =	vld [tilespmem:s0+$0xBC00];
	v4 =	vadd.f32 v49, v0  }
0x166: {  	v29 =	vadd.f32 v37, v2;
	v37 =	vld [tilespmem:s0+$0xA310]  }
0x167: {  	s1 =	sadd.s32 $0x400, s1;
	v0 =	vld [tilespmem:s0+$0xA300];
	v31 =	vadd.f32 v1, v4  }
0x168: {  	_ = 	snop  }
0x169: {  	v2 =	vld [tilespmem:s0+$0xBC20];
	_ =	sdelay $0x1  }
0x16a: {  	v4 =	vld [tilespmem:s0+$0xBC40]  }
0x16b: {  	v0 =	vadd.f32 v0, v17;
	v17 =	vadd.f32 v38, v26  }
0x16c: {  	v6 =	vld [tilespmem:s0+$0xBC60]  }
0x16d: {  	v2 =	vadd.f32 v2, v17;
	_ =	sdelay $0x1  }
0x16e: {  	v2 =	vadd.f32 v4, v2  }
0x16f: {  	v0 =	vadd.f32 v41, v0  }
0x170: {  	v2 =	vadd.f32 v6, v2;
	v6 =	vld [tilespmem:$0x1FFF0]  }
0x171: {  	v0 =	vadd.f32 v35, v0  }
0x172: {  	v1 =	vld [tilespmem:s0+$0xBC10]  }
0x173: {  	v0 =	vadd.f32 v33, v0  }
0x174: {  	v3 =	vld [tilespmem:s0+$0xBC30]  }
0x175: {  	v15 =	vadd.f32 v37, v27;
	v0 =	vadd.f32 v6, v0;
	v6 =	vld [tilespmem:$0x1FFD0];
	_ =	sdelay $0x1  }
0x176: {  	v1 =	vadd.f32 v1, v25;
	v15 =	vadd.f32 v42, v15;
	_ =	sdelay $0x1  }
0x177: {  	v5 =	vld [tilespmem:s0+$0xBC50];
	v1 =	vadd.f32 v3, v1;
	v3 =	vadd.f32 v36, v15  }
0x178: {  	v0 =	vadd.f32 v6, v0;
	v6 =	vld [tilespmem:$0x1FFE0]  }
0x179: {  	v9 =	vld [tilespmem:s0+$0xBC70];
	v3 =	vadd.f32 v34, v3  }
0x17a: {  	v12 =	vld [tilespmem:s0+$0xBC80]  }
0x17b: {  	v13 =	vld [tilespmem:$0x1FF60];
	v3 =	vadd.f32 v28, v3  }
0x17c: {  	v62 =	vld [tilespmem:$0x1FF70]  }
0x17d: {  	v3 =	vadd.f32 v6, v3;
	v6 =	vld [tilespmem:$0x1FFB0]  }
0x17e: {  	v63 =	vld [tilespmem:s0+$0xBC90]  }
0x17f: {  	v14 =	vld [tilespmem:$0x1FF80]  }
0x180: {  	v11 =	vadd.f32 v11, v32;
	v32 =	vld [tilespmem:s0+$0xBCA0]  }
0x181: {  	v16 =	vld [tilespmem:s0+$0xBCB0]  }
0x182: {  	v0 =	vadd.f32 v6, v0;
	v6 =	vld [tilespmem:$0x1FFC0]  }
0x183: {  	v18 =	vld [tilespmem:s0+$0xBCC0]  }
0x184: {  	v19 =	vld [tilespmem:s0+$0xBCD0];
	v11 =	vadd.f32 v20, v11;
	v20 =	vmul.f32 $4.999999890e-03, v43  }
0x185: {  	v25 =	vmov v21;
	v21 =	vmul.f32 $4.999999890e-03, v40;
	v17 =	vld [tilespmem:s0+$0xBCE0];
	v1 =	vadd.f32 v5, v1  }
0x186: {  	v7 =	vadd.f32 v7, v30;
	v15 =	vld [tilespmem:s0+$0xBCF0];
	[tilespmem:$0x1AD00] =	vst v20;
	v4 =	vmul.f32 $4.999999890e-03, v39  }
0x187: {  	[tilespmem:$0x1AD10] =	vst v21;
	v5 =	vmul.f32 $4.999999890e-03, v25;
	v1 =	vadd.f32 v9, v1;
	v3 =	vadd.f32 v6, v3;
	v6 =	vld [tilespmem:$0x1FF90]  }
0x188: {  	v8 =	vadd.f32 v8, v29;
	v10 =	vadd.f32 v10, v31;
	[tilespmem:$0x1AD20] =	vst v4;
	v4 =	vmul.f32 $4.999999890e-03, v24  }
0x189: {  	v7 =	vadd.f32 v13, v7;
	[tilespmem:$0x1AD30] =	vst v5;
	v5 =	vmul.f32 $4.999999890e-03, v23;
	v1 =	vadd.f32 v63, v1  }
0x18a: {  	v8 =	vadd.f32 v62, v8;
	v2 =	vadd.f32 v12, v2;
	[tilespmem:$0x1AD40] =	vst v4;
	v4 =	vmul.f32 $4.999999890e-03, v22  }
0x18b: {  	v10 =	vadd.f32 v14, v10;
	[tilespmem:$0x1AD50] =	vst v5;
	v5 =	vmul.f32 $4.999999890e-03, v44;
	v1 =	vadd.f32 v16, v1  }
0x18c: {  	v2 =	vadd.f32 v32, v2;
	[tilespmem:$0x1AD60] =	vst v4;
	v4 =	vmul.f32 $4.999999890e-03, v7;
	v0 =	vadd.f32 v6, v0;
	v6 =	vld [tilespmem:$0x1FFA0]  }
0x18d: {  	[tilespmem:$0x1AD70] =	vst v5;
	v5 =	vmul.f32 $4.999999890e-03, v8;
	v1 =	vadd.f32 v19, v1  }
0x18e: {  	v2 =	vadd.f32 v18, v2;
	[tilespmem:$0x1AD80] =	vst v4;
	v4 =	vmul.f32 $4.999999890e-03, v10  }
0x18f: {  	[tilespmem:$0x1AD90] =	vst v5;
	v5 =	vmul.f32 $4.999999890e-03, v11;
	v1 =	vadd.f32 v15, v1  }
0x190: {  	v2 =	vadd.f32 v17, v2;
	[tilespmem:$0x1ADA0] =	vst v4;
	v0 =	vmul.f32 $4.999999890e-03, v0  }
0x191: {  	[tilespmem:$0x1ADB0] =	vst v5;
	v1 =	vmul.f32 $4.999999890e-03, v1;
	v3 =	vadd.f32 v6, v3  }
0x192: {  	[tilespmem:$0x1ADC0] =	vst v0;
	v0 =	vmul.f32 $4.999999890e-03, v2  }
0x193: {  	[tilespmem:$0x1ADF0] =	vst v1;
	v3 =	vmul.f32 $4.999999890e-03, v3  }
0x194: {  	s16 =	sshll.u32 s31, $0x6;
	[tilespmem:$0x1ADE0] =	vst v0  }
0x195: {  	s0 =	sadd.s32 s16, s9;
	[tilespmem:$0x1ADD0] =	vst v3  }
0x196: {  	[hbm4b:s0+s2] =	stream.linear.scatter [tilespmem:s29], [sflag:$0x3], $0x100, $0x38;
	[tilespmem:$0x1AE00] =	vst v63  }
0x197: {  	p0 =	seq.s32 s31, $0x1F;
	s0 =	sshll.u32 s31, $0x4  }
0x198: {  	s1 =	sadd.s32 @!p0 s0, s10  }
0x199: {  	_ =	swait.ge [sflag:s13], $0x100;
	s1 =	smul.u32 @!p0 $0x19, s1  }
0x19a: {  	[sflag:s13] =	ssyncset.done $0x0  }
0x19b: {  	s15 =	simm.s32 @!p0 $0x0;
	[sflag:s13] =	ssyncadd.s32 $0xFFFFFF00;
	s1 =	sadd.s32 @!p0 s4, s1  }
0x19c: {  	[tilespmem:s15], [sflag:$0x3] =	stream.linear.gather @!p0 [hbm4b:s1+s15], $0x640, $0x38;
	[tilespmem:$0x1AE00] =	vst v63  }
0x19d: {  	s1 =	simm.s32 @!p0 $0x3  }
0x19e: {  	_ =	swait.ge @!p0 [sflag:s1], $0x640  }
0x19f: {  	[sflag:s1] =	ssyncset.done @!p0 $0x0  }
0x1a0: {  	s16 =	simm.s32 @!p0 $0xD00;
	[sflag:s1] =	ssyncadd.s32 @!p0 $0xFFFFF9C0;
	s1 =	simm.s32 @!p0 $0x80  }
0x1a1: {  	[tilespmem:s16], [sflag:$0x1] =	stream.indirect.gather @!p0 [hbm4b:s3+s1], $0x20, s15, s1, $0xb8;
	[tilespmem:$0x1AE00] =	vst v63  }
0x1a2: {  	s15 =	simm.s32 @!p0 $0x1D00  }
0x1a3: {  	[tilespmem:s15], [sflag:$0x1] =	stream.indirect.gather @!p0 [hbm4b:s3+s1], $0x20, s1, s1, $0xb8;
	[tilespmem:$0x1AE00] =	vst v63  }
0x1a4: {  	s16 =	simm.s32 @!p0 $0x2D00;
	s15 =	simm.s32 @!p0 $0x100  }
0x1a5: {  	[tilespmem:s16], [sflag:$0x1] =	stream.indirect.gather @!p0 [hbm4b:s3+s1], $0x20, s15, s1, $0xb8;
	[tilespmem:$0x1AE00] =	vst v63  }
0x1a6: {  	s15 =	simm.s32 @!p0 $0x180;
	s16 =	simm.s32 @!p0 $0x3D00  }
0x1a7: {  	[tilespmem:s16], [sflag:$0x1] =	stream.indirect.gather @!p0 [hbm4b:s3+s1], $0x20, s15, s1, $0xb8;
	[tilespmem:$0x1AE00] =	vst v63  }
0x1a8: {  	s15 =	simm.s32 @!p0 $0x200;
	s16 =	simm.s32 @!p0 $0x4D00  }
0x1a9: {  	[tilespmem:s16], [sflag:$0x1] =	stream.indirect.gather @!p0 [hbm4b:s3+s1], $0x20, s15, s1, $0xb8;
	[tilespmem:$0x1AE00] =	vst v63  }
0x1aa: {  	s15 =	simm.s32 @!p0 $0x280;
	s16 =	simm.s32 @!p0 $0x5D00  }
0x1ab: {  	[tilespmem:s16], [sflag:$0x1] =	stream.indirect.gather @!p0 [hbm4b:s3+s1], $0x20, s15, s1, $0xb8;
	[tilespmem:$0x1AE00] =	vst v63  }
0x1ac: {  	s15 =	simm.s32 @!p0 $0x300;
	s16 =	simm.s32 @!p0 $0x6D00  }
0x1ad: {  	[tilespmem:s16], [sflag:$0x1] =	stream.indirect.gather @!p0 [hbm4b:s3+s1], $0x20, s15, s1, $0xb8;
	[tilespmem:$0x1AE00] =	vst v63  }
0x1ae: {  	s15 =	simm.s32 @!p0 $0x380;
	s16 =	simm.s32 @!p0 $0x7D00  }
0x1af: {  	[tilespmem:s16], [sflag:$0x1] =	stream.indirect.gather @!p0 [hbm4b:s3+s1], $0x20, s15, s1, $0xb8;
	[tilespmem:$0x1AE00] =	vst v63  }
0x1b0: {  	s15 =	simm.s32 @!p0 $0x400;
	s16 =	simm.s32 @!p0 $0x8D00  }
0x1b1: {  	[tilespmem:s16], [sflag:$0x1] =	stream.indirect.gather @!p0 [hbm4b:s3+s1], $0x20, s15, s1, $0xb8;
	[tilespmem:$0x1AE00] =	vst v63  }
0x1b2: {  	s15 =	simm.s32 @!p0 $0x480;
	s16 =	simm.s32 @!p0 $0x9D00  }
0x1b3: {  	[tilespmem:s16], [sflag:$0x1] =	stream.indirect.gather @!p0 [hbm4b:s3+s1], $0x20, s15, s1, $0xb8;
	[tilespmem:$0x1AE00] =	vst v63  }
0x1b4: {  	s15 =	simm.s32 @!p0 $0x500;
	s16 =	simm.s32 @!p0 $0xAD00  }
0x1b5: {  	[tilespmem:s16], [sflag:$0x1] =	stream.indirect.gather @!p0 [hbm4b:s3+s1], $0x20, s15, s1, $0xb8;
	[tilespmem:$0x1AE00] =	vst v63  }
0x1b6: {  	s15 =	simm.s32 @!p0 $0x580;
	s16 =	simm.s32 @!p0 $0xBD00  }
0x1b7: {  	[tilespmem:s16], [sflag:$0x1] =	stream.indirect.gather @!p0 [hbm4b:s3+s1], $0x20, s15, s1, $0xb8;
	[tilespmem:$0x1AE00] =	vst v63  }
0x1b8: {  	s15 =	simm.s32 @!p0 $0x600;
	s16 =	simm.s32 @!p0 $0xCD00  }
0x1b9: {  	[tilespmem:s16], [sflag:$0x1] =	stream.indirect.gather @!p0 [hbm4b:s3+s1], $0x20, s15, s1, $0xb8;
	[tilespmem:$0x1AE00] =	vst v63  }
0x1ba: {  	_ =	swait.ge [sflag:s30], $0xD000  }
0x1bb: {  	[sflag:s30] =	ssyncset.done $0x0  }
0x1bc: {  	s1 =	simm.s32 $0x0;
	[sflag:s30] =	ssyncadd.s32 $0xFFFF3000  }
0x1bd: {  	v25 =	vld [tilespmem:s1+$0xDDE0]  }
0x1be: {  	v26 =	vld [tilespmem:s1+$0xDDF0]  }
0x1bf: {  	v36 =	vld [tilespmem:s1+$0xF6E0]  }
0x1c0: {  	v37 =	vld [tilespmem:s1+$0xF6F0]  }
0x1c1: {  	v28 =	vld [tilespmem:s1+$0x10FE0]  }
0x1c2: {  	v15 =	vld [tilespmem:s1+$0x10FF0]  }
0x1c3: {  	v13 =	vld [tilespmem:s1+$0x128E0]  }
0x1c4: {  	v14 =	vld [tilespmem:s1+$0x128F0]  }
0x1c5: {  	v0 =	vld [tilespmem:s1+$0x141E0]  }
0x1c6: {  	v20 =	vld [tilespmem:s1+$0x15AF0]  }
0x1c7: {  	v23 =	vld [tilespmem:s1+$0xDDC0]  }
0x1c8: {  	v24 =	vld [tilespmem:s1+$0xDDD0]  }
0x1c9: {  	v38 =	vld [tilespmem:s1+$0xF6C0]  }
0x1ca: {  	v2 =	vld [tilespmem:s1+$0xF6D0]  }
0x1cb: {  	v34 =	vld [tilespmem:s1+$0x10FC0]  }
0x1cc: {  	v35 =	vld [tilespmem:s1+$0x10FD0]  }
0x1cd: {  	v27 =	vld [tilespmem:s1+$0x128C0]  }
0x1ce: {  	v33 =	vld [tilespmem:s1+$0x128D0]  }
0x1cf: {  	v7 =	vld [tilespmem:s1+$0x141C0]  }
0x1d0: {  	v8 =	vld [tilespmem:s1+$0x141D0]  }
0x1d1: {  	[tilespmem:$0x1FE10] =	vst v0;
	v0 =	vld [tilespmem:s1+$0x141F0]  }
0x1d2: {  	v10 =	vld [tilespmem:s1+$0x15AC0]  }
0x1d3: {  	v11 =	vld [tilespmem:s1+$0x15AD0]  }
0x1d4: {  	v1 =	vld [tilespmem:s1+$0xDDA0]  }
0x1d5: {  	v41 =	vld [tilespmem:s1+$0xDDB0]  }
0x1d6: {  	[tilespmem:$0x1FE20] =	vst v0;
	v0 =	vld [tilespmem:s1+$0x15AE0]  }
0x1d7: {  	v42 =	vld [tilespmem:s1+$0xF6A0]  }
0x1d8: {  	v43 =	vld [tilespmem:s1+$0xF6B0]  }
0x1d9: {  	v44 =	vld [tilespmem:s1+$0x10FA0]  }
0x1da: {  	v45 =	vld [tilespmem:s1+$0x10FB0]  }
0x1db: {  	[tilespmem:$0x1FE30] =	vst v0;
	v0 =	vld [tilespmem:s1+$0x173E0]  }
0x1dc: {  	v46 =	vld [tilespmem:s1+$0x128A0]  }
0x1dd: {  	v47 =	vld [tilespmem:s1+$0x128B0]  }
0x1de: {  	v6 =	vld [tilespmem:s1+$0x141A0]  }
0x1df: {  	v9 =	vld [tilespmem:s1+$0x141B0]  }
0x1e0: {  	[tilespmem:$0x1FE40] =	vst v0;
	v0 =	vld [tilespmem:s1+$0x173F0]  }
0x1e1: {  	v4 =	vld [tilespmem:s1+$0x15AA0]  }
0x1e2: {  	v5 =	vld [tilespmem:s1+$0x15AB0]  }
0x1e3: {  	v48 =	vld [tilespmem:s1+$0xDD80]  }
0x1e4: {  	v49 =	vld [tilespmem:s1+$0xDD90]  }
0x1e5: {  	[tilespmem:$0x1FE50] =	vst v0;
	v0 =	vld [tilespmem:s1+$0x173C0]  }
0x1e6: {  	v50 =	vld [tilespmem:s1+$0xF680]  }
0x1e7: {  	v51 =	vld [tilespmem:s1+$0xF690]  }
0x1e8: {  	v52 =	vld [tilespmem:s1+$0x10F80]  }
0x1e9: {  	v53 =	vld [tilespmem:s1+$0x10F90]  }
0x1ea: {  	[tilespmem:$0x1FE60] =	vst v0;
	v0 =	vld [tilespmem:s1+$0x173D0]  }
0x1eb: {  	v54 =	vld [tilespmem:s1+$0x12880]  }
0x1ec: {  	v55 =	vld [tilespmem:s1+$0x12890]  }
0x1ed: {  	v32 =	vld [tilespmem:s1+$0x14180]  }
0x1ee: {  	v31 =	vld [tilespmem:s1+$0x14190]  }
0x1ef: {  	[tilespmem:$0x1FE70] =	vst v0;
	v0 =	vld [tilespmem:s1+$0x173A0]  }
0x1f0: {  	v29 =	vld [tilespmem:s1+$0x15A80]  }
0x1f1: {  	v30 =	vld [tilespmem:s1+$0x15A90]  }
0x1f2: {  	v57 =	vld [tilespmem:s1+$0xDD70]  }
0x1f3: {  	v61 =	vld [tilespmem:s1+$0xDD30]  }
0x1f4: {  	[tilespmem:$0x1FE80] =	vst v0;
	v0 =	vld [tilespmem:s1+$0x173B0]  }
0x1f5: {  	v39 =	vld [tilespmem:s1+$0xF610]  }
0x1f6: {  	v63 =	vld [tilespmem:s1+$0xDD10]  }
0x1f7: {  	v18 =	vld [tilespmem:s1+$0xF630]  }
0x1f8: {  	v19 =	vld [tilespmem:s1+$0xF650]  }
0x1f9: {  	v3 =	vimm.f32 $0.0e+00;
	[tilespmem:$0x1FE90] =	vst v0;
	v0 =	vld [tilespmem:s1+$0x17380]  }
0x1fa: {  	v59 =	vld [tilespmem:s1+$0xDD50];
	v12 =	vadd.f32 v39, v3  }
0x1fb: {  	v40 =	vld [tilespmem:s1+$0xF670]  }
0x1fc: {  	v62 =	vld [tilespmem:s1+$0xDD00];
	v63 =	vadd.f32 v63, v3;
	v12 =	vadd.f32 v18, v12  }
0x1fd: {  	v60 =	vld [tilespmem:s1+$0xDD20]  }
0x1fe: {  	v61 =	vadd.f32 v61, v63;
	v12 =	vadd.f32 v19, v12;
	[tilespmem:$0x1FEA0] =	vst v0;
	v0 =	vld [tilespmem:s1+$0xF600]  }
0x1ff: {  	v58 =	vld [tilespmem:s1+$0xDD40]  }
0x200: {  	v17 =	vld [tilespmem:s1+$0xF620];
	v18 =	vadd.f32 v59, v61;
	v12 =	vadd.f32 v40, v12  }
0x201: {  	v56 =	vld [tilespmem:s1+$0xDD60];
	v62 =	vadd.f32 v62, v3  }
0x202: {  	v21 =	vld [tilespmem:s1+$0xF640];
	v18 =	vadd.f32 v57, v18;
	v12 =	vadd.f32 v51, v12  }
0x203: {  	v22 =	vld [tilespmem:s1+$0xF660];
	v60 =	vadd.f32 v60, v62;
	v0 =	vadd.f32 v0, v3  }
0x204: {  	v63 =	vld [tilespmem:s1+$0x10F60];
	v18 =	vadd.f32 v49, v18;
	v12 =	vadd.f32 v43, v12  }
0x205: {  	v59 =	vld [tilespmem:s1+$0x10F30];
	v0 =	vadd.f32 v17, v0;
	v17 =	vadd.f32 v58, v60  }
0x206: {  	v61 =	vld [tilespmem:s1+$0x12800];
	v18 =	vadd.f32 v41, v18;
	v12 =	vadd.f32 v2, v12  }
0x207: {  	v57 =	vld [tilespmem:s1+$0x15A10];
	v0 =	vadd.f32 v21, v0;
	v17 =	vadd.f32 v56, v17  }
0x208: {  	v18 =	vadd.f32 v24, v18;
	v24 =	vld [tilespmem:s1+$0x12820];
	v3 =	vadd.f32 v37, v12  }
0x209: {  	v12 =	vld [tilespmem:s1+$0x12850];
	v0 =	vadd.f32 v22, v0;
	v17 =	vadd.f32 v48, v17  }
0x20a: {  	v60 =	vld [tilespmem:s1+$0x10F00]  }
0x20b: {  	v21 =	vld [tilespmem:s1+$0x10F40];
	v0 =	vadd.f32 v50, v0;
	v17 =	vadd.f32 v1, v17  }
0x20c: {  	v1 =	vld [tilespmem:s1+$0x10F10]  }
0x20d: {  	v0 =	vadd.f32 v42, v0;
	v17 =	vadd.f32 v23, v17;
	v23 =	vld [tilespmem:s1+$0x12810]  }
0x20e: {  	v22 =	vld [tilespmem:s1+$0x10F20]  }
0x20f: {  	v0 =	vadd.f32 v38, v0;
	v43 =	vadd.f32 v25, v17;
	v17 =	vimm.f32 $0.0e+00;
	v25 =	vld [tilespmem:s1+$0x12830]  }
0x210: {  	v40 =	vadd.f32 v26, v18;
	v56 =	vld [tilespmem:s1+$0x10F50];
	v26 =	vadd.f32 v60, v17  }
0x211: {  	v62 =	vadd.f32 v1, v17;
	v39 =	vadd.f32 v36, v0;
	v0 =	vld [tilespmem:s1+$0x12840]  }
0x212: {  	v58 =	vld [tilespmem:s1+$0x10F70];
	v42 =	vadd.f32 v61, v17;
	v23 =	vadd.f32 v23, v17  }
0x213: {  	v1 =	vld [tilespmem:s1+$0x12860];
	v22 =	vadd.f32 v22, v26;
	v26 =	vadd.f32 v59, v62  }
0x214: {  	v48 =	vld [tilespmem:s1+$0x12870];
	v24 =	vadd.f32 v24, v42;
	v23 =	vadd.f32 v25, v23  }
0x215: {  	v21 =	vadd.f32 v21, v22;
	v22 =	vadd.f32 v56, v26;
	v56 =	vld [tilespmem:s1+$0x15A00]  }
0x216: {  	v49 =	vld [tilespmem:s1+$0x14140];
	v0 =	vadd.f32 v0, v24  }
0x217: {  	v51 =	vld [tilespmem:s1+$0x14120];
	v23 =	vadd.f32 v12, v23;
	v21 =	vadd.f32 v63, v21  }
0x218: {  	v41 =	vld [tilespmem:s1+$0x17320];
	v22 =	vadd.f32 v58, v22;
	v0 =	vadd.f32 v1, v0  }
0x219: {  	v2 =	vld [tilespmem:s1+$0x14130];
	v23 =	vadd.f32 v48, v23;
	v21 =	vadd.f32 v52, v21  }
0x21a: {  	v50 =	vld [tilespmem:s1+$0x14150];
	v22 =	vadd.f32 v53, v22;
	v60 =	vadd.f32 v56, v17  }
0x21b: {  	v61 =	vld [tilespmem:s1+$0x15A60];
	v0 =	vadd.f32 v54, v0;
	v23 =	vadd.f32 v55, v23  }
0x21c: {  	v21 =	vadd.f32 v44, v21;
	v22 =	vadd.f32 v45, v22;
	v55 =	vld [tilespmem:s1+$0x14110]  }
0x21d: {  	v1 =	vld [tilespmem:s1+$0x14100];
	v0 =	vadd.f32 v46, v0;
	v23 =	vadd.f32 v47, v23  }
0x21e: {  	v26 =	vld [tilespmem:s1+$0x14170];
	v21 =	vadd.f32 v34, v21;
	v22 =	vadd.f32 v35, v22  }
0x21f: {  	v58 =	vld [tilespmem:s1+$0x15A20];
	v0 =	vadd.f32 v27, v0;
	v27 =	vadd.f32 v33, v23  }
0x220: {  	v24 =	vadd.f32 v28, v21;
	v23 =	vadd.f32 v15, v22;
	v28 =	vld [tilespmem:s1+$0x15A30]  }
0x221: {  	v59 =	vadd.f32 v55, v17;
	v22 =	vadd.f32 v13, v0;
	v0 =	vld [tilespmem:s1+$0x15A40]  }
0x222: {  	v44 =	vadd.f32 v14, v27;
	v27 =	vadd.f32 v1, v17;
	v1 =	vld [tilespmem:s1+$0x15A50]  }
0x223: {  	v25 =	vld [tilespmem:s1+$0x14160];
	v34 =	vadd.f32 v57, v17;
	v35 =	vadd.f32 v2, v59  }
0x224: {  	v62 =	vld [tilespmem:s1+$0x15A70];
	v2 =	vadd.f32 v58, v60;
	v27 =	vadd.f32 v51, v27  }
0x225: {  	v37 =	vld [tilespmem:s1+$0x17310];
	v34 =	vadd.f32 v28, v34;
	v35 =	vadd.f32 v50, v35  }
0x226: {  	v38 =	vld [tilespmem:s1+$0x18C00];
	v27 =	vadd.f32 v49, v27;
	v0 =	vadd.f32 v0, v2  }
0x227: {  	v36 =	vld [tilespmem:s1+$0x17350];
	v63 =	vadd.f32 v1, v34;
	v26 =	vadd.f32 v26, v35  }
0x228: {  	v42 =	vld [tilespmem:s1+$0x17330];
	v25 =	vadd.f32 v25, v27;
	v0 =	vadd.f32 v61, v0  }
0x229: {  	v33 =	vld [tilespmem:s1+$0x17360];
	v27 =	vadd.f32 v62, v63;
	v26 =	vadd.f32 v31, v26  }
0x22a: {  	v28 =	vld [tilespmem:s1+$0x17390];
	v25 =	vadd.f32 v32, v25;
	v31 =	vadd.f32 v29, v0  }
0x22b: {  	v34 =	vld [tilespmem:s1+$0x17370];
	v27 =	vadd.f32 v30, v27;
	v29 =	vadd.f32 v9, v26  }
0x22c: {  	v35 =	vld [tilespmem:s1+$0x17340];
	v26 =	vimm.f32 $0.0e+00;
	v30 =	vadd.f32 v6, v25;
	v25 =	vimm.f32 $0.0e+00  }
0x22d: {  	s15 =	simm.s32 $0x400;
	v21 =	vmovc v3;
	v0 =	vld [tilespmem:s1+$0x17300];
	v31 =	vadd.f32 v4, v31;
	v32 =	vadd.f32 v5, v27;
	v27 =	vimm.f32 $0.0e+00  }
.LBB2_5:
0x22e: {  	v1 =	vld [tilespmem:$0x1FE10];
	_ =	sdelay $0x2  }
0x22f: {  	v14 =	vadd.f32 v7, v30;
	_ =	sdelay $0x1  }
0x230: {  	v1 =	vadd.f32 v1, v14;
	_ =	sdelay $0x1  }
0x231: {  	[tilespmem:$0x1FDA0] =	vst v1;
	v1 =	vld [tilespmem:$0x1FE20];
	_ =	sdelay $0x2  }
0x232: {  	v16 =	vadd.f32 v8, v29;
	_ =	sdelay $0x1  }
0x233: {  	v1 =	vadd.f32 v1, v16;
	_ =	sdelay $0x1  }
0x234: {  	[tilespmem:$0x1FDB0] =	vst v1;
	v1 =	vld [tilespmem:$0x1FE30];
	_ =	sdelay $0x2  }
0x235: {  	v13 =	vadd.f32 v10, v31;
	_ =	sdelay $0x1  }
0x236: {  	v15 =	vadd.f32 v11, v32;
	v1 =	vadd.f32 v1, v13  }
0x237: {  	v0 =	vadd.f32 v0, v17  }
0x238: {  	[tilespmem:$0x1FDC0] =	vst v1;
	v1 =	vadd.f32 v20, v15  }
0x239: {  	v0 =	vadd.f32 v41, v0  }
0x23a: {  	[tilespmem:$0x1FDD0] =	vst v1;
	v1 =	vld [tilespmem:$0x1FEA0]  }
0x23b: {  	v0 =	vadd.f32 v35, v0;
	_ =	sdelay $0x1  }
0x23c: {  	v63 =	vld [tilespmem:s1+$0x18C10];
	v0 =	vadd.f32 v33, v0  }
0x23d: {  	v5 =	vld [tilespmem:s1+$0x18C40]  }
0x23e: {  	v6 =	vadd.f32 v37, v27;
	v0 =	vadd.f32 v1, v0;
	v1 =	vld [tilespmem:$0x1FE80]  }
0x23f: {  	[tilespmem:$0x1FD60] =	vst v44;
	v44 =	vmov v40;
	v40 =	vld [tilespmem:s1+$0x18C80]  }
0x240: {  	v9 =	vld [tilespmem:s1+$0x18CF0];
	v6 =	vadd.f32 v42, v6  }
0x241: {  	v32 =	vld [tilespmem:s1+$0x18C20]  }
0x242: {  	v8 =	vld [tilespmem:s1+$0x18C50];
	v6 =	vadd.f32 v36, v6  }
0x243: {  	v0 =	vadd.f32 v1, v0;
	v1 =	vld [tilespmem:$0x1FE90]  }
0x244: {  	v7 =	vld [tilespmem:s1+$0x18C30];
	v6 =	vadd.f32 v34, v6  }
0x245: {  	v29 =	vmov v39;
	v39 =	vld [tilespmem:s1+$0x18C60]  }
0x246: {  	v11 =	vadd.f32 v38, v26;
	v41 =	vld [tilespmem:s1+$0x18CC0];
	v6 =	vadd.f32 v28, v6  }
0x247: {  	v38 =	vadd.f32 v63, v25;
	v42 =	vld [tilespmem:s1+$0x18CE0]  }
0x248: {  	v11 =	vadd.f32 v32, v11;
	v6 =	vadd.f32 v1, v6;
	v1 =	vld [tilespmem:$0x1FE60]  }
0x249: {  	v7 =	vadd.f32 v7, v38;
	v15 =	vld [tilespmem:s1+$0x18C70]  }
0x24a: {  	v5 =	vadd.f32 v5, v11;
	v11 =	vld [tilespmem:s1+$0x18CB0]  }
0x24b: {  	v7 =	vadd.f32 v8, v7;
	v8 =	vld [tilespmem:s1+$0x18CA0]  }
0x24c: {  	v16 =	vld [tilespmem:s1+$0x18C90]  }
0x24d: {  	v0 =	vadd.f32 v1, v0;
	v1 =	vld [tilespmem:$0x1FE70]  }
0x24e: {  	v7 =	vadd.f32 v15, v7;
	v15 =	vld [tilespmem:s1+$0x18CD0];
	s1 =	sshra.s32 s15, $0x2  }
0x24f: {  	v45 =	vld [tilespmem:s1+$0xDDE0]  }
0x250: {  	v46 =	vld [tilespmem:s1+$0xDDF0]  }
0x251: {  	v47 =	vld [tilespmem:s1+$0xF6E0]  }
0x252: {  	v3 =	vadd.f32 v1, v6;
	v1 =	vld [tilespmem:$0x1FE40]  }
0x253: {  	v50 =	vld [tilespmem:s1+$0xF6F0]  }
0x254: {  	v34 =	vld [tilespmem:s1+$0x128F0]  }
0x255: {  	v5 =	vadd.f32 v39, v5;
	v20 =	vmov v43;
	v43 =	vld [tilespmem:s1+$0x15AF0]  }
0x256: {  	v57 =	vld [tilespmem:s1+$0xDDC0]  }
0x257: {  	v5 =	vadd.f32 v40, v5;
	v32 =	vadd.f32 v1, v0;
	v0 =	vld [tilespmem:$0x1FE50]  }
0x258: {  	v59 =	vld [tilespmem:s1+$0xDDD0]  }
0x259: {  	v5 =	vadd.f32 v8, v5;
	v58 =	vld [tilespmem:s1+$0xF6C0]  }
0x25a: {  	v60 =	vld [tilespmem:s1+$0xF6D0]  }
0x25b: {  	v4 =	vadd.f32 v41, v5;
	v41 =	vld [tilespmem:s1+$0x10FC0]  }
0x25c: {  	v27 =	vadd.f32 v0, v3;
	v0 =	vld [tilespmem:s1+$0x10FE0]  }
0x25d: {  	v31 =	vld [tilespmem:s1+$0x10FD0]  }
0x25e: {  	v26 =	vadd.f32 v42, v4;
	v42 =	vld [tilespmem:s1+$0x128C0]  }
0x25f: {  	v30 =	vld [tilespmem:s1+$0x128D0]  }
0x260: {  	v36 =	vld [tilespmem:s1+$0x141D0]  }
0x261: {  	[tilespmem:$0x1FD70] =	vst v0;
	v0 =	vld [tilespmem:s1+$0x10FF0]  }
0x262: {  	v35 =	vld [tilespmem:s1+$0x15AC0]  }
0x263: {  	v33 =	vld [tilespmem:s1+$0x15AD0]  }
0x264: {  	v2 =	vld [tilespmem:s1+$0xDDB0]  }
0x265: {  	v4 =	vld [tilespmem:s1+$0xF6B0]  }
0x266: {  	[tilespmem:$0x1FD80] =	vst v0;
	v0 =	vld [tilespmem:s1+$0x128E0]  }
0x267: {  	v53 =	vld [tilespmem:s1+$0x10FA0]  }
0x268: {  	v55 =	vld [tilespmem:s1+$0x10FB0]  }
0x269: {  	v54 =	vld [tilespmem:s1+$0x128A0]  }
0x26a: {  	v56 =	vld [tilespmem:s1+$0x128B0]  }
0x26b: {  	[tilespmem:$0x1FD90] =	vst v0;
	v0 =	vld [tilespmem:s1+$0x141E0]  }
0x26c: {  	v37 =	vld [tilespmem:s1+$0x141B0]  }
0x26d: {  	v38 =	vld [tilespmem:s1+$0x15AB0]  }
0x26e: {  	v8 =	vld [tilespmem:s1+$0xF690]  }
0x26f: {  	v61 =	vld [tilespmem:s1+$0x10F80]  }
0x270: {  	[tilespmem:$0x1FE10] =	vst v0;
	v0 =	vld [tilespmem:s1+$0x141F0]  }
0x271: {  	v62 =	vld [tilespmem:s1+$0x12880]  }
0x272: {  	v63 =	vld [tilespmem:s1+$0x12890]  }
0x273: {  	v48 =	vld [tilespmem:s1+$0x14180]  }
0x274: {  	v51 =	vld [tilespmem:s1+$0x14190]  }
0x275: {  	[tilespmem:$0x1FE20] =	vst v0;
	v0 =	vld [tilespmem:s1+$0x15AE0]  }
0x276: {  	v49 =	vld [tilespmem:s1+$0x15A80]  }
0x277: {  	v52 =	vld [tilespmem:s1+$0x15A90]  }
0x278: {  	v28 =	vld [tilespmem:s1+$0x17390]  }
0x279: {  	v10 =	vld [tilespmem:s1+$0xDD70]  }
0x27a: {  	[tilespmem:$0x1FE30] =	vst v0;
	v0 =	vld [tilespmem:s1+$0x173E0]  }
0x27b: {  	v12 =	vld [tilespmem:s1+$0xDD50]  }
0x27c: {  	v13 =	vld [tilespmem:s1+$0xDD20]  }
0x27d: {  	v40 =	vld [tilespmem:s1+$0xDD30]  }
0x27e: {  	v14 =	vld [tilespmem:s1+$0xDD00]  }
0x27f: {  	[tilespmem:$0x1FE40] =	vst v0;
	v0 =	vld [tilespmem:s1+$0x173F0]  }
0x280: {  	v39 =	vld [tilespmem:s1+$0xF600]  }
0x281: {  	v17 =	vld [tilespmem:s1+$0xF620]  }
0x282: {  	v18 =	vld [tilespmem:s1+$0xF630]  }
0x283: {  	v19 =	vld [tilespmem:s1+$0xF640];
	v7 =	vadd.f32 v16, v7  }
0x284: {  	[tilespmem:$0x1FE50] =	vst v0;
	v0 =	vld [tilespmem:s1+$0x141C0]  }
0x285: {  	v16 =	vld [tilespmem:s1+$0xF610];
	v7 =	vadd.f32 v11, v7  }
0x286: {  	v11 =	vld [tilespmem:s1+$0xDD40]  }
0x287: {  	v5 =	vadd.f32 v15, v7;
	v7 =	vld [tilespmem:s1+$0xF680]  }
0x288: {  	v15 =	vld [tilespmem:s1+$0xDD10]  }
0x289: {  	[tilespmem:$0x1FDE0] =	vst v0;
	v0 =	vld [tilespmem:s1+$0x173C0]  }
0x28a: {  	v14 =	vadd.f32 v14, v20;
	v20 =	vld [tilespmem:s1+$0xF650]  }
0x28b: {  	v16 =	vadd.f32 v16, v21;
	v21 =	vld [tilespmem:s1+$0xF660]  }
0x28c: {  	v25 =	vadd.f32 v9, v5;
	v9 =	vld [tilespmem:s1+$0x17380]  }
0x28d: {  	v5 =	vld [tilespmem:s1+$0xDD80]  }
0x28e: {  	v13 =	vadd.f32 v13, v14;
	[tilespmem:$0x1FE60] =	vst v0;
	v0 =	vld [tilespmem:s1+$0x173D0]  }
0x28f: {  	v39 =	vadd.f32 v39, v29;
	v16 =	vadd.f32 v18, v16;
	v18 =	vld [tilespmem:s1+$0x10F60]  }
0x290: {  	v11 =	vadd.f32 v11, v13;
	v13 =	vld [tilespmem:s1+$0x10F70];
	v15 =	vadd.f32 v15, v44  }
0x291: {  	[tilespmem:$0x1FEA0] =	vst v9;
	v9 =	vld [tilespmem:s1+$0xDD60]  }
0x292: {  	v17 =	vadd.f32 v17, v39;
	v44 =	vadd.f32 v40, v15;
	v15 =	vld [tilespmem:s1+$0xF670]  }
0x293: {  	[tilespmem:$0x1FE70] =	vst v0;
	v0 =	vld [tilespmem:s1+$0x141A0]  }
0x294: {  	v40 =	vadd.f32 v19, v17;
	v17 =	vld [tilespmem:s1+$0x10F40]  }
0x295: {  	v6 =	vld [tilespmem:s1+$0xDD90]  }
0x296: {  	v16 =	vadd.f32 v20, v16;
	v12 =	vadd.f32 v12, v44;
	v3 =	vld [tilespmem:s1+$0xF6A0]  }
0x297: {  	v20 =	vmov v43;
	v43 =	vadd.f32 v21, v40;
	v9 =	vadd.f32 v9, v11;
	v11 =	vld [tilespmem:s1+$0x10F50]  }
0x298: {  	v10 =	vadd.f32 v10, v12;
	[tilespmem:$0x1FDF0] =	vst v0;
	v0 =	vld [tilespmem:s1+$0x15AA0]  }
0x299: {  	v7 =	vadd.f32 v7, v43;
	v1 =	vld [tilespmem:s1+$0xDDA0]  }
0x29a: {  	v44 =	vadd.f32 v15, v16;
	v6 =	vadd.f32 v6, v10;
	v10 =	vld [tilespmem:s1+$0x10F00]  }
0x29b: {  	v15 =	vld [tilespmem:s1+$0x10F20];
	v3 =	vadd.f32 v3, v7  }
0x29c: {  	v5 =	vadd.f32 v5, v9;
	v9 =	vld [tilespmem:s1+$0x10F30];
	v8 =	vadd.f32 v8, v44  }
0x29d: {  	v3 =	vadd.f32 v58, v3;
	[tilespmem:$0x1FE00] =	vst v0;
	v0 =	vld [tilespmem:s1+$0x173A0]  }
0x29e: {  	v4 =	vadd.f32 v4, v8;
	v8 =	vld [tilespmem:s1+$0x12820];
	v1 =	vadd.f32 v1, v5  }
0x29f: {  	v5 =	vld [tilespmem:s1+$0x10F10];
	v39 =	vadd.f32 v47, v3;
	v3 =	vadd.f32 v10, v24  }
0x2a0: {  	v4 =	vadd.f32 v60, v4;
	v60 =	vld [tilespmem:s1+$0x15A10]  }
0x2a1: {  	v2 =	vadd.f32 v2, v6;
	v6 =	vld [tilespmem:s1+$0x12800];
	v3 =	vadd.f32 v15, v3  }
0x2a2: {  	[tilespmem:$0x1FE80] =	vst v0;
	v0 =	vld [tilespmem:s1+$0x173B0]  }
0x2a3: {  	v2 =	vadd.f32 v59, v2;
	v59 =	vld [tilespmem:s1+$0x15A00];
	v3 =	vadd.f32 v17, v3  }
0x2a4: {  	v21 =	vadd.f32 v50, v4;
	v7 =	vld [tilespmem:s1+$0x12810];
	v4 =	vadd.f32 v5, v23  }
0x2a5: {  	v10 =	vld [tilespmem:$0x1FD60];
	v3 =	vadd.f32 v18, v3  }
0x2a6: {  	v40 =	vadd.f32 v46, v2;
	v2 =	vld [tilespmem:s1+$0x12840];
	v4 =	vadd.f32 v9, v4  }
0x2a7: {  	v1 =	vadd.f32 v57, v1;
	v3 =	vadd.f32 v61, v3;
	[tilespmem:$0x1FE90] =	vst v0;
	v0 =	vld [tilespmem:s1+$0x10F90]  }
0x2a8: {  	v6 =	vadd.f32 v6, v22;
	v4 =	vadd.f32 v11, v4;
	v15 =	vld [tilespmem:$0x1FD70]  }
0x2a9: {  	v43 =	vadd.f32 v45, v1;
	v1 =	vld [tilespmem:s1+$0x12830];
	v3 =	vadd.f32 v53, v3  }
0x2aa: {  	v4 =	vadd.f32 v13, v4;
	v7 =	vadd.f32 v7, v10;
	v10 =	vld [tilespmem:s1+$0x12860]  }
0x2ab: {  	v6 =	vadd.f32 v8, v6;
	v8 =	vld [tilespmem:s1+$0x14170];
	v3 =	vadd.f32 v41, v3  }
0x2ac: {  	v5 =	vld [tilespmem:s1+$0x12850];
	v0 =	vadd.f32 v0, v4  }
0x2ad: {  	v2 =	vadd.f32 v2, v6;
	v24 =	vadd.f32 v15, v3;
	v3 =	vld [tilespmem:$0x1FD80]  }
0x2ae: {  	v6 =	vld [tilespmem:s1+$0x14150];
	v0 =	vadd.f32 v55, v0  }
0x2af: {  	v9 =	vld [tilespmem:s1+$0x12870];
	v2 =	vadd.f32 v10, v2  }
0x2b0: {  	v11 =	vld [tilespmem:s1+$0x14110];
	v0 =	vadd.f32 v31, v0  }
0x2b1: {  	v1 =	vadd.f32 v1, v7;
	v7 =	vld [tilespmem:s1+$0x14160];
	v2 =	vadd.f32 v62, v2  }
0x2b2: {  	v23 =	vadd.f32 v3, v0;
	v3 =	vld [tilespmem:$0x1FD90]  }
0x2b3: {  	v61 =	vld [tilespmem:s1+$0x15A20];
	v2 =	vadd.f32 v54, v2  }
0x2b4: {  	v1 =	vadd.f32 v5, v1;
	v5 =	vld [tilespmem:s1+$0x14140]  }
0x2b5: {  	v10 =	vld [tilespmem:s1+$0x14100];
	v2 =	vadd.f32 v42, v2  }
0x2b6: {  	v1 =	vadd.f32 v9, v1;
	v9 =	vld [tilespmem:s1+$0x14120]  }
0x2b7: {  	v22 =	vadd.f32 v3, v2;
	v2 =	vld [tilespmem:$0x1FDA0]  }
0x2b8: {  	v3 =	vld [tilespmem:$0x1FDB0]  }
0x2b9: {  	v62 =	vld [tilespmem:$0x1FDD0]  }
0x2ba: {  	v41 =	vld [tilespmem:s1+$0x17320];
	v1 =	vadd.f32 v63, v1  }
0x2bb: {  	v63 =	vld [tilespmem:s1+$0x15A60]  }
0x2bc: {  	v1 =	vadd.f32 v56, v1;
	v42 =	vld [tilespmem:s1+$0x17330]  }
0x2bd: {  	v2 =	vadd.f32 v10, v2;
	v3 =	vadd.f32 v11, v3;
	v11 =	vld [tilespmem:$0x1FDC0]  }
0x2be: {  	v1 =	vadd.f32 v30, v1;
	v4 =	vld [tilespmem:s1+$0x14130]  }
0x2bf: {  	v0 =	vld [tilespmem:s1+$0x15A30];
	v2 =	vadd.f32 v9, v2  }
0x2c0: {  	v44 =	vadd.f32 v34, v1;
	v1 =	vld [tilespmem:s1+$0x15A40]  }
0x2c1: {  	v10 =	vld [tilespmem:s1+$0x15A50];
	v2 =	vadd.f32 v5, v2  }
0x2c2: {  	v12 =	vadd.f32 v60, v62;
	v5 =	vld [tilespmem:$0x1FDF0];
	v15 =	vadd.f32 v59, v11  }
0x2c3: {  	v3 =	vadd.f32 v4, v3;
	v4 =	vld [tilespmem:s1+$0x15A70];
	v2 =	vadd.f32 v7, v2  }
0x2c4: {  	v34 =	vld [tilespmem:s1+$0x17370];
	v0 =	vadd.f32 v0, v12;
	v9 =	vadd.f32 v61, v15  }
0x2c5: {  	v3 =	vadd.f32 v6, v3;
	v11 =	vmov v33;
	v33 =	vld [tilespmem:s1+$0x17360];
	v2 =	vadd.f32 v48, v2  }
0x2c6: {  	v0 =	vadd.f32 v10, v0;
	v10 =	vmov v35;
	v35 =	vld [tilespmem:s1+$0x17340];
	v1 =	vadd.f32 v1, v9  }
0x2c7: {  	p1 =	sne.s32 s15, $0x6000;
	v3 =	vadd.f32 v8, v3;
	v30 =	vadd.f32 v5, v2;
	v2 =	vld [tilespmem:$0x1FE00]  }
.Ltmp3:
0x2c8: {  	v7 =	vld [tilespmem:$0x1FDE0];
	v0 =	vadd.f32 v4, v0;
	v1 =	vadd.f32 v63, v1;
	(pc) =	sbr.rel @p1 .LBB2_5-.Ltmp3, $4  }
0x2c9: {  	v8 =	vmov v36;
	v36 =	vld [tilespmem:s1+$0x17350];
	v3 =	vadd.f32 v51, v3  }
0x2ca: {  	v4 =	vadd.f32 v52, v0;
	v0 =	vld [tilespmem:s1+$0x17300];
	v1 =	vadd.f32 v49, v1  }
0x2cb: {  	v29 =	vadd.f32 v37, v3;
	v37 =	vld [tilespmem:s1+$0x17310]  }
0x2cc: {  	s15 =	sadd.s32 $0x400, s15;
	v17 =	vmov v32;
	v32 =	vadd.f32 v38, v4;
	v38 =	vld [tilespmem:s1+$0x18C00];
	v31 =	vadd.f32 v2, v1  }
0x2cd: {  	v1 =	vld [tilespmem:s1+$0x18C10]  }
0x2ce: {  	v2 =	vld [tilespmem:s1+$0x18C20]  }
0x2cf: {  	v3 =	vld [tilespmem:s1+$0x18C30]  }
0x2d0: {  	v4 =	vld [tilespmem:s1+$0x18C40]  }
0x2d1: {  	v5 =	vld [tilespmem:s1+$0x18C50]  }
0x2d2: {  	v6 =	vld [tilespmem:s1+$0x18C60]  }
0x2d3: {  	v9 =	vld [tilespmem:s1+$0x18C70]  }
0x2d4: {  	v12 =	vld [tilespmem:s1+$0x18C80]  }
0x2d5: {  	v13 =	vld [tilespmem:$0x1FE10]  }
0x2d6: {  	v8 =	vadd.f32 v8, v29;
	v29 =	vld [tilespmem:$0x1FE20]  }
0x2d7: {  	v7 =	vadd.f32 v7, v30;
	v30 =	vld [tilespmem:s1+$0x18C90]  }
0x2d8: {  	v14 =	vld [tilespmem:$0x1FE30];
	v11 =	vadd.f32 v11, v32  }
0x2d9: {  	v16 =	vld [tilespmem:s1+$0x18CB0];
	v10 =	vadd.f32 v10, v31  }
0x2da: {  	v18 =	vld [tilespmem:s1+$0x18CC0];
	v0 =	vadd.f32 v0, v17;
	v11 =	vadd.f32 v20, v11  }
0x2db: {  	v19 =	vld [tilespmem:s1+$0x18CD0];
	v15 =	vadd.f32 v37, v27;
	v32 =	vadd.f32 v38, v26  }
0x2dc: {  	v48 =	vld [tilespmem:$0x1FEA0];
	v0 =	vadd.f32 v41, v0;
	v7 =	vadd.f32 v13, v7  }
0x2dd: {  	v51 =	vld [tilespmem:$0x1FE80];
	v8 =	vadd.f32 v29, v8;
	v10 =	vadd.f32 v14, v10  }
0x2de: {  	v53 =	vld [tilespmem:$0x1FE90];
	v1 =	vadd.f32 v1, v25;
	v15 =	vadd.f32 v42, v15  }
0x2df: {  	v45 =	vmul.f32 $4.999999890e-03, v40;
	v31 =	vld [tilespmem:s1+$0x18CA0];
	v2 =	vadd.f32 v2, v32;
	v0 =	vadd.f32 v35, v0  }
0x2e0: {  	v46 =	vmul.f32 $4.999999890e-03, v39;
	v37 =	vld [tilespmem:s1+$0x18CE0];
	v1 =	vadd.f32 v3, v1;
	v41 =	vadd.f32 v36, v15  }
0x2e1: {  	v49 =	vmul.f32 $4.999999890e-03, v24;
	v42 =	vld [tilespmem:s1+$0x18CF0];
	[tilespmem:$0x1AD10] =	vst v45;
	v2 =	vadd.f32 v4, v2;
	v0 =	vadd.f32 v33, v0  }
0x2e2: {  	v50 =	vmul.f32 $4.999999890e-03, v23;
	v55 =	vld [tilespmem:$0x1FE60];
	[tilespmem:$0x1AD20] =	vst v46;
	v1 =	vadd.f32 v5, v1;
	v3 =	vadd.f32 v34, v41  }
0x2e3: {  	v52 =	vmul.f32 $4.999999890e-03, v22;
	v57 =	vld [tilespmem:$0x1FE70];
	[tilespmem:$0x1AD40] =	vst v49;
	v2 =	vadd.f32 v6, v2;
	v0 =	vadd.f32 v48, v0  }
0x2e4: {  	v54 =	vmul.f32 $4.999999890e-03, v44;
	v59 =	vld [tilespmem:$0x1FE40];
	[tilespmem:$0x1AD50] =	vst v50;
	v1 =	vadd.f32 v9, v1;
	v3 =	vadd.f32 v28, v3  }
0x2e5: {  	v61 =	vld [tilespmem:$0x1FE50];
	v38 =	vmul.f32 $4.999999890e-03, v43;
	v43 =	vmovc v21;
	[tilespmem:$0x1AD60] =	vst v52;
	v2 =	vadd.f32 v12, v2;
	v0 =	vadd.f32 v51, v0  }
0x2e6: {  	v47 =	vmul.f32 $4.999999890e-03, v43;
	[tilespmem:$0x1AD70] =	vst v54;
	v1 =	vadd.f32 v30, v1;
	v3 =	vadd.f32 v53, v3  }
0x2e7: {  	v62 =	vmul.f32 $4.999999890e-03, v11;
	[tilespmem:$0x1AD00] =	vst v38;
	v2 =	vadd.f32 v31, v2;
	v0 =	vadd.f32 v55, v0  }
0x2e8: {  	[tilespmem:$0x1AD30] =	vst v47;
	v56 =	vmul.f32 $4.999999890e-03, v7;
	v1 =	vadd.f32 v16, v1;
	v3 =	vadd.f32 v57, v3  }
0x2e9: {  	v58 =	vmul.f32 $4.999999890e-03, v8;
	[tilespmem:$0x1ADB0] =	vst v62;
	v2 =	vadd.f32 v18, v2;
	v0 =	vadd.f32 v59, v0  }
0x2ea: {  	v60 =	vmul.f32 $4.999999890e-03, v10;
	[tilespmem:$0x1AD80] =	vst v56;
	v1 =	vadd.f32 v19, v1;
	v3 =	vadd.f32 v61, v3  }
0x2eb: {  	[tilespmem:$0x1AD90] =	vst v58;
	v2 =	vadd.f32 v37, v2;
	v0 =	vmul.f32 $4.999999890e-03, v0  }
0x2ec: {  	s16 =	sadd.s32 s0, s7;
	[tilespmem:$0x1ADA0] =	vst v60;
	v1 =	vadd.f32 v42, v1;
	v3 =	vmul.f32 $4.999999890e-03, v3  }
0x2ed: {  	s1 =	sshll.u32 s16, $0x2;
	[tilespmem:$0x1ADC0] =	vst v0;
	v63 =	vmul.f32 $4.999999890e-03, v2  }
0x2ee: {  	s1 =	sadd.s32 $0x20, s1;
	[tilespmem:$0x1ADD0] =	vst v3;
	v1 =	vmul.f32 $4.999999890e-03, v1  }
0x2ef: {  	s1 =	sand.u32 $0x1FFFFFE0, s1;
	[tilespmem:$0x1ADE0] =	vst v63  }
.Ltmp4:
0x2f0: {  	s1 =	sadd.s32 s5, s1;
	[tilespmem:$0x1ADF0] =	vst v1;
	(pc) =	sbr.rel @p0 .LBB2_8-.Ltmp4, $4  }
0x2f1: {  	[hbm4b:s1+s2] =	stream.linear.scatter [tilespmem:s29], [sflag:$0x3], $0x100, $0x38;
	[tilespmem:$0x1AE00] =	vst v63  }
0x2f2: {  	_ =	swait.ge [sflag:s13], $0x100  }
0x2f3: {  	[sflag:s13] =	ssyncset.done $0x0  }
0x2f4: {  	[sflag:s13] =	ssyncadd.s32 $0xFFFFFF00  }
0x2f5: {  	s0 =	sadd.s32 s0, s11  }
0x2f6: {  	s0 =	smul.u32 $0x19, s0;
	_ =	sdelay $0x1  }
0x2f7: {  	s0 =	sadd.s32 s4, s0  }
0x2f8: {  	[tilespmem:s21], [sflag:$0x3] =	stream.linear.gather [hbm4b:s0+s2], $0x640, $0x38;
	[tilespmem:$0x1AE00] =	vst v63  }
0x2f9: {  	_ =	swait.ge [sflag:s13], $0x640  }
0x2fa: {  	[sflag:s13] =	ssyncset.done $0x0  }
0x2fb: {  	s15 =	simm.s32 $0xDD00;
	[sflag:s13] =	ssyncadd.s32 $0xFFFFF9C0  }
0x2fc: {  	[tilespmem:s15], [sflag:$0x2] =	stream.indirect.gather [hbm4b:s3+s14], $0x20, s21, s14, $0xb8;
	[tilespmem:$0x1AE00] =	vst v63  }
0x2fd: {  	s16 =	simm.s32 $0x700;
	s1 =	simm.s32 $0xED00  }
0x2fe: {  	[tilespmem:s1], [sflag:$0x2] =	stream.indirect.gather [hbm4b:s3+s14], $0x20, s16, s14, $0xb8;
	[tilespmem:$0x1AE00] =	vst v63  }
0x2ff: {  	s15 =	simm.s32 $0x780;
	s16 =	simm.s32 $0xFD00  }
0x300: {  	[tilespmem:s16], [sflag:$0x2] =	stream.indirect.gather [hbm4b:s3+s14], $0x20, s15, s14, $0xb8;
	[tilespmem:$0x1AE00] =	vst v63  }
0x301: {  	s15 =	simm.s32 $0x800;
	s16 =	simm.s32 $0x10D00  }
0x302: {  	[tilespmem:s16], [sflag:$0x2] =	stream.indirect.gather [hbm4b:s3+s14], $0x20, s15, s14, $0xb8;
	[tilespmem:$0x1AE00] =	vst v63  }
0x303: {  	s15 =	simm.s32 $0x880;
	s16 =	simm.s32 $0x11D00  }
0x304: {  	[tilespmem:s16], [sflag:$0x2] =	stream.indirect.gather [hbm4b:s3+s14], $0x20, s15, s14, $0xb8;
	[tilespmem:$0x1AE00] =	vst v63  }
0x305: {  	s15 =	simm.s32 $0x900;
	s16 =	simm.s32 $0x12D00  }
0x306: {  	[tilespmem:s16], [sflag:$0x2] =	stream.indirect.gather [hbm4b:s3+s14], $0x20, s15, s14, $0xb8;
	[tilespmem:$0x1AE00] =	vst v63  }
0x307: {  	s15 =	simm.s32 $0x980;
	s16 =	simm.s32 $0x13D00  }
0x308: {  	[tilespmem:s16], [sflag:$0x2] =	stream.indirect.gather [hbm4b:s3+s14], $0x20, s15, s14, $0xb8;
	[tilespmem:$0x1AE00] =	vst v63  }
0x309: {  	_ = 	snop  }
0x30a: {  	[tilespmem:s18], [sflag:$0x2] =	stream.indirect.gather [hbm4b:s3+s14], $0x20, s17, s14, $0xb8;
	[tilespmem:$0x1AE00] =	vst v63  }
0x30b: {  	_ = 	snop  }
0x30c: {  	[tilespmem:s20], [sflag:$0x2] =	stream.indirect.gather [hbm4b:s3+s14], $0x20, s19, s14, $0xb8;
	[tilespmem:$0x1AE00] =	vst v63  }
0x30d: {  	_ = 	snop  }
0x30e: {  	[tilespmem:s12], [sflag:$0x2] =	stream.indirect.gather [hbm4b:s3+s14], $0x20, s8, s14, $0xb8;
	[tilespmem:$0x1AE00] =	vst v63  }
0x30f: {  	_ = 	snop  }
0x310: {  	[tilespmem:s22], [sflag:$0x2] =	stream.indirect.gather [hbm4b:s3+s14], $0x20, s6, s14, $0xb8;
	[tilespmem:$0x1AE00] =	vst v63  }
.Ltmp5:
0x311: {  	_ = 	snop;
	(pc) =	sbr.rel .LBB2_2-.Ltmp5, $4  }
0x312: {  	_ = 	snop  }
0x313: {  	[tilespmem:s24], [sflag:$0x2] =	stream.indirect.gather [hbm4b:s3+s14], $0x20, s23, s14, $0xb8;
	[tilespmem:$0x1AE00] =	vst v63  }
0x314: {  	s31 =	sadd.s32 $0x1, s31  }
0x315: {  	[tilespmem:s26], [sflag:$0x2] =	stream.indirect.gather [hbm4b:s3+s14], $0x20, s25, s14, $0xb8;
	[tilespmem:$0x1AE00] =	vst v63  }
.LBB2_9:
0x316: {  	_ =	sfence.sel $0x180000  }
0x317: {  	[bflag:$0x0] =	sbarrier.arrive $0xFFFF  }
0x318: {  	_ =	strace $0x90000047  }
0x319: {  	s0 =	stileid.u32;
	[bflag:$0x2] =	sbarrier.arrive $0xFFFF  }
0x31a: {  	p0 =	sne.s32 s0, $0x0;
	s0 =	rddreg [dreg:$0x1]  }
0x31b: {  	s0 =	sadd.s32 @!p0 $0x100000, s0  }
0x31c: {  	[sflag:s0] =	ssyncadd.tile.s32 @!p0 $0x1;
	_ =	shalt  }
.Lfunc_end2:
_tile_overlayer_lowered:
.L_overlay_start_2:
0x31d: {  	(tag) =	ssettag $0x2  }
0x31e: {  	s0 =	rddreg [dreg:$0x0];
	s2 =	stileid.u32  }
0x31f: {  	s1 =	rddreg [dreg:$0x1];
	p0 =	sne.s32 s2, $0x0  }
0x320: {  	s3 =	rddreg [dreg:$0x2];
	[bflag:$0x3] =	sbarrier.arrive $0xFFFF;
	s2 =	simm.s32 @!p0 $0x1C03  }
0x321: {  	[timem:s3], [sflag:s2] =	dma.local @!p0 [hbm:s0], s1  }
0x322: {  	s0 =	simm.s32 @!p0 $0x3  }
0x323: {  	_ =	swait.ge @!p0 [sflag:s0], s1  }
0x324: {  	s1 =	ssub.s32 @!p0 $0x0, s1;
	[sflag:s0] =	ssyncset.done @!p0 $0x0  }
0x325: {  	[sflag:s0] =	ssyncadd.s32 @!p0 s1  }
0x326: {  	[bflag:$0x3] =	sbarrier.arrive $0xFFFF  }
0x327: {  	_ =	shalt  }

</sc_bundles>
